<compile_context>
chip_gen: v7x
topology: tpu7x:2x2x1
jax: 0.10.2.dev20260603
libtpu: 0.0.44.dev20260713+nightly
codegen_flags: <defaults>
</compile_context>

<pallas_src>
import functools

import jax
import jax.numpy as jnp
from jax import lax
from jax.experimental import pallas as pl
from jax.experimental.pallas import tpu as pltpu
from jax.experimental.pallas import tpu_sc as plsc

B = 64
Q = 900
C = 91
N = Q * C
NPAD = 81904
NV = NPAD // 16
K = 300
OUTP = 304

NB1 = 512
NB2 = 1024
CAP1 = 4096
CAP2 = 512
MINKEY = -2**31

NC = 2
NS = 16


def _body(prob_hbm, boxes_hbm, ts_hbm, oscore_hbm, olab_hbm, obox_hbm,
          sc_raw, hist1, hist2, tot1, ctot1, tot2, ctot2,
          ckey, cidx, dkey, didx, vm, out_key, out_idx,
          slab, sbox, boxes_v, ts_v):
  wid = lax.axis_index("s") * NC + lax.axis_index("c")
  iota = lax.iota(jnp.int32, 16)
  ones = jnp.ones((16,), jnp.int32)
  zeros_i = jnp.zeros((16,), jnp.int32)
  lane1 = iota * NB1
  lane2 = iota * NB2

  def scan_desc(tot_ref, ctot_ref, nb, kk):
    nch = nb // 16
    nchv = nch // 16

    def chunk_body(jj, carry):
      acc, cmax, amax = carry
      jc = nchv - 1 - jj
      t = ctot_ref[pl.ds(16 * jc, 16)]
      td = jnp.flip(t)
      cs = plsc.cumsum(td)
      ae = cs - td
      ag = acc + ae
      hit = (ag < kk) & (ag + td >= kk)
      ids = 16 * jc + 15 - iota
      cmax = jnp.maximum(cmax, jnp.max(jnp.where(hit, ids, -1)))
      amax = jnp.maximum(amax, jnp.max(jnp.where(hit, ag, -1)))
      return acc + jnp.sum(t), cmax, amax

    _, cstar, astar = lax.fori_loop(
        0, nchv, chunk_body,
        (jnp.int32(0), jnp.int32(-1), jnp.int32(-1)))
    t = tot_ref[pl.ds(16 * cstar, 16)]
    td = jnp.flip(t)
    cs = plsc.cumsum(td)
    ae = cs - td
    ag = astar + ae
    hit = (ag < kk) & (ag + td >= kk)
    buck = 16 * cstar + 15 - iota
    bstar = jnp.max(jnp.where(hit, buck, -1))
    above = jnp.max(jnp.where(hit, ag, -1))
    return bstar, above

  def sum_hist(hist_ref, tot_ref, ctot_ref, nb):
    nch = nb // 16

    def body(j, _):
      acc = hist_ref[pl.ds(16 * j, 16)]
      for l in range(1, 16):
        acc = acc + hist_ref[pl.ds(l * nb + 16 * j, 16)]
      tot_ref[pl.ds(16 * j, 16)] = acc
      jq = (j >> 4) * 16
      cv = ctot_ref[pl.ds(jq, 16)]
      ctot_ref[pl.ds(jq, 16)] = jnp.where(iota == (j & 15), jnp.sum(acc), cv)
      return 0

    lax.fori_loop(0, nch, body, 0)

  def process(img):
    pltpu.sync_copy(prob_hbm.at[img], sc_raw)
    pltpu.sync_copy(boxes_hbm.at[img], boxes_v)
    pltpu.sync_copy(ts_hbm.at[img], ts_v)

    @plsc.parallel_loop(0, (16 * NB1) // 16, unroll=8)
    def _(j):
      hist1[pl.ds(16 * j, 16)] = zeros_i

    @plsc.parallel_loop(0, (16 * NB2) // 16, unroll=8)
    def _(j):
      hist2[pl.ds(16 * j, 16)] = zeros_i

    mink = jnp.full((16,), MINKEY, jnp.int32)

    @plsc.parallel_loop(0, (CAP1 + 16) // 16, unroll=8)
    def _(j):
      ckey[pl.ds(16 * j, 16)] = mink
      cidx[pl.ds(16 * j, 16)] = zeros_i

    @plsc.parallel_loop(0, (CAP2 + 16) // 16, unroll=8)
    def _(j):
      dkey[pl.ds(16 * j, 16)] = mink
      didx[pl.ds(16 * j, 16)] = zeros_i

    for j in range(OUTP // 16):
      out_key[pl.ds(16 * j, 16)] = zeros_i
      out_idx[pl.ds(16 * j, 16)] = zeros_i

    @plsc.parallel_loop(0, NV, unroll=8)
    def _(i):
      k = sc_raw[pl.ds(16 * i, 16)]
      bk = jnp.maximum(k >> 21, 0)
      plsc.addupdate_scatter(hist1, [lane1 + bk], ones)

    sum_hist(hist1, tot1, ctot1, NB1)
    b1, a1 = scan_desc(tot1, ctot1, NB1, jnp.int32(K))

    capv1 = jnp.full((16,), CAP1, jnp.int32)

    @plsc.parallel_loop(0, NV, unroll=8, carry=zeros_i)
    def _(i, wv):
      k = sc_raw[pl.ds(16 * i, 16)]
      m = ((k >> 21) >= b1) & (wv < capv1)
      mi = m.astype(jnp.int32)
      pos = wv + plsc.cumsum(mi) - mi
      plsc.store_scatter(ckey, [pos], k, mask=m)
      plsc.store_scatter(cidx, [pos], 16 * i + iota, mask=m)
      return wv + plsc.all_reduce_population_count(m)

    @plsc.parallel_loop(0, CAP1 // 16, unroll=4)
    def _(i):
      kv = ckey[pl.ds(16 * i, 16)]
      inb = (kv >> 21) == b1
      b2k = (kv >> 11) & (NB2 - 1)
      plsc.addupdate_scatter(hist2, [lane2 + b2k], ones, mask=inb)

    sum_hist(hist2, tot2, ctot2, NB2)
    b2, a2 = scan_desc(tot2, ctot2, NB2, K - a1)

    p21 = b1 * NB2 + b2
    capv2 = jnp.full((16,), CAP2, jnp.int32)

    @plsc.parallel_loop(0, CAP1 // 16, unroll=4, carry=zeros_i)
    def _(i, wv):
      kv = ckey[pl.ds(16 * i, 16)]
      m = ((kv >> 11) >= p21) & (wv < capv2)
      mi = m.astype(jnp.int32)
      pos = wv + plsc.cumsum(mi) - mi
      plsc.store_scatter(dkey, [pos], kv, mask=m)
      iv = cidx[pl.ds(16 * i, 16)]
      plsc.store_scatter(didx, [pos], iv, mask=m)
      return wv + plsc.all_reduce_population_count(m)

    NVD = (CAP2 + 16) // 16
    NVM = 48

    for j in range(NVM // 16):
      vm[pl.ds(16 * j, 16)] = mink

    def vm_body(j, _):
      mx = jnp.max(dkey[pl.ds(16 * j, 16)])
      jq = (j >> 4) * 16
      vv = vm[pl.ds(jq, 16)]
      vm[pl.ds(jq, 16)] = jnp.where(iota == (j & 15), mx, vv)
      return 0
    lax.fori_loop(0, NVD, vm_body, 0)

    big = jnp.full((16,), 999, jnp.int32)

    def sel_body(t, _):
      macc = vm[pl.ds(0, 16)]
      for jv in range(1, NVM // 16):
        macc = jnp.maximum(macc, vm[pl.ds(16 * jv, 16)])
      m = jnp.max(macc)
      pacc = big
      for jv in range(NVM // 16):
        hv = vm[pl.ds(16 * jv, 16)]
        pacc = jnp.minimum(pacc, jnp.where(hv == m, iota + 16 * jv, big))
      jsel = jnp.min(pacc)
      v = dkey[pl.ds(16 * jsel, 16)]
      lp = jnp.min(jnp.where(v == m, iota, big))
      pos = 16 * jsel + lp
      v2 = jnp.where(iota == lp, MINKEY, v)
      dkey[pl.ds(16 * jsel, 16)] = v2
      newm = jnp.max(v2)
      for jv in range(NVM // 16):
        vv = vm[pl.ds(16 * jv, 16)]
        vm[pl.ds(16 * jv, 16)] = jnp.where((iota + 16 * jv) == jsel, newm, vv)
      tq = (t >> 4) * 16
      tl = t & 15
      okv = out_key[pl.ds(tq, 16)]
      out_key[pl.ds(tq, 16)] = jnp.where(iota == tl, m, okv)
      oiv = out_idx[pl.ds(tq, 16)]
      selidx = plsc.load_gather(didx, [jnp.full((16,), pos, jnp.int32)])
      out_idx[pl.ds(tq, 16)] = jnp.where(iota == tl, selidx, oiv)
      return 0
    lax.fori_loop(0, K, sel_body, 0)

    tv = ts_v[pl.ds(0, 16)]
    hf = tv[0].astype(jnp.float32)
    wf = tv[1].astype(jnp.float32)
    wvv = jnp.full((16,), wf)
    hvv = jnp.full((16,), hf)
    c0 = zeros_i
    c1c = ones
    c2c = jnp.full((16,), 2, jnp.int32)
    c3c = jnp.full((16,), 3, jnp.int32)

    for o in range(OUTP // 16):
      idx = out_idx[pl.ds(16 * o, 16)]
      q0 = (idx * 5762) >> 19
      r = idx - q0 * 91
      qq = q0 + (r >> 31)
      slab[pl.ds(16 * o, 16)] = idx - qq * 91
      cx = plsc.load_gather(boxes_v, [qq, c0])
      cy = plsc.load_gather(boxes_v, [qq, c1c])
      bw = plsc.load_gather(boxes_v, [qq, c2c])
      bh = plsc.load_gather(boxes_v, [qq, c3c])
      x0 = (cx - 0.5 * bw) * wvv
      y0 = (cy - 0.5 * bh) * hvv
      x1 = (cx + 0.5 * bw) * wvv
      y1 = (cy + 0.5 * bh) * hvv
      base4 = 64 * o + iota * 4
      plsc.store_scatter(sbox, [base4], x0)
      plsc.store_scatter(sbox, [base4 + 1], y0)
      plsc.store_scatter(sbox, [base4 + 2], x1)
      plsc.store_scatter(sbox, [base4 + 3], y1)

    pltpu.sync_copy(out_key, oscore_hbm.at[img])
    pltpu.sync_copy(slab, olab_hbm.at[img])
    pltpu.sync_copy(sbox, obox_hbm.at[img])

  def img_body(t, _):
    process(wid * 2 + t)
    return 0
  lax.fori_loop(0, 2, img_body, 0)


@functools.partial(
    pl.kernel,
    out_type=(
        jax.ShapeDtypeStruct((B, OUTP), jnp.int32),
        jax.ShapeDtypeStruct((B, OUTP), jnp.int32),
        jax.ShapeDtypeStruct((B, 4 * OUTP), jnp.float32),
    ),
    mesh=plsc.VectorSubcoreMesh(core_axis_name="c", subcore_axis_name="s"),
    compiler_params=pltpu.CompilerParams(
        needs_layout_passes=False, use_tc_tiling_on_sc=False),
    scratch_types=[
        pltpu.VMEM((NPAD,), jnp.int32),
        pltpu.VMEM((16 * NB1,), jnp.int32),
        pltpu.VMEM((16 * NB2,), jnp.int32),
        pltpu.VMEM((NB1,), jnp.int32),
        pltpu.VMEM((NB1 // 16,), jnp.int32),
        pltpu.VMEM((NB2,), jnp.int32),
        pltpu.VMEM((NB2 // 16,), jnp.int32),
        pltpu.VMEM((CAP1 + 16,), jnp.int32),
        pltpu.VMEM((CAP1 + 16,), jnp.int32),
        pltpu.VMEM((CAP2 + 16,), jnp.int32),
        pltpu.VMEM((CAP2 + 32,), jnp.int32),
        pltpu.VMEM((48,), jnp.int32),
        pltpu.VMEM((OUTP,), jnp.int32),
        pltpu.VMEM((OUTP,), jnp.int32),
        pltpu.VMEM((OUTP,), jnp.int32),
        pltpu.VMEM((4 * OUTP,), jnp.float32),
        pltpu.VMEM((Q, 4), jnp.float32),
        pltpu.VMEM((16,), jnp.int32),
    ],
)
def _postprocess_sc(prob_hbm, boxes_hbm, ts_hbm,
                    oscore_hbm, olab_hbm, obox_hbm, *scratch):
  _body(prob_hbm, boxes_hbm, ts_hbm, oscore_hbm, olab_hbm, obox_hbm, *scratch)


def kernel(pred_logits, pred_boxes, target_sizes):
  prob = jax.nn.sigmoid(pred_logits).reshape(B, N)
  prob = jnp.pad(prob, ((0, 0), (0, NPAD - N)), constant_values=-1.0)
  pbits = lax.bitcast_convert_type(prob, jnp.int32)
  ts = jnp.pad(target_sizes, ((0, 0), (0, 14)))
  skey, labels, boxes = _postprocess_sc(pbits, pred_boxes, ts)
  scores = lax.bitcast_convert_type(skey[:, :K], jnp.float32)
  return (scores, labels[:, :K],
          boxes.reshape(B, OUTP, 4)[:, :K, :])

# --- scband reference (transcript-rebuilt; emitter-appended) ---
"""Pipeline reference for scband-post-process-61564061221307 (READ-ONLY COPY).

The authoritative reference and input builder live on the scoring server;
editing this copy changes nothing except your own understanding.
"""

import jax, jax.numpy as jnp
import numpy as np

NUM_SELECT = 300


def box_cxcywh_to_xyxy(b):
    cx, cy, w, h = jnp.split(b, 4, axis=-1)
    return jnp.concatenate([cx - 0.5 * w, cy - 0.5 * h, cx + 0.5 * w, cy + 0.5 * h], axis=-1)


def setup_inputs(seed: int = 0) -> dict:
    key = jax.random.key(seed)
    k1, k2, k3 = jax.random.split(key, 3)
    pred_logits = jax.random.normal(k1, (64, 900, 91), dtype=jnp.float32)
    pred_boxes = jax.random.uniform(k2, (64, 900, 4), dtype=jnp.float32)
    target_sizes = jax.random.randint(k3, (64, 2), 0, 1333, dtype=jnp.int32)
    return {"pred_logits": pred_logits, "pred_boxes": pred_boxes, "target_sizes": target_sizes}


def reference(pred_logits, pred_boxes, target_sizes):
    B, Q, C = pred_logits.shape
    prob = jax.nn.sigmoid(pred_logits)
    flat = prob.reshape(B, Q * C)
    topk_values, topk_indexes = jax.lax.top_k(flat, NUM_SELECT)
    scores = topk_values
    topk_boxes = topk_indexes // C
    labels = topk_indexes % C
    boxes = box_cxcywh_to_xyxy(pred_boxes)
    boxes = jnp.take_along_axis(boxes, topk_boxes[..., None], axis=1)
    img_h = target_sizes[:, 0]
    img_w = target_sizes[:, 1]
    scale_fct = jnp.stack([img_w, img_h, img_w, img_h], axis=1).astype(boxes.dtype)
    boxes = boxes * scale_fct[:, None, :]
    return scores, labels, boxes

if __name__ == "__main__":
    import jax
    _d = setup_inputs()
    print(jax.jit(kernel)(*tuple(_d.values())))

</pallas_src>

<mosaic_0001>
#map = affine_map<(d0, d1) -> (0, 0)>
#map1 = affine_map<(d0, d1) -> (0, 0, 0)>
module attributes {stable_mosaic.version = 14 : i64} {
  func.func @_postprocess_sc(%arg0: i32, %arg1: i32, %arg2: memref<64x81904xi32, #tpu.memory_space<hbm>>, %arg3: memref<64x900x4xf32, #tpu.memory_space<hbm>>, %arg4: memref<64x16xi32, #tpu.memory_space<hbm>>, %arg5: memref<64x304xi32, #tpu.memory_space<hbm>>, %arg6: memref<64x304xi32, #tpu.memory_space<hbm>>, %arg7: memref<64x1216xf32, #tpu.memory_space<hbm>>, %arg8: memref<81904xi32, #tpu.memory_space<vmem>>, %arg9: memref<8192xi32, #tpu.memory_space<vmem>>, %arg10: memref<16384xi32, #tpu.memory_space<vmem>>, %arg11: memref<512xi32, #tpu.memory_space<vmem>>, %arg12: memref<32xi32, #tpu.memory_space<vmem>>, %arg13: memref<1024xi32, #tpu.memory_space<vmem>>, %arg14: memref<64xi32, #tpu.memory_space<vmem>>, %arg15: memref<4112xi32, #tpu.memory_space<vmem>>, %arg16: memref<4112xi32, #tpu.memory_space<vmem>>, %arg17: memref<528xi32, #tpu.memory_space<vmem>>, %arg18: memref<544xi32, #tpu.memory_space<vmem>>, %arg19: memref<48xi32, #tpu.memory_space<vmem>>, %arg20: memref<304xi32, #tpu.memory_space<vmem>>, %arg21: memref<304xi32, #tpu.memory_space<vmem>>, %arg22: memref<304xi32, #tpu.memory_space<vmem>>, %arg23: memref<1216xf32, #tpu.memory_space<vmem>>, %arg24: memref<900x4xf32, #tpu.memory_space<vmem>>, %arg25: memref<16xi32, #tpu.memory_space<vmem>>) attributes {dimension_semantics = [#tpu.dimension_semantics<core_parallel>, #tpu.dimension_semantics<subcore_parallel>], iteration_bounds = array<i64: 2, 16>, scalar_prefetch = 0 : i64, scratch_operands = 18 : i64, tpu.core_type = #tpu.core_type<sc_vector_subcore>, window_params = [{transform_indices = #map}, {transform_indices = #map1}, {transform_indices = #map}, {transform_indices = #map}, {transform_indices = #map}, {transform_indices = #map}]} {
    %mul3A = arith.constant 2 : i32
    %mul3A_0 = arith.muli %arg1, %mul3A : i32
    %add3A = arith.addi %mul3A_0, %arg0 : i32
    %iota3A = tpu.iota {dimensions = array<i32: 0>} : vector<16xi32>
    %broadcast_in_dim3A = arith.constant 1 : i32
    %broadcast_in_dim3A_1 = vector.broadcast %broadcast_in_dim3A : i32 to vector<16xi32>
    %broadcast_in_dim3A_2 = arith.constant 0 : i32
    %broadcast_in_dim3A_3 = vector.broadcast %broadcast_in_dim3A_2 : i32 to vector<16xi32>
    %mul3A_4 = arith.constant 512 : i32
    %mul3A_5 = vector.broadcast %mul3A_4 : i32 to vector<16xi32>
    %mul3A_6 = arith.muli %iota3A, %mul3A_5 : vector<16xi32>
    %mul3A_7 = arith.constant 1024 : i32
    %mul3A_8 = vector.broadcast %mul3A_7 : i32 to vector<16xi32>
    %mul3A_9 = arith.muli %iota3A, %mul3A_8 : vector<16xi32>
    %scan3A = arith.constant 0 : i32
    %scan3A_10 = arith.constant 0 : i32
    %scan3A_11 = arith.constant 2 : i32
    %scan3A_12 = arith.addi %scan3A_10, %scan3A_11 : i32
    %scan3A_13 = arith.constant 1 : i32
    %scan3A_14 = scf.for %scan3A_16 = %scan3A_10 to %scan3A_12 step %scan3A_13 iter_args(%scan3A_17 = %scan3A) -> (i32)  : i32 {
      %mul3A_18 = arith.constant 2 : i32
      %mul3A_19 = arith.muli %add3A, %mul3A_18 : i32
      %add3A_20 = arith.addi %mul3A_19, %scan3A_16 : i32
      "tpu.region"() ({
        %run_scoped3A = tpu.sem_alloc : memref<!tpu.dma_semaphore, #tpu.memory_space<semaphore_mem>>
        %dma_start3A = arith.constant 0 : i32
        %dma_start3A_1446 = tpu.memref_slice %arg2[%add3A_20, %dma_start3A] : memref<64x81904xi32, #tpu.memory_space<hbm>> -> memref<1x81904xi32, #tpu.memory_space<hbm>>
        %dma_start3A_1447 = tpu.memref_squeeze %dma_start3A_1446 : memref<1x81904xi32, #tpu.memory_space<hbm>> -> memref<81904xi32, #tpu.memory_space<hbm>>
        %dma_start3A_1448 = arith.constant 0 : i32
        %dma_start3A_1449 = tpu.memref_slice %arg2[%add3A_20, %dma_start3A_1448] : memref<64x81904xi32, #tpu.memory_space<hbm>> -> memref<1x81904xi32, #tpu.memory_space<hbm>>
        %dma_start3A_1450 = tpu.memref_squeeze %dma_start3A_1449 : memref<1x81904xi32, #tpu.memory_space<hbm>> -> memref<81904xi32, #tpu.memory_space<hbm>>
        tpu.enqueue_dma source(%dma_start3A_1450 : memref<81904xi32, #tpu.memory_space<hbm>>) target(%arg8 : memref<81904xi32, #tpu.memory_space<vmem>>) target_semaphore(%run_scoped3A : memref<!tpu.dma_semaphore, #tpu.memory_space<semaphore_mem>>)
        %dma_wait3A = arith.constant 0 : i32
        %dma_wait3A_1451 = tpu.memref_slice %arg2[%add3A_20, %dma_wait3A] : memref<64x81904xi32, #tpu.memory_space<hbm>> -> memref<1x81904xi32, #tpu.memory_space<hbm>>
        %dma_wait3A_1452 = tpu.memref_squeeze %dma_wait3A_1451 : memref<1x81904xi32, #tpu.memory_space<hbm>> -> memref<81904xi32, #tpu.memory_space<hbm>>
        %dma_wait3A_1453 = arith.constant 0 : i32
        %dma_wait3A_1454 = tpu.memref_slice %arg2[%add3A_20, %dma_wait3A_1453] : memref<64x81904xi32, #tpu.memory_space<hbm>> -> memref<1x81904xi32, #tpu.memory_space<hbm>>
        %dma_wait3A_1455 = tpu.memref_squeeze %dma_wait3A_1454 : memref<1x81904xi32, #tpu.memory_space<hbm>> -> memref<81904xi32, #tpu.memory_space<hbm>>
        tpu.wait_dma2 semaphore(%run_scoped3A : memref<!tpu.dma_semaphore, #tpu.memory_space<semaphore_mem>>) src(%dma_wait3A_1455 : memref<81904xi32, #tpu.memory_space<hbm>>) dst(%arg8 : memref<81904xi32, #tpu.memory_space<vmem>>)
        tpu.yield
      }) : () -> ()
      "tpu.region"() ({
        %run_scoped3A = tpu.sem_alloc : memref<!tpu.dma_semaphore, #tpu.memory_space<semaphore_mem>>
        %dma_start3A = arith.constant 0 : i32
        %dma_start3A_1446 = arith.constant 0 : i32
        %dma_start3A_1447 = tpu.memref_slice %arg3[%add3A_20, %dma_start3A, %dma_start3A_1446] : memref<64x900x4xf32, #tpu.memory_space<hbm>> -> memref<1x900x4xf32, #tpu.memory_space<hbm>>
        %dma_start3A_1448 = tpu.memref_squeeze %dma_start3A_1447 : memref<1x900x4xf32, #tpu.memory_space<hbm>> -> memref<900x4xf32, #tpu.memory_space<hbm>>
        %dma_start3A_1449 = arith.constant 0 : i32
        %dma_start3A_1450 = arith.constant 0 : i32
        %dma_start3A_1451 = tpu.memref_slice %arg3[%add3A_20, %dma_start3A_1449, %dma_start3A_1450] : memref<64x900x4xf32, #tpu.memory_space<hbm>> -> memref<1x900x4xf32, #tpu.memory_space<hbm>>
        %dma_start3A_1452 = tpu.memref_squeeze %dma_start3A_1451 : memref<1x900x4xf32, #tpu.memory_space<hbm>> -> memref<900x4xf32, #tpu.memory_space<hbm>>
        tpu.enqueue_dma source(%dma_start3A_1452 : memref<900x4xf32, #tpu.memory_space<hbm>>) target(%arg24 : memref<900x4xf32, #tpu.memory_space<vmem>>) target_semaphore(%run_scoped3A : memref<!tpu.dma_semaphore, #tpu.memory_space<semaphore_mem>>)
        %dma_wait3A = arith.constant 0 : i32
        %dma_wait3A_1453 = arith.constant 0 : i32
        %dma_wait3A_1454 = tpu.memref_slice %arg3[%add3A_20, %dma_wait3A, %dma_wait3A_1453] : memref<64x900x4xf32, #tpu.memory_space<hbm>> -> memref<1x900x4xf32, #tpu.memory_space<hbm>>
        %dma_wait3A_1455 = tpu.memref_squeeze %dma_wait3A_1454 : memref<1x900x4xf32, #tpu.memory_space<hbm>> -> memref<900x4xf32, #tpu.memory_space<hbm>>
        %dma_wait3A_1456 = arith.constant 0 : i32
        %dma_wait3A_1457 = arith.constant 0 : i32
        %dma_wait3A_1458 = tpu.memref_slice %arg3[%add3A_20, %dma_wait3A_1456, %dma_wait3A_1457] : memref<64x900x4xf32, #tpu.memory_space<hbm>> -> memref<1x900x4xf32, #tpu.memory_space<hbm>>
        %dma_wait3A_1459 = tpu.memref_squeeze %dma_wait3A_1458 : memref<1x900x4xf32, #tpu.memory_space<hbm>> -> memref<900x4xf32, #tpu.memory_space<hbm>>
        tpu.wait_dma2 semaphore(%run_scoped3A : memref<!tpu.dma_semaphore, #tpu.memory_space<semaphore_mem>>) src(%dma_wait3A_1459 : memref<900x4xf32, #tpu.memory_space<hbm>>) dst(%arg24 : memref<900x4xf32, #tpu.memory_space<vmem>>)
        tpu.yield
      }) : () -> ()
      "tpu.region"() ({
        %run_scoped3A = tpu.sem_alloc : memref<!tpu.dma_semaphore, #tpu.memory_space<semaphore_mem>>
        %dma_start3A = arith.constant 0 : i32
        %dma_start3A_1446 = tpu.memref_slice %arg4[%add3A_20, %dma_start3A] : memref<64x16xi32, #tpu.memory_space<hbm>> -> memref<1x16xi32, #tpu.memory_space<hbm>>
        %dma_start3A_1447 = tpu.memref_squeeze %dma_start3A_1446 : memref<1x16xi32, #tpu.memory_space<hbm>> -> memref<16xi32, #tpu.memory_space<hbm>>
        %dma_start3A_1448 = arith.constant 0 : i32
        %dma_start3A_1449 = tpu.memref_slice %arg4[%add3A_20, %dma_start3A_1448] : memref<64x16xi32, #tpu.memory_space<hbm>> -> memref<1x16xi32, #tpu.memory_space<hbm>>
        %dma_start3A_1450 = tpu.memref_squeeze %dma_start3A_1449 : memref<1x16xi32, #tpu.memory_space<hbm>> -> memref<16xi32, #tpu.memory_space<hbm>>
        tpu.enqueue_dma source(%dma_start3A_1450 : memref<16xi32, #tpu.memory_space<hbm>>) target(%arg25 : memref<16xi32, #tpu.memory_space<vmem>>) target_semaphore(%run_scoped3A : memref<!tpu.dma_semaphore, #tpu.memory_space<semaphore_mem>>)
        %dma_wait3A = arith.constant 0 : i32
        %dma_wait3A_1451 = tpu.memref_slice %arg4[%add3A_20, %dma_wait3A] : memref<64x16xi32, #tpu.memory_space<hbm>> -> memref<1x16xi32, #tpu.memory_space<hbm>>
        %dma_wait3A_1452 = tpu.memref_squeeze %dma_wait3A_1451 : memref<1x16xi32, #tpu.memory_space<hbm>> -> memref<16xi32, #tpu.memory_space<hbm>>
        %dma_wait3A_1453 = arith.constant 0 : i32
        %dma_wait3A_1454 = tpu.memref_slice %arg4[%add3A_20, %dma_wait3A_1453] : memref<64x16xi32, #tpu.memory_space<hbm>> -> memref<1x16xi32, #tpu.memory_space<hbm>>
        %dma_wait3A_1455 = tpu.memref_squeeze %dma_wait3A_1454 : memref<1x16xi32, #tpu.memory_space<hbm>> -> memref<16xi32, #tpu.memory_space<hbm>>
        tpu.wait_dma2 semaphore(%run_scoped3A : memref<!tpu.dma_semaphore, #tpu.memory_space<semaphore_mem>>) src(%dma_wait3A_1455 : memref<16xi32, #tpu.memory_space<hbm>>) dst(%arg25 : memref<16xi32, #tpu.memory_space<vmem>>)
        tpu.yield
      }) : () -> ()
      %parallel_loop3A = arith.constant 0 : i32
      %parallel_loop3A_21 = arith.constant 512 : i32
      %parallel_loop3A_22 = arith.constant 1 : i32
      scf.for %parallel_loop3A_1446 = %parallel_loop3A to %parallel_loop3A_21 step %parallel_loop3A_22  : i32 {
        %parallel_loop3A_1447 = arith.constant 16 : i32
        %parallel_loop3A_1448 = arith.muli %parallel_loop3A_1447, %parallel_loop3A_1446 : i32
        %parallel_loop3A_1449 = arith.index_cast %parallel_loop3A_1448 : i32 to index
        %parallel_loop3A_1450 = tpu.vector_load %arg9[%parallel_loop3A_1449] {strides = array<i32>} : memref<8192xi32, #tpu.memory_space<vmem>>, vector<16xi32>,
        tpu.vector_store %arg9[%parallel_loop3A_1449], %broadcast_in_dim3A_3 {strides = array<i32>} : memref<8192xi32, #tpu.memory_space<vmem>>, vector<16xi32>,
      } {sc.loop_unroll_factor = 8 : i64, sc.parallel_access}
      %parallel_loop3A_23 = arith.constant 0 : i32
      %parallel_loop3A_24 = arith.constant 1024 : i32
      %parallel_loop3A_25 = arith.constant 1 : i32
      scf.for %parallel_loop3A_1446 = %parallel_loop3A_23 to %parallel_loop3A_24 step %parallel_loop3A_25  : i32 {
        %parallel_loop3A_1447 = arith.constant 16 : i32
        %parallel_loop3A_1448 = arith.muli %parallel_loop3A_1447, %parallel_loop3A_1446 : i32
        %parallel_loop3A_1449 = arith.index_cast %parallel_loop3A_1448 : i32 to index
        %parallel_loop3A_1450 = tpu.vector_load %arg10[%parallel_loop3A_1449] {strides = array<i32>} : memref<16384xi32, #tpu.memory_space<vmem>>, vector<16xi32>,
        tpu.vector_store %arg10[%parallel_loop3A_1449], %broadcast_in_dim3A_3 {strides = array<i32>} : memref<16384xi32, #tpu.memory_space<vmem>>, vector<16xi32>,
      } {sc.loop_unroll_factor = 8 : i64, sc.parallel_access}
      %broadcast_in_dim3A_26 = arith.constant -2147483648 : i32
      %broadcast_in_dim3A_27 = vector.broadcast %broadcast_in_dim3A_26 : i32 to vector<16xi32>
      %parallel_loop3A_28 = arith.constant 0 : i32
      %parallel_loop3A_29 = arith.constant 257 : i32
      %parallel_loop3A_30 = arith.constant 1 : i32
      scf.for %parallel_loop3A_1446 = %parallel_loop3A_28 to %parallel_loop3A_29 step %parallel_loop3A_30  : i32 {
        %parallel_loop3A_1447 = arith.constant 16 : i32
        %parallel_loop3A_1448 = arith.muli %parallel_loop3A_1447, %parallel_loop3A_1446 : i32
        %parallel_loop3A_1449 = arith.index_cast %parallel_loop3A_1448 : i32 to index
        %parallel_loop3A_1450 = tpu.vector_load %arg15[%parallel_loop3A_1449] {strides = array<i32>} : memref<4112xi32, #tpu.memory_space<vmem>>, vector<16xi32>,
        tpu.vector_store %arg15[%parallel_loop3A_1449], %broadcast_in_dim3A_27 {strides = array<i32>} : memref<4112xi32, #tpu.memory_space<vmem>>, vector<16xi32>,
        %parallel_loop3A_1451 = arith.constant 16 : i32
        %parallel_loop3A_1452 = arith.muli %parallel_loop3A_1451, %parallel_loop3A_1446 : i32
        %parallel_loop3A_1453 = arith.index_cast %parallel_loop3A_1452 : i32 to index
        %parallel_loop3A_1454 = tpu.vector_load %arg16[%parallel_loop3A_1453] {strides = array<i32>} : memref<4112xi32, #tpu.memory_space<vmem>>, vector<16xi32>,
        tpu.vector_store %arg16[%parallel_loop3A_1453], %broadcast_in_dim3A_3 {strides = array<i32>} : memref<4112xi32, #tpu.memory_space<vmem>>, vector<16xi32>,
      } {sc.loop_unroll_factor = 8 : i64, sc.parallel_access}
      %parallel_loop3A_31 = arith.constant 0 : i32
      %parallel_loop3A_32 = arith.constant 33 : i32
      %parallel_loop3A_33 = arith.constant 1 : i32
      scf.for %parallel_loop3A_1446 = %parallel_loop3A_31 to %parallel_loop3A_32 step %parallel_loop3A_33  : i32 {
        %parallel_loop3A_1447 = arith.constant 16 : i32
        %parallel_loop3A_1448 = arith.muli %parallel_loop3A_1447, %parallel_loop3A_1446 : i32
        %parallel_loop3A_1449 = arith.index_cast %parallel_loop3A_1448 : i32 to index
        %parallel_loop3A_1450 = tpu.vector_load %arg17[%parallel_loop3A_1449] {strides = array<i32>} : memref<528xi32, #tpu.memory_space<vmem>>, vector<16xi32>,
        tpu.vector_store %arg17[%parallel_loop3A_1449], %broadcast_in_dim3A_27 {strides = array<i32>} : memref<528xi32, #tpu.memory_space<vmem>>, vector<16xi32>,
        %parallel_loop3A_1451 = arith.constant 16 : i32
        %parallel_loop3A_1452 = arith.muli %parallel_loop3A_1451, %parallel_loop3A_1446 : i32
        %parallel_loop3A_1453 = arith.index_cast %parallel_loop3A_1452 : i32 to index
        %parallel_loop3A_1454 = tpu.vector_load %arg18[%parallel_loop3A_1453] {strides = array<i32>} : memref<544xi32, #tpu.memory_space<vmem>>, vector<16xi32>,
        tpu.vector_store %arg18[%parallel_loop3A_1453], %broadcast_in_dim3A_3 {strides = array<i32>} : memref<544xi32, #tpu.memory_space<vmem>>, vector<16xi32>,
      } {sc.loop_unroll_factor = 8 : i64, sc.parallel_access}
      %swap3A = arith.constant 0 : index
      %swap3A_34 = tpu.vector_load %arg20[%swap3A] {strides = array<i32>} : memref<304xi32, #tpu.memory_space<vmem>>, vector<16xi32>,
      tpu.vector_store %arg20[%swap3A], %broadcast_in_dim3A_3 {strides = array<i32>} : memref<304xi32, #tpu.memory_space<vmem>>, vector<16xi32>,
      %swap3A_35 = arith.constant 0 : index
      %swap3A_36 = tpu.vector_load %arg21[%swap3A_35] {strides = array<i32>} : memref<304xi32, #tpu.memory_space<vmem>>, vector<16xi32>,
      tpu.vector_store %arg21[%swap3A_35], %broadcast_in_dim3A_3 {strides = array<i32>} : memref<304xi32, #tpu.memory_space<vmem>>, vector<16xi32>,
      %swap3A_37 = arith.constant 16 : index
      %swap3A_38 = tpu.vector_load %arg20[%swap3A_37] {strides = array<i32>} : memref<304xi32, #tpu.memory_space<vmem>>, vector<16xi32>,
      tpu.vector_store %arg20[%swap3A_37], %broadcast_in_dim3A_3 {strides = array<i32>} : memref<304xi32, #tpu.memory_space<vmem>>, vector<16xi32>,
      %swap3A_39 = arith.constant 16 : index
      %swap3A_40 = tpu.vector_load %arg21[%swap3A_39] {strides = array<i32>} : memref<304xi32, #tpu.memory_space<vmem>>, vector<16xi32>,
      tpu.vector_store %arg21[%swap3A_39], %broadcast_in_dim3A_3 {strides = array<i32>} : memref<304xi32, #tpu.memory_space<vmem>>, vector<16xi32>,
      %swap3A_41 = arith.constant 32 : index
      %swap3A_42 = tpu.vector_load %arg20[%swap3A_41] {strides = array<i32>} : memref<304xi32, #tpu.memory_space<vmem>>, vector<16xi32>,
      tpu.vector_store %arg20[%swap3A_41], %broadcast_in_dim3A_3 {strides = array<i32>} : memref<304xi32, #tpu.memory_space<vmem>>, vector<16xi32>,
      %swap3A_43 = arith.constant 32 : index
      %swap3A_44 = tpu.vector_load %arg21[%swap3A_43] {strides = array<i32>} : memref<304xi32, #tpu.memory_space<vmem>>, vector<16xi32>,
      tpu.vector_store %arg21[%swap3A_43], %broadcast_in_dim3A_3 {strides = array<i32>} : memref<304xi32, #tpu.memory_space<vmem>>, vector<16xi32>,
      %swap3A_45 = arith.constant 48 : index
      %swap3A_46 = tpu.vector_load %arg20[%swap3A_45] {strides = array<i32>} : memref<304xi32, #tpu.memory_space<vmem>>, vector<16xi32>,
      tpu.vector_store %arg20[%swap3A_45], %broadcast_in_dim3A_3 {strides = array<i32>} : memref<304xi32, #tpu.memory_space<vmem>>, vector<16xi32>,
      %swap3A_47 = arith.constant 48 : index
      %swap3A_48 = tpu.vector_load %arg21[%swap3A_47] {strides = array<i32>} : memref<304xi32, #tpu.memory_space<vmem>>, vector<16xi32>,
      tpu.vector_store %arg21[%swap3A_47], %broadcast_in_dim3A_3 {strides = array<i32>} : memref<304xi32, #tpu.memory_space<vmem>>, vector<16xi32>,
      %swap3A_49 = arith.constant 64 : index
      %swap3A_50 = tpu.vector_load %arg20[%swap3A_49] {strides = array<i32>} : memref<304xi32, #tpu.memory_space<vmem>>, vector<16xi32>,
      tpu.vector_store %arg20[%swap3A_49], %broadcast_in_dim3A_3 {strides = array<i32>} : memref<304xi32, #tpu.memory_space<vmem>>, vector<16xi32>,
      %swap3A_51 = arith.constant 64 : index
      %swap3A_52 = tpu.vector_load %arg21[%swap3A_51] {strides = array<i32>} : memref<304xi32, #tpu.memory_space<vmem>>, vector<16xi32>,
      tpu.vector_store %arg21[%swap3A_51], %broadcast_in_dim3A_3 {strides = array<i32>} : memref<304xi32, #tpu.memory_space<vmem>>, vector<16xi32>,
      %swap3A_53 = arith.constant 80 : index
      %swap3A_54 = tpu.vector_load %arg20[%swap3A_53] {strides = array<i32>} : memref<304xi32, #tpu.memory_space<vmem>>, vector<16xi32>,
      tpu.vector_store %arg20[%swap3A_53], %broadcast_in_dim3A_3 {strides = array<i32>} : memref<304xi32, #tpu.memory_space<vmem>>, vector<16xi32>,
      %swap3A_55 = arith.constant 80 : index
      %swap3A_56 = tpu.vector_load %arg21[%swap3A_55] {strides = array<i32>} : memref<304xi32, #tpu.memory_space<vmem>>, vector<16xi32>,
      tpu.vector_store %arg21[%swap3A_55], %broadcast_in_dim3A_3 {strides = array<i32>} : memref<304xi32, #tpu.memory_space<vmem>>, vector<16xi32>,
      %swap3A_57 = arith.constant 96 : index
      %swap3A_58 = tpu.vector_load %arg20[%swap3A_57] {strides = array<i32>} : memref<304xi32, #tpu.memory_space<vmem>>, vector<16xi32>,
      tpu.vector_store %arg20[%swap3A_57], %broadcast_in_dim3A_3 {strides = array<i32>} : memref<304xi32, #tpu.memory_space<vmem>>, vector<16xi32>,
      %swap3A_59 = arith.constant 96 : index
      %swap3A_60 = tpu.vector_load %arg21[%swap3A_59] {strides = array<i32>} : memref<304xi32, #tpu.memory_space<vmem>>, vector<16xi32>,
      tpu.vector_store %arg21[%swap3A_59], %broadcast_in_dim3A_3 {strides = array<i32>} : memref<304xi32, #tpu.memory_space<vmem>>, vector<16xi32>,
      %swap3A_61 = arith.constant 112 : index
      %swap3A_62 = tpu.vector_load %arg20[%swap3A_61] {strides = array<i32>} : memref<304xi32, #tpu.memory_space<vmem>>, vector<16xi32>,
      tpu.vector_store %arg20[%swap3A_61], %broadcast_in_dim3A_3 {strides = array<i32>} : memref<304xi32, #tpu.memory_space<vmem>>, vector<16xi32>,
      %swap3A_63 = arith.constant 112 : index
      %swap3A_64 = tpu.vector_load %arg21[%swap3A_63] {strides = array<i32>} : memref<304xi32, #tpu.memory_space<vmem>>, vector<16xi32>,
      tpu.vector_store %arg21[%swap3A_63], %broadcast_in_dim3A_3 {strides = array<i32>} : memref<304xi32, #tpu.memory_space<vmem>>, vector<16xi32>,
      %swap3A_65 = arith.constant 128 : index
      %swap3A_66 = tpu.vector_load %arg20[%swap3A_65] {strides = array<i32>} : memref<304xi32, #tpu.memory_space<vmem>>, vector<16xi32>,
      tpu.vector_store %arg20[%swap3A_65], %broadcast_in_dim3A_3 {strides = array<i32>} : memref<304xi32, #tpu.memory_space<vmem>>, vector<16xi32>,
      %swap3A_67 = arith.constant 128 : index
      %swap3A_68 = tpu.vector_load %arg21[%swap3A_67] {strides = array<i32>} : memref<304xi32, #tpu.memory_space<vmem>>, vector<16xi32>,
      tpu.vector_store %arg21[%swap3A_67], %broadcast_in_dim3A_3 {strides = array<i32>} : memref<304xi32, #tpu.memory_space<vmem>>, vector<16xi32>,
      %swap3A_69 = arith.constant 144 : index
      %swap3A_70 = tpu.vector_load %arg20[%swap3A_69] {strides = array<i32>} : memref<304xi32, #tpu.memory_space<vmem>>, vector<16xi32>,
      tpu.vector_store %arg20[%swap3A_69], %broadcast_in_dim3A_3 {strides = array<i32>} : memref<304xi32, #tpu.memory_space<vmem>>, vector<16xi32>,
      %swap3A_71 = arith.constant 144 : index
      %swap3A_72 = tpu.vector_load %arg21[%swap3A_71] {strides = array<i32>} : memref<304xi32, #tpu.memory_space<vmem>>, vector<16xi32>,
      tpu.vector_store %arg21[%swap3A_71], %broadcast_in_dim3A_3 {strides = array<i32>} : memref<304xi32, #tpu.memory_space<vmem>>, vector<16xi32>,
      %swap3A_73 = arith.constant 160 : index
      %swap3A_74 = tpu.vector_load %arg20[%swap3A_73] {strides = array<i32>} : memref<304xi32, #tpu.memory_space<vmem>>, vector<16xi32>,
      tpu.vector_store %arg20[%swap3A_73], %broadcast_in_dim3A_3 {strides = array<i32>} : memref<304xi32, #tpu.memory_space<vmem>>, vector<16xi32>,
      %swap3A_75 = arith.constant 160 : index
      %swap3A_76 = tpu.vector_load %arg21[%swap3A_75] {strides = array<i32>} : memref<304xi32, #tpu.memory_space<vmem>>, vector<16xi32>,
      tpu.vector_store %arg21[%swap3A_75], %broadcast_in_dim3A_3 {strides = array<i32>} : memref<304xi32, #tpu.memory_space<vmem>>, vector<16xi32>,
      %swap3A_77 = arith.constant 176 : index
      %swap3A_78 = tpu.vector_load %arg20[%swap3A_77] {strides = array<i32>} : memref<304xi32, #tpu.memory_space<vmem>>, vector<16xi32>,
      tpu.vector_store %arg20[%swap3A_77], %broadcast_in_dim3A_3 {strides = array<i32>} : memref<304xi32, #tpu.memory_space<vmem>>, vector<16xi32>,
      %swap3A_79 = arith.constant 176 : index
      %swap3A_80 = tpu.vector_load %arg21[%swap3A_79] {strides = array<i32>} : memref<304xi32, #tpu.memory_space<vmem>>, vector<16xi32>,
      tpu.vector_store %arg21[%swap3A_79], %broadcast_in_dim3A_3 {strides = array<i32>} : memref<304xi32, #tpu.memory_space<vmem>>, vector<16xi32>,
      %swap3A_81 = arith.constant 192 : index
      %swap3A_82 = tpu.vector_load %arg20[%swap3A_81] {strides = array<i32>} : memref<304xi32, #tpu.memory_space<vmem>>, vector<16xi32>,
      tpu.vector_store %arg20[%swap3A_81], %broadcast_in_dim3A_3 {strides = array<i32>} : memref<304xi32, #tpu.memory_space<vmem>>, vector<16xi32>,
      %swap3A_83 = arith.constant 192 : index
      %swap3A_84 = tpu.vector_load %arg21[%swap3A_83] {strides = array<i32>} : memref<304xi32, #tpu.memory_space<vmem>>, vector<16xi32>,
      tpu.vector_store %arg21[%swap3A_83], %broadcast_in_dim3A_3 {strides = array<i32>} : memref<304xi32, #tpu.memory_space<vmem>>, vector<16xi32>,
      %swap3A_85 = arith.constant 208 : index
      %swap3A_86 = tpu.vector_load %arg20[%swap3A_85] {strides = array<i32>} : memref<304xi32, #tpu.memory_space<vmem>>, vector<16xi32>,
      tpu.vector_store %arg20[%swap3A_85], %broadcast_in_dim3A_3 {strides = array<i32>} : memref<304xi32, #tpu.memory_space<vmem>>, vector<16xi32>,
      %swap3A_87 = arith.constant 208 : index
      %swap3A_88 = tpu.vector_load %arg21[%swap3A_87] {strides = array<i32>} : memref<304xi32, #tpu.memory_space<vmem>>, vector<16xi32>,
      tpu.vector_store %arg21[%swap3A_87], %broadcast_in_dim3A_3 {strides = array<i32>} : memref<304xi32, #tpu.memory_space<vmem>>, vector<16xi32>,
      %swap3A_89 = arith.constant 224 : index
      %swap3A_90 = tpu.vector_load %arg20[%swap3A_89] {strides = array<i32>} : memref<304xi32, #tpu.memory_space<vmem>>, vector<16xi32>,
      tpu.vector_store %arg20[%swap3A_89], %broadcast_in_dim3A_3 {strides = array<i32>} : memref<304xi32, #tpu.memory_space<vmem>>, vector<16xi32>,
      %swap3A_91 = arith.constant 224 : index
      %swap3A_92 = tpu.vector_load %arg21[%swap3A_91] {strides = array<i32>} : memref<304xi32, #tpu.memory_space<vmem>>, vector<16xi32>,
      tpu.vector_store %arg21[%swap3A_91], %broadcast_in_dim3A_3 {strides = array<i32>} : memref<304xi32, #tpu.memory_space<vmem>>, vector<16xi32>,
      %swap3A_93 = arith.constant 240 : index
      %swap3A_94 = tpu.vector_load %arg20[%swap3A_93] {strides = array<i32>} : memref<304xi32, #tpu.memory_space<vmem>>, vector<16xi32>,
      tpu.vector_store %arg20[%swap3A_93], %broadcast_in_dim3A_3 {strides = array<i32>} : memref<304xi32, #tpu.memory_space<vmem>>, vector<16xi32>,
      %swap3A_95 = arith.constant 240 : index
      %swap3A_96 = tpu.vector_load %arg21[%swap3A_95] {strides = array<i32>} : memref<304xi32, #tpu.memory_space<vmem>>, vector<16xi32>,
      tpu.vector_store %arg21[%swap3A_95], %broadcast_in_dim3A_3 {strides = array<i32>} : memref<304xi32, #tpu.memory_space<vmem>>, vector<16xi32>,
      %swap3A_97 = arith.constant 256 : index
      %swap3A_98 = tpu.vector_load %arg20[%swap3A_97] {strides = array<i32>} : memref<304xi32, #tpu.memory_space<vmem>>, vector<16xi32>,
      tpu.vector_store %arg20[%swap3A_97], %broadcast_in_dim3A_3 {strides = array<i32>} : memref<304xi32, #tpu.memory_space<vmem>>, vector<16xi32>,
      %swap3A_99 = arith.constant 256 : index
      %swap3A_100 = tpu.vector_load %arg21[%swap3A_99] {strides = array<i32>} : memref<304xi32, #tpu.memory_space<vmem>>, vector<16xi32>,
      tpu.vector_store %arg21[%swap3A_99], %broadcast_in_dim3A_3 {strides = array<i32>} : memref<304xi32, #tpu.memory_space<vmem>>, vector<16xi32>,
      %swap3A_101 = arith.constant 272 : index
      %swap3A_102 = tpu.vector_load %arg20[%swap3A_101] {strides = array<i32>} : memref<304xi32, #tpu.memory_space<vmem>>, vector<16xi32>,
      tpu.vector_store %arg20[%swap3A_101], %broadcast_in_dim3A_3 {strides = array<i32>} : memref<304xi32, #tpu.memory_space<vmem>>, vector<16xi32>,
      %swap3A_103 = arith.constant 272 : index
      %swap3A_104 = tpu.vector_load %arg21[%swap3A_103] {strides = array<i32>} : memref<304xi32, #tpu.memory_space<vmem>>, vector<16xi32>,
      tpu.vector_store %arg21[%swap3A_103], %broadcast_in_dim3A_3 {strides = array<i32>} : memref<304xi32, #tpu.memory_space<vmem>>, vector<16xi32>,
      %swap3A_105 = arith.constant 288 : index
      %swap3A_106 = tpu.vector_load %arg20[%swap3A_105] {strides = array<i32>} : memref<304xi32, #tpu.memory_space<vmem>>, vector<16xi32>,
      tpu.vector_store %arg20[%swap3A_105], %broadcast_in_dim3A_3 {strides = array<i32>} : memref<304xi32, #tpu.memory_space<vmem>>, vector<16xi32>,
      %swap3A_107 = arith.constant 288 : index
      %swap3A_108 = tpu.vector_load %arg21[%swap3A_107] {strides = array<i32>} : memref<304xi32, #tpu.memory_space<vmem>>, vector<16xi32>,
      tpu.vector_store %arg21[%swap3A_107], %broadcast_in_dim3A_3 {strides = array<i32>} : memref<304xi32, #tpu.memory_space<vmem>>, vector<16xi32>,
      %parallel_loop3A_109 = arith.constant 0 : i32
      %parallel_loop3A_110 = arith.constant 5119 : i32
      %parallel_loop3A_111 = arith.constant 1 : i32
      scf.for %parallel_loop3A_1446 = %parallel_loop3A_109 to %parallel_loop3A_110 step %parallel_loop3A_111  : i32 {
        %parallel_loop3A_1447 = arith.constant 16 : i32
        %parallel_loop3A_1448 = arith.muli %parallel_loop3A_1447, %parallel_loop3A_1446 : i32
        %parallel_loop3A_1449 = arith.index_cast %parallel_loop3A_1448 : i32 to index
        %parallel_loop3A_1450 = tpu.vector_load %arg8[%parallel_loop3A_1449] {strides = array<i32>} : memref<81904xi32, #tpu.memory_space<vmem>>, vector<16xi32>,
        %parallel_loop3A_1451 = arith.constant 21 : i32
        %parallel_loop3A_1452 = vector.broadcast %parallel_loop3A_1451 : i32 to vector<16xi32>
        %parallel_loop3A_1453 = arith.shrsi %parallel_loop3A_1450, %parallel_loop3A_1452 : vector<16xi32>
        %parallel_loop3A_1454 = arith.constant 0 : i32
        %parallel_loop3A_1455 = vector.broadcast %parallel_loop3A_1454 : i32 to vector<16xi32>
        %parallel_loop3A_1456 = arith.maxsi %parallel_loop3A_1453, %parallel_loop3A_1455 : vector<16xi32>
        %parallel_loop3A_1457 = arith.addi %mul3A_6, %parallel_loop3A_1456 : vector<16xi32>
        tpu.vector_store_idx %arg9[%parallel_loop3A_1457], %broadcast_in_dim3A_1 {add = true} : memref<8192xi32, #tpu.memory_space<vmem>>[vector<16xi32>], vector<16xi32>,
      } {sc.loop_unroll_factor = 8 : i64, sc.parallel_access}
      %scan3A_112 = arith.constant 0 : i32
      %scan3A_113 = arith.constant 0 : i32
      %scan3A_114 = arith.constant 32 : i32
      %scan3A_115 = arith.addi %scan3A_113, %scan3A_114 : i32
      %scan3A_116 = arith.constant 1 : i32
      %scan3A_117 = scf.for %scan3A_1446 = %scan3A_113 to %scan3A_115 step %scan3A_116 iter_args(%scan3A_1447 = %scan3A_112) -> (i32)  : i32 {
        %mul3A_1448 = arith.constant 16 : i32
        %mul3A_1449 = arith.muli %mul3A_1448, %scan3A_1446 : i32
        %get3A_1450 = arith.index_cast %mul3A_1449 : i32 to index
        %get3A_1451 = tpu.vector_load %arg9[%get3A_1450] {strides = array<i32>} : memref<8192xi32, #tpu.memory_space<vmem>>, vector<16xi32>,
        %mul3A_1452 = arith.constant 16 : i32
        %mul3A_1453 = arith.muli %mul3A_1452, %scan3A_1446 : i32
        %add3A_1454 = arith.constant 512 : i32
        %add3A_1455 = arith.addi %add3A_1454, %mul3A_1453 : i32
        %get3A_1456 = arith.index_cast %add3A_1455 : i32 to index
        %get3A_1457 = tpu.vector_load %arg9[%get3A_1456] {strides = array<i32>} : memref<8192xi32, #tpu.memory_space<vmem>>, vector<16xi32>,
        %add3A_1458 = arith.addi %get3A_1451, %get3A_1457 : vector<16xi32>
        %mul3A_1459 = arith.constant 16 : i32
        %mul3A_1460 = arith.muli %mul3A_1459, %scan3A_1446 : i32
        %add3A_1461 = arith.constant 1024 : i32
        %add3A_1462 = arith.addi %add3A_1461, %mul3A_1460 : i32
        %get3A_1463 = arith.index_cast %add3A_1462 : i32 to index
        %get3A_1464 = tpu.vector_load %arg9[%get3A_1463] {strides = array<i32>} : memref<8192xi32, #tpu.memory_space<vmem>>, vector<16xi32>,
        %add3A_1465 = arith.addi %add3A_1458, %get3A_1464 : vector<16xi32>
        %mul3A_1466 = arith.constant 16 : i32
        %mul3A_1467 = arith.muli %mul3A_1466, %scan3A_1446 : i32
        %add3A_1468 = arith.constant 1536 : i32
        %add3A_1469 = arith.addi %add3A_1468, %mul3A_1467 : i32
        %get3A_1470 = arith.index_cast %add3A_1469 : i32 to index
        %get3A_1471 = tpu.vector_load %arg9[%get3A_1470] {strides = array<i32>} : memref<8192xi32, #tpu.memory_space<vmem>>, vector<16xi32>,
        %add3A_1472 = arith.addi %add3A_1465, %get3A_1471 : vector<16xi32>
        %mul3A_1473 = arith.constant 16 : i32
        %mul3A_1474 = arith.muli %mul3A_1473, %scan3A_1446 : i32
        %add3A_1475 = arith.constant 2048 : i32
        %add3A_1476 = arith.addi %add3A_1475, %mul3A_1474 : i32
        %get3A_1477 = arith.index_cast %add3A_1476 : i32 to index
        %get3A_1478 = tpu.vector_load %arg9[%get3A_1477] {strides = array<i32>} : memref<8192xi32, #tpu.memory_space<vmem>>, vector<16xi32>,
        %add3A_1479 = arith.addi %add3A_1472, %get3A_1478 : vector<16xi32>
        %mul3A_1480 = arith.constant 16 : i32
        %mul3A_1481 = arith.muli %mul3A_1480, %scan3A_1446 : i32
        %add3A_1482 = arith.constant 2560 : i32
        %add3A_1483 = arith.addi %add3A_1482, %mul3A_1481 : i32
        %get3A_1484 = arith.index_cast %add3A_1483 : i32 to index
        %get3A_1485 = tpu.vector_load %arg9[%get3A_1484] {strides = array<i32>} : memref<8192xi32, #tpu.memory_space<vmem>>, vector<16xi32>,
        %add3A_1486 = arith.addi %add3A_1479, %get3A_1485 : vector<16xi32>
        %mul3A_1487 = arith.constant 16 : i32
        %mul3A_1488 = arith.muli %mul3A_1487, %scan3A_1446 : i32
        %add3A_1489 = arith.constant 3072 : i32
        %add3A_1490 = arith.addi %add3A_1489, %mul3A_1488 : i32
        %get3A_1491 = arith.index_cast %add3A_1490 : i32 to index
        %get3A_1492 = tpu.vector_load %arg9[%get3A_1491] {strides = array<i32>} : memref<8192xi32, #tpu.memory_space<vmem>>, vector<16xi32>,
        %add3A_1493 = arith.addi %add3A_1486, %get3A_1492 : vector<16xi32>
        %mul3A_1494 = arith.constant 16 : i32
        %mul3A_1495 = arith.muli %mul3A_1494, %scan3A_1446 : i32
        %add3A_1496 = arith.constant 3584 : i32
        %add3A_1497 = arith.addi %add3A_1496, %mul3A_1495 : i32
        %get3A_1498 = arith.index_cast %add3A_1497 : i32 to index
        %get3A_1499 = tpu.vector_load %arg9[%get3A_1498] {strides = array<i32>} : memref<8192xi32, #tpu.memory_space<vmem>>, vector<16xi32>,
        %add3A_1500 = arith.addi %add3A_1493, %get3A_1499 : vector<16xi32>
        %mul3A_1501 = arith.constant 16 : i32
        %mul3A_1502 = arith.muli %mul3A_1501, %scan3A_1446 : i32
        %add3A_1503 = arith.constant 4096 : i32
        %add3A_1504 = arith.addi %add3A_1503, %mul3A_1502 : i32
        %get3A_1505 = arith.index_cast %add3A_1504 : i32 to index
        %get3A_1506 = tpu.vector_load %arg9[%get3A_1505] {strides = array<i32>} : memref<8192xi32, #tpu.memory_space<vmem>>, vector<16xi32>,
        %add3A_1507 = arith.addi %add3A_1500, %get3A_1506 : vector<16xi32>
        %mul3A_1508 = arith.constant 16 : i32
        %mul3A_1509 = arith.muli %mul3A_1508, %scan3A_1446 : i32
        %add3A_1510 = arith.constant 4608 : i32
        %add3A_1511 = arith.addi %add3A_1510, %mul3A_1509 : i32
        %get3A_1512 = arith.index_cast %add3A_1511 : i32 to index
        %get3A_1513 = tpu.vector_load %arg9[%get3A_1512] {strides = array<i32>} : memref<8192xi32, #tpu.memory_space<vmem>>, vector<16xi32>,
        %add3A_1514 = arith.addi %add3A_1507, %get3A_1513 : vector<16xi32>
        %mul3A_1515 = arith.constant 16 : i32
        %mul3A_1516 = arith.muli %mul3A_1515, %scan3A_1446 : i32
        %add3A_1517 = arith.constant 5120 : i32
        %add3A_1518 = arith.addi %add3A_1517, %mul3A_1516 : i32
        %get3A_1519 = arith.index_cast %add3A_1518 : i32 to index
        %get3A_1520 = tpu.vector_load %arg9[%get3A_1519] {strides = array<i32>} : memref<8192xi32, #tpu.memory_space<vmem>>, vector<16xi32>,
        %add3A_1521 = arith.addi %add3A_1514, %get3A_1520 : vector<16xi32>
        %mul3A_1522 = arith.constant 16 : i32
        %mul3A_1523 = arith.muli %mul3A_1522, %scan3A_1446 : i32
        %add3A_1524 = arith.constant 5632 : i32
        %add3A_1525 = arith.addi %add3A_1524, %mul3A_1523 : i32
        %get3A_1526 = arith.index_cast %add3A_1525 : i32 to index
        %get3A_1527 = tpu.vector_load %arg9[%get3A_1526] {strides = array<i32>} : memref<8192xi32, #tpu.memory_space<vmem>>, vector<16xi32>,
        %add3A_1528 = arith.addi %add3A_1521, %get3A_1527 : vector<16xi32>
        %mul3A_1529 = arith.constant 16 : i32
        %mul3A_1530 = arith.muli %mul3A_1529, %scan3A_1446 : i32
        %add3A_1531 = arith.constant 6144 : i32
        %add3A_1532 = arith.addi %add3A_1531, %mul3A_1530 : i32
        %get3A_1533 = arith.index_cast %add3A_1532 : i32 to index
        %get3A_1534 = tpu.vector_load %arg9[%get3A_1533] {strides = array<i32>} : memref<8192xi32, #tpu.memory_space<vmem>>, vector<16xi32>,
        %add3A_1535 = arith.addi %add3A_1528, %get3A_1534 : vector<16xi32>
        %mul3A_1536 = arith.constant 16 : i32
        %mul3A_1537 = arith.muli %mul3A_1536, %scan3A_1446 : i32
        %add3A_1538 = arith.constant 6656 : i32
        %add3A_1539 = arith.addi %add3A_1538, %mul3A_1537 : i32
        %get3A_1540 = arith.index_cast %add3A_1539 : i32 to index
        %get3A_1541 = tpu.vector_load %arg9[%get3A_1540] {strides = array<i32>} : memref<8192xi32, #tpu.memory_space<vmem>>, vector<16xi32>,
        %add3A_1542 = arith.addi %add3A_1535, %get3A_1541 : vector<16xi32>
        %mul3A_1543 = arith.constant 16 : i32
        %mul3A_1544 = arith.muli %mul3A_1543, %scan3A_1446 : i32
        %add3A_1545 = arith.constant 7168 : i32
        %add3A_1546 = arith.addi %add3A_1545, %mul3A_1544 : i32
        %get3A_1547 = arith.index_cast %add3A_1546 : i32 to index
        %get3A_1548 = tpu.vector_load %arg9[%get3A_1547] {strides = array<i32>} : memref<8192xi32, #tpu.memory_space<vmem>>, vector<16xi32>,
        %add3A_1549 = arith.addi %add3A_1542, %get3A_1548 : vector<16xi32>
        %mul3A_1550 = arith.constant 16 : i32
        %mul3A_1551 = arith.muli %mul3A_1550, %scan3A_1446 : i32
        %add3A_1552 = arith.constant 7680 : i32
        %add3A_1553 = arith.addi %add3A_1552, %mul3A_1551 : i32
        %get3A_1554 = arith.index_cast %add3A_1553 : i32 to index
        %get3A_1555 = tpu.vector_load %arg9[%get3A_1554] {strides = array<i32>} : memref<8192xi32, #tpu.memory_space<vmem>>, vector<16xi32>,
        %add3A_1556 = arith.addi %add3A_1549, %get3A_1555 : vector<16xi32>
        %mul3A_1557 = arith.constant 16 : i32
        %mul3A_1558 = arith.muli %mul3A_1557, %scan3A_1446 : i32
        %swap3A_1559 = arith.index_cast %mul3A_1558 : i32 to index
        %swap3A_1560 = tpu.vector_load %arg11[%swap3A_1559] {strides = array<i32>} : memref<512xi32, #tpu.memory_space<vmem>>, vector<16xi32>,
        tpu.vector_store %arg11[%swap3A_1559], %add3A_1556 {strides = array<i32>} : memref<512xi32, #tpu.memory_space<vmem>>, vector<16xi32>,
        %shift_right_arithmetic3A_1561 = arith.constant 4 : i32
        %shift_right_arithmetic3A_1562 = arith.shrsi %scan3A_1446, %shift_right_arithmetic3A_1561 : i32
        %mul3A_1563 = arith.constant 16 : i32
        %mul3A_1564 = arith.muli %shift_right_arithmetic3A_1562, %mul3A_1563 : i32
        %get3A_1565 = arith.index_cast %mul3A_1564 : i32 to index
        %get3A_1566 = tpu.vector_load %arg12[%get3A_1565] {strides = array<i32>} : memref<32xi32, #tpu.memory_space<vmem>>, vector<16xi32>,
        %and3A_1567 = arith.constant 15 : i32
        %and3A_1568 = arith.andi %scan3A_1446, %and3A_1567 : i32
        %eq3A = vector.broadcast %and3A_1568 : i32 to vector<16xi32>
        %eq3A_1569 = arith.cmpi eq, %iota3A, %eq3A : vector<16xi32>
        %reduce_sum3A = arith.constant true
        %reduce_sum3A_1570 = vector.broadcast %reduce_sum3A : i1 to vector<16xi1>
        %reduce_sum3A_1571 = tpu.scan <sum>, %add3A_1556 masked %reduce_sum3A_1570 : vector<16xi32>, vector<16xi1> -> vector<16xi32>
        %reduce_sum3A_1572 = vector.extract %reduce_sum3A_1571[15] : i32 from vector<16xi32>
        %broadcast_in_dim3A_1573 = vector.broadcast %reduce_sum3A_1572 : i32 to vector<16xi32>
        %select_n3A_1574 = arith.select %eq3A_1569, %broadcast_in_dim3A_1573, %get3A_1566 : vector<16xi1>, vector<16xi32>
        %swap3A_1575 = arith.index_cast %mul3A_1564 : i32 to index
        %swap3A_1576 = tpu.vector_load %arg12[%swap3A_1575] {strides = array<i32>} : memref<32xi32, #tpu.memory_space<vmem>>, vector<16xi32>,
        tpu.vector_store %arg12[%swap3A_1575], %select_n3A_1574 {strides = array<i32>} : memref<32xi32, #tpu.memory_space<vmem>>, vector<16xi32>,
        %scan3A_1577 = arith.constant 0 : i32
        scf.yield %scan3A_1577 : i32
      }
      %scan3A_118 = arith.constant 32 : i32
      %scan3A_119 = arith.constant 300 : i32
      %scan3A_120 = arith.constant 0 : i32
      %scan3A_121 = arith.constant -1 : i32
      %scan3A_122 = arith.constant -1 : i32
      %scan3A_123 = arith.constant 0 : i32
      %scan3A_124 = arith.constant 2 : i32
      %scan3A_125 = arith.addi %scan3A_123, %scan3A_124 : i32
      %scan3A_126 = arith.constant 1 : i32
      %scan3A_127:3 = scf.for %scan3A_1446 = %scan3A_123 to %scan3A_125 step %scan3A_126 iter_args(%scan3A_1447 = %scan3A_120, %scan3A_1448 = %scan3A_121, %scan3A_1449 = %scan3A_122) -> (i32, i32, i32)  : i32 {
        %sub3A_1450 = arith.constant 1 : i32
        %sub3A_1451 = arith.subi %sub3A_1450, %scan3A_1446 : i32
        %mul3A_1452 = arith.constant 16 : i32
        %mul3A_1453 = arith.muli %mul3A_1452, %sub3A_1451 : i32
        %get3A_1454 = arith.index_cast %mul3A_1453 : i32 to index
        %get3A_1455 = tpu.vector_load %arg12[%get3A_1454] {strides = array<i32>} : memref<32xi32, #tpu.memory_space<vmem>>, vector<16xi32>,
        %rev3A_1456 = arith.constant 15 : i32
        %rev3A_1457 = vector.broadcast %rev3A_1456 : i32 to vector<16xi32>
        %rev3A_1458 = tpu.iota {dimensions = array<i32: 0>} : vector<16xi32>
        %rev3A_1459 = arith.subi %rev3A_1457, %rev3A_1458 : vector<16xi32>
        %rev3A_1460 = tpu.dynamic_gather %get3A_1455[%rev3A_1459] in [0] : vector<16xi32>, vector<16xi32> -> vector<16xi32>
        %broadcast_in_dim3A_1461 = arith.constant true
        %broadcast_in_dim3A_1462 = vector.broadcast %broadcast_in_dim3A_1461 : i1 to vector<16xi1>
        %masked_cumsum3A_1463 = tpu.scan <sum>, %rev3A_1460 masked %broadcast_in_dim3A_1462 : vector<16xi32>, vector<16xi1> -> vector<16xi32>
        %sub3A_1464 = arith.subi %masked_cumsum3A_1463, %rev3A_1460 : vector<16xi32>
        %add3A_1465 = vector.broadcast %scan3A_1447 : i32 to vector<16xi32>
        %add3A_1466 = arith.addi %add3A_1465, %sub3A_1464 : vector<16xi32>
        %lt3A_1467 = vector.broadcast %scan3A_119 : i32 to vector<16xi32>
        %lt3A_1468 = arith.cmpi slt, %add3A_1466, %lt3A_1467 : vector<16xi32>
        %add3A_1469 = arith.addi %add3A_1466, %rev3A_1460 : vector<16xi32>
        %ge3A_1470 = vector.broadcast %scan3A_119 : i32 to vector<16xi32>
        %ge3A_1471 = arith.cmpi sge, %add3A_1469, %ge3A_1470 : vector<16xi32>
        %and3A_1472 = arith.andi %lt3A_1468, %ge3A_1471 : vector<16xi1>
        %mul3A_1473 = arith.constant 16 : i32
        %mul3A_1474 = arith.muli %mul3A_1473, %sub3A_1451 : i32
        %add3A_1475 = arith.constant 15 : i32
        %add3A_1476 = arith.addi %mul3A_1474, %add3A_1475 : i32
        %sub3A_1477 = vector.broadcast %add3A_1476 : i32 to vector<16xi32>
        %sub3A_1478 = arith.subi %sub3A_1477, %iota3A : vector<16xi32>
        %jit3A_1479 = arith.constant -1 : i32
        %broadcast_in_dim3A_1480 = vector.broadcast %jit3A_1479 : i32 to vector<16xi32>
        %select_n3A_1481 = arith.select %and3A_1472, %sub3A_1478, %broadcast_in_dim3A_1480 : vector<16xi1>, vector<16xi32>
        %reduce_max3A_1482 = arith.constant true
        %reduce_max3A_1483 = vector.broadcast %reduce_max3A_1482 : i1 to vector<16xi1>
        %reduce_max3A_1484 = arith.constant -2147483648 : i32
        %reduce_max3A_1485 = vector.broadcast %reduce_max3A_1484 : i32 to vector<16xi32>
        %reduce_max3A_1486 = arith.xori %select_n3A_1481, %reduce_max3A_1485 : vector<16xi32>
        %reduce_max3A_1487 = tpu.scan <max>, %reduce_max3A_1486 masked %reduce_max3A_1483 : vector<16xi32>, vector<16xi1> -> vector<16xi32>
        %reduce_max3A_1488 = arith.xori %reduce_max3A_1487, %reduce_max3A_1485 : vector<16xi32>
        %reduce_max3A_1489 = vector.extract %reduce_max3A_1488[15] : i32 from vector<16xi32>
        %max3A = arith.maxsi %scan3A_1448, %reduce_max3A_1489 : i32
        %jit3A_1490 = arith.constant -1 : i32
        %broadcast_in_dim3A_1491 = vector.broadcast %jit3A_1490 : i32 to vector<16xi32>
        %select_n3A_1492 = arith.select %and3A_1472, %add3A_1466, %broadcast_in_dim3A_1491 : vector<16xi1>, vector<16xi32>
        %reduce_max3A_1493 = arith.constant true
        %reduce_max3A_1494 = vector.broadcast %reduce_max3A_1493 : i1 to vector<16xi1>
        %reduce_max3A_1495 = arith.constant -2147483648 : i32
        %reduce_max3A_1496 = vector.broadcast %reduce_max3A_1495 : i32 to vector<16xi32>
        %reduce_max3A_1497 = arith.xori %select_n3A_1492, %reduce_max3A_1496 : vector<16xi32>
        %reduce_max3A_1498 = tpu.scan <max>, %reduce_max3A_1497 masked %reduce_max3A_1494 : vector<16xi32>, vector<16xi1> -> vector<16xi32>
        %reduce_max3A_1499 = arith.xori %reduce_max3A_1498, %reduce_max3A_1496 : vector<16xi32>
        %reduce_max3A_1500 = vector.extract %reduce_max3A_1499[15] : i32 from vector<16xi32>
        %max3A_1501 = arith.maxsi %scan3A_1449, %reduce_max3A_1500 : i32
        %reduce_sum3A = arith.constant true
        %reduce_sum3A_1502 = vector.broadcast %reduce_sum3A : i1 to vector<16xi1>
        %reduce_sum3A_1503 = tpu.scan <sum>, %get3A_1455 masked %reduce_sum3A_1502 : vector<16xi32>, vector<16xi1> -> vector<16xi32>
        %reduce_sum3A_1504 = vector.extract %reduce_sum3A_1503[15] : i32 from vector<16xi32>
        %add3A_1505 = arith.addi %scan3A_1447, %reduce_sum3A_1504 : i32
        scf.yield %add3A_1505, %max3A, %max3A_1501 : i32, i32, i32
      }
      %scan3A_128 = arith.constant 2 : i32
      %mul3A_129 = arith.constant 16 : i32
      %mul3A_130 = arith.muli %mul3A_129, %scan3A_127#1 : i32
      %get3A = arith.index_cast %mul3A_130 : i32 to index
      %get3A_131 = tpu.vector_load %arg11[%get3A] {strides = array<i32>} : memref<512xi32, #tpu.memory_space<vmem>>, vector<16xi32>,
      %rev3A = arith.constant 15 : i32
      %rev3A_132 = vector.broadcast %rev3A : i32 to vector<16xi32>
      %rev3A_133 = tpu.iota {dimensions = array<i32: 0>} : vector<16xi32>
      %rev3A_134 = arith.subi %rev3A_132, %rev3A_133 : vector<16xi32>
      %rev3A_135 = tpu.dynamic_gather %get3A_131[%rev3A_134] in [0] : vector<16xi32>, vector<16xi32> -> vector<16xi32>
      %broadcast_in_dim3A_136 = arith.constant true
      %broadcast_in_dim3A_137 = vector.broadcast %broadcast_in_dim3A_136 : i1 to vector<16xi1>
      %masked_cumsum3A = tpu.scan <sum>, %rev3A_135 masked %broadcast_in_dim3A_137 : vector<16xi32>, vector<16xi1> -> vector<16xi32>
      %sub3A = arith.subi %masked_cumsum3A, %rev3A_135 : vector<16xi32>
      %add3A_138 = vector.broadcast %scan3A_127#2 : i32 to vector<16xi32>
      %add3A_139 = arith.addi %add3A_138, %sub3A : vector<16xi32>
      %lt3A = arith.constant 300 : i32
      %lt3A_140 = vector.broadcast %lt3A : i32 to vector<16xi32>
      %lt3A_141 = arith.cmpi slt, %add3A_139, %lt3A_140 : vector<16xi32>
      %add3A_142 = arith.addi %add3A_139, %rev3A_135 : vector<16xi32>
      %ge3A = arith.constant 300 : i32
      %ge3A_143 = vector.broadcast %ge3A : i32 to vector<16xi32>
      %ge3A_144 = arith.cmpi sge, %add3A_142, %ge3A_143 : vector<16xi32>
      %and3A = arith.andi %lt3A_141, %ge3A_144 : vector<16xi1>
      %mul3A_145 = arith.constant 16 : i32
      %mul3A_146 = arith.muli %mul3A_145, %scan3A_127#1 : i32
      %add3A_147 = arith.constant 15 : i32
      %add3A_148 = arith.addi %mul3A_146, %add3A_147 : i32
      %sub3A_149 = vector.broadcast %add3A_148 : i32 to vector<16xi32>
      %sub3A_150 = arith.subi %sub3A_149, %iota3A : vector<16xi32>
      %jit3A = arith.constant -1 : i32
      %broadcast_in_dim3A_151 = vector.broadcast %jit3A : i32 to vector<16xi32>
      %select_n3A = arith.select %and3A, %sub3A_150, %broadcast_in_dim3A_151 : vector<16xi1>, vector<16xi32>
      %reduce_max3A = arith.constant true
      %reduce_max3A_152 = vector.broadcast %reduce_max3A : i1 to vector<16xi1>
      %reduce_max3A_153 = arith.constant -2147483648 : i32
      %reduce_max3A_154 = vector.broadcast %reduce_max3A_153 : i32 to vector<16xi32>
      %reduce_max3A_155 = arith.xori %select_n3A, %reduce_max3A_154 : vector<16xi32>
      %reduce_max3A_156 = tpu.scan <max>, %reduce_max3A_155 masked %reduce_max3A_152 : vector<16xi32>, vector<16xi1> -> vector<16xi32>
      %reduce_max3A_157 = arith.xori %reduce_max3A_156, %reduce_max3A_154 : vector<16xi32>
      %reduce_max3A_158 = vector.extract %reduce_max3A_157[15] : i32 from vector<16xi32>
      %jit3A_159 = arith.constant -1 : i32
      %broadcast_in_dim3A_160 = vector.broadcast %jit3A_159 : i32 to vector<16xi32>
      %select_n3A_161 = arith.select %and3A, %add3A_139, %broadcast_in_dim3A_160 : vector<16xi1>, vector<16xi32>
      %reduce_max3A_162 = arith.constant true
      %reduce_max3A_163 = vector.broadcast %reduce_max3A_162 : i1 to vector<16xi1>
      %reduce_max3A_164 = arith.constant -2147483648 : i32
      %reduce_max3A_165 = vector.broadcast %reduce_max3A_164 : i32 to vector<16xi32>
      %reduce_max3A_166 = arith.xori %select_n3A_161, %reduce_max3A_165 : vector<16xi32>
      %reduce_max3A_167 = tpu.scan <max>, %reduce_max3A_166 masked %reduce_max3A_163 : vector<16xi32>, vector<16xi1> -> vector<16xi32>
      %reduce_max3A_168 = arith.xori %reduce_max3A_167, %reduce_max3A_165 : vector<16xi32>
      %reduce_max3A_169 = vector.extract %reduce_max3A_168[15] : i32 from vector<16xi32>
      %broadcast_in_dim3A_170 = arith.constant 4096 : i32
      %broadcast_in_dim3A_171 = vector.broadcast %broadcast_in_dim3A_170 : i32 to vector<16xi32>
      %parallel_loop3A_172 = arith.constant 0 : i32
      %parallel_loop3A_173 = arith.constant 5119 : i32
      %parallel_loop3A_174 = arith.constant 1 : i32
      %parallel_loop3A_175 = scf.for %parallel_loop3A_1446 = %parallel_loop3A_172 to %parallel_loop3A_173 step %parallel_loop3A_174 iter_args(%parallel_loop3A_1447 = %broadcast_in_dim3A_3) -> (vector<16xi32>)  : i32 {
        %parallel_loop3A_1448 = arith.constant 16 : i32
        %parallel_loop3A_1449 = arith.muli %parallel_loop3A_1448, %parallel_loop3A_1446 : i32
        %parallel_loop3A_1450 = arith.index_cast %parallel_loop3A_1449 : i32 to index
        %parallel_loop3A_1451 = tpu.vector_load %arg8[%parallel_loop3A_1450] {strides = array<i32>} : memref<81904xi32, #tpu.memory_space<vmem>>, vector<16xi32>,
        %parallel_loop3A_1452 = arith.constant 21 : i32
        %parallel_loop3A_1453 = vector.broadcast %parallel_loop3A_1452 : i32 to vector<16xi32>
        %parallel_loop3A_1454 = arith.shrsi %parallel_loop3A_1451, %parallel_loop3A_1453 : vector<16xi32>
        %parallel_loop3A_1455 = vector.broadcast %reduce_max3A_158 : i32 to vector<16xi32>
        %parallel_loop3A_1456 = arith.cmpi sge, %parallel_loop3A_1454, %parallel_loop3A_1455 : vector<16xi32>
        %parallel_loop3A_1457 = arith.cmpi slt, %parallel_loop3A_1447, %broadcast_in_dim3A_171 : vector<16xi32>
        %parallel_loop3A_1458 = arith.andi %parallel_loop3A_1456, %parallel_loop3A_1457 : vector<16xi1>
        %parallel_loop3A_1459 = arith.extui %parallel_loop3A_1458 : vector<16xi1> to vector<16xi32>
        %parallel_loop3A_1460 = arith.constant true
        %parallel_loop3A_1461 = vector.broadcast %parallel_loop3A_1460 : i1 to vector<16xi1>
        %parallel_loop3A_1462 = tpu.scan <sum>, %parallel_loop3A_1459 masked %parallel_loop3A_1461 : vector<16xi32>, vector<16xi1> -> vector<16xi32>
        %parallel_loop3A_1463 = arith.addi %parallel_loop3A_1447, %parallel_loop3A_1462 : vector<16xi32>
        %parallel_loop3A_1464 = arith.subi %parallel_loop3A_1463, %parallel_loop3A_1459 : vector<16xi32>
        tpu.vector_store_idx %arg15[%parallel_loop3A_1464], %parallel_loop3A_1451 masked %parallel_loop3A_1458 : memref<4112xi32, #tpu.memory_space<vmem>>[vector<16xi32>], vector<16xi32>, vector<16xi1>
        %parallel_loop3A_1465 = arith.constant 16 : i32
        %parallel_loop3A_1466 = arith.muli %parallel_loop3A_1465, %parallel_loop3A_1446 : i32
        %parallel_loop3A_1467 = vector.broadcast %parallel_loop3A_1466 : i32 to vector<16xi32>
        %parallel_loop3A_1468 = arith.addi %parallel_loop3A_1467, %iota3A : vector<16xi32>
        tpu.vector_store_idx %arg16[%parallel_loop3A_1464], %parallel_loop3A_1468 masked %parallel_loop3A_1458 : memref<4112xi32, #tpu.memory_space<vmem>>[vector<16xi32>], vector<16xi32>, vector<16xi1>
        %parallel_loop3A_1469 = tpu.all_reduce %parallel_loop3A_1458 {dim = 0 : i64, kind = #tpu.reduction_kind<sum>} : vector<16xi1> -> vector<16xi32>
        %parallel_loop3A_1470 = arith.addi %parallel_loop3A_1447, %parallel_loop3A_1469 : vector<16xi32>
        scf.yield %parallel_loop3A_1470 : vector<16xi32>
      } {sc.loop_unroll_factor = 8 : i64, sc.parallel_access}
      %parallel_loop3A_176 = arith.constant 0 : i32
      %parallel_loop3A_177 = arith.constant 256 : i32
      %parallel_loop3A_178 = arith.constant 1 : i32
      scf.for %parallel_loop3A_1446 = %parallel_loop3A_176 to %parallel_loop3A_177 step %parallel_loop3A_178  : i32 {
        %parallel_loop3A_1447 = arith.constant 16 : i32
        %parallel_loop3A_1448 = arith.muli %parallel_loop3A_1447, %parallel_loop3A_1446 : i32
        %parallel_loop3A_1449 = arith.index_cast %parallel_loop3A_1448 : i32 to index
        %parallel_loop3A_1450 = tpu.vector_load %arg15[%parallel_loop3A_1449] {strides = array<i32>} : memref<4112xi32, #tpu.memory_space<vmem>>, vector<16xi32>,
        %parallel_loop3A_1451 = arith.constant 21 : i32
        %parallel_loop3A_1452 = vector.broadcast %parallel_loop3A_1451 : i32 to vector<16xi32>
        %parallel_loop3A_1453 = arith.shrsi %parallel_loop3A_1450, %parallel_loop3A_1452 : vector<16xi32>
        %parallel_loop3A_1454 = vector.broadcast %reduce_max3A_158 : i32 to vector<16xi32>
        %parallel_loop3A_1455 = arith.cmpi eq, %parallel_loop3A_1453, %parallel_loop3A_1454 : vector<16xi32>
        %parallel_loop3A_1456 = arith.constant 11 : i32
        %parallel_loop3A_1457 = vector.broadcast %parallel_loop3A_1456 : i32 to vector<16xi32>
        %parallel_loop3A_1458 = arith.shrsi %parallel_loop3A_1450, %parallel_loop3A_1457 : vector<16xi32>
        %parallel_loop3A_1459 = arith.constant 1023 : i32
        %parallel_loop3A_1460 = vector.broadcast %parallel_loop3A_1459 : i32 to vector<16xi32>
        %parallel_loop3A_1461 = arith.andi %parallel_loop3A_1458, %parallel_loop3A_1460 : vector<16xi32>
        %parallel_loop3A_1462 = arith.addi %mul3A_9, %parallel_loop3A_1461 : vector<16xi32>
        tpu.vector_store_idx %arg10[%parallel_loop3A_1462], %broadcast_in_dim3A_1 masked %parallel_loop3A_1455 {add = true} : memref<16384xi32, #tpu.memory_space<vmem>>[vector<16xi32>], vector<16xi32>, vector<16xi1>
      } {sc.loop_unroll_factor = 4 : i64, sc.parallel_access}
      %scan3A_179 = arith.constant 0 : i32
      %scan3A_180 = arith.constant 0 : i32
      %scan3A_181 = arith.constant 64 : i32
      %scan3A_182 = arith.addi %scan3A_180, %scan3A_181 : i32
      %scan3A_183 = arith.constant 1 : i32
      %scan3A_184 = scf.for %scan3A_1446 = %scan3A_180 to %scan3A_182 step %scan3A_183 iter_args(%scan3A_1447 = %scan3A_179) -> (i32)  : i32 {
        %mul3A_1448 = arith.constant 16 : i32
        %mul3A_1449 = arith.muli %mul3A_1448, %scan3A_1446 : i32
        %get3A_1450 = arith.index_cast %mul3A_1449 : i32 to index
        %get3A_1451 = tpu.vector_load %arg10[%get3A_1450] {strides = array<i32>} : memref<16384xi32, #tpu.memory_space<vmem>>, vector<16xi32>,
        %mul3A_1452 = arith.constant 16 : i32
        %mul3A_1453 = arith.muli %mul3A_1452, %scan3A_1446 : i32
        %add3A_1454 = arith.constant 1024 : i32
        %add3A_1455 = arith.addi %add3A_1454, %mul3A_1453 : i32
        %get3A_1456 = arith.index_cast %add3A_1455 : i32 to index
        %get3A_1457 = tpu.vector_load %arg10[%get3A_1456] {strides = array<i32>} : memref<16384xi32, #tpu.memory_space<vmem>>, vector<16xi32>,
        %add3A_1458 = arith.addi %get3A_1451, %get3A_1457 : vector<16xi32>
        %mul3A_1459 = arith.constant 16 : i32
        %mul3A_1460 = arith.muli %mul3A_1459, %scan3A_1446 : i32
        %add3A_1461 = arith.constant 2048 : i32
        %add3A_1462 = arith.addi %add3A_1461, %mul3A_1460 : i32
        %get3A_1463 = arith.index_cast %add3A_1462 : i32 to index
        %get3A_1464 = tpu.vector_load %arg10[%get3A_1463] {strides = array<i32>} : memref<16384xi32, #tpu.memory_space<vmem>>, vector<16xi32>,
        %add3A_1465 = arith.addi %add3A_1458, %get3A_1464 : vector<16xi32>
        %mul3A_1466 = arith.constant 16 : i32
        %mul3A_1467 = arith.muli %mul3A_1466, %scan3A_1446 : i32
        %add3A_1468 = arith.constant 3072 : i32
        %add3A_1469 = arith.addi %add3A_1468, %mul3A_1467 : i32
        %get3A_1470 = arith.index_cast %add3A_1469 : i32 to index
        %get3A_1471 = tpu.vector_load %arg10[%get3A_1470] {strides = array<i32>} : memref<16384xi32, #tpu.memory_space<vmem>>, vector<16xi32>,
        %add3A_1472 = arith.addi %add3A_1465, %get3A_1471 : vector<16xi32>
        %mul3A_1473 = arith.constant 16 : i32
        %mul3A_1474 = arith.muli %mul3A_1473, %scan3A_1446 : i32
        %add3A_1475 = arith.constant 4096 : i32
        %add3A_1476 = arith.addi %add3A_1475, %mul3A_1474 : i32
        %get3A_1477 = arith.index_cast %add3A_1476 : i32 to index
        %get3A_1478 = tpu.vector_load %arg10[%get3A_1477] {strides = array<i32>} : memref<16384xi32, #tpu.memory_space<vmem>>, vector<16xi32>,
        %add3A_1479 = arith.addi %add3A_1472, %get3A_1478 : vector<16xi32>
        %mul3A_1480 = arith.constant 16 : i32
        %mul3A_1481 = arith.muli %mul3A_1480, %scan3A_1446 : i32
        %add3A_1482 = arith.constant 5120 : i32
        %add3A_1483 = arith.addi %add3A_1482, %mul3A_1481 : i32
        %get3A_1484 = arith.index_cast %add3A_1483 : i32 to index
        %get3A_1485 = tpu.vector_load %arg10[%get3A_1484] {strides = array<i32>} : memref<16384xi32, #tpu.memory_space<vmem>>, vector<16xi32>,
        %add3A_1486 = arith.addi %add3A_1479, %get3A_1485 : vector<16xi32>
        %mul3A_1487 = arith.constant 16 : i32
        %mul3A_1488 = arith.muli %mul3A_1487, %scan3A_1446 : i32
        %add3A_1489 = arith.constant 6144 : i32
        %add3A_1490 = arith.addi %add3A_1489, %mul3A_1488 : i32
        %get3A_1491 = arith.index_cast %add3A_1490 : i32 to index
        %get3A_1492 = tpu.vector_load %arg10[%get3A_1491] {strides = array<i32>} : memref<16384xi32, #tpu.memory_space<vmem>>, vector<16xi32>,
        %add3A_1493 = arith.addi %add3A_1486, %get3A_1492 : vector<16xi32>
        %mul3A_1494 = arith.constant 16 : i32
        %mul3A_1495 = arith.muli %mul3A_1494, %scan3A_1446 : i32
        %add3A_1496 = arith.constant 7168 : i32
        %add3A_1497 = arith.addi %add3A_1496, %mul3A_1495 : i32
        %get3A_1498 = arith.index_cast %add3A_1497 : i32 to index
        %get3A_1499 = tpu.vector_load %arg10[%get3A_1498] {strides = array<i32>} : memref<16384xi32, #tpu.memory_space<vmem>>, vector<16xi32>,
        %add3A_1500 = arith.addi %add3A_1493, %get3A_1499 : vector<16xi32>
        %mul3A_1501 = arith.constant 16 : i32
        %mul3A_1502 = arith.muli %mul3A_1501, %scan3A_1446 : i32
        %add3A_1503 = arith.constant 8192 : i32
        %add3A_1504 = arith.addi %add3A_1503, %mul3A_1502 : i32
        %get3A_1505 = arith.index_cast %add3A_1504 : i32 to index
        %get3A_1506 = tpu.vector_load %arg10[%get3A_1505] {strides = array<i32>} : memref<16384xi32, #tpu.memory_space<vmem>>, vector<16xi32>,
        %add3A_1507 = arith.addi %add3A_1500, %get3A_1506 : vector<16xi32>
        %mul3A_1508 = arith.constant 16 : i32
        %mul3A_1509 = arith.muli %mul3A_1508, %scan3A_1446 : i32
        %add3A_1510 = arith.constant 9216 : i32
        %add3A_1511 = arith.addi %add3A_1510, %mul3A_1509 : i32
        %get3A_1512 = arith.index_cast %add3A_1511 : i32 to index
        %get3A_1513 = tpu.vector_load %arg10[%get3A_1512] {strides = array<i32>} : memref<16384xi32, #tpu.memory_space<vmem>>, vector<16xi32>,
        %add3A_1514 = arith.addi %add3A_1507, %get3A_1513 : vector<16xi32>
        %mul3A_1515 = arith.constant 16 : i32
        %mul3A_1516 = arith.muli %mul3A_1515, %scan3A_1446 : i32
        %add3A_1517 = arith.constant 10240 : i32
        %add3A_1518 = arith.addi %add3A_1517, %mul3A_1516 : i32
        %get3A_1519 = arith.index_cast %add3A_1518 : i32 to index
        %get3A_1520 = tpu.vector_load %arg10[%get3A_1519] {strides = array<i32>} : memref<16384xi32, #tpu.memory_space<vmem>>, vector<16xi32>,
        %add3A_1521 = arith.addi %add3A_1514, %get3A_1520 : vector<16xi32>
        %mul3A_1522 = arith.constant 16 : i32
        %mul3A_1523 = arith.muli %mul3A_1522, %scan3A_1446 : i32
        %add3A_1524 = arith.constant 11264 : i32
        %add3A_1525 = arith.addi %add3A_1524, %mul3A_1523 : i32
        %get3A_1526 = arith.index_cast %add3A_1525 : i32 to index
        %get3A_1527 = tpu.vector_load %arg10[%get3A_1526] {strides = array<i32>} : memref<16384xi32, #tpu.memory_space<vmem>>, vector<16xi32>,
        %add3A_1528 = arith.addi %add3A_1521, %get3A_1527 : vector<16xi32>
        %mul3A_1529 = arith.constant 16 : i32
        %mul3A_1530 = arith.muli %mul3A_1529, %scan3A_1446 : i32
        %add3A_1531 = arith.constant 12288 : i32
        %add3A_1532 = arith.addi %add3A_1531, %mul3A_1530 : i32
        %get3A_1533 = arith.index_cast %add3A_1532 : i32 to index
        %get3A_1534 = tpu.vector_load %arg10[%get3A_1533] {strides = array<i32>} : memref<16384xi32, #tpu.memory_space<vmem>>, vector<16xi32>,
        %add3A_1535 = arith.addi %add3A_1528, %get3A_1534 : vector<16xi32>
        %mul3A_1536 = arith.constant 16 : i32
        %mul3A_1537 = arith.muli %mul3A_1536, %scan3A_1446 : i32
        %add3A_1538 = arith.constant 13312 : i32
        %add3A_1539 = arith.addi %add3A_1538, %mul3A_1537 : i32
        %get3A_1540 = arith.index_cast %add3A_1539 : i32 to index
        %get3A_1541 = tpu.vector_load %arg10[%get3A_1540] {strides = array<i32>} : memref<16384xi32, #tpu.memory_space<vmem>>, vector<16xi32>,
        %add3A_1542 = arith.addi %add3A_1535, %get3A_1541 : vector<16xi32>
        %mul3A_1543 = arith.constant 16 : i32
        %mul3A_1544 = arith.muli %mul3A_1543, %scan3A_1446 : i32
        %add3A_1545 = arith.constant 14336 : i32
        %add3A_1546 = arith.addi %add3A_1545, %mul3A_1544 : i32
        %get3A_1547 = arith.index_cast %add3A_1546 : i32 to index
        %get3A_1548 = tpu.vector_load %arg10[%get3A_1547] {strides = array<i32>} : memref<16384xi32, #tpu.memory_space<vmem>>, vector<16xi32>,
        %add3A_1549 = arith.addi %add3A_1542, %get3A_1548 : vector<16xi32>
        %mul3A_1550 = arith.constant 16 : i32
        %mul3A_1551 = arith.muli %mul3A_1550, %scan3A_1446 : i32
        %add3A_1552 = arith.constant 15360 : i32
        %add3A_1553 = arith.addi %add3A_1552, %mul3A_1551 : i32
        %get3A_1554 = arith.index_cast %add3A_1553 : i32 to index
        %get3A_1555 = tpu.vector_load %arg10[%get3A_1554] {strides = array<i32>} : memref<16384xi32, #tpu.memory_space<vmem>>, vector<16xi32>,
        %add3A_1556 = arith.addi %add3A_1549, %get3A_1555 : vector<16xi32>
        %mul3A_1557 = arith.constant 16 : i32
        %mul3A_1558 = arith.muli %mul3A_1557, %scan3A_1446 : i32
        %swap3A_1559 = arith.index_cast %mul3A_1558 : i32 to index
        %swap3A_1560 = tpu.vector_load %arg13[%swap3A_1559] {strides = array<i32>} : memref<1024xi32, #tpu.memory_space<vmem>>, vector<16xi32>,
        tpu.vector_store %arg13[%swap3A_1559], %add3A_1556 {strides = array<i32>} : memref<1024xi32, #tpu.memory_space<vmem>>, vector<16xi32>,
        %shift_right_arithmetic3A_1561 = arith.constant 4 : i32
        %shift_right_arithmetic3A_1562 = arith.shrsi %scan3A_1446, %shift_right_arithmetic3A_1561 : i32
        %mul3A_1563 = arith.constant 16 : i32
        %mul3A_1564 = arith.muli %shift_right_arithmetic3A_1562, %mul3A_1563 : i32
        %get3A_1565 = arith.index_cast %mul3A_1564 : i32 to index
        %get3A_1566 = tpu.vector_load %arg14[%get3A_1565] {strides = array<i32>} : memref<64xi32, #tpu.memory_space<vmem>>, vector<16xi32>,
        %and3A_1567 = arith.constant 15 : i32
        %and3A_1568 = arith.andi %scan3A_1446, %and3A_1567 : i32
        %eq3A = vector.broadcast %and3A_1568 : i32 to vector<16xi32>
        %eq3A_1569 = arith.cmpi eq, %iota3A, %eq3A : vector<16xi32>
        %reduce_sum3A = arith.constant true
        %reduce_sum3A_1570 = vector.broadcast %reduce_sum3A : i1 to vector<16xi1>
        %reduce_sum3A_1571 = tpu.scan <sum>, %add3A_1556 masked %reduce_sum3A_1570 : vector<16xi32>, vector<16xi1> -> vector<16xi32>
        %reduce_sum3A_1572 = vector.extract %reduce_sum3A_1571[15] : i32 from vector<16xi32>
        %broadcast_in_dim3A_1573 = vector.broadcast %reduce_sum3A_1572 : i32 to vector<16xi32>
        %select_n3A_1574 = arith.select %eq3A_1569, %broadcast_in_dim3A_1573, %get3A_1566 : vector<16xi1>, vector<16xi32>
        %swap3A_1575 = arith.index_cast %mul3A_1564 : i32 to index
        %swap3A_1576 = tpu.vector_load %arg14[%swap3A_1575] {strides = array<i32>} : memref<64xi32, #tpu.memory_space<vmem>>, vector<16xi32>,
        tpu.vector_store %arg14[%swap3A_1575], %select_n3A_1574 {strides = array<i32>} : memref<64xi32, #tpu.memory_space<vmem>>, vector<16xi32>,
        %scan3A_1577 = arith.constant 0 : i32
        scf.yield %scan3A_1577 : i32
      }
      %scan3A_185 = arith.constant 64 : i32
      %sub3A_186 = arith.constant 300 : i32
      %sub3A_187 = arith.subi %sub3A_186, %reduce_max3A_169 : i32
      %scan3A_188 = arith.constant 0 : i32
      %scan3A_189 = arith.constant -1 : i32
      %scan3A_190 = arith.constant -1 : i32
      %scan3A_191 = arith.constant 0 : i32
      %scan3A_192 = arith.constant 4 : i32
      %scan3A_193 = arith.addi %scan3A_191, %scan3A_192 : i32
      %scan3A_194 = arith.constant 1 : i32
      %scan3A_195:3 = scf.for %scan3A_1446 = %scan3A_191 to %scan3A_193 step %scan3A_194 iter_args(%scan3A_1447 = %scan3A_188, %scan3A_1448 = %scan3A_189, %scan3A_1449 = %scan3A_190) -> (i32, i32, i32)  : i32 {
        %sub3A_1450 = arith.constant 3 : i32
        %sub3A_1451 = arith.subi %sub3A_1450, %scan3A_1446 : i32
        %mul3A_1452 = arith.constant 16 : i32
        %mul3A_1453 = arith.muli %mul3A_1452, %sub3A_1451 : i32
        %get3A_1454 = arith.index_cast %mul3A_1453 : i32 to index
        %get3A_1455 = tpu.vector_load %arg14[%get3A_1454] {strides = array<i32>} : memref<64xi32, #tpu.memory_space<vmem>>, vector<16xi32>,
        %rev3A_1456 = arith.constant 15 : i32
        %rev3A_1457 = vector.broadcast %rev3A_1456 : i32 to vector<16xi32>
        %rev3A_1458 = tpu.iota {dimensions = array<i32: 0>} : vector<16xi32>
        %rev3A_1459 = arith.subi %rev3A_1457, %rev3A_1458 : vector<16xi32>
        %rev3A_1460 = tpu.dynamic_gather %get3A_1455[%rev3A_1459] in [0] : vector<16xi32>, vector<16xi32> -> vector<16xi32>
        %broadcast_in_dim3A_1461 = arith.constant true
        %broadcast_in_dim3A_1462 = vector.broadcast %broadcast_in_dim3A_1461 : i1 to vector<16xi1>
        %masked_cumsum3A_1463 = tpu.scan <sum>, %rev3A_1460 masked %broadcast_in_dim3A_1462 : vector<16xi32>, vector<16xi1> -> vector<16xi32>
        %sub3A_1464 = arith.subi %masked_cumsum3A_1463, %rev3A_1460 : vector<16xi32>
        %add3A_1465 = vector.broadcast %scan3A_1447 : i32 to vector<16xi32>
        %add3A_1466 = arith.addi %add3A_1465, %sub3A_1464 : vector<16xi32>
        %lt3A_1467 = vector.broadcast %sub3A_187 : i32 to vector<16xi32>
        %lt3A_1468 = arith.cmpi slt, %add3A_1466, %lt3A_1467 : vector<16xi32>
        %add3A_1469 = arith.addi %add3A_1466, %rev3A_1460 : vector<16xi32>
        %ge3A_1470 = vector.broadcast %sub3A_187 : i32 to vector<16xi32>
        %ge3A_1471 = arith.cmpi sge, %add3A_1469, %ge3A_1470 : vector<16xi32>
        %and3A_1472 = arith.andi %lt3A_1468, %ge3A_1471 : vector<16xi1>
        %mul3A_1473 = arith.constant 16 : i32
        %mul3A_1474 = arith.muli %mul3A_1473, %sub3A_1451 : i32
        %add3A_1475 = arith.constant 15 : i32
        %add3A_1476 = arith.addi %mul3A_1474, %add3A_1475 : i32
        %sub3A_1477 = vector.broadcast %add3A_1476 : i32 to vector<16xi32>
        %sub3A_1478 = arith.subi %sub3A_1477, %iota3A : vector<16xi32>
        %jit3A_1479 = arith.constant -1 : i32
        %broadcast_in_dim3A_1480 = vector.broadcast %jit3A_1479 : i32 to vector<16xi32>
        %select_n3A_1481 = arith.select %and3A_1472, %sub3A_1478, %broadcast_in_dim3A_1480 : vector<16xi1>, vector<16xi32>
        %reduce_max3A_1482 = arith.constant true
        %reduce_max3A_1483 = vector.broadcast %reduce_max3A_1482 : i1 to vector<16xi1>
        %reduce_max3A_1484 = arith.constant -2147483648 : i32
        %reduce_max3A_1485 = vector.broadcast %reduce_max3A_1484 : i32 to vector<16xi32>
        %reduce_max3A_1486 = arith.xori %select_n3A_1481, %reduce_max3A_1485 : vector<16xi32>
        %reduce_max3A_1487 = tpu.scan <max>, %reduce_max3A_1486 masked %reduce_max3A_1483 : vector<16xi32>, vector<16xi1> -> vector<16xi32>
        %reduce_max3A_1488 = arith.xori %reduce_max3A_1487, %reduce_max3A_1485 : vector<16xi32>
        %reduce_max3A_1489 = vector.extract %reduce_max3A_1488[15] : i32 from vector<16xi32>
        %max3A = arith.maxsi %scan3A_1448, %reduce_max3A_1489 : i32
        %jit3A_1490 = arith.constant -1 : i32
        %broadcast_in_dim3A_1491 = vector.broadcast %jit3A_1490 : i32 to vector<16xi32>
        %select_n3A_1492 = arith.select %and3A_1472, %add3A_1466, %broadcast_in_dim3A_1491 : vector<16xi1>, vector<16xi32>
        %reduce_max3A_1493 = arith.constant true
        %reduce_max3A_1494 = vector.broadcast %reduce_max3A_1493 : i1 to vector<16xi1>
        %reduce_max3A_1495 = arith.constant -2147483648 : i32
        %reduce_max3A_1496 = vector.broadcast %reduce_max3A_1495 : i32 to vector<16xi32>
        %reduce_max3A_1497 = arith.xori %select_n3A_1492, %reduce_max3A_1496 : vector<16xi32>
        %reduce_max3A_1498 = tpu.scan <max>, %reduce_max3A_1497 masked %reduce_max3A_1494 : vector<16xi32>, vector<16xi1> -> vector<16xi32>
        %reduce_max3A_1499 = arith.xori %reduce_max3A_1498, %reduce_max3A_1496 : vector<16xi32>
        %reduce_max3A_1500 = vector.extract %reduce_max3A_1499[15] : i32 from vector<16xi32>
        %max3A_1501 = arith.maxsi %scan3A_1449, %reduce_max3A_1500 : i32
        %reduce_sum3A = arith.constant true
        %reduce_sum3A_1502 = vector.broadcast %reduce_sum3A : i1 to vector<16xi1>
        %reduce_sum3A_1503 = tpu.scan <sum>, %get3A_1455 masked %reduce_sum3A_1502 : vector<16xi32>, vector<16xi1> -> vector<16xi32>
        %reduce_sum3A_1504 = vector.extract %reduce_sum3A_1503[15] : i32 from vector<16xi32>
        %add3A_1505 = arith.addi %scan3A_1447, %reduce_sum3A_1504 : i32
        scf.yield %add3A_1505, %max3A, %max3A_1501 : i32, i32, i32
      }
      %scan3A_196 = arith.constant 4 : i32
      %mul3A_197 = arith.constant 16 : i32
      %mul3A_198 = arith.muli %mul3A_197, %scan3A_195#1 : i32
      %get3A_199 = arith.index_cast %mul3A_198 : i32 to index
      %get3A_200 = tpu.vector_load %arg13[%get3A_199] {strides = array<i32>} : memref<1024xi32, #tpu.memory_space<vmem>>, vector<16xi32>,
      %rev3A_201 = arith.constant 15 : i32
      %rev3A_202 = vector.broadcast %rev3A_201 : i32 to vector<16xi32>
      %rev3A_203 = tpu.iota {dimensions = array<i32: 0>} : vector<16xi32>
      %rev3A_204 = arith.subi %rev3A_202, %rev3A_203 : vector<16xi32>
      %rev3A_205 = tpu.dynamic_gather %get3A_200[%rev3A_204] in [0] : vector<16xi32>, vector<16xi32> -> vector<16xi32>
      %broadcast_in_dim3A_206 = arith.constant true
      %broadcast_in_dim3A_207 = vector.broadcast %broadcast_in_dim3A_206 : i1 to vector<16xi1>
      %masked_cumsum3A_208 = tpu.scan <sum>, %rev3A_205 masked %broadcast_in_dim3A_207 : vector<16xi32>, vector<16xi1> -> vector<16xi32>
      %sub3A_209 = arith.subi %masked_cumsum3A_208, %rev3A_205 : vector<16xi32>
      %add3A_210 = vector.broadcast %scan3A_195#2 : i32 to vector<16xi32>
      %add3A_211 = arith.addi %add3A_210, %sub3A_209 : vector<16xi32>
      %lt3A_212 = vector.broadcast %sub3A_187 : i32 to vector<16xi32>
      %lt3A_213 = arith.cmpi slt, %add3A_211, %lt3A_212 : vector<16xi32>
      %add3A_214 = arith.addi %add3A_211, %rev3A_205 : vector<16xi32>
      %ge3A_215 = vector.broadcast %sub3A_187 : i32 to vector<16xi32>
      %ge3A_216 = arith.cmpi sge, %add3A_214, %ge3A_215 : vector<16xi32>
      %and3A_217 = arith.andi %lt3A_213, %ge3A_216 : vector<16xi1>
      %mul3A_218 = arith.constant 16 : i32
      %mul3A_219 = arith.muli %mul3A_218, %scan3A_195#1 : i32
      %add3A_220 = arith.constant 15 : i32
      %add3A_221 = arith.addi %mul3A_219, %add3A_220 : i32
      %sub3A_222 = vector.broadcast %add3A_221 : i32 to vector<16xi32>
      %sub3A_223 = arith.subi %sub3A_222, %iota3A : vector<16xi32>
      %jit3A_224 = arith.constant -1 : i32
      %broadcast_in_dim3A_225 = vector.broadcast %jit3A_224 : i32 to vector<16xi32>
      %select_n3A_226 = arith.select %and3A_217, %sub3A_223, %broadcast_in_dim3A_225 : vector<16xi1>, vector<16xi32>
      %reduce_max3A_227 = arith.constant true
      %reduce_max3A_228 = vector.broadcast %reduce_max3A_227 : i1 to vector<16xi1>
      %reduce_max3A_229 = arith.constant -2147483648 : i32
      %reduce_max3A_230 = vector.broadcast %reduce_max3A_229 : i32 to vector<16xi32>
      %reduce_max3A_231 = arith.xori %select_n3A_226, %reduce_max3A_230 : vector<16xi32>
      %reduce_max3A_232 = tpu.scan <max>, %reduce_max3A_231 masked %reduce_max3A_228 : vector<16xi32>, vector<16xi1> -> vector<16xi32>
      %reduce_max3A_233 = arith.xori %reduce_max3A_232, %reduce_max3A_230 : vector<16xi32>
      %reduce_max3A_234 = vector.extract %reduce_max3A_233[15] : i32 from vector<16xi32>
      %jit3A_235 = arith.constant -1 : i32
      %broadcast_in_dim3A_236 = vector.broadcast %jit3A_235 : i32 to vector<16xi32>
      %select_n3A_237 = arith.select %and3A_217, %add3A_211, %broadcast_in_dim3A_236 : vector<16xi1>, vector<16xi32>
      %reduce_max3A_238 = arith.constant true
      %reduce_max3A_239 = vector.broadcast %reduce_max3A_238 : i1 to vector<16xi1>
      %reduce_max3A_240 = arith.constant -2147483648 : i32
      %reduce_max3A_241 = vector.broadcast %reduce_max3A_240 : i32 to vector<16xi32>
      %reduce_max3A_242 = arith.xori %select_n3A_237, %reduce_max3A_241 : vector<16xi32>
      %reduce_max3A_243 = tpu.scan <max>, %reduce_max3A_242 masked %reduce_max3A_239 : vector<16xi32>, vector<16xi1> -> vector<16xi32>
      %reduce_max3A_244 = arith.xori %reduce_max3A_243, %reduce_max3A_241 : vector<16xi32>
      %reduce_max3A_245 = vector.extract %reduce_max3A_244[15] : i32 from vector<16xi32>
      %mul3A_246 = arith.constant 1024 : i32
      %mul3A_247 = arith.muli %reduce_max3A_158, %mul3A_246 : i32
      %add3A_248 = arith.addi %mul3A_247, %reduce_max3A_234 : i32
      %broadcast_in_dim3A_249 = arith.constant 512 : i32
      %broadcast_in_dim3A_250 = vector.broadcast %broadcast_in_dim3A_249 : i32 to vector<16xi32>
      %parallel_loop3A_251 = arith.constant 0 : i32
      %parallel_loop3A_252 = arith.constant 256 : i32
      %parallel_loop3A_253 = arith.constant 1 : i32
      %parallel_loop3A_254 = scf.for %parallel_loop3A_1446 = %parallel_loop3A_251 to %parallel_loop3A_252 step %parallel_loop3A_253 iter_args(%parallel_loop3A_1447 = %broadcast_in_dim3A_3) -> (vector<16xi32>)  : i32 {
        %parallel_loop3A_1448 = arith.constant 16 : i32
        %parallel_loop3A_1449 = arith.muli %parallel_loop3A_1448, %parallel_loop3A_1446 : i32
        %parallel_loop3A_1450 = arith.index_cast %parallel_loop3A_1449 : i32 to index
        %parallel_loop3A_1451 = tpu.vector_load %arg15[%parallel_loop3A_1450] {strides = array<i32>} : memref<4112xi32, #tpu.memory_space<vmem>>, vector<16xi32>,
        %parallel_loop3A_1452 = arith.constant 11 : i32
        %parallel_loop3A_1453 = vector.broadcast %parallel_loop3A_1452 : i32 to vector<16xi32>
        %parallel_loop3A_1454 = arith.shrsi %parallel_loop3A_1451, %parallel_loop3A_1453 : vector<16xi32>
        %parallel_loop3A_1455 = vector.broadcast %add3A_248 : i32 to vector<16xi32>
        %parallel_loop3A_1456 = arith.cmpi sge, %parallel_loop3A_1454, %parallel_loop3A_1455 : vector<16xi32>
        %parallel_loop3A_1457 = arith.cmpi slt, %parallel_loop3A_1447, %broadcast_in_dim3A_250 : vector<16xi32>
        %parallel_loop3A_1458 = arith.andi %parallel_loop3A_1456, %parallel_loop3A_1457 : vector<16xi1>
        %parallel_loop3A_1459 = arith.extui %parallel_loop3A_1458 : vector<16xi1> to vector<16xi32>
        %parallel_loop3A_1460 = arith.constant true
        %parallel_loop3A_1461 = vector.broadcast %parallel_loop3A_1460 : i1 to vector<16xi1>
        %parallel_loop3A_1462 = tpu.scan <sum>, %parallel_loop3A_1459 masked %parallel_loop3A_1461 : vector<16xi32>, vector<16xi1> -> vector<16xi32>
        %parallel_loop3A_1463 = arith.addi %parallel_loop3A_1447, %parallel_loop3A_1462 : vector<16xi32>
        %parallel_loop3A_1464 = arith.subi %parallel_loop3A_1463, %parallel_loop3A_1459 : vector<16xi32>
        tpu.vector_store_idx %arg17[%parallel_loop3A_1464], %parallel_loop3A_1451 masked %parallel_loop3A_1458 : memref<528xi32, #tpu.memory_space<vmem>>[vector<16xi32>], vector<16xi32>, vector<16xi1>
        %parallel_loop3A_1465 = arith.constant 16 : i32
        %parallel_loop3A_1466 = arith.muli %parallel_loop3A_1465, %parallel_loop3A_1446 : i32
        %parallel_loop3A_1467 = arith.index_cast %parallel_loop3A_1466 : i32 to index
        %parallel_loop3A_1468 = tpu.vector_load %arg16[%parallel_loop3A_1467] {strides = array<i32>} : memref<4112xi32, #tpu.memory_space<vmem>>, vector<16xi32>,
        tpu.vector_store_idx %arg18[%parallel_loop3A_1464], %parallel_loop3A_1468 masked %parallel_loop3A_1458 : memref<544xi32, #tpu.memory_space<vmem>>[vector<16xi32>], vector<16xi32>, vector<16xi1>
        %parallel_loop3A_1469 = tpu.all_reduce %parallel_loop3A_1458 {dim = 0 : i64, kind = #tpu.reduction_kind<sum>} : vector<16xi1> -> vector<16xi32>
        %parallel_loop3A_1470 = arith.addi %parallel_loop3A_1447, %parallel_loop3A_1469 : vector<16xi32>
        scf.yield %parallel_loop3A_1470 : vector<16xi32>
      } {sc.loop_unroll_factor = 4 : i64, sc.parallel_access}
      %swap3A_255 = arith.constant 0 : index
      %swap3A_256 = tpu.vector_load %arg19[%swap3A_255] {strides = array<i32>} : memref<48xi32, #tpu.memory_space<vmem>>, vector<16xi32>,
      tpu.vector_store %arg19[%swap3A_255], %broadcast_in_dim3A_27 {strides = array<i32>} : memref<48xi32, #tpu.memory_space<vmem>>, vector<16xi32>,
      %swap3A_257 = arith.constant 16 : index
      %swap3A_258 = tpu.vector_load %arg19[%swap3A_257] {strides = array<i32>} : memref<48xi32, #tpu.memory_space<vmem>>, vector<16xi32>,
      tpu.vector_store %arg19[%swap3A_257], %broadcast_in_dim3A_27 {strides = array<i32>} : memref<48xi32, #tpu.memory_space<vmem>>, vector<16xi32>,
      %swap3A_259 = arith.constant 32 : index
      %swap3A_260 = tpu.vector_load %arg19[%swap3A_259] {strides = array<i32>} : memref<48xi32, #tpu.memory_space<vmem>>, vector<16xi32>,
      tpu.vector_store %arg19[%swap3A_259], %broadcast_in_dim3A_27 {strides = array<i32>} : memref<48xi32, #tpu.memory_space<vmem>>, vector<16xi32>,
      %scan3A_261 = arith.constant 0 : i32
      %scan3A_262 = arith.constant 0 : i32
      %scan3A_263 = arith.constant 33 : i32
      %scan3A_264 = arith.addi %scan3A_262, %scan3A_263 : i32
      %scan3A_265 = arith.constant 1 : i32
      %scan3A_266 = scf.for %scan3A_1446 = %scan3A_262 to %scan3A_264 step %scan3A_265 iter_args(%scan3A_1447 = %scan3A_261) -> (i32)  : i32 {
        %mul3A_1448 = arith.constant 16 : i32
        %mul3A_1449 = arith.muli %mul3A_1448, %scan3A_1446 : i32
        %get3A_1450 = arith.index_cast %mul3A_1449 : i32 to index
        %get3A_1451 = tpu.vector_load %arg17[%get3A_1450] {strides = array<i32>} : memref<528xi32, #tpu.memory_space<vmem>>, vector<16xi32>,
        %reduce_max3A_1452 = arith.constant true
        %reduce_max3A_1453 = vector.broadcast %reduce_max3A_1452 : i1 to vector<16xi1>
        %reduce_max3A_1454 = arith.constant -2147483648 : i32
        %reduce_max3A_1455 = vector.broadcast %reduce_max3A_1454 : i32 to vector<16xi32>
        %reduce_max3A_1456 = arith.xori %get3A_1451, %reduce_max3A_1455 : vector<16xi32>
        %reduce_max3A_1457 = tpu.scan <max>, %reduce_max3A_1456 masked %reduce_max3A_1453 : vector<16xi32>, vector<16xi1> -> vector<16xi32>
        %reduce_max3A_1458 = arith.xori %reduce_max3A_1457, %reduce_max3A_1455 : vector<16xi32>
        %reduce_max3A_1459 = vector.extract %reduce_max3A_1458[15] : i32 from vector<16xi32>
        %shift_right_arithmetic3A_1460 = arith.constant 4 : i32
        %shift_right_arithmetic3A_1461 = arith.shrsi %scan3A_1446, %shift_right_arithmetic3A_1460 : i32
        %mul3A_1462 = arith.constant 16 : i32
        %mul3A_1463 = arith.muli %shift_right_arithmetic3A_1461, %mul3A_1462 : i32
        %get3A_1464 = arith.index_cast %mul3A_1463 : i32 to index
        %get3A_1465 = tpu.vector_load %arg19[%get3A_1464] {strides = array<i32>} : memref<48xi32, #tpu.memory_space<vmem>>, vector<16xi32>,
        %and3A_1466 = arith.constant 15 : i32
        %and3A_1467 = arith.andi %scan3A_1446, %and3A_1466 : i32
        %eq3A = vector.broadcast %and3A_1467 : i32 to vector<16xi32>
        %eq3A_1468 = arith.cmpi eq, %iota3A, %eq3A : vector<16xi32>
        %broadcast_in_dim3A_1469 = vector.broadcast %reduce_max3A_1459 : i32 to vector<16xi32>
        %select_n3A_1470 = arith.select %eq3A_1468, %broadcast_in_dim3A_1469, %get3A_1465 : vector<16xi1>, vector<16xi32>
        %swap3A_1471 = arith.index_cast %mul3A_1463 : i32 to index
        %swap3A_1472 = tpu.vector_load %arg19[%swap3A_1471] {strides = array<i32>} : memref<48xi32, #tpu.memory_space<vmem>>, vector<16xi32>,
        tpu.vector_store %arg19[%swap3A_1471], %select_n3A_1470 {strides = array<i32>} : memref<48xi32, #tpu.memory_space<vmem>>, vector<16xi32>,
        %scan3A_1473 = arith.constant 0 : i32
        scf.yield %scan3A_1473 : i32
      }
      %scan3A_267 = arith.constant 33 : i32
      %broadcast_in_dim3A_268 = arith.constant 999 : i32
      %broadcast_in_dim3A_269 = vector.broadcast %broadcast_in_dim3A_268 : i32 to vector<16xi32>
      %scan3A_270 = arith.constant 0 : i32
      %scan3A_271 = arith.constant 0 : i32
      %scan3A_272 = arith.constant 300 : i32
      %scan3A_273 = arith.addi %scan3A_271, %scan3A_272 : i32
      %scan3A_274 = arith.constant 1 : i32
      %scan3A_275 = scf.for %scan3A_1446 = %scan3A_271 to %scan3A_273 step %scan3A_274 iter_args(%scan3A_1447 = %scan3A_270) -> (i32)  : i32 {
        %get3A_1448 = arith.constant 0 : index
        %get3A_1449 = tpu.vector_load %arg19[%get3A_1448] {strides = array<i32>} : memref<48xi32, #tpu.memory_space<vmem>>, vector<16xi32>,
        %get3A_1450 = arith.constant 16 : index
        %get3A_1451 = tpu.vector_load %arg19[%get3A_1450] {strides = array<i32>} : memref<48xi32, #tpu.memory_space<vmem>>, vector<16xi32>,
        %max3A = arith.maxsi %get3A_1449, %get3A_1451 : vector<16xi32>
        %get3A_1452 = arith.constant 32 : index
        %get3A_1453 = tpu.vector_load %arg19[%get3A_1452] {strides = array<i32>} : memref<48xi32, #tpu.memory_space<vmem>>, vector<16xi32>,
        %max3A_1454 = arith.maxsi %max3A, %get3A_1453 : vector<16xi32>
        %reduce_max3A_1455 = arith.constant true
        %reduce_max3A_1456 = vector.broadcast %reduce_max3A_1455 : i1 to vector<16xi1>
        %reduce_max3A_1457 = arith.constant -2147483648 : i32
        %reduce_max3A_1458 = vector.broadcast %reduce_max3A_1457 : i32 to vector<16xi32>
        %reduce_max3A_1459 = arith.xori %max3A_1454, %reduce_max3A_1458 : vector<16xi32>
        %reduce_max3A_1460 = tpu.scan <max>, %reduce_max3A_1459 masked %reduce_max3A_1456 : vector<16xi32>, vector<16xi1> -> vector<16xi32>
        %reduce_max3A_1461 = arith.xori %reduce_max3A_1460, %reduce_max3A_1458 : vector<16xi32>
        %reduce_max3A_1462 = vector.extract %reduce_max3A_1461[15] : i32 from vector<16xi32>
        %get3A_1463 = arith.constant 0 : index
        %get3A_1464 = tpu.vector_load %arg19[%get3A_1463] {strides = array<i32>} : memref<48xi32, #tpu.memory_space<vmem>>, vector<16xi32>,
        %eq3A = vector.broadcast %reduce_max3A_1462 : i32 to vector<16xi32>
        %eq3A_1465 = arith.cmpi eq, %get3A_1464, %eq3A : vector<16xi32>
        %add3A_1466 = arith.constant 0 : i32
        %add3A_1467 = vector.broadcast %add3A_1466 : i32 to vector<16xi32>
        %add3A_1468 = arith.addi %iota3A, %add3A_1467 : vector<16xi32>
        %select_n3A_1469 = arith.select %eq3A_1465, %add3A_1468, %broadcast_in_dim3A_269 : vector<16xi1>, vector<16xi32>
        %min3A = arith.minsi %broadcast_in_dim3A_269, %select_n3A_1469 : vector<16xi32>
        %get3A_1470 = arith.constant 16 : index
        %get3A_1471 = tpu.vector_load %arg19[%get3A_1470] {strides = array<i32>} : memref<48xi32, #tpu.memory_space<vmem>>, vector<16xi32>,
        %eq3A_1472 = vector.broadcast %reduce_max3A_1462 : i32 to vector<16xi32>
        %eq3A_1473 = arith.cmpi eq, %get3A_1471, %eq3A_1472 : vector<16xi32>
        %add3A_1474 = arith.constant 16 : i32
        %add3A_1475 = vector.broadcast %add3A_1474 : i32 to vector<16xi32>
        %add3A_1476 = arith.addi %iota3A, %add3A_1475 : vector<16xi32>
        %select_n3A_1477 = arith.select %eq3A_1473, %add3A_1476, %broadcast_in_dim3A_269 : vector<16xi1>, vector<16xi32>
        %min3A_1478 = arith.minsi %min3A, %select_n3A_1477 : vector<16xi32>
        %get3A_1479 = arith.constant 32 : index
        %get3A_1480 = tpu.vector_load %arg19[%get3A_1479] {strides = array<i32>} : memref<48xi32, #tpu.memory_space<vmem>>, vector<16xi32>,
        %eq3A_1481 = vector.broadcast %reduce_max3A_1462 : i32 to vector<16xi32>
        %eq3A_1482 = arith.cmpi eq, %get3A_1480, %eq3A_1481 : vector<16xi32>
        %add3A_1483 = arith.constant 32 : i32
        %add3A_1484 = vector.broadcast %add3A_1483 : i32 to vector<16xi32>
        %add3A_1485 = arith.addi %iota3A, %add3A_1484 : vector<16xi32>
        %select_n3A_1486 = arith.select %eq3A_1482, %add3A_1485, %broadcast_in_dim3A_269 : vector<16xi1>, vector<16xi32>
        %min3A_1487 = arith.minsi %min3A_1478, %select_n3A_1486 : vector<16xi32>
        %reduce_min3A = arith.constant true
        %reduce_min3A_1488 = vector.broadcast %reduce_min3A : i1 to vector<16xi1>
        %reduce_min3A_1489 = arith.constant -2147483648 : i32
        %reduce_min3A_1490 = vector.broadcast %reduce_min3A_1489 : i32 to vector<16xi32>
        %reduce_min3A_1491 = arith.xori %min3A_1487, %reduce_min3A_1490 : vector<16xi32>
        %reduce_min3A_1492 = tpu.scan <min>, %reduce_min3A_1491 masked %reduce_min3A_1488 : vector<16xi32>, vector<16xi1> -> vector<16xi32>
        %reduce_min3A_1493 = arith.xori %reduce_min3A_1492, %reduce_min3A_1490 : vector<16xi32>
        %reduce_min3A_1494 = vector.extract %reduce_min3A_1493[15] : i32 from vector<16xi32>
        %mul3A_1495 = arith.constant 16 : i32
        %mul3A_1496 = arith.muli %mul3A_1495, %reduce_min3A_1494 : i32
        %get3A_1497 = arith.index_cast %mul3A_1496 : i32 to index
        %get3A_1498 = tpu.vector_load %arg17[%get3A_1497] {strides = array<i32>} : memref<528xi32, #tpu.memory_space<vmem>>, vector<16xi32>,
        %eq3A_1499 = vector.broadcast %reduce_max3A_1462 : i32 to vector<16xi32>
        %eq3A_1500 = arith.cmpi eq, %get3A_1498, %eq3A_1499 : vector<16xi32>
        %select_n3A_1501 = arith.select %eq3A_1500, %iota3A, %broadcast_in_dim3A_269 : vector<16xi1>, vector<16xi32>
        %reduce_min3A_1502 = arith.constant true
        %reduce_min3A_1503 = vector.broadcast %reduce_min3A_1502 : i1 to vector<16xi1>
        %reduce_min3A_1504 = arith.constant -2147483648 : i32
        %reduce_min3A_1505 = vector.broadcast %reduce_min3A_1504 : i32 to vector<16xi32>
        %reduce_min3A_1506 = arith.xori %select_n3A_1501, %reduce_min3A_1505 : vector<16xi32>
        %reduce_min3A_1507 = tpu.scan <min>, %reduce_min3A_1506 masked %reduce_min3A_1503 : vector<16xi32>, vector<16xi1> -> vector<16xi32>
        %reduce_min3A_1508 = arith.xori %reduce_min3A_1507, %reduce_min3A_1505 : vector<16xi32>
        %reduce_min3A_1509 = vector.extract %reduce_min3A_1508[15] : i32 from vector<16xi32>
        %mul3A_1510 = arith.constant 16 : i32
        %mul3A_1511 = arith.muli %mul3A_1510, %reduce_min3A_1494 : i32
        %add3A_1512 = arith.addi %mul3A_1511, %reduce_min3A_1509 : i32
        %eq3A_1513 = vector.broadcast %reduce_min3A_1509 : i32 to vector<16xi32>
        %eq3A_1514 = arith.cmpi eq, %iota3A, %eq3A_1513 : vector<16xi32>
        %jit3A_1515 = arith.constant -2147483648 : i32
        %broadcast_in_dim3A_1516 = vector.broadcast %jit3A_1515 : i32 to vector<16xi32>
        %select_n3A_1517 = arith.select %eq3A_1514, %broadcast_in_dim3A_1516, %get3A_1498 : vector<16xi1>, vector<16xi32>
        %mul3A_1518 = arith.constant 16 : i32
        %mul3A_1519 = arith.muli %mul3A_1518, %reduce_min3A_1494 : i32
        %swap3A_1520 = arith.index_cast %mul3A_1519 : i32 to index
        %swap3A_1521 = tpu.vector_load %arg17[%swap3A_1520] {strides = array<i32>} : memref<528xi32, #tpu.memory_space<vmem>>, vector<16xi32>,
        tpu.vector_store %arg17[%swap3A_1520], %select_n3A_1517 {strides = array<i32>} : memref<528xi32, #tpu.memory_space<vmem>>, vector<16xi32>,
        %reduce_max3A_1522 = arith.constant true
        %reduce_max3A_1523 = vector.broadcast %reduce_max3A_1522 : i1 to vector<16xi1>
        %reduce_max3A_1524 = arith.constant -2147483648 : i32
        %reduce_max3A_1525 = vector.broadcast %reduce_max3A_1524 : i32 to vector<16xi32>
        %reduce_max3A_1526 = arith.xori %select_n3A_1517, %reduce_max3A_1525 : vector<16xi32>
        %reduce_max3A_1527 = tpu.scan <max>, %reduce_max3A_1526 masked %reduce_max3A_1523 : vector<16xi32>, vector<16xi1> -> vector<16xi32>
        %reduce_max3A_1528 = arith.xori %reduce_max3A_1527, %reduce_max3A_1525 : vector<16xi32>
        %reduce_max3A_1529 = vector.extract %reduce_max3A_1528[15] : i32 from vector<16xi32>
        %get3A_1530 = arith.constant 0 : index
        %get3A_1531 = tpu.vector_load %arg19[%get3A_1530] {strides = array<i32>} : memref<48xi32, #tpu.memory_space<vmem>>, vector<16xi32>,
        %add3A_1532 = arith.constant 0 : i32
        %add3A_1533 = vector.broadcast %add3A_1532 : i32 to vector<16xi32>
        %add3A_1534 = arith.addi %iota3A, %add3A_1533 : vector<16xi32>
        %eq3A_1535 = vector.broadcast %reduce_min3A_1494 : i32 to vector<16xi32>
        %eq3A_1536 = arith.cmpi eq, %add3A_1534, %eq3A_1535 : vector<16xi32>
        %broadcast_in_dim3A_1537 = vector.broadcast %reduce_max3A_1529 : i32 to vector<16xi32>
        %select_n3A_1538 = arith.select %eq3A_1536, %broadcast_in_dim3A_1537, %get3A_1531 : vector<16xi1>, vector<16xi32>
        %swap3A_1539 = arith.constant 0 : index
        %swap3A_1540 = tpu.vector_load %arg19[%swap3A_1539] {strides = array<i32>} : memref<48xi32, #tpu.memory_space<vmem>>, vector<16xi32>,
        tpu.vector_store %arg19[%swap3A_1539], %select_n3A_1538 {strides = array<i32>} : memref<48xi32, #tpu.memory_space<vmem>>, vector<16xi32>,
        %get3A_1541 = arith.constant 16 : index
        %get3A_1542 = tpu.vector_load %arg19[%get3A_1541] {strides = array<i32>} : memref<48xi32, #tpu.memory_space<vmem>>, vector<16xi32>,
        %add3A_1543 = arith.constant 16 : i32
        %add3A_1544 = vector.broadcast %add3A_1543 : i32 to vector<16xi32>
        %add3A_1545 = arith.addi %iota3A, %add3A_1544 : vector<16xi32>
        %eq3A_1546 = vector.broadcast %reduce_min3A_1494 : i32 to vector<16xi32>
        %eq3A_1547 = arith.cmpi eq, %add3A_1545, %eq3A_1546 : vector<16xi32>
        %broadcast_in_dim3A_1548 = vector.broadcast %reduce_max3A_1529 : i32 to vector<16xi32>
        %select_n3A_1549 = arith.select %eq3A_1547, %broadcast_in_dim3A_1548, %get3A_1542 : vector<16xi1>, vector<16xi32>
        %swap3A_1550 = arith.constant 16 : index
        %swap3A_1551 = tpu.vector_load %arg19[%swap3A_1550] {strides = array<i32>} : memref<48xi32, #tpu.memory_space<vmem>>, vector<16xi32>,
        tpu.vector_store %arg19[%swap3A_1550], %select_n3A_1549 {strides = array<i32>} : memref<48xi32, #tpu.memory_space<vmem>>, vector<16xi32>,
        %get3A_1552 = arith.constant 32 : index
        %get3A_1553 = tpu.vector_load %arg19[%get3A_1552] {strides = array<i32>} : memref<48xi32, #tpu.memory_space<vmem>>, vector<16xi32>,
        %add3A_1554 = arith.constant 32 : i32
        %add3A_1555 = vector.broadcast %add3A_1554 : i32 to vector<16xi32>
        %add3A_1556 = arith.addi %iota3A, %add3A_1555 : vector<16xi32>
        %eq3A_1557 = vector.broadcast %reduce_min3A_1494 : i32 to vector<16xi32>
        %eq3A_1558 = arith.cmpi eq, %add3A_1556, %eq3A_1557 : vector<16xi32>
        %broadcast_in_dim3A_1559 = vector.broadcast %reduce_max3A_1529 : i32 to vector<16xi32>
        %select_n3A_1560 = arith.select %eq3A_1558, %broadcast_in_dim3A_1559, %get3A_1553 : vector<16xi1>, vector<16xi32>
        %swap3A_1561 = arith.constant 32 : index
        %swap3A_1562 = tpu.vector_load %arg19[%swap3A_1561] {strides = array<i32>} : memref<48xi32, #tpu.memory_space<vmem>>, vector<16xi32>,
        tpu.vector_store %arg19[%swap3A_1561], %select_n3A_1560 {strides = array<i32>} : memref<48xi32, #tpu.memory_space<vmem>>, vector<16xi32>,
        %shift_right_arithmetic3A_1563 = arith.constant 4 : i32
        %shift_right_arithmetic3A_1564 = arith.shrsi %scan3A_1446, %shift_right_arithmetic3A_1563 : i32
        %mul3A_1565 = arith.constant 16 : i32
        %mul3A_1566 = arith.muli %shift_right_arithmetic3A_1564, %mul3A_1565 : i32
        %and3A_1567 = arith.constant 15 : i32
        %and3A_1568 = arith.andi %scan3A_1446, %and3A_1567 : i32
        %get3A_1569 = arith.index_cast %mul3A_1566 : i32 to index
        %get3A_1570 = tpu.vector_load %arg20[%get3A_1569] {strides = array<i32>} : memref<304xi32, #tpu.memory_space<vmem>>, vector<16xi32>,
        %eq3A_1571 = vector.broadcast %and3A_1568 : i32 to vector<16xi32>
        %eq3A_1572 = arith.cmpi eq, %iota3A, %eq3A_1571 : vector<16xi32>
        %broadcast_in_dim3A_1573 = vector.broadcast %reduce_max3A_1462 : i32 to vector<16xi32>
        %select_n3A_1574 = arith.select %eq3A_1572, %broadcast_in_dim3A_1573, %get3A_1570 : vector<16xi1>, vector<16xi32>
        %swap3A_1575 = arith.index_cast %mul3A_1566 : i32 to index
        %swap3A_1576 = tpu.vector_load %arg20[%swap3A_1575] {strides = array<i32>} : memref<304xi32, #tpu.memory_space<vmem>>, vector<16xi32>,
        tpu.vector_store %arg20[%swap3A_1575], %select_n3A_1574 {strides = array<i32>} : memref<304xi32, #tpu.memory_space<vmem>>, vector<16xi32>,
        %get3A_1577 = arith.index_cast %mul3A_1566 : i32 to index
        %get3A_1578 = tpu.vector_load %arg21[%get3A_1577] {strides = array<i32>} : memref<304xi32, #tpu.memory_space<vmem>>, vector<16xi32>,
        %broadcast_in_dim3A_1579 = vector.broadcast %add3A_1512 : i32 to vector<16xi32>
        %gather3A_1580 = tpu.vector_load_idx %arg18[%broadcast_in_dim3A_1579] : memref<544xi32, #tpu.memory_space<vmem>>[vector<16xi32>], vector<16xi32>,
        %eq3A_1581 = vector.broadcast %and3A_1568 : i32 to vector<16xi32>
        %eq3A_1582 = arith.cmpi eq, %iota3A, %eq3A_1581 : vector<16xi32>
        %select_n3A_1583 = arith.select %eq3A_1582, %gather3A_1580, %get3A_1578 : vector<16xi1>, vector<16xi32>
        %swap3A_1584 = arith.index_cast %mul3A_1566 : i32 to index
        %swap3A_1585 = tpu.vector_load %arg21[%swap3A_1584] {strides = array<i32>} : memref<304xi32, #tpu.memory_space<vmem>>, vector<16xi32>,
        tpu.vector_store %arg21[%swap3A_1584], %select_n3A_1583 {strides = array<i32>} : memref<304xi32, #tpu.memory_space<vmem>>, vector<16xi32>,
        %scan3A_1586 = arith.constant 0 : i32
        scf.yield %scan3A_1586 : i32
      }
      %scan3A_276 = arith.constant 300 : i32
      %get3A_277 = arith.constant 0 : index
      %get3A_278 = tpu.vector_load %arg25[%get3A_277] {strides = array<i32>} : memref<16xi32, #tpu.memory_space<vmem>>, vector<16xi32>,
      %slice3A = vector.extract_strided_slice %get3A_278 {offsets = [0], sizes = [1], strides = [1]} : vector<16xi32> to vector<1xi32>
      %squeeze3A = vector.extract %slice3A[0] : i32 from vector<1xi32>
      %convert_element_type3A = arith.sitofp %squeeze3A : i32 to f32
      %slice3A_279 = vector.extract_strided_slice %get3A_278 {offsets = [1], sizes = [1], strides = [1]} : vector<16xi32> to vector<1xi32>
      %squeeze3A_280 = vector.extract %slice3A_279[0] : i32 from vector<1xi32>
      %convert_element_type3A_281 = arith.sitofp %squeeze3A_280 : i32 to f32
      %broadcast_in_dim3A_282 = vector.broadcast %convert_element_type3A_281 : f32 to vector<16xf32>
      %broadcast_in_dim3A_283 = vector.broadcast %convert_element_type3A : f32 to vector<16xf32>
      %broadcast_in_dim3A_284 = arith.constant 2 : i32
      %broadcast_in_dim3A_285 = vector.broadcast %broadcast_in_dim3A_284 : i32 to vector<16xi32>
      %broadcast_in_dim3A_286 = arith.constant 3 : i32
      %broadcast_in_dim3A_287 = vector.broadcast %broadcast_in_dim3A_286 : i32 to vector<16xi32>
      %get3A_288 = arith.constant 0 : index
      %get3A_289 = tpu.vector_load %arg21[%get3A_288] {strides = array<i32>} : memref<304xi32, #tpu.memory_space<vmem>>, vector<16xi32>,
      %mul3A_290 = arith.constant 5762 : i32
      %mul3A_291 = vector.broadcast %mul3A_290 : i32 to vector<16xi32>
      %mul3A_292 = arith.muli %get3A_289, %mul3A_291 : vector<16xi32>
      %shift_right_arithmetic3A = arith.constant 19 : i32
      %shift_right_arithmetic3A_293 = vector.broadcast %shift_right_arithmetic3A : i32 to vector<16xi32>
      %shift_right_arithmetic3A_294 = arith.shrsi %mul3A_292, %shift_right_arithmetic3A_293 : vector<16xi32>
      %mul3A_295 = arith.constant 91 : i32
      %mul3A_296 = vector.broadcast %mul3A_295 : i32 to vector<16xi32>
      %mul3A_297 = arith.muli %shift_right_arithmetic3A_294, %mul3A_296 : vector<16xi32>
      %sub3A_298 = arith.subi %get3A_289, %mul3A_297 : vector<16xi32>
      %shift_right_arithmetic3A_299 = arith.constant 31 : i32
      %shift_right_arithmetic3A_300 = vector.broadcast %shift_right_arithmetic3A_299 : i32 to vector<16xi32>
      %shift_right_arithmetic3A_301 = arith.shrsi %sub3A_298, %shift_right_arithmetic3A_300 : vector<16xi32>
      %add3A_302 = arith.addi %shift_right_arithmetic3A_294, %shift_right_arithmetic3A_301 : vector<16xi32>
      %mul3A_303 = arith.constant 91 : i32
      %mul3A_304 = vector.broadcast %mul3A_303 : i32 to vector<16xi32>
      %mul3A_305 = arith.muli %add3A_302, %mul3A_304 : vector<16xi32>
      %sub3A_306 = arith.subi %get3A_289, %mul3A_305 : vector<16xi32>
      %swap3A_307 = arith.constant 0 : index
      %swap3A_308 = tpu.vector_load %arg22[%swap3A_307] {strides = array<i32>} : memref<304xi32, #tpu.memory_space<vmem>>, vector<16xi32>,
      tpu.vector_store %arg22[%swap3A_307], %sub3A_306 {strides = array<i32>} : memref<304xi32, #tpu.memory_space<vmem>>, vector<16xi32>,
      %gather3A = tpu.vector_load_idx %arg24[%add3A_302, %broadcast_in_dim3A_3] : memref<900x4xf32, #tpu.memory_space<vmem>>[vector<16xi32>, vector<16xi32>], vector<16xf32>,
      %gather3A_309 = tpu.vector_load_idx %arg24[%add3A_302, %broadcast_in_dim3A_1] : memref<900x4xf32, #tpu.memory_space<vmem>>[vector<16xi32>, vector<16xi32>], vector<16xf32>,
      %gather3A_310 = tpu.vector_load_idx %arg24[%add3A_302, %broadcast_in_dim3A_285] : memref<900x4xf32, #tpu.memory_space<vmem>>[vector<16xi32>, vector<16xi32>], vector<16xf32>,
      %gather3A_311 = tpu.vector_load_idx %arg24[%add3A_302, %broadcast_in_dim3A_287] : memref<900x4xf32, #tpu.memory_space<vmem>>[vector<16xi32>, vector<16xi32>], vector<16xf32>,
      %mul3A_312 = arith.constant 5.000000e-01 : f32
      %mul3A_313 = vector.broadcast %mul3A_312 : f32 to vector<16xf32>
      %mul3A_314 = arith.mulf %mul3A_313, %gather3A_310 : vector<16xf32>
      %sub3A_315 = arith.subf %gather3A, %mul3A_314 : vector<16xf32>
      %mul3A_316 = arith.mulf %sub3A_315, %broadcast_in_dim3A_282 : vector<16xf32>
      %mul3A_317 = arith.constant 5.000000e-01 : f32
      %mul3A_318 = vector.broadcast %mul3A_317 : f32 to vector<16xf32>
      %mul3A_319 = arith.mulf %mul3A_318, %gather3A_311 : vector<16xf32>
      %sub3A_320 = arith.subf %gather3A_309, %mul3A_319 : vector<16xf32>
      %mul3A_321 = arith.mulf %sub3A_320, %broadcast_in_dim3A_283 : vector<16xf32>
      %mul3A_322 = arith.constant 5.000000e-01 : f32
      %mul3A_323 = vector.broadcast %mul3A_322 : f32 to vector<16xf32>
      %mul3A_324 = arith.mulf %mul3A_323, %gather3A_310 : vector<16xf32>
      %add3A_325 = arith.addf %gather3A, %mul3A_324 : vector<16xf32>
      %mul3A_326 = arith.mulf %add3A_325, %broadcast_in_dim3A_282 : vector<16xf32>
      %mul3A_327 = arith.constant 5.000000e-01 : f32
      %mul3A_328 = vector.broadcast %mul3A_327 : f32 to vector<16xf32>
      %mul3A_329 = arith.mulf %mul3A_328, %gather3A_311 : vector<16xf32>
      %add3A_330 = arith.addf %gather3A_309, %mul3A_329 : vector<16xf32>
      %mul3A_331 = arith.mulf %add3A_330, %broadcast_in_dim3A_283 : vector<16xf32>
      %mul3A_332 = arith.constant 4 : i32
      %mul3A_333 = vector.broadcast %mul3A_332 : i32 to vector<16xi32>
      %mul3A_334 = arith.muli %iota3A, %mul3A_333 : vector<16xi32>
      %add3A_335 = arith.constant 0 : i32
      %add3A_336 = vector.broadcast %add3A_335 : i32 to vector<16xi32>
      %add3A_337 = arith.addi %add3A_336, %mul3A_334 : vector<16xi32>
      tpu.vector_store_idx %arg23[%add3A_337], %mul3A_316 : memref<1216xf32, #tpu.memory_space<vmem>>[vector<16xi32>], vector<16xf32>,
      %add3A_338 = arith.constant 1 : i32
      %add3A_339 = vector.broadcast %add3A_338 : i32 to vector<16xi32>
      %add3A_340 = arith.addi %add3A_337, %add3A_339 : vector<16xi32>
      tpu.vector_store_idx %arg23[%add3A_340], %mul3A_321 : memref<1216xf32, #tpu.memory_space<vmem>>[vector<16xi32>], vector<16xf32>,
      %add3A_341 = arith.constant 2 : i32
      %add3A_342 = vector.broadcast %add3A_341 : i32 to vector<16xi32>
      %add3A_343 = arith.addi %add3A_337, %add3A_342 : vector<16xi32>
      tpu.vector_store_idx %arg23[%add3A_343], %mul3A_326 : memref<1216xf32, #tpu.memory_space<vmem>>[vector<16xi32>], vector<16xf32>,
      %add3A_344 = arith.constant 3 : i32
      %add3A_345 = vector.broadcast %add3A_344 : i32 to vector<16xi32>
      %add3A_346 = arith.addi %add3A_337, %add3A_345 : vector<16xi32>
      tpu.vector_store_idx %arg23[%add3A_346], %mul3A_331 : memref<1216xf32, #tpu.memory_space<vmem>>[vector<16xi32>], vector<16xf32>,
      %get3A_347 = arith.constant 16 : index
      %get3A_348 = tpu.vector_load %arg21[%get3A_347] {strides = array<i32>} : memref<304xi32, #tpu.memory_space<vmem>>, vector<16xi32>,
      %mul3A_349 = arith.constant 5762 : i32
      %mul3A_350 = vector.broadcast %mul3A_349 : i32 to vector<16xi32>
      %mul3A_351 = arith.muli %get3A_348, %mul3A_350 : vector<16xi32>
      %shift_right_arithmetic3A_352 = arith.constant 19 : i32
      %shift_right_arithmetic3A_353 = vector.broadcast %shift_right_arithmetic3A_352 : i32 to vector<16xi32>
      %shift_right_arithmetic3A_354 = arith.shrsi %mul3A_351, %shift_right_arithmetic3A_353 : vector<16xi32>
      %mul3A_355 = arith.constant 91 : i32
      %mul3A_356 = vector.broadcast %mul3A_355 : i32 to vector<16xi32>
      %mul3A_357 = arith.muli %shift_right_arithmetic3A_354, %mul3A_356 : vector<16xi32>
      %sub3A_358 = arith.subi %get3A_348, %mul3A_357 : vector<16xi32>
      %shift_right_arithmetic3A_359 = arith.constant 31 : i32
      %shift_right_arithmetic3A_360 = vector.broadcast %shift_right_arithmetic3A_359 : i32 to vector<16xi32>
      %shift_right_arithmetic3A_361 = arith.shrsi %sub3A_358, %shift_right_arithmetic3A_360 : vector<16xi32>
      %add3A_362 = arith.addi %shift_right_arithmetic3A_354, %shift_right_arithmetic3A_361 : vector<16xi32>
      %mul3A_363 = arith.constant 91 : i32
      %mul3A_364 = vector.broadcast %mul3A_363 : i32 to vector<16xi32>
      %mul3A_365 = arith.muli %add3A_362, %mul3A_364 : vector<16xi32>
      %sub3A_366 = arith.subi %get3A_348, %mul3A_365 : vector<16xi32>
      %swap3A_367 = arith.constant 16 : index
      %swap3A_368 = tpu.vector_load %arg22[%swap3A_367] {strides = array<i32>} : memref<304xi32, #tpu.memory_space<vmem>>, vector<16xi32>,
      tpu.vector_store %arg22[%swap3A_367], %sub3A_366 {strides = array<i32>} : memref<304xi32, #tpu.memory_space<vmem>>, vector<16xi32>,
      %gather3A_369 = tpu.vector_load_idx %arg24[%add3A_362, %broadcast_in_dim3A_3] : memref<900x4xf32, #tpu.memory_space<vmem>>[vector<16xi32>, vector<16xi32>], vector<16xf32>,
      %gather3A_370 = tpu.vector_load_idx %arg24[%add3A_362, %broadcast_in_dim3A_1] : memref<900x4xf32, #tpu.memory_space<vmem>>[vector<16xi32>, vector<16xi32>], vector<16xf32>,
      %gather3A_371 = tpu.vector_load_idx %arg24[%add3A_362, %broadcast_in_dim3A_285] : memref<900x4xf32, #tpu.memory_space<vmem>>[vector<16xi32>, vector<16xi32>], vector<16xf32>,
      %gather3A_372 = tpu.vector_load_idx %arg24[%add3A_362, %broadcast_in_dim3A_287] : memref<900x4xf32, #tpu.memory_space<vmem>>[vector<16xi32>, vector<16xi32>], vector<16xf32>,
      %mul3A_373 = arith.constant 5.000000e-01 : f32
      %mul3A_374 = vector.broadcast %mul3A_373 : f32 to vector<16xf32>
      %mul3A_375 = arith.mulf %mul3A_374, %gather3A_371 : vector<16xf32>
      %sub3A_376 = arith.subf %gather3A_369, %mul3A_375 : vector<16xf32>
      %mul3A_377 = arith.mulf %sub3A_376, %broadcast_in_dim3A_282 : vector<16xf32>
      %mul3A_378 = arith.constant 5.000000e-01 : f32
      %mul3A_379 = vector.broadcast %mul3A_378 : f32 to vector<16xf32>
      %mul3A_380 = arith.mulf %mul3A_379, %gather3A_372 : vector<16xf32>
      %sub3A_381 = arith.subf %gather3A_370, %mul3A_380 : vector<16xf32>
      %mul3A_382 = arith.mulf %sub3A_381, %broadcast_in_dim3A_283 : vector<16xf32>
      %mul3A_383 = arith.constant 5.000000e-01 : f32
      %mul3A_384 = vector.broadcast %mul3A_383 : f32 to vector<16xf32>
      %mul3A_385 = arith.mulf %mul3A_384, %gather3A_371 : vector<16xf32>
      %add3A_386 = arith.addf %gather3A_369, %mul3A_385 : vector<16xf32>
      %mul3A_387 = arith.mulf %add3A_386, %broadcast_in_dim3A_282 : vector<16xf32>
      %mul3A_388 = arith.constant 5.000000e-01 : f32
      %mul3A_389 = vector.broadcast %mul3A_388 : f32 to vector<16xf32>
      %mul3A_390 = arith.mulf %mul3A_389, %gather3A_372 : vector<16xf32>
      %add3A_391 = arith.addf %gather3A_370, %mul3A_390 : vector<16xf32>
      %mul3A_392 = arith.mulf %add3A_391, %broadcast_in_dim3A_283 : vector<16xf32>
      %mul3A_393 = arith.constant 4 : i32
      %mul3A_394 = vector.broadcast %mul3A_393 : i32 to vector<16xi32>
      %mul3A_395 = arith.muli %iota3A, %mul3A_394 : vector<16xi32>
      %add3A_396 = arith.constant 64 : i32
      %add3A_397 = vector.broadcast %add3A_396 : i32 to vector<16xi32>
      %add3A_398 = arith.addi %add3A_397, %mul3A_395 : vector<16xi32>
      tpu.vector_store_idx %arg23[%add3A_398], %mul3A_377 : memref<1216xf32, #tpu.memory_space<vmem>>[vector<16xi32>], vector<16xf32>,
      %add3A_399 = arith.constant 1 : i32
      %add3A_400 = vector.broadcast %add3A_399 : i32 to vector<16xi32>
      %add3A_401 = arith.addi %add3A_398, %add3A_400 : vector<16xi32>
      tpu.vector_store_idx %arg23[%add3A_401], %mul3A_382 : memref<1216xf32, #tpu.memory_space<vmem>>[vector<16xi32>], vector<16xf32>,
      %add3A_402 = arith.constant 2 : i32
      %add3A_403 = vector.broadcast %add3A_402 : i32 to vector<16xi32>
      %add3A_404 = arith.addi %add3A_398, %add3A_403 : vector<16xi32>
      tpu.vector_store_idx %arg23[%add3A_404], %mul3A_387 : memref<1216xf32, #tpu.memory_space<vmem>>[vector<16xi32>], vector<16xf32>,
      %add3A_405 = arith.constant 3 : i32
      %add3A_406 = vector.broadcast %add3A_405 : i32 to vector<16xi32>
      %add3A_407 = arith.addi %add3A_398, %add3A_406 : vector<16xi32>
      tpu.vector_store_idx %arg23[%add3A_407], %mul3A_392 : memref<1216xf32, #tpu.memory_space<vmem>>[vector<16xi32>], vector<16xf32>,
      %get3A_408 = arith.constant 32 : index
      %get3A_409 = tpu.vector_load %arg21[%get3A_408] {strides = array<i32>} : memref<304xi32, #tpu.memory_space<vmem>>, vector<16xi32>,
      %mul3A_410 = arith.constant 5762 : i32
      %mul3A_411 = vector.broadcast %mul3A_410 : i32 to vector<16xi32>
      %mul3A_412 = arith.muli %get3A_409, %mul3A_411 : vector<16xi32>
      %shift_right_arithmetic3A_413 = arith.constant 19 : i32
      %shift_right_arithmetic3A_414 = vector.broadcast %shift_right_arithmetic3A_413 : i32 to vector<16xi32>
      %shift_right_arithmetic3A_415 = arith.shrsi %mul3A_412, %shift_right_arithmetic3A_414 : vector<16xi32>
      %mul3A_416 = arith.constant 91 : i32
      %mul3A_417 = vector.broadcast %mul3A_416 : i32 to vector<16xi32>
      %mul3A_418 = arith.muli %shift_right_arithmetic3A_415, %mul3A_417 : vector<16xi32>
      %sub3A_419 = arith.subi %get3A_409, %mul3A_418 : vector<16xi32>
      %shift_right_arithmetic3A_420 = arith.constant 31 : i32
      %shift_right_arithmetic3A_421 = vector.broadcast %shift_right_arithmetic3A_420 : i32 to vector<16xi32>
      %shift_right_arithmetic3A_422 = arith.shrsi %sub3A_419, %shift_right_arithmetic3A_421 : vector<16xi32>
      %add3A_423 = arith.addi %shift_right_arithmetic3A_415, %shift_right_arithmetic3A_422 : vector<16xi32>
      %mul3A_424 = arith.constant 91 : i32
      %mul3A_425 = vector.broadcast %mul3A_424 : i32 to vector<16xi32>
      %mul3A_426 = arith.muli %add3A_423, %mul3A_425 : vector<16xi32>
      %sub3A_427 = arith.subi %get3A_409, %mul3A_426 : vector<16xi32>
      %swap3A_428 = arith.constant 32 : index
      %swap3A_429 = tpu.vector_load %arg22[%swap3A_428] {strides = array<i32>} : memref<304xi32, #tpu.memory_space<vmem>>, vector<16xi32>,
      tpu.vector_store %arg22[%swap3A_428], %sub3A_427 {strides = array<i32>} : memref<304xi32, #tpu.memory_space<vmem>>, vector<16xi32>,
      %gather3A_430 = tpu.vector_load_idx %arg24[%add3A_423, %broadcast_in_dim3A_3] : memref<900x4xf32, #tpu.memory_space<vmem>>[vector<16xi32>, vector<16xi32>], vector<16xf32>,
      %gather3A_431 = tpu.vector_load_idx %arg24[%add3A_423, %broadcast_in_dim3A_1] : memref<900x4xf32, #tpu.memory_space<vmem>>[vector<16xi32>, vector<16xi32>], vector<16xf32>,
      %gather3A_432 = tpu.vector_load_idx %arg24[%add3A_423, %broadcast_in_dim3A_285] : memref<900x4xf32, #tpu.memory_space<vmem>>[vector<16xi32>, vector<16xi32>], vector<16xf32>,
      %gather3A_433 = tpu.vector_load_idx %arg24[%add3A_423, %broadcast_in_dim3A_287] : memref<900x4xf32, #tpu.memory_space<vmem>>[vector<16xi32>, vector<16xi32>], vector<16xf32>,
      %mul3A_434 = arith.constant 5.000000e-01 : f32
      %mul3A_435 = vector.broadcast %mul3A_434 : f32 to vector<16xf32>
      %mul3A_436 = arith.mulf %mul3A_435, %gather3A_432 : vector<16xf32>
      %sub3A_437 = arith.subf %gather3A_430, %mul3A_436 : vector<16xf32>
      %mul3A_438 = arith.mulf %sub3A_437, %broadcast_in_dim3A_282 : vector<16xf32>
      %mul3A_439 = arith.constant 5.000000e-01 : f32
      %mul3A_440 = vector.broadcast %mul3A_439 : f32 to vector<16xf32>
      %mul3A_441 = arith.mulf %mul3A_440, %gather3A_433 : vector<16xf32>
      %sub3A_442 = arith.subf %gather3A_431, %mul3A_441 : vector<16xf32>
      %mul3A_443 = arith.mulf %sub3A_442, %broadcast_in_dim3A_283 : vector<16xf32>
      %mul3A_444 = arith.constant 5.000000e-01 : f32
      %mul3A_445 = vector.broadcast %mul3A_444 : f32 to vector<16xf32>
      %mul3A_446 = arith.mulf %mul3A_445, %gather3A_432 : vector<16xf32>
      %add3A_447 = arith.addf %gather3A_430, %mul3A_446 : vector<16xf32>
      %mul3A_448 = arith.mulf %add3A_447, %broadcast_in_dim3A_282 : vector<16xf32>
      %mul3A_449 = arith.constant 5.000000e-01 : f32
      %mul3A_450 = vector.broadcast %mul3A_449 : f32 to vector<16xf32>
      %mul3A_451 = arith.mulf %mul3A_450, %gather3A_433 : vector<16xf32>
      %add3A_452 = arith.addf %gather3A_431, %mul3A_451 : vector<16xf32>
      %mul3A_453 = arith.mulf %add3A_452, %broadcast_in_dim3A_283 : vector<16xf32>
      %mul3A_454 = arith.constant 4 : i32
      %mul3A_455 = vector.broadcast %mul3A_454 : i32 to vector<16xi32>
      %mul3A_456 = arith.muli %iota3A, %mul3A_455 : vector<16xi32>
      %add3A_457 = arith.constant 128 : i32
      %add3A_458 = vector.broadcast %add3A_457 : i32 to vector<16xi32>
      %add3A_459 = arith.addi %add3A_458, %mul3A_456 : vector<16xi32>
      tpu.vector_store_idx %arg23[%add3A_459], %mul3A_438 : memref<1216xf32, #tpu.memory_space<vmem>>[vector<16xi32>], vector<16xf32>,
      %add3A_460 = arith.constant 1 : i32
      %add3A_461 = vector.broadcast %add3A_460 : i32 to vector<16xi32>
      %add3A_462 = arith.addi %add3A_459, %add3A_461 : vector<16xi32>
      tpu.vector_store_idx %arg23[%add3A_462], %mul3A_443 : memref<1216xf32, #tpu.memory_space<vmem>>[vector<16xi32>], vector<16xf32>,
      %add3A_463 = arith.constant 2 : i32
      %add3A_464 = vector.broadcast %add3A_463 : i32 to vector<16xi32>
      %add3A_465 = arith.addi %add3A_459, %add3A_464 : vector<16xi32>
      tpu.vector_store_idx %arg23[%add3A_465], %mul3A_448 : memref<1216xf32, #tpu.memory_space<vmem>>[vector<16xi32>], vector<16xf32>,
      %add3A_466 = arith.constant 3 : i32
      %add3A_467 = vector.broadcast %add3A_466 : i32 to vector<16xi32>
      %add3A_468 = arith.addi %add3A_459, %add3A_467 : vector<16xi32>
      tpu.vector_store_idx %arg23[%add3A_468], %mul3A_453 : memref<1216xf32, #tpu.memory_space<vmem>>[vector<16xi32>], vector<16xf32>,
      %get3A_469 = arith.constant 48 : index
      %get3A_470 = tpu.vector_load %arg21[%get3A_469] {strides = array<i32>} : memref<304xi32, #tpu.memory_space<vmem>>, vector<16xi32>,
      %mul3A_471 = arith.constant 5762 : i32
      %mul3A_472 = vector.broadcast %mul3A_471 : i32 to vector<16xi32>
      %mul3A_473 = arith.muli %get3A_470, %mul3A_472 : vector<16xi32>
      %shift_right_arithmetic3A_474 = arith.constant 19 : i32
      %shift_right_arithmetic3A_475 = vector.broadcast %shift_right_arithmetic3A_474 : i32 to vector<16xi32>
      %shift_right_arithmetic3A_476 = arith.shrsi %mul3A_473, %shift_right_arithmetic3A_475 : vector<16xi32>
      %mul3A_477 = arith.constant 91 : i32
      %mul3A_478 = vector.broadcast %mul3A_477 : i32 to vector<16xi32>
      %mul3A_479 = arith.muli %shift_right_arithmetic3A_476, %mul3A_478 : vector<16xi32>
      %sub3A_480 = arith.subi %get3A_470, %mul3A_479 : vector<16xi32>
      %shift_right_arithmetic3A_481 = arith.constant 31 : i32
      %shift_right_arithmetic3A_482 = vector.broadcast %shift_right_arithmetic3A_481 : i32 to vector<16xi32>
      %shift_right_arithmetic3A_483 = arith.shrsi %sub3A_480, %shift_right_arithmetic3A_482 : vector<16xi32>
      %add3A_484 = arith.addi %shift_right_arithmetic3A_476, %shift_right_arithmetic3A_483 : vector<16xi32>
      %mul3A_485 = arith.constant 91 : i32
      %mul3A_486 = vector.broadcast %mul3A_485 : i32 to vector<16xi32>
      %mul3A_487 = arith.muli %add3A_484, %mul3A_486 : vector<16xi32>
      %sub3A_488 = arith.subi %get3A_470, %mul3A_487 : vector<16xi32>
      %swap3A_489 = arith.constant 48 : index
      %swap3A_490 = tpu.vector_load %arg22[%swap3A_489] {strides = array<i32>} : memref<304xi32, #tpu.memory_space<vmem>>, vector<16xi32>,
      tpu.vector_store %arg22[%swap3A_489], %sub3A_488 {strides = array<i32>} : memref<304xi32, #tpu.memory_space<vmem>>, vector<16xi32>,
      %gather3A_491 = tpu.vector_load_idx %arg24[%add3A_484, %broadcast_in_dim3A_3] : memref<900x4xf32, #tpu.memory_space<vmem>>[vector<16xi32>, vector<16xi32>], vector<16xf32>,
      %gather3A_492 = tpu.vector_load_idx %arg24[%add3A_484, %broadcast_in_dim3A_1] : memref<900x4xf32, #tpu.memory_space<vmem>>[vector<16xi32>, vector<16xi32>], vector<16xf32>,
      %gather3A_493 = tpu.vector_load_idx %arg24[%add3A_484, %broadcast_in_dim3A_285] : memref<900x4xf32, #tpu.memory_space<vmem>>[vector<16xi32>, vector<16xi32>], vector<16xf32>,
      %gather3A_494 = tpu.vector_load_idx %arg24[%add3A_484, %broadcast_in_dim3A_287] : memref<900x4xf32, #tpu.memory_space<vmem>>[vector<16xi32>, vector<16xi32>], vector<16xf32>,
      %mul3A_495 = arith.constant 5.000000e-01 : f32
      %mul3A_496 = vector.broadcast %mul3A_495 : f32 to vector<16xf32>
      %mul3A_497 = arith.mulf %mul3A_496, %gather3A_493 : vector<16xf32>
      %sub3A_498 = arith.subf %gather3A_491, %mul3A_497 : vector<16xf32>
      %mul3A_499 = arith.mulf %sub3A_498, %broadcast_in_dim3A_282 : vector<16xf32>
      %mul3A_500 = arith.constant 5.000000e-01 : f32
      %mul3A_501 = vector.broadcast %mul3A_500 : f32 to vector<16xf32>
      %mul3A_502 = arith.mulf %mul3A_501, %gather3A_494 : vector<16xf32>
      %sub3A_503 = arith.subf %gather3A_492, %mul3A_502 : vector<16xf32>
      %mul3A_504 = arith.mulf %sub3A_503, %broadcast_in_dim3A_283 : vector<16xf32>
      %mul3A_505 = arith.constant 5.000000e-01 : f32
      %mul3A_506 = vector.broadcast %mul3A_505 : f32 to vector<16xf32>
      %mul3A_507 = arith.mulf %mul3A_506, %gather3A_493 : vector<16xf32>
      %add3A_508 = arith.addf %gather3A_491, %mul3A_507 : vector<16xf32>
      %mul3A_509 = arith.mulf %add3A_508, %broadcast_in_dim3A_282 : vector<16xf32>
      %mul3A_510 = arith.constant 5.000000e-01 : f32
      %mul3A_511 = vector.broadcast %mul3A_510 : f32 to vector<16xf32>
      %mul3A_512 = arith.mulf %mul3A_511, %gather3A_494 : vector<16xf32>
      %add3A_513 = arith.addf %gather3A_492, %mul3A_512 : vector<16xf32>
      %mul3A_514 = arith.mulf %add3A_513, %broadcast_in_dim3A_283 : vector<16xf32>
      %mul3A_515 = arith.constant 4 : i32
      %mul3A_516 = vector.broadcast %mul3A_515 : i32 to vector<16xi32>
      %mul3A_517 = arith.muli %iota3A, %mul3A_516 : vector<16xi32>
      %add3A_518 = arith.constant 192 : i32
      %add3A_519 = vector.broadcast %add3A_518 : i32 to vector<16xi32>
      %add3A_520 = arith.addi %add3A_519, %mul3A_517 : vector<16xi32>
      tpu.vector_store_idx %arg23[%add3A_520], %mul3A_499 : memref<1216xf32, #tpu.memory_space<vmem>>[vector<16xi32>], vector<16xf32>,
      %add3A_521 = arith.constant 1 : i32
      %add3A_522 = vector.broadcast %add3A_521 : i32 to vector<16xi32>
      %add3A_523 = arith.addi %add3A_520, %add3A_522 : vector<16xi32>
      tpu.vector_store_idx %arg23[%add3A_523], %mul3A_504 : memref<1216xf32, #tpu.memory_space<vmem>>[vector<16xi32>], vector<16xf32>,
      %add3A_524 = arith.constant 2 : i32
      %add3A_525 = vector.broadcast %add3A_524 : i32 to vector<16xi32>
      %add3A_526 = arith.addi %add3A_520, %add3A_525 : vector<16xi32>
      tpu.vector_store_idx %arg23[%add3A_526], %mul3A_509 : memref<1216xf32, #tpu.memory_space<vmem>>[vector<16xi32>], vector<16xf32>,
      %add3A_527 = arith.constant 3 : i32
      %add3A_528 = vector.broadcast %add3A_527 : i32 to vector<16xi32>
      %add3A_529 = arith.addi %add3A_520, %add3A_528 : vector<16xi32>
      tpu.vector_store_idx %arg23[%add3A_529], %mul3A_514 : memref<1216xf32, #tpu.memory_space<vmem>>[vector<16xi32>], vector<16xf32>,
      %get3A_530 = arith.constant 64 : index
      %get3A_531 = tpu.vector_load %arg21[%get3A_530] {strides = array<i32>} : memref<304xi32, #tpu.memory_space<vmem>>, vector<16xi32>,
      %mul3A_532 = arith.constant 5762 : i32
      %mul3A_533 = vector.broadcast %mul3A_532 : i32 to vector<16xi32>
      %mul3A_534 = arith.muli %get3A_531, %mul3A_533 : vector<16xi32>
      %shift_right_arithmetic3A_535 = arith.constant 19 : i32
      %shift_right_arithmetic3A_536 = vector.broadcast %shift_right_arithmetic3A_535 : i32 to vector<16xi32>
      %shift_right_arithmetic3A_537 = arith.shrsi %mul3A_534, %shift_right_arithmetic3A_536 : vector<16xi32>
      %mul3A_538 = arith.constant 91 : i32
      %mul3A_539 = vector.broadcast %mul3A_538 : i32 to vector<16xi32>
      %mul3A_540 = arith.muli %shift_right_arithmetic3A_537, %mul3A_539 : vector<16xi32>
      %sub3A_541 = arith.subi %get3A_531, %mul3A_540 : vector<16xi32>
      %shift_right_arithmetic3A_542 = arith.constant 31 : i32
      %shift_right_arithmetic3A_543 = vector.broadcast %shift_right_arithmetic3A_542 : i32 to vector<16xi32>
      %shift_right_arithmetic3A_544 = arith.shrsi %sub3A_541, %shift_right_arithmetic3A_543 : vector<16xi32>
      %add3A_545 = arith.addi %shift_right_arithmetic3A_537, %shift_right_arithmetic3A_544 : vector<16xi32>
      %mul3A_546 = arith.constant 91 : i32
      %mul3A_547 = vector.broadcast %mul3A_546 : i32 to vector<16xi32>
      %mul3A_548 = arith.muli %add3A_545, %mul3A_547 : vector<16xi32>
      %sub3A_549 = arith.subi %get3A_531, %mul3A_548 : vector<16xi32>
      %swap3A_550 = arith.constant 64 : index
      %swap3A_551 = tpu.vector_load %arg22[%swap3A_550] {strides = array<i32>} : memref<304xi32, #tpu.memory_space<vmem>>, vector<16xi32>,
      tpu.vector_store %arg22[%swap3A_550], %sub3A_549 {strides = array<i32>} : memref<304xi32, #tpu.memory_space<vmem>>, vector<16xi32>,
      %gather3A_552 = tpu.vector_load_idx %arg24[%add3A_545, %broadcast_in_dim3A_3] : memref<900x4xf32, #tpu.memory_space<vmem>>[vector<16xi32>, vector<16xi32>], vector<16xf32>,
      %gather3A_553 = tpu.vector_load_idx %arg24[%add3A_545, %broadcast_in_dim3A_1] : memref<900x4xf32, #tpu.memory_space<vmem>>[vector<16xi32>, vector<16xi32>], vector<16xf32>,
      %gather3A_554 = tpu.vector_load_idx %arg24[%add3A_545, %broadcast_in_dim3A_285] : memref<900x4xf32, #tpu.memory_space<vmem>>[vector<16xi32>, vector<16xi32>], vector<16xf32>,
      %gather3A_555 = tpu.vector_load_idx %arg24[%add3A_545, %broadcast_in_dim3A_287] : memref<900x4xf32, #tpu.memory_space<vmem>>[vector<16xi32>, vector<16xi32>], vector<16xf32>,
      %mul3A_556 = arith.constant 5.000000e-01 : f32
      %mul3A_557 = vector.broadcast %mul3A_556 : f32 to vector<16xf32>
      %mul3A_558 = arith.mulf %mul3A_557, %gather3A_554 : vector<16xf32>
      %sub3A_559 = arith.subf %gather3A_552, %mul3A_558 : vector<16xf32>
      %mul3A_560 = arith.mulf %sub3A_559, %broadcast_in_dim3A_282 : vector<16xf32>
      %mul3A_561 = arith.constant 5.000000e-01 : f32
      %mul3A_562 = vector.broadcast %mul3A_561 : f32 to vector<16xf32>
      %mul3A_563 = arith.mulf %mul3A_562, %gather3A_555 : vector<16xf32>
      %sub3A_564 = arith.subf %gather3A_553, %mul3A_563 : vector<16xf32>
      %mul3A_565 = arith.mulf %sub3A_564, %broadcast_in_dim3A_283 : vector<16xf32>
      %mul3A_566 = arith.constant 5.000000e-01 : f32
      %mul3A_567 = vector.broadcast %mul3A_566 : f32 to vector<16xf32>
      %mul3A_568 = arith.mulf %mul3A_567, %gather3A_554 : vector<16xf32>
      %add3A_569 = arith.addf %gather3A_552, %mul3A_568 : vector<16xf32>
      %mul3A_570 = arith.mulf %add3A_569, %broadcast_in_dim3A_282 : vector<16xf32>
      %mul3A_571 = arith.constant 5.000000e-01 : f32
      %mul3A_572 = vector.broadcast %mul3A_571 : f32 to vector<16xf32>
      %mul3A_573 = arith.mulf %mul3A_572, %gather3A_555 : vector<16xf32>
      %add3A_574 = arith.addf %gather3A_553, %mul3A_573 : vector<16xf32>
      %mul3A_575 = arith.mulf %add3A_574, %broadcast_in_dim3A_283 : vector<16xf32>
      %mul3A_576 = arith.constant 4 : i32
      %mul3A_577 = vector.broadcast %mul3A_576 : i32 to vector<16xi32>
      %mul3A_578 = arith.muli %iota3A, %mul3A_577 : vector<16xi32>
      %add3A_579 = arith.constant 256 : i32
      %add3A_580 = vector.broadcast %add3A_579 : i32 to vector<16xi32>
      %add3A_581 = arith.addi %add3A_580, %mul3A_578 : vector<16xi32>
      tpu.vector_store_idx %arg23[%add3A_581], %mul3A_560 : memref<1216xf32, #tpu.memory_space<vmem>>[vector<16xi32>], vector<16xf32>,
      %add3A_582 = arith.constant 1 : i32
      %add3A_583 = vector.broadcast %add3A_582 : i32 to vector<16xi32>
      %add3A_584 = arith.addi %add3A_581, %add3A_583 : vector<16xi32>
      tpu.vector_store_idx %arg23[%add3A_584], %mul3A_565 : memref<1216xf32, #tpu.memory_space<vmem>>[vector<16xi32>], vector<16xf32>,
      %add3A_585 = arith.constant 2 : i32
      %add3A_586 = vector.broadcast %add3A_585 : i32 to vector<16xi32>
      %add3A_587 = arith.addi %add3A_581, %add3A_586 : vector<16xi32>
      tpu.vector_store_idx %arg23[%add3A_587], %mul3A_570 : memref<1216xf32, #tpu.memory_space<vmem>>[vector<16xi32>], vector<16xf32>,
      %add3A_588 = arith.constant 3 : i32
      %add3A_589 = vector.broadcast %add3A_588 : i32 to vector<16xi32>
      %add3A_590 = arith.addi %add3A_581, %add3A_589 : vector<16xi32>
      tpu.vector_store_idx %arg23[%add3A_590], %mul3A_575 : memref<1216xf32, #tpu.memory_space<vmem>>[vector<16xi32>], vector<16xf32>,
      %get3A_591 = arith.constant 80 : index
      %get3A_592 = tpu.vector_load %arg21[%get3A_591] {strides = array<i32>} : memref<304xi32, #tpu.memory_space<vmem>>, vector<16xi32>,
      %mul3A_593 = arith.constant 5762 : i32
      %mul3A_594 = vector.broadcast %mul3A_593 : i32 to vector<16xi32>
      %mul3A_595 = arith.muli %get3A_592, %mul3A_594 : vector<16xi32>
      %shift_right_arithmetic3A_596 = arith.constant 19 : i32
      %shift_right_arithmetic3A_597 = vector.broadcast %shift_right_arithmetic3A_596 : i32 to vector<16xi32>
      %shift_right_arithmetic3A_598 = arith.shrsi %mul3A_595, %shift_right_arithmetic3A_597 : vector<16xi32>
      %mul3A_599 = arith.constant 91 : i32
      %mul3A_600 = vector.broadcast %mul3A_599 : i32 to vector<16xi32>
      %mul3A_601 = arith.muli %shift_right_arithmetic3A_598, %mul3A_600 : vector<16xi32>
      %sub3A_602 = arith.subi %get3A_592, %mul3A_601 : vector<16xi32>
      %shift_right_arithmetic3A_603 = arith.constant 31 : i32
      %shift_right_arithmetic3A_604 = vector.broadcast %shift_right_arithmetic3A_603 : i32 to vector<16xi32>
      %shift_right_arithmetic3A_605 = arith.shrsi %sub3A_602, %shift_right_arithmetic3A_604 : vector<16xi32>
      %add3A_606 = arith.addi %shift_right_arithmetic3A_598, %shift_right_arithmetic3A_605 : vector<16xi32>
      %mul3A_607 = arith.constant 91 : i32
      %mul3A_608 = vector.broadcast %mul3A_607 : i32 to vector<16xi32>
      %mul3A_609 = arith.muli %add3A_606, %mul3A_608 : vector<16xi32>
      %sub3A_610 = arith.subi %get3A_592, %mul3A_609 : vector<16xi32>
      %swap3A_611 = arith.constant 80 : index
      %swap3A_612 = tpu.vector_load %arg22[%swap3A_611] {strides = array<i32>} : memref<304xi32, #tpu.memory_space<vmem>>, vector<16xi32>,
      tpu.vector_store %arg22[%swap3A_611], %sub3A_610 {strides = array<i32>} : memref<304xi32, #tpu.memory_space<vmem>>, vector<16xi32>,
      %gather3A_613 = tpu.vector_load_idx %arg24[%add3A_606, %broadcast_in_dim3A_3] : memref<900x4xf32, #tpu.memory_space<vmem>>[vector<16xi32>, vector<16xi32>], vector<16xf32>,
      %gather3A_614 = tpu.vector_load_idx %arg24[%add3A_606, %broadcast_in_dim3A_1] : memref<900x4xf32, #tpu.memory_space<vmem>>[vector<16xi32>, vector<16xi32>], vector<16xf32>,
      %gather3A_615 = tpu.vector_load_idx %arg24[%add3A_606, %broadcast_in_dim3A_285] : memref<900x4xf32, #tpu.memory_space<vmem>>[vector<16xi32>, vector<16xi32>], vector<16xf32>,
      %gather3A_616 = tpu.vector_load_idx %arg24[%add3A_606, %broadcast_in_dim3A_287] : memref<900x4xf32, #tpu.memory_space<vmem>>[vector<16xi32>, vector<16xi32>], vector<16xf32>,
      %mul3A_617 = arith.constant 5.000000e-01 : f32
      %mul3A_618 = vector.broadcast %mul3A_617 : f32 to vector<16xf32>
      %mul3A_619 = arith.mulf %mul3A_618, %gather3A_615 : vector<16xf32>
      %sub3A_620 = arith.subf %gather3A_613, %mul3A_619 : vector<16xf32>
      %mul3A_621 = arith.mulf %sub3A_620, %broadcast_in_dim3A_282 : vector<16xf32>
      %mul3A_622 = arith.constant 5.000000e-01 : f32
      %mul3A_623 = vector.broadcast %mul3A_622 : f32 to vector<16xf32>
      %mul3A_624 = arith.mulf %mul3A_623, %gather3A_616 : vector<16xf32>
      %sub3A_625 = arith.subf %gather3A_614, %mul3A_624 : vector<16xf32>
      %mul3A_626 = arith.mulf %sub3A_625, %broadcast_in_dim3A_283 : vector<16xf32>
      %mul3A_627 = arith.constant 5.000000e-01 : f32
      %mul3A_628 = vector.broadcast %mul3A_627 : f32 to vector<16xf32>
      %mul3A_629 = arith.mulf %mul3A_628, %gather3A_615 : vector<16xf32>
      %add3A_630 = arith.addf %gather3A_613, %mul3A_629 : vector<16xf32>
      %mul3A_631 = arith.mulf %add3A_630, %broadcast_in_dim3A_282 : vector<16xf32>
      %mul3A_632 = arith.constant 5.000000e-01 : f32
      %mul3A_633 = vector.broadcast %mul3A_632 : f32 to vector<16xf32>
      %mul3A_634 = arith.mulf %mul3A_633, %gather3A_616 : vector<16xf32>
      %add3A_635 = arith.addf %gather3A_614, %mul3A_634 : vector<16xf32>
      %mul3A_636 = arith.mulf %add3A_635, %broadcast_in_dim3A_283 : vector<16xf32>
      %mul3A_637 = arith.constant 4 : i32
      %mul3A_638 = vector.broadcast %mul3A_637 : i32 to vector<16xi32>
      %mul3A_639 = arith.muli %iota3A, %mul3A_638 : vector<16xi32>
      %add3A_640 = arith.constant 320 : i32
      %add3A_641 = vector.broadcast %add3A_640 : i32 to vector<16xi32>
      %add3A_642 = arith.addi %add3A_641, %mul3A_639 : vector<16xi32>
      tpu.vector_store_idx %arg23[%add3A_642], %mul3A_621 : memref<1216xf32, #tpu.memory_space<vmem>>[vector<16xi32>], vector<16xf32>,
      %add3A_643 = arith.constant 1 : i32
      %add3A_644 = vector.broadcast %add3A_643 : i32 to vector<16xi32>
      %add3A_645 = arith.addi %add3A_642, %add3A_644 : vector<16xi32>
      tpu.vector_store_idx %arg23[%add3A_645], %mul3A_626 : memref<1216xf32, #tpu.memory_space<vmem>>[vector<16xi32>], vector<16xf32>,
      %add3A_646 = arith.constant 2 : i32
      %add3A_647 = vector.broadcast %add3A_646 : i32 to vector<16xi32>
      %add3A_648 = arith.addi %add3A_642, %add3A_647 : vector<16xi32>
      tpu.vector_store_idx %arg23[%add3A_648], %mul3A_631 : memref<1216xf32, #tpu.memory_space<vmem>>[vector<16xi32>], vector<16xf32>,
      %add3A_649 = arith.constant 3 : i32
      %add3A_650 = vector.broadcast %add3A_649 : i32 to vector<16xi32>
      %add3A_651 = arith.addi %add3A_642, %add3A_650 : vector<16xi32>
      tpu.vector_store_idx %arg23[%add3A_651], %mul3A_636 : memref<1216xf32, #tpu.memory_space<vmem>>[vector<16xi32>], vector<16xf32>,
      %get3A_652 = arith.constant 96 : index
      %get3A_653 = tpu.vector_load %arg21[%get3A_652] {strides = array<i32>} : memref<304xi32, #tpu.memory_space<vmem>>, vector<16xi32>,
      %mul3A_654 = arith.constant 5762 : i32
      %mul3A_655 = vector.broadcast %mul3A_654 : i32 to vector<16xi32>
      %mul3A_656 = arith.muli %get3A_653, %mul3A_655 : vector<16xi32>
      %shift_right_arithmetic3A_657 = arith.constant 19 : i32
      %shift_right_arithmetic3A_658 = vector.broadcast %shift_right_arithmetic3A_657 : i32 to vector<16xi32>
      %shift_right_arithmetic3A_659 = arith.shrsi %mul3A_656, %shift_right_arithmetic3A_658 : vector<16xi32>
      %mul3A_660 = arith.constant 91 : i32
      %mul3A_661 = vector.broadcast %mul3A_660 : i32 to vector<16xi32>
      %mul3A_662 = arith.muli %shift_right_arithmetic3A_659, %mul3A_661 : vector<16xi32>
      %sub3A_663 = arith.subi %get3A_653, %mul3A_662 : vector<16xi32>
      %shift_right_arithmetic3A_664 = arith.constant 31 : i32
      %shift_right_arithmetic3A_665 = vector.broadcast %shift_right_arithmetic3A_664 : i32 to vector<16xi32>
      %shift_right_arithmetic3A_666 = arith.shrsi %sub3A_663, %shift_right_arithmetic3A_665 : vector<16xi32>
      %add3A_667 = arith.addi %shift_right_arithmetic3A_659, %shift_right_arithmetic3A_666 : vector<16xi32>
      %mul3A_668 = arith.constant 91 : i32
      %mul3A_669 = vector.broadcast %mul3A_668 : i32 to vector<16xi32>
      %mul3A_670 = arith.muli %add3A_667, %mul3A_669 : vector<16xi32>
      %sub3A_671 = arith.subi %get3A_653, %mul3A_670 : vector<16xi32>
      %swap3A_672 = arith.constant 96 : index
      %swap3A_673 = tpu.vector_load %arg22[%swap3A_672] {strides = array<i32>} : memref<304xi32, #tpu.memory_space<vmem>>, vector<16xi32>,
      tpu.vector_store %arg22[%swap3A_672], %sub3A_671 {strides = array<i32>} : memref<304xi32, #tpu.memory_space<vmem>>, vector<16xi32>,
      %gather3A_674 = tpu.vector_load_idx %arg24[%add3A_667, %broadcast_in_dim3A_3] : memref<900x4xf32, #tpu.memory_space<vmem>>[vector<16xi32>, vector<16xi32>], vector<16xf32>,
      %gather3A_675 = tpu.vector_load_idx %arg24[%add3A_667, %broadcast_in_dim3A_1] : memref<900x4xf32, #tpu.memory_space<vmem>>[vector<16xi32>, vector<16xi32>], vector<16xf32>,
      %gather3A_676 = tpu.vector_load_idx %arg24[%add3A_667, %broadcast_in_dim3A_285] : memref<900x4xf32, #tpu.memory_space<vmem>>[vector<16xi32>, vector<16xi32>], vector<16xf32>,
      %gather3A_677 = tpu.vector_load_idx %arg24[%add3A_667, %broadcast_in_dim3A_287] : memref<900x4xf32, #tpu.memory_space<vmem>>[vector<16xi32>, vector<16xi32>], vector<16xf32>,
      %mul3A_678 = arith.constant 5.000000e-01 : f32
      %mul3A_679 = vector.broadcast %mul3A_678 : f32 to vector<16xf32>
      %mul3A_680 = arith.mulf %mul3A_679, %gather3A_676 : vector<16xf32>
      %sub3A_681 = arith.subf %gather3A_674, %mul3A_680 : vector<16xf32>
      %mul3A_682 = arith.mulf %sub3A_681, %broadcast_in_dim3A_282 : vector<16xf32>
      %mul3A_683 = arith.constant 5.000000e-01 : f32
      %mul3A_684 = vector.broadcast %mul3A_683 : f32 to vector<16xf32>
      %mul3A_685 = arith.mulf %mul3A_684, %gather3A_677 : vector<16xf32>
      %sub3A_686 = arith.subf %gather3A_675, %mul3A_685 : vector<16xf32>
      %mul3A_687 = arith.mulf %sub3A_686, %broadcast_in_dim3A_283 : vector<16xf32>
      %mul3A_688 = arith.constant 5.000000e-01 : f32
      %mul3A_689 = vector.broadcast %mul3A_688 : f32 to vector<16xf32>
      %mul3A_690 = arith.mulf %mul3A_689, %gather3A_676 : vector<16xf32>
      %add3A_691 = arith.addf %gather3A_674, %mul3A_690 : vector<16xf32>
      %mul3A_692 = arith.mulf %add3A_691, %broadcast_in_dim3A_282 : vector<16xf32>
      %mul3A_693 = arith.constant 5.000000e-01 : f32
      %mul3A_694 = vector.broadcast %mul3A_693 : f32 to vector<16xf32>
      %mul3A_695 = arith.mulf %mul3A_694, %gather3A_677 : vector<16xf32>
      %add3A_696 = arith.addf %gather3A_675, %mul3A_695 : vector<16xf32>
      %mul3A_697 = arith.mulf %add3A_696, %broadcast_in_dim3A_283 : vector<16xf32>
      %mul3A_698 = arith.constant 4 : i32
      %mul3A_699 = vector.broadcast %mul3A_698 : i32 to vector<16xi32>
      %mul3A_700 = arith.muli %iota3A, %mul3A_699 : vector<16xi32>
      %add3A_701 = arith.constant 384 : i32
      %add3A_702 = vector.broadcast %add3A_701 : i32 to vector<16xi32>
      %add3A_703 = arith.addi %add3A_702, %mul3A_700 : vector<16xi32>
      tpu.vector_store_idx %arg23[%add3A_703], %mul3A_682 : memref<1216xf32, #tpu.memory_space<vmem>>[vector<16xi32>], vector<16xf32>,
      %add3A_704 = arith.constant 1 : i32
      %add3A_705 = vector.broadcast %add3A_704 : i32 to vector<16xi32>
      %add3A_706 = arith.addi %add3A_703, %add3A_705 : vector<16xi32>
      tpu.vector_store_idx %arg23[%add3A_706], %mul3A_687 : memref<1216xf32, #tpu.memory_space<vmem>>[vector<16xi32>], vector<16xf32>,
      %add3A_707 = arith.constant 2 : i32
      %add3A_708 = vector.broadcast %add3A_707 : i32 to vector<16xi32>
      %add3A_709 = arith.addi %add3A_703, %add3A_708 : vector<16xi32>
      tpu.vector_store_idx %arg23[%add3A_709], %mul3A_692 : memref<1216xf32, #tpu.memory_space<vmem>>[vector<16xi32>], vector<16xf32>,
      %add3A_710 = arith.constant 3 : i32
      %add3A_711 = vector.broadcast %add3A_710 : i32 to vector<16xi32>
      %add3A_712 = arith.addi %add3A_703, %add3A_711 : vector<16xi32>
      tpu.vector_store_idx %arg23[%add3A_712], %mul3A_697 : memref<1216xf32, #tpu.memory_space<vmem>>[vector<16xi32>], vector<16xf32>,
      %get3A_713 = arith.constant 112 : index
      %get3A_714 = tpu.vector_load %arg21[%get3A_713] {strides = array<i32>} : memref<304xi32, #tpu.memory_space<vmem>>, vector<16xi32>,
      %mul3A_715 = arith.constant 5762 : i32
      %mul3A_716 = vector.broadcast %mul3A_715 : i32 to vector<16xi32>
      %mul3A_717 = arith.muli %get3A_714, %mul3A_716 : vector<16xi32>
      %shift_right_arithmetic3A_718 = arith.constant 19 : i32
      %shift_right_arithmetic3A_719 = vector.broadcast %shift_right_arithmetic3A_718 : i32 to vector<16xi32>
      %shift_right_arithmetic3A_720 = arith.shrsi %mul3A_717, %shift_right_arithmetic3A_719 : vector<16xi32>
      %mul3A_721 = arith.constant 91 : i32
      %mul3A_722 = vector.broadcast %mul3A_721 : i32 to vector<16xi32>
      %mul3A_723 = arith.muli %shift_right_arithmetic3A_720, %mul3A_722 : vector<16xi32>
      %sub3A_724 = arith.subi %get3A_714, %mul3A_723 : vector<16xi32>
      %shift_right_arithmetic3A_725 = arith.constant 31 : i32
      %shift_right_arithmetic3A_726 = vector.broadcast %shift_right_arithmetic3A_725 : i32 to vector<16xi32>
      %shift_right_arithmetic3A_727 = arith.shrsi %sub3A_724, %shift_right_arithmetic3A_726 : vector<16xi32>
      %add3A_728 = arith.addi %shift_right_arithmetic3A_720, %shift_right_arithmetic3A_727 : vector<16xi32>
      %mul3A_729 = arith.constant 91 : i32
      %mul3A_730 = vector.broadcast %mul3A_729 : i32 to vector<16xi32>
      %mul3A_731 = arith.muli %add3A_728, %mul3A_730 : vector<16xi32>
      %sub3A_732 = arith.subi %get3A_714, %mul3A_731 : vector<16xi32>
      %swap3A_733 = arith.constant 112 : index
      %swap3A_734 = tpu.vector_load %arg22[%swap3A_733] {strides = array<i32>} : memref<304xi32, #tpu.memory_space<vmem>>, vector<16xi32>,
      tpu.vector_store %arg22[%swap3A_733], %sub3A_732 {strides = array<i32>} : memref<304xi32, #tpu.memory_space<vmem>>, vector<16xi32>,
      %gather3A_735 = tpu.vector_load_idx %arg24[%add3A_728, %broadcast_in_dim3A_3] : memref<900x4xf32, #tpu.memory_space<vmem>>[vector<16xi32>, vector<16xi32>], vector<16xf32>,
      %gather3A_736 = tpu.vector_load_idx %arg24[%add3A_728, %broadcast_in_dim3A_1] : memref<900x4xf32, #tpu.memory_space<vmem>>[vector<16xi32>, vector<16xi32>], vector<16xf32>,
      %gather3A_737 = tpu.vector_load_idx %arg24[%add3A_728, %broadcast_in_dim3A_285] : memref<900x4xf32, #tpu.memory_space<vmem>>[vector<16xi32>, vector<16xi32>], vector<16xf32>,
      %gather3A_738 = tpu.vector_load_idx %arg24[%add3A_728, %broadcast_in_dim3A_287] : memref<900x4xf32, #tpu.memory_space<vmem>>[vector<16xi32>, vector<16xi32>], vector<16xf32>,
      %mul3A_739 = arith.constant 5.000000e-01 : f32
      %mul3A_740 = vector.broadcast %mul3A_739 : f32 to vector<16xf32>
      %mul3A_741 = arith.mulf %mul3A_740, %gather3A_737 : vector<16xf32>
      %sub3A_742 = arith.subf %gather3A_735, %mul3A_741 : vector<16xf32>
      %mul3A_743 = arith.mulf %sub3A_742, %broadcast_in_dim3A_282 : vector<16xf32>
      %mul3A_744 = arith.constant 5.000000e-01 : f32
      %mul3A_745 = vector.broadcast %mul3A_744 : f32 to vector<16xf32>
      %mul3A_746 = arith.mulf %mul3A_745, %gather3A_738 : vector<16xf32>
      %sub3A_747 = arith.subf %gather3A_736, %mul3A_746 : vector<16xf32>
      %mul3A_748 = arith.mulf %sub3A_747, %broadcast_in_dim3A_283 : vector<16xf32>
      %mul3A_749 = arith.constant 5.000000e-01 : f32
      %mul3A_750 = vector.broadcast %mul3A_749 : f32 to vector<16xf32>
      %mul3A_751 = arith.mulf %mul3A_750, %gather3A_737 : vector<16xf32>
      %add3A_752 = arith.addf %gather3A_735, %mul3A_751 : vector<16xf32>
      %mul3A_753 = arith.mulf %add3A_752, %broadcast_in_dim3A_282 : vector<16xf32>
      %mul3A_754 = arith.constant 5.000000e-01 : f32
      %mul3A_755 = vector.broadcast %mul3A_754 : f32 to vector<16xf32>
      %mul3A_756 = arith.mulf %mul3A_755, %gather3A_738 : vector<16xf32>
      %add3A_757 = arith.addf %gather3A_736, %mul3A_756 : vector<16xf32>
      %mul3A_758 = arith.mulf %add3A_757, %broadcast_in_dim3A_283 : vector<16xf32>
      %mul3A_759 = arith.constant 4 : i32
      %mul3A_760 = vector.broadcast %mul3A_759 : i32 to vector<16xi32>
      %mul3A_761 = arith.muli %iota3A, %mul3A_760 : vector<16xi32>
      %add3A_762 = arith.constant 448 : i32
      %add3A_763 = vector.broadcast %add3A_762 : i32 to vector<16xi32>
      %add3A_764 = arith.addi %add3A_763, %mul3A_761 : vector<16xi32>
      tpu.vector_store_idx %arg23[%add3A_764], %mul3A_743 : memref<1216xf32, #tpu.memory_space<vmem>>[vector<16xi32>], vector<16xf32>,
      %add3A_765 = arith.constant 1 : i32
      %add3A_766 = vector.broadcast %add3A_765 : i32 to vector<16xi32>
      %add3A_767 = arith.addi %add3A_764, %add3A_766 : vector<16xi32>
      tpu.vector_store_idx %arg23[%add3A_767], %mul3A_748 : memref<1216xf32, #tpu.memory_space<vmem>>[vector<16xi32>], vector<16xf32>,
      %add3A_768 = arith.constant 2 : i32
      %add3A_769 = vector.broadcast %add3A_768 : i32 to vector<16xi32>
      %add3A_770 = arith.addi %add3A_764, %add3A_769 : vector<16xi32>
      tpu.vector_store_idx %arg23[%add3A_770], %mul3A_753 : memref<1216xf32, #tpu.memory_space<vmem>>[vector<16xi32>], vector<16xf32>,
      %add3A_771 = arith.constant 3 : i32
      %add3A_772 = vector.broadcast %add3A_771 : i32 to vector<16xi32>
      %add3A_773 = arith.addi %add3A_764, %add3A_772 : vector<16xi32>
      tpu.vector_store_idx %arg23[%add3A_773], %mul3A_758 : memref<1216xf32, #tpu.memory_space<vmem>>[vector<16xi32>], vector<16xf32>,
      %get3A_774 = arith.constant 128 : index
      %get3A_775 = tpu.vector_load %arg21[%get3A_774] {strides = array<i32>} : memref<304xi32, #tpu.memory_space<vmem>>, vector<16xi32>,
      %mul3A_776 = arith.constant 5762 : i32
      %mul3A_777 = vector.broadcast %mul3A_776 : i32 to vector<16xi32>
      %mul3A_778 = arith.muli %get3A_775, %mul3A_777 : vector<16xi32>
      %shift_right_arithmetic3A_779 = arith.constant 19 : i32
      %shift_right_arithmetic3A_780 = vector.broadcast %shift_right_arithmetic3A_779 : i32 to vector<16xi32>
      %shift_right_arithmetic3A_781 = arith.shrsi %mul3A_778, %shift_right_arithmetic3A_780 : vector<16xi32>
      %mul3A_782 = arith.constant 91 : i32
      %mul3A_783 = vector.broadcast %mul3A_782 : i32 to vector<16xi32>
      %mul3A_784 = arith.muli %shift_right_arithmetic3A_781, %mul3A_783 : vector<16xi32>
      %sub3A_785 = arith.subi %get3A_775, %mul3A_784 : vector<16xi32>
      %shift_right_arithmetic3A_786 = arith.constant 31 : i32
      %shift_right_arithmetic3A_787 = vector.broadcast %shift_right_arithmetic3A_786 : i32 to vector<16xi32>
      %shift_right_arithmetic3A_788 = arith.shrsi %sub3A_785, %shift_right_arithmetic3A_787 : vector<16xi32>
      %add3A_789 = arith.addi %shift_right_arithmetic3A_781, %shift_right_arithmetic3A_788 : vector<16xi32>
      %mul3A_790 = arith.constant 91 : i32
      %mul3A_791 = vector.broadcast %mul3A_790 : i32 to vector<16xi32>
      %mul3A_792 = arith.muli %add3A_789, %mul3A_791 : vector<16xi32>
      %sub3A_793 = arith.subi %get3A_775, %mul3A_792 : vector<16xi32>
      %swap3A_794 = arith.constant 128 : index
      %swap3A_795 = tpu.vector_load %arg22[%swap3A_794] {strides = array<i32>} : memref<304xi32, #tpu.memory_space<vmem>>, vector<16xi32>,
      tpu.vector_store %arg22[%swap3A_794], %sub3A_793 {strides = array<i32>} : memref<304xi32, #tpu.memory_space<vmem>>, vector<16xi32>,
      %gather3A_796 = tpu.vector_load_idx %arg24[%add3A_789, %broadcast_in_dim3A_3] : memref<900x4xf32, #tpu.memory_space<vmem>>[vector<16xi32>, vector<16xi32>], vector<16xf32>,
      %gather3A_797 = tpu.vector_load_idx %arg24[%add3A_789, %broadcast_in_dim3A_1] : memref<900x4xf32, #tpu.memory_space<vmem>>[vector<16xi32>, vector<16xi32>], vector<16xf32>,
      %gather3A_798 = tpu.vector_load_idx %arg24[%add3A_789, %broadcast_in_dim3A_285] : memref<900x4xf32, #tpu.memory_space<vmem>>[vector<16xi32>, vector<16xi32>], vector<16xf32>,
      %gather3A_799 = tpu.vector_load_idx %arg24[%add3A_789, %broadcast_in_dim3A_287] : memref<900x4xf32, #tpu.memory_space<vmem>>[vector<16xi32>, vector<16xi32>], vector<16xf32>,
      %mul3A_800 = arith.constant 5.000000e-01 : f32
      %mul3A_801 = vector.broadcast %mul3A_800 : f32 to vector<16xf32>
      %mul3A_802 = arith.mulf %mul3A_801, %gather3A_798 : vector<16xf32>
      %sub3A_803 = arith.subf %gather3A_796, %mul3A_802 : vector<16xf32>
      %mul3A_804 = arith.mulf %sub3A_803, %broadcast_in_dim3A_282 : vector<16xf32>
      %mul3A_805 = arith.constant 5.000000e-01 : f32
      %mul3A_806 = vector.broadcast %mul3A_805 : f32 to vector<16xf32>
      %mul3A_807 = arith.mulf %mul3A_806, %gather3A_799 : vector<16xf32>
      %sub3A_808 = arith.subf %gather3A_797, %mul3A_807 : vector<16xf32>
      %mul3A_809 = arith.mulf %sub3A_808, %broadcast_in_dim3A_283 : vector<16xf32>
      %mul3A_810 = arith.constant 5.000000e-01 : f32
      %mul3A_811 = vector.broadcast %mul3A_810 : f32 to vector<16xf32>
      %mul3A_812 = arith.mulf %mul3A_811, %gather3A_798 : vector<16xf32>
      %add3A_813 = arith.addf %gather3A_796, %mul3A_812 : vector<16xf32>
      %mul3A_814 = arith.mulf %add3A_813, %broadcast_in_dim3A_282 : vector<16xf32>
      %mul3A_815 = arith.constant 5.000000e-01 : f32
      %mul3A_816 = vector.broadcast %mul3A_815 : f32 to vector<16xf32>
      %mul3A_817 = arith.mulf %mul3A_816, %gather3A_799 : vector<16xf32>
      %add3A_818 = arith.addf %gather3A_797, %mul3A_817 : vector<16xf32>
      %mul3A_819 = arith.mulf %add3A_818, %broadcast_in_dim3A_283 : vector<16xf32>
      %mul3A_820 = arith.constant 4 : i32
      %mul3A_821 = vector.broadcast %mul3A_820 : i32 to vector<16xi32>
      %mul3A_822 = arith.muli %iota3A, %mul3A_821 : vector<16xi32>
      %add3A_823 = arith.constant 512 : i32
      %add3A_824 = vector.broadcast %add3A_823 : i32 to vector<16xi32>
      %add3A_825 = arith.addi %add3A_824, %mul3A_822 : vector<16xi32>
      tpu.vector_store_idx %arg23[%add3A_825], %mul3A_804 : memref<1216xf32, #tpu.memory_space<vmem>>[vector<16xi32>], vector<16xf32>,
      %add3A_826 = arith.constant 1 : i32
      %add3A_827 = vector.broadcast %add3A_826 : i32 to vector<16xi32>
      %add3A_828 = arith.addi %add3A_825, %add3A_827 : vector<16xi32>
      tpu.vector_store_idx %arg23[%add3A_828], %mul3A_809 : memref<1216xf32, #tpu.memory_space<vmem>>[vector<16xi32>], vector<16xf32>,
      %add3A_829 = arith.constant 2 : i32
      %add3A_830 = vector.broadcast %add3A_829 : i32 to vector<16xi32>
      %add3A_831 = arith.addi %add3A_825, %add3A_830 : vector<16xi32>
      tpu.vector_store_idx %arg23[%add3A_831], %mul3A_814 : memref<1216xf32, #tpu.memory_space<vmem>>[vector<16xi32>], vector<16xf32>,
      %add3A_832 = arith.constant 3 : i32
      %add3A_833 = vector.broadcast %add3A_832 : i32 to vector<16xi32>
      %add3A_834 = arith.addi %add3A_825, %add3A_833 : vector<16xi32>
      tpu.vector_store_idx %arg23[%add3A_834], %mul3A_819 : memref<1216xf32, #tpu.memory_space<vmem>>[vector<16xi32>], vector<16xf32>,
      %get3A_835 = arith.constant 144 : index
      %get3A_836 = tpu.vector_load %arg21[%get3A_835] {strides = array<i32>} : memref<304xi32, #tpu.memory_space<vmem>>, vector<16xi32>,
      %mul3A_837 = arith.constant 5762 : i32
      %mul3A_838 = vector.broadcast %mul3A_837 : i32 to vector<16xi32>
      %mul3A_839 = arith.muli %get3A_836, %mul3A_838 : vector<16xi32>
      %shift_right_arithmetic3A_840 = arith.constant 19 : i32
      %shift_right_arithmetic3A_841 = vector.broadcast %shift_right_arithmetic3A_840 : i32 to vector<16xi32>
      %shift_right_arithmetic3A_842 = arith.shrsi %mul3A_839, %shift_right_arithmetic3A_841 : vector<16xi32>
      %mul3A_843 = arith.constant 91 : i32
      %mul3A_844 = vector.broadcast %mul3A_843 : i32 to vector<16xi32>
      %mul3A_845 = arith.muli %shift_right_arithmetic3A_842, %mul3A_844 : vector<16xi32>
      %sub3A_846 = arith.subi %get3A_836, %mul3A_845 : vector<16xi32>
      %shift_right_arithmetic3A_847 = arith.constant 31 : i32
      %shift_right_arithmetic3A_848 = vector.broadcast %shift_right_arithmetic3A_847 : i32 to vector<16xi32>
      %shift_right_arithmetic3A_849 = arith.shrsi %sub3A_846, %shift_right_arithmetic3A_848 : vector<16xi32>
      %add3A_850 = arith.addi %shift_right_arithmetic3A_842, %shift_right_arithmetic3A_849 : vector<16xi32>
      %mul3A_851 = arith.constant 91 : i32
      %mul3A_852 = vector.broadcast %mul3A_851 : i32 to vector<16xi32>
      %mul3A_853 = arith.muli %add3A_850, %mul3A_852 : vector<16xi32>
      %sub3A_854 = arith.subi %get3A_836, %mul3A_853 : vector<16xi32>
      %swap3A_855 = arith.constant 144 : index
      %swap3A_856 = tpu.vector_load %arg22[%swap3A_855] {strides = array<i32>} : memref<304xi32, #tpu.memory_space<vmem>>, vector<16xi32>,
      tpu.vector_store %arg22[%swap3A_855], %sub3A_854 {strides = array<i32>} : memref<304xi32, #tpu.memory_space<vmem>>, vector<16xi32>,
      %gather3A_857 = tpu.vector_load_idx %arg24[%add3A_850, %broadcast_in_dim3A_3] : memref<900x4xf32, #tpu.memory_space<vmem>>[vector<16xi32>, vector<16xi32>], vector<16xf32>,
      %gather3A_858 = tpu.vector_load_idx %arg24[%add3A_850, %broadcast_in_dim3A_1] : memref<900x4xf32, #tpu.memory_space<vmem>>[vector<16xi32>, vector<16xi32>], vector<16xf32>,
      %gather3A_859 = tpu.vector_load_idx %arg24[%add3A_850, %broadcast_in_dim3A_285] : memref<900x4xf32, #tpu.memory_space<vmem>>[vector<16xi32>, vector<16xi32>], vector<16xf32>,
      %gather3A_860 = tpu.vector_load_idx %arg24[%add3A_850, %broadcast_in_dim3A_287] : memref<900x4xf32, #tpu.memory_space<vmem>>[vector<16xi32>, vector<16xi32>], vector<16xf32>,
      %mul3A_861 = arith.constant 5.000000e-01 : f32
      %mul3A_862 = vector.broadcast %mul3A_861 : f32 to vector<16xf32>
      %mul3A_863 = arith.mulf %mul3A_862, %gather3A_859 : vector<16xf32>
      %sub3A_864 = arith.subf %gather3A_857, %mul3A_863 : vector<16xf32>
      %mul3A_865 = arith.mulf %sub3A_864, %broadcast_in_dim3A_282 : vector<16xf32>
      %mul3A_866 = arith.constant 5.000000e-01 : f32
      %mul3A_867 = vector.broadcast %mul3A_866 : f32 to vector<16xf32>
      %mul3A_868 = arith.mulf %mul3A_867, %gather3A_860 : vector<16xf32>
      %sub3A_869 = arith.subf %gather3A_858, %mul3A_868 : vector<16xf32>
      %mul3A_870 = arith.mulf %sub3A_869, %broadcast_in_dim3A_283 : vector<16xf32>
      %mul3A_871 = arith.constant 5.000000e-01 : f32
      %mul3A_872 = vector.broadcast %mul3A_871 : f32 to vector<16xf32>
      %mul3A_873 = arith.mulf %mul3A_872, %gather3A_859 : vector<16xf32>
      %add3A_874 = arith.addf %gather3A_857, %mul3A_873 : vector<16xf32>
      %mul3A_875 = arith.mulf %add3A_874, %broadcast_in_dim3A_282 : vector<16xf32>
      %mul3A_876 = arith.constant 5.000000e-01 : f32
      %mul3A_877 = vector.broadcast %mul3A_876 : f32 to vector<16xf32>
      %mul3A_878 = arith.mulf %mul3A_877, %gather3A_860 : vector<16xf32>
      %add3A_879 = arith.addf %gather3A_858, %mul3A_878 : vector<16xf32>
      %mul3A_880 = arith.mulf %add3A_879, %broadcast_in_dim3A_283 : vector<16xf32>
      %mul3A_881 = arith.constant 4 : i32
      %mul3A_882 = vector.broadcast %mul3A_881 : i32 to vector<16xi32>
      %mul3A_883 = arith.muli %iota3A, %mul3A_882 : vector<16xi32>
      %add3A_884 = arith.constant 576 : i32
      %add3A_885 = vector.broadcast %add3A_884 : i32 to vector<16xi32>
      %add3A_886 = arith.addi %add3A_885, %mul3A_883 : vector<16xi32>
      tpu.vector_store_idx %arg23[%add3A_886], %mul3A_865 : memref<1216xf32, #tpu.memory_space<vmem>>[vector<16xi32>], vector<16xf32>,
      %add3A_887 = arith.constant 1 : i32
      %add3A_888 = vector.broadcast %add3A_887 : i32 to vector<16xi32>
      %add3A_889 = arith.addi %add3A_886, %add3A_888 : vector<16xi32>
      tpu.vector_store_idx %arg23[%add3A_889], %mul3A_870 : memref<1216xf32, #tpu.memory_space<vmem>>[vector<16xi32>], vector<16xf32>,
      %add3A_890 = arith.constant 2 : i32
      %add3A_891 = vector.broadcast %add3A_890 : i32 to vector<16xi32>
      %add3A_892 = arith.addi %add3A_886, %add3A_891 : vector<16xi32>
      tpu.vector_store_idx %arg23[%add3A_892], %mul3A_875 : memref<1216xf32, #tpu.memory_space<vmem>>[vector<16xi32>], vector<16xf32>,
      %add3A_893 = arith.constant 3 : i32
      %add3A_894 = vector.broadcast %add3A_893 : i32 to vector<16xi32>
      %add3A_895 = arith.addi %add3A_886, %add3A_894 : vector<16xi32>
      tpu.vector_store_idx %arg23[%add3A_895], %mul3A_880 : memref<1216xf32, #tpu.memory_space<vmem>>[vector<16xi32>], vector<16xf32>,
      %get3A_896 = arith.constant 160 : index
      %get3A_897 = tpu.vector_load %arg21[%get3A_896] {strides = array<i32>} : memref<304xi32, #tpu.memory_space<vmem>>, vector<16xi32>,
      %mul3A_898 = arith.constant 5762 : i32
      %mul3A_899 = vector.broadcast %mul3A_898 : i32 to vector<16xi32>
      %mul3A_900 = arith.muli %get3A_897, %mul3A_899 : vector<16xi32>
      %shift_right_arithmetic3A_901 = arith.constant 19 : i32
      %shift_right_arithmetic3A_902 = vector.broadcast %shift_right_arithmetic3A_901 : i32 to vector<16xi32>
      %shift_right_arithmetic3A_903 = arith.shrsi %mul3A_900, %shift_right_arithmetic3A_902 : vector<16xi32>
      %mul3A_904 = arith.constant 91 : i32
      %mul3A_905 = vector.broadcast %mul3A_904 : i32 to vector<16xi32>
      %mul3A_906 = arith.muli %shift_right_arithmetic3A_903, %mul3A_905 : vector<16xi32>
      %sub3A_907 = arith.subi %get3A_897, %mul3A_906 : vector<16xi32>
      %shift_right_arithmetic3A_908 = arith.constant 31 : i32
      %shift_right_arithmetic3A_909 = vector.broadcast %shift_right_arithmetic3A_908 : i32 to vector<16xi32>
      %shift_right_arithmetic3A_910 = arith.shrsi %sub3A_907, %shift_right_arithmetic3A_909 : vector<16xi32>
      %add3A_911 = arith.addi %shift_right_arithmetic3A_903, %shift_right_arithmetic3A_910 : vector<16xi32>
      %mul3A_912 = arith.constant 91 : i32
      %mul3A_913 = vector.broadcast %mul3A_912 : i32 to vector<16xi32>
      %mul3A_914 = arith.muli %add3A_911, %mul3A_913 : vector<16xi32>
      %sub3A_915 = arith.subi %get3A_897, %mul3A_914 : vector<16xi32>
      %swap3A_916 = arith.constant 160 : index
      %swap3A_917 = tpu.vector_load %arg22[%swap3A_916] {strides = array<i32>} : memref<304xi32, #tpu.memory_space<vmem>>, vector<16xi32>,
      tpu.vector_store %arg22[%swap3A_916], %sub3A_915 {strides = array<i32>} : memref<304xi32, #tpu.memory_space<vmem>>, vector<16xi32>,
      %gather3A_918 = tpu.vector_load_idx %arg24[%add3A_911, %broadcast_in_dim3A_3] : memref<900x4xf32, #tpu.memory_space<vmem>>[vector<16xi32>, vector<16xi32>], vector<16xf32>,
      %gather3A_919 = tpu.vector_load_idx %arg24[%add3A_911, %broadcast_in_dim3A_1] : memref<900x4xf32, #tpu.memory_space<vmem>>[vector<16xi32>, vector<16xi32>], vector<16xf32>,
      %gather3A_920 = tpu.vector_load_idx %arg24[%add3A_911, %broadcast_in_dim3A_285] : memref<900x4xf32, #tpu.memory_space<vmem>>[vector<16xi32>, vector<16xi32>], vector<16xf32>,
      %gather3A_921 = tpu.vector_load_idx %arg24[%add3A_911, %broadcast_in_dim3A_287] : memref<900x4xf32, #tpu.memory_space<vmem>>[vector<16xi32>, vector<16xi32>], vector<16xf32>,
      %mul3A_922 = arith.constant 5.000000e-01 : f32
      %mul3A_923 = vector.broadcast %mul3A_922 : f32 to vector<16xf32>
      %mul3A_924 = arith.mulf %mul3A_923, %gather3A_920 : vector<16xf32>
      %sub3A_925 = arith.subf %gather3A_918, %mul3A_924 : vector<16xf32>
      %mul3A_926 = arith.mulf %sub3A_925, %broadcast_in_dim3A_282 : vector<16xf32>
      %mul3A_927 = arith.constant 5.000000e-01 : f32
      %mul3A_928 = vector.broadcast %mul3A_927 : f32 to vector<16xf32>
      %mul3A_929 = arith.mulf %mul3A_928, %gather3A_921 : vector<16xf32>
      %sub3A_930 = arith.subf %gather3A_919, %mul3A_929 : vector<16xf32>
      %mul3A_931 = arith.mulf %sub3A_930, %broadcast_in_dim3A_283 : vector<16xf32>
      %mul3A_932 = arith.constant 5.000000e-01 : f32
      %mul3A_933 = vector.broadcast %mul3A_932 : f32 to vector<16xf32>
      %mul3A_934 = arith.mulf %mul3A_933, %gather3A_920 : vector<16xf32>
      %add3A_935 = arith.addf %gather3A_918, %mul3A_934 : vector<16xf32>
      %mul3A_936 = arith.mulf %add3A_935, %broadcast_in_dim3A_282 : vector<16xf32>
      %mul3A_937 = arith.constant 5.000000e-01 : f32
      %mul3A_938 = vector.broadcast %mul3A_937 : f32 to vector<16xf32>
      %mul3A_939 = arith.mulf %mul3A_938, %gather3A_921 : vector<16xf32>
      %add3A_940 = arith.addf %gather3A_919, %mul3A_939 : vector<16xf32>
      %mul3A_941 = arith.mulf %add3A_940, %broadcast_in_dim3A_283 : vector<16xf32>
      %mul3A_942 = arith.constant 4 : i32
      %mul3A_943 = vector.broadcast %mul3A_942 : i32 to vector<16xi32>
      %mul3A_944 = arith.muli %iota3A, %mul3A_943 : vector<16xi32>
      %add3A_945 = arith.constant 640 : i32
      %add3A_946 = vector.broadcast %add3A_945 : i32 to vector<16xi32>
      %add3A_947 = arith.addi %add3A_946, %mul3A_944 : vector<16xi32>
      tpu.vector_store_idx %arg23[%add3A_947], %mul3A_926 : memref<1216xf32, #tpu.memory_space<vmem>>[vector<16xi32>], vector<16xf32>,
      %add3A_948 = arith.constant 1 : i32
      %add3A_949 = vector.broadcast %add3A_948 : i32 to vector<16xi32>
      %add3A_950 = arith.addi %add3A_947, %add3A_949 : vector<16xi32>
      tpu.vector_store_idx %arg23[%add3A_950], %mul3A_931 : memref<1216xf32, #tpu.memory_space<vmem>>[vector<16xi32>], vector<16xf32>,
      %add3A_951 = arith.constant 2 : i32
      %add3A_952 = vector.broadcast %add3A_951 : i32 to vector<16xi32>
      %add3A_953 = arith.addi %add3A_947, %add3A_952 : vector<16xi32>
      tpu.vector_store_idx %arg23[%add3A_953], %mul3A_936 : memref<1216xf32, #tpu.memory_space<vmem>>[vector<16xi32>], vector<16xf32>,
      %add3A_954 = arith.constant 3 : i32
      %add3A_955 = vector.broadcast %add3A_954 : i32 to vector<16xi32>
      %add3A_956 = arith.addi %add3A_947, %add3A_955 : vector<16xi32>
      tpu.vector_store_idx %arg23[%add3A_956], %mul3A_941 : memref<1216xf32, #tpu.memory_space<vmem>>[vector<16xi32>], vector<16xf32>,
      %get3A_957 = arith.constant 176 : index
      %get3A_958 = tpu.vector_load %arg21[%get3A_957] {strides = array<i32>} : memref<304xi32, #tpu.memory_space<vmem>>, vector<16xi32>,
      %mul3A_959 = arith.constant 5762 : i32
      %mul3A_960 = vector.broadcast %mul3A_959 : i32 to vector<16xi32>
      %mul3A_961 = arith.muli %get3A_958, %mul3A_960 : vector<16xi32>
      %shift_right_arithmetic3A_962 = arith.constant 19 : i32
      %shift_right_arithmetic3A_963 = vector.broadcast %shift_right_arithmetic3A_962 : i32 to vector<16xi32>
      %shift_right_arithmetic3A_964 = arith.shrsi %mul3A_961, %shift_right_arithmetic3A_963 : vector<16xi32>
      %mul3A_965 = arith.constant 91 : i32
      %mul3A_966 = vector.broadcast %mul3A_965 : i32 to vector<16xi32>
      %mul3A_967 = arith.muli %shift_right_arithmetic3A_964, %mul3A_966 : vector<16xi32>
      %sub3A_968 = arith.subi %get3A_958, %mul3A_967 : vector<16xi32>
      %shift_right_arithmetic3A_969 = arith.constant 31 : i32
      %shift_right_arithmetic3A_970 = vector.broadcast %shift_right_arithmetic3A_969 : i32 to vector<16xi32>
      %shift_right_arithmetic3A_971 = arith.shrsi %sub3A_968, %shift_right_arithmetic3A_970 : vector<16xi32>
      %add3A_972 = arith.addi %shift_right_arithmetic3A_964, %shift_right_arithmetic3A_971 : vector<16xi32>
      %mul3A_973 = arith.constant 91 : i32
      %mul3A_974 = vector.broadcast %mul3A_973 : i32 to vector<16xi32>
      %mul3A_975 = arith.muli %add3A_972, %mul3A_974 : vector<16xi32>
      %sub3A_976 = arith.subi %get3A_958, %mul3A_975 : vector<16xi32>
      %swap3A_977 = arith.constant 176 : index
      %swap3A_978 = tpu.vector_load %arg22[%swap3A_977] {strides = array<i32>} : memref<304xi32, #tpu.memory_space<vmem>>, vector<16xi32>,
      tpu.vector_store %arg22[%swap3A_977], %sub3A_976 {strides = array<i32>} : memref<304xi32, #tpu.memory_space<vmem>>, vector<16xi32>,
      %gather3A_979 = tpu.vector_load_idx %arg24[%add3A_972, %broadcast_in_dim3A_3] : memref<900x4xf32, #tpu.memory_space<vmem>>[vector<16xi32>, vector<16xi32>], vector<16xf32>,
      %gather3A_980 = tpu.vector_load_idx %arg24[%add3A_972, %broadcast_in_dim3A_1] : memref<900x4xf32, #tpu.memory_space<vmem>>[vector<16xi32>, vector<16xi32>], vector<16xf32>,
      %gather3A_981 = tpu.vector_load_idx %arg24[%add3A_972, %broadcast_in_dim3A_285] : memref<900x4xf32, #tpu.memory_space<vmem>>[vector<16xi32>, vector<16xi32>], vector<16xf32>,
      %gather3A_982 = tpu.vector_load_idx %arg24[%add3A_972, %broadcast_in_dim3A_287] : memref<900x4xf32, #tpu.memory_space<vmem>>[vector<16xi32>, vector<16xi32>], vector<16xf32>,
      %mul3A_983 = arith.constant 5.000000e-01 : f32
      %mul3A_984 = vector.broadcast %mul3A_983 : f32 to vector<16xf32>
      %mul3A_985 = arith.mulf %mul3A_984, %gather3A_981 : vector<16xf32>
      %sub3A_986 = arith.subf %gather3A_979, %mul3A_985 : vector<16xf32>
      %mul3A_987 = arith.mulf %sub3A_986, %broadcast_in_dim3A_282 : vector<16xf32>
      %mul3A_988 = arith.constant 5.000000e-01 : f32
      %mul3A_989 = vector.broadcast %mul3A_988 : f32 to vector<16xf32>
      %mul3A_990 = arith.mulf %mul3A_989, %gather3A_982 : vector<16xf32>
      %sub3A_991 = arith.subf %gather3A_980, %mul3A_990 : vector<16xf32>
      %mul3A_992 = arith.mulf %sub3A_991, %broadcast_in_dim3A_283 : vector<16xf32>
      %mul3A_993 = arith.constant 5.000000e-01 : f32
      %mul3A_994 = vector.broadcast %mul3A_993 : f32 to vector<16xf32>
      %mul3A_995 = arith.mulf %mul3A_994, %gather3A_981 : vector<16xf32>
      %add3A_996 = arith.addf %gather3A_979, %mul3A_995 : vector<16xf32>
      %mul3A_997 = arith.mulf %add3A_996, %broadcast_in_dim3A_282 : vector<16xf32>
      %mul3A_998 = arith.constant 5.000000e-01 : f32
      %mul3A_999 = vector.broadcast %mul3A_998 : f32 to vector<16xf32>
      %mul3A_1000 = arith.mulf %mul3A_999, %gather3A_982 : vector<16xf32>
      %add3A_1001 = arith.addf %gather3A_980, %mul3A_1000 : vector<16xf32>
      %mul3A_1002 = arith.mulf %add3A_1001, %broadcast_in_dim3A_283 : vector<16xf32>
      %mul3A_1003 = arith.constant 4 : i32
      %mul3A_1004 = vector.broadcast %mul3A_1003 : i32 to vector<16xi32>
      %mul3A_1005 = arith.muli %iota3A, %mul3A_1004 : vector<16xi32>
      %add3A_1006 = arith.constant 704 : i32
      %add3A_1007 = vector.broadcast %add3A_1006 : i32 to vector<16xi32>
      %add3A_1008 = arith.addi %add3A_1007, %mul3A_1005 : vector<16xi32>
      tpu.vector_store_idx %arg23[%add3A_1008], %mul3A_987 : memref<1216xf32, #tpu.memory_space<vmem>>[vector<16xi32>], vector<16xf32>,
      %add3A_1009 = arith.constant 1 : i32
      %add3A_1010 = vector.broadcast %add3A_1009 : i32 to vector<16xi32>
      %add3A_1011 = arith.addi %add3A_1008, %add3A_1010 : vector<16xi32>
      tpu.vector_store_idx %arg23[%add3A_1011], %mul3A_992 : memref<1216xf32, #tpu.memory_space<vmem>>[vector<16xi32>], vector<16xf32>,
      %add3A_1012 = arith.constant 2 : i32
      %add3A_1013 = vector.broadcast %add3A_1012 : i32 to vector<16xi32>
      %add3A_1014 = arith.addi %add3A_1008, %add3A_1013 : vector<16xi32>
      tpu.vector_store_idx %arg23[%add3A_1014], %mul3A_997 : memref<1216xf32, #tpu.memory_space<vmem>>[vector<16xi32>], vector<16xf32>,
      %add3A_1015 = arith.constant 3 : i32
      %add3A_1016 = vector.broadcast %add3A_1015 : i32 to vector<16xi32>
      %add3A_1017 = arith.addi %add3A_1008, %add3A_1016 : vector<16xi32>
      tpu.vector_store_idx %arg23[%add3A_1017], %mul3A_1002 : memref<1216xf32, #tpu.memory_space<vmem>>[vector<16xi32>], vector<16xf32>,
      %get3A_1018 = arith.constant 192 : index
      %get3A_1019 = tpu.vector_load %arg21[%get3A_1018] {strides = array<i32>} : memref<304xi32, #tpu.memory_space<vmem>>, vector<16xi32>,
      %mul3A_1020 = arith.constant 5762 : i32
      %mul3A_1021 = vector.broadcast %mul3A_1020 : i32 to vector<16xi32>
      %mul3A_1022 = arith.muli %get3A_1019, %mul3A_1021 : vector<16xi32>
      %shift_right_arithmetic3A_1023 = arith.constant 19 : i32
      %shift_right_arithmetic3A_1024 = vector.broadcast %shift_right_arithmetic3A_1023 : i32 to vector<16xi32>
      %shift_right_arithmetic3A_1025 = arith.shrsi %mul3A_1022, %shift_right_arithmetic3A_1024 : vector<16xi32>
      %mul3A_1026 = arith.constant 91 : i32
      %mul3A_1027 = vector.broadcast %mul3A_1026 : i32 to vector<16xi32>
      %mul3A_1028 = arith.muli %shift_right_arithmetic3A_1025, %mul3A_1027 : vector<16xi32>
      %sub3A_1029 = arith.subi %get3A_1019, %mul3A_1028 : vector<16xi32>
      %shift_right_arithmetic3A_1030 = arith.constant 31 : i32
      %shift_right_arithmetic3A_1031 = vector.broadcast %shift_right_arithmetic3A_1030 : i32 to vector<16xi32>
      %shift_right_arithmetic3A_1032 = arith.shrsi %sub3A_1029, %shift_right_arithmetic3A_1031 : vector<16xi32>
      %add3A_1033 = arith.addi %shift_right_arithmetic3A_1025, %shift_right_arithmetic3A_1032 : vector<16xi32>
      %mul3A_1034 = arith.constant 91 : i32
      %mul3A_1035 = vector.broadcast %mul3A_1034 : i32 to vector<16xi32>
      %mul3A_1036 = arith.muli %add3A_1033, %mul3A_1035 : vector<16xi32>
      %sub3A_1037 = arith.subi %get3A_1019, %mul3A_1036 : vector<16xi32>
      %swap3A_1038 = arith.constant 192 : index
      %swap3A_1039 = tpu.vector_load %arg22[%swap3A_1038] {strides = array<i32>} : memref<304xi32, #tpu.memory_space<vmem>>, vector<16xi32>,
      tpu.vector_store %arg22[%swap3A_1038], %sub3A_1037 {strides = array<i32>} : memref<304xi32, #tpu.memory_space<vmem>>, vector<16xi32>,
      %gather3A_1040 = tpu.vector_load_idx %arg24[%add3A_1033, %broadcast_in_dim3A_3] : memref<900x4xf32, #tpu.memory_space<vmem>>[vector<16xi32>, vector<16xi32>], vector<16xf32>,
      %gather3A_1041 = tpu.vector_load_idx %arg24[%add3A_1033, %broadcast_in_dim3A_1] : memref<900x4xf32, #tpu.memory_space<vmem>>[vector<16xi32>, vector<16xi32>], vector<16xf32>,
      %gather3A_1042 = tpu.vector_load_idx %arg24[%add3A_1033, %broadcast_in_dim3A_285] : memref<900x4xf32, #tpu.memory_space<vmem>>[vector<16xi32>, vector<16xi32>], vector<16xf32>,
      %gather3A_1043 = tpu.vector_load_idx %arg24[%add3A_1033, %broadcast_in_dim3A_287] : memref<900x4xf32, #tpu.memory_space<vmem>>[vector<16xi32>, vector<16xi32>], vector<16xf32>,
      %mul3A_1044 = arith.constant 5.000000e-01 : f32
      %mul3A_1045 = vector.broadcast %mul3A_1044 : f32 to vector<16xf32>
      %mul3A_1046 = arith.mulf %mul3A_1045, %gather3A_1042 : vector<16xf32>
      %sub3A_1047 = arith.subf %gather3A_1040, %mul3A_1046 : vector<16xf32>
      %mul3A_1048 = arith.mulf %sub3A_1047, %broadcast_in_dim3A_282 : vector<16xf32>
      %mul3A_1049 = arith.constant 5.000000e-01 : f32
      %mul3A_1050 = vector.broadcast %mul3A_1049 : f32 to vector<16xf32>
      %mul3A_1051 = arith.mulf %mul3A_1050, %gather3A_1043 : vector<16xf32>
      %sub3A_1052 = arith.subf %gather3A_1041, %mul3A_1051 : vector<16xf32>
      %mul3A_1053 = arith.mulf %sub3A_1052, %broadcast_in_dim3A_283 : vector<16xf32>
      %mul3A_1054 = arith.constant 5.000000e-01 : f32
      %mul3A_1055 = vector.broadcast %mul3A_1054 : f32 to vector<16xf32>
      %mul3A_1056 = arith.mulf %mul3A_1055, %gather3A_1042 : vector<16xf32>
      %add3A_1057 = arith.addf %gather3A_1040, %mul3A_1056 : vector<16xf32>
      %mul3A_1058 = arith.mulf %add3A_1057, %broadcast_in_dim3A_282 : vector<16xf32>
      %mul3A_1059 = arith.constant 5.000000e-01 : f32
      %mul3A_1060 = vector.broadcast %mul3A_1059 : f32 to vector<16xf32>
      %mul3A_1061 = arith.mulf %mul3A_1060, %gather3A_1043 : vector<16xf32>
      %add3A_1062 = arith.addf %gather3A_1041, %mul3A_1061 : vector<16xf32>
      %mul3A_1063 = arith.mulf %add3A_1062, %broadcast_in_dim3A_283 : vector<16xf32>
      %mul3A_1064 = arith.constant 4 : i32
      %mul3A_1065 = vector.broadcast %mul3A_1064 : i32 to vector<16xi32>
      %mul3A_1066 = arith.muli %iota3A, %mul3A_1065 : vector<16xi32>
      %add3A_1067 = arith.constant 768 : i32
      %add3A_1068 = vector.broadcast %add3A_1067 : i32 to vector<16xi32>
      %add3A_1069 = arith.addi %add3A_1068, %mul3A_1066 : vector<16xi32>
      tpu.vector_store_idx %arg23[%add3A_1069], %mul3A_1048 : memref<1216xf32, #tpu.memory_space<vmem>>[vector<16xi32>], vector<16xf32>,
      %add3A_1070 = arith.constant 1 : i32
      %add3A_1071 = vector.broadcast %add3A_1070 : i32 to vector<16xi32>
      %add3A_1072 = arith.addi %add3A_1069, %add3A_1071 : vector<16xi32>
      tpu.vector_store_idx %arg23[%add3A_1072], %mul3A_1053 : memref<1216xf32, #tpu.memory_space<vmem>>[vector<16xi32>], vector<16xf32>,
      %add3A_1073 = arith.constant 2 : i32
      %add3A_1074 = vector.broadcast %add3A_1073 : i32 to vector<16xi32>
      %add3A_1075 = arith.addi %add3A_1069, %add3A_1074 : vector<16xi32>
      tpu.vector_store_idx %arg23[%add3A_1075], %mul3A_1058 : memref<1216xf32, #tpu.memory_space<vmem>>[vector<16xi32>], vector<16xf32>,
      %add3A_1076 = arith.constant 3 : i32
      %add3A_1077 = vector.broadcast %add3A_1076 : i32 to vector<16xi32>
      %add3A_1078 = arith.addi %add3A_1069, %add3A_1077 : vector<16xi32>
      tpu.vector_store_idx %arg23[%add3A_1078], %mul3A_1063 : memref<1216xf32, #tpu.memory_space<vmem>>[vector<16xi32>], vector<16xf32>,
      %get3A_1079 = arith.constant 208 : index
      %get3A_1080 = tpu.vector_load %arg21[%get3A_1079] {strides = array<i32>} : memref<304xi32, #tpu.memory_space<vmem>>, vector<16xi32>,
      %mul3A_1081 = arith.constant 5762 : i32
      %mul3A_1082 = vector.broadcast %mul3A_1081 : i32 to vector<16xi32>
      %mul3A_1083 = arith.muli %get3A_1080, %mul3A_1082 : vector<16xi32>
      %shift_right_arithmetic3A_1084 = arith.constant 19 : i32
      %shift_right_arithmetic3A_1085 = vector.broadcast %shift_right_arithmetic3A_1084 : i32 to vector<16xi32>
      %shift_right_arithmetic3A_1086 = arith.shrsi %mul3A_1083, %shift_right_arithmetic3A_1085 : vector<16xi32>
      %mul3A_1087 = arith.constant 91 : i32
      %mul3A_1088 = vector.broadcast %mul3A_1087 : i32 to vector<16xi32>
      %mul3A_1089 = arith.muli %shift_right_arithmetic3A_1086, %mul3A_1088 : vector<16xi32>
      %sub3A_1090 = arith.subi %get3A_1080, %mul3A_1089 : vector<16xi32>
      %shift_right_arithmetic3A_1091 = arith.constant 31 : i32
      %shift_right_arithmetic3A_1092 = vector.broadcast %shift_right_arithmetic3A_1091 : i32 to vector<16xi32>
      %shift_right_arithmetic3A_1093 = arith.shrsi %sub3A_1090, %shift_right_arithmetic3A_1092 : vector<16xi32>
      %add3A_1094 = arith.addi %shift_right_arithmetic3A_1086, %shift_right_arithmetic3A_1093 : vector<16xi32>
      %mul3A_1095 = arith.constant 91 : i32
      %mul3A_1096 = vector.broadcast %mul3A_1095 : i32 to vector<16xi32>
      %mul3A_1097 = arith.muli %add3A_1094, %mul3A_1096 : vector<16xi32>
      %sub3A_1098 = arith.subi %get3A_1080, %mul3A_1097 : vector<16xi32>
      %swap3A_1099 = arith.constant 208 : index
      %swap3A_1100 = tpu.vector_load %arg22[%swap3A_1099] {strides = array<i32>} : memref<304xi32, #tpu.memory_space<vmem>>, vector<16xi32>,
      tpu.vector_store %arg22[%swap3A_1099], %sub3A_1098 {strides = array<i32>} : memref<304xi32, #tpu.memory_space<vmem>>, vector<16xi32>,
      %gather3A_1101 = tpu.vector_load_idx %arg24[%add3A_1094, %broadcast_in_dim3A_3] : memref<900x4xf32, #tpu.memory_space<vmem>>[vector<16xi32>, vector<16xi32>], vector<16xf32>,
      %gather3A_1102 = tpu.vector_load_idx %arg24[%add3A_1094, %broadcast_in_dim3A_1] : memref<900x4xf32, #tpu.memory_space<vmem>>[vector<16xi32>, vector<16xi32>], vector<16xf32>,
      %gather3A_1103 = tpu.vector_load_idx %arg24[%add3A_1094, %broadcast_in_dim3A_285] : memref<900x4xf32, #tpu.memory_space<vmem>>[vector<16xi32>, vector<16xi32>], vector<16xf32>,
      %gather3A_1104 = tpu.vector_load_idx %arg24[%add3A_1094, %broadcast_in_dim3A_287] : memref<900x4xf32, #tpu.memory_space<vmem>>[vector<16xi32>, vector<16xi32>], vector<16xf32>,
      %mul3A_1105 = arith.constant 5.000000e-01 : f32
      %mul3A_1106 = vector.broadcast %mul3A_1105 : f32 to vector<16xf32>
      %mul3A_1107 = arith.mulf %mul3A_1106, %gather3A_1103 : vector<16xf32>
      %sub3A_1108 = arith.subf %gather3A_1101, %mul3A_1107 : vector<16xf32>
      %mul3A_1109 = arith.mulf %sub3A_1108, %broadcast_in_dim3A_282 : vector<16xf32>
      %mul3A_1110 = arith.constant 5.000000e-01 : f32
      %mul3A_1111 = vector.broadcast %mul3A_1110 : f32 to vector<16xf32>
      %mul3A_1112 = arith.mulf %mul3A_1111, %gather3A_1104 : vector<16xf32>
      %sub3A_1113 = arith.subf %gather3A_1102, %mul3A_1112 : vector<16xf32>
      %mul3A_1114 = arith.mulf %sub3A_1113, %broadcast_in_dim3A_283 : vector<16xf32>
      %mul3A_1115 = arith.constant 5.000000e-01 : f32
      %mul3A_1116 = vector.broadcast %mul3A_1115 : f32 to vector<16xf32>
      %mul3A_1117 = arith.mulf %mul3A_1116, %gather3A_1103 : vector<16xf32>
      %add3A_1118 = arith.addf %gather3A_1101, %mul3A_1117 : vector<16xf32>
      %mul3A_1119 = arith.mulf %add3A_1118, %broadcast_in_dim3A_282 : vector<16xf32>
      %mul3A_1120 = arith.constant 5.000000e-01 : f32
      %mul3A_1121 = vector.broadcast %mul3A_1120 : f32 to vector<16xf32>
      %mul3A_1122 = arith.mulf %mul3A_1121, %gather3A_1104 : vector<16xf32>
      %add3A_1123 = arith.addf %gather3A_1102, %mul3A_1122 : vector<16xf32>
      %mul3A_1124 = arith.mulf %add3A_1123, %broadcast_in_dim3A_283 : vector<16xf32>
      %mul3A_1125 = arith.constant 4 : i32
      %mul3A_1126 = vector.broadcast %mul3A_1125 : i32 to vector<16xi32>
      %mul3A_1127 = arith.muli %iota3A, %mul3A_1126 : vector<16xi32>
      %add3A_1128 = arith.constant 832 : i32
      %add3A_1129 = vector.broadcast %add3A_1128 : i32 to vector<16xi32>
      %add3A_1130 = arith.addi %add3A_1129, %mul3A_1127 : vector<16xi32>
      tpu.vector_store_idx %arg23[%add3A_1130], %mul3A_1109 : memref<1216xf32, #tpu.memory_space<vmem>>[vector<16xi32>], vector<16xf32>,
      %add3A_1131 = arith.constant 1 : i32
      %add3A_1132 = vector.broadcast %add3A_1131 : i32 to vector<16xi32>
      %add3A_1133 = arith.addi %add3A_1130, %add3A_1132 : vector<16xi32>
      tpu.vector_store_idx %arg23[%add3A_1133], %mul3A_1114 : memref<1216xf32, #tpu.memory_space<vmem>>[vector<16xi32>], vector<16xf32>,
      %add3A_1134 = arith.constant 2 : i32
      %add3A_1135 = vector.broadcast %add3A_1134 : i32 to vector<16xi32>
      %add3A_1136 = arith.addi %add3A_1130, %add3A_1135 : vector<16xi32>
      tpu.vector_store_idx %arg23[%add3A_1136], %mul3A_1119 : memref<1216xf32, #tpu.memory_space<vmem>>[vector<16xi32>], vector<16xf32>,
      %add3A_1137 = arith.constant 3 : i32
      %add3A_1138 = vector.broadcast %add3A_1137 : i32 to vector<16xi32>
      %add3A_1139 = arith.addi %add3A_1130, %add3A_1138 : vector<16xi32>
      tpu.vector_store_idx %arg23[%add3A_1139], %mul3A_1124 : memref<1216xf32, #tpu.memory_space<vmem>>[vector<16xi32>], vector<16xf32>,
      %get3A_1140 = arith.constant 224 : index
      %get3A_1141 = tpu.vector_load %arg21[%get3A_1140] {strides = array<i32>} : memref<304xi32, #tpu.memory_space<vmem>>, vector<16xi32>,
      %mul3A_1142 = arith.constant 5762 : i32
      %mul3A_1143 = vector.broadcast %mul3A_1142 : i32 to vector<16xi32>
      %mul3A_1144 = arith.muli %get3A_1141, %mul3A_1143 : vector<16xi32>
      %shift_right_arithmetic3A_1145 = arith.constant 19 : i32
      %shift_right_arithmetic3A_1146 = vector.broadcast %shift_right_arithmetic3A_1145 : i32 to vector<16xi32>
      %shift_right_arithmetic3A_1147 = arith.shrsi %mul3A_1144, %shift_right_arithmetic3A_1146 : vector<16xi32>
      %mul3A_1148 = arith.constant 91 : i32
      %mul3A_1149 = vector.broadcast %mul3A_1148 : i32 to vector<16xi32>
      %mul3A_1150 = arith.muli %shift_right_arithmetic3A_1147, %mul3A_1149 : vector<16xi32>
      %sub3A_1151 = arith.subi %get3A_1141, %mul3A_1150 : vector<16xi32>
      %shift_right_arithmetic3A_1152 = arith.constant 31 : i32
      %shift_right_arithmetic3A_1153 = vector.broadcast %shift_right_arithmetic3A_1152 : i32 to vector<16xi32>
      %shift_right_arithmetic3A_1154 = arith.shrsi %sub3A_1151, %shift_right_arithmetic3A_1153 : vector<16xi32>
      %add3A_1155 = arith.addi %shift_right_arithmetic3A_1147, %shift_right_arithmetic3A_1154 : vector<16xi32>
      %mul3A_1156 = arith.constant 91 : i32
      %mul3A_1157 = vector.broadcast %mul3A_1156 : i32 to vector<16xi32>
      %mul3A_1158 = arith.muli %add3A_1155, %mul3A_1157 : vector<16xi32>
      %sub3A_1159 = arith.subi %get3A_1141, %mul3A_1158 : vector<16xi32>
      %swap3A_1160 = arith.constant 224 : index
      %swap3A_1161 = tpu.vector_load %arg22[%swap3A_1160] {strides = array<i32>} : memref<304xi32, #tpu.memory_space<vmem>>, vector<16xi32>,
      tpu.vector_store %arg22[%swap3A_1160], %sub3A_1159 {strides = array<i32>} : memref<304xi32, #tpu.memory_space<vmem>>, vector<16xi32>,
      %gather3A_1162 = tpu.vector_load_idx %arg24[%add3A_1155, %broadcast_in_dim3A_3] : memref<900x4xf32, #tpu.memory_space<vmem>>[vector<16xi32>, vector<16xi32>], vector<16xf32>,
      %gather3A_1163 = tpu.vector_load_idx %arg24[%add3A_1155, %broadcast_in_dim3A_1] : memref<900x4xf32, #tpu.memory_space<vmem>>[vector<16xi32>, vector<16xi32>], vector<16xf32>,
      %gather3A_1164 = tpu.vector_load_idx %arg24[%add3A_1155, %broadcast_in_dim3A_285] : memref<900x4xf32, #tpu.memory_space<vmem>>[vector<16xi32>, vector<16xi32>], vector<16xf32>,
      %gather3A_1165 = tpu.vector_load_idx %arg24[%add3A_1155, %broadcast_in_dim3A_287] : memref<900x4xf32, #tpu.memory_space<vmem>>[vector<16xi32>, vector<16xi32>], vector<16xf32>,
      %mul3A_1166 = arith.constant 5.000000e-01 : f32
      %mul3A_1167 = vector.broadcast %mul3A_1166 : f32 to vector<16xf32>
      %mul3A_1168 = arith.mulf %mul3A_1167, %gather3A_1164 : vector<16xf32>
      %sub3A_1169 = arith.subf %gather3A_1162, %mul3A_1168 : vector<16xf32>
      %mul3A_1170 = arith.mulf %sub3A_1169, %broadcast_in_dim3A_282 : vector<16xf32>
      %mul3A_1171 = arith.constant 5.000000e-01 : f32
      %mul3A_1172 = vector.broadcast %mul3A_1171 : f32 to vector<16xf32>
      %mul3A_1173 = arith.mulf %mul3A_1172, %gather3A_1165 : vector<16xf32>
      %sub3A_1174 = arith.subf %gather3A_1163, %mul3A_1173 : vector<16xf32>
      %mul3A_1175 = arith.mulf %sub3A_1174, %broadcast_in_dim3A_283 : vector<16xf32>
      %mul3A_1176 = arith.constant 5.000000e-01 : f32
      %mul3A_1177 = vector.broadcast %mul3A_1176 : f32 to vector<16xf32>
      %mul3A_1178 = arith.mulf %mul3A_1177, %gather3A_1164 : vector<16xf32>
      %add3A_1179 = arith.addf %gather3A_1162, %mul3A_1178 : vector<16xf32>
      %mul3A_1180 = arith.mulf %add3A_1179, %broadcast_in_dim3A_282 : vector<16xf32>
      %mul3A_1181 = arith.constant 5.000000e-01 : f32
      %mul3A_1182 = vector.broadcast %mul3A_1181 : f32 to vector<16xf32>
      %mul3A_1183 = arith.mulf %mul3A_1182, %gather3A_1165 : vector<16xf32>
      %add3A_1184 = arith.addf %gather3A_1163, %mul3A_1183 : vector<16xf32>
      %mul3A_1185 = arith.mulf %add3A_1184, %broadcast_in_dim3A_283 : vector<16xf32>
      %mul3A_1186 = arith.constant 4 : i32
      %mul3A_1187 = vector.broadcast %mul3A_1186 : i32 to vector<16xi32>
      %mul3A_1188 = arith.muli %iota3A, %mul3A_1187 : vector<16xi32>
      %add3A_1189 = arith.constant 896 : i32
      %add3A_1190 = vector.broadcast %add3A_1189 : i32 to vector<16xi32>
      %add3A_1191 = arith.addi %add3A_1190, %mul3A_1188 : vector<16xi32>
      tpu.vector_store_idx %arg23[%add3A_1191], %mul3A_1170 : memref<1216xf32, #tpu.memory_space<vmem>>[vector<16xi32>], vector<16xf32>,
      %add3A_1192 = arith.constant 1 : i32
      %add3A_1193 = vector.broadcast %add3A_1192 : i32 to vector<16xi32>
      %add3A_1194 = arith.addi %add3A_1191, %add3A_1193 : vector<16xi32>
      tpu.vector_store_idx %arg23[%add3A_1194], %mul3A_1175 : memref<1216xf32, #tpu.memory_space<vmem>>[vector<16xi32>], vector<16xf32>,
      %add3A_1195 = arith.constant 2 : i32
      %add3A_1196 = vector.broadcast %add3A_1195 : i32 to vector<16xi32>
      %add3A_1197 = arith.addi %add3A_1191, %add3A_1196 : vector<16xi32>
      tpu.vector_store_idx %arg23[%add3A_1197], %mul3A_1180 : memref<1216xf32, #tpu.memory_space<vmem>>[vector<16xi32>], vector<16xf32>,
      %add3A_1198 = arith.constant 3 : i32
      %add3A_1199 = vector.broadcast %add3A_1198 : i32 to vector<16xi32>
      %add3A_1200 = arith.addi %add3A_1191, %add3A_1199 : vector<16xi32>
      tpu.vector_store_idx %arg23[%add3A_1200], %mul3A_1185 : memref<1216xf32, #tpu.memory_space<vmem>>[vector<16xi32>], vector<16xf32>,
      %get3A_1201 = arith.constant 240 : index
      %get3A_1202 = tpu.vector_load %arg21[%get3A_1201] {strides = array<i32>} : memref<304xi32, #tpu.memory_space<vmem>>, vector<16xi32>,
      %mul3A_1203 = arith.constant 5762 : i32
      %mul3A_1204 = vector.broadcast %mul3A_1203 : i32 to vector<16xi32>
      %mul3A_1205 = arith.muli %get3A_1202, %mul3A_1204 : vector<16xi32>
      %shift_right_arithmetic3A_1206 = arith.constant 19 : i32
      %shift_right_arithmetic3A_1207 = vector.broadcast %shift_right_arithmetic3A_1206 : i32 to vector<16xi32>
      %shift_right_arithmetic3A_1208 = arith.shrsi %mul3A_1205, %shift_right_arithmetic3A_1207 : vector<16xi32>
      %mul3A_1209 = arith.constant 91 : i32
      %mul3A_1210 = vector.broadcast %mul3A_1209 : i32 to vector<16xi32>
      %mul3A_1211 = arith.muli %shift_right_arithmetic3A_1208, %mul3A_1210 : vector<16xi32>
      %sub3A_1212 = arith.subi %get3A_1202, %mul3A_1211 : vector<16xi32>
      %shift_right_arithmetic3A_1213 = arith.constant 31 : i32
      %shift_right_arithmetic3A_1214 = vector.broadcast %shift_right_arithmetic3A_1213 : i32 to vector<16xi32>
      %shift_right_arithmetic3A_1215 = arith.shrsi %sub3A_1212, %shift_right_arithmetic3A_1214 : vector<16xi32>
      %add3A_1216 = arith.addi %shift_right_arithmetic3A_1208, %shift_right_arithmetic3A_1215 : vector<16xi32>
      %mul3A_1217 = arith.constant 91 : i32
      %mul3A_1218 = vector.broadcast %mul3A_1217 : i32 to vector<16xi32>
      %mul3A_1219 = arith.muli %add3A_1216, %mul3A_1218 : vector<16xi32>
      %sub3A_1220 = arith.subi %get3A_1202, %mul3A_1219 : vector<16xi32>
      %swap3A_1221 = arith.constant 240 : index
      %swap3A_1222 = tpu.vector_load %arg22[%swap3A_1221] {strides = array<i32>} : memref<304xi32, #tpu.memory_space<vmem>>, vector<16xi32>,
      tpu.vector_store %arg22[%swap3A_1221], %sub3A_1220 {strides = array<i32>} : memref<304xi32, #tpu.memory_space<vmem>>, vector<16xi32>,
      %gather3A_1223 = tpu.vector_load_idx %arg24[%add3A_1216, %broadcast_in_dim3A_3] : memref<900x4xf32, #tpu.memory_space<vmem>>[vector<16xi32>, vector<16xi32>], vector<16xf32>,
      %gather3A_1224 = tpu.vector_load_idx %arg24[%add3A_1216, %broadcast_in_dim3A_1] : memref<900x4xf32, #tpu.memory_space<vmem>>[vector<16xi32>, vector<16xi32>], vector<16xf32>,
      %gather3A_1225 = tpu.vector_load_idx %arg24[%add3A_1216, %broadcast_in_dim3A_285] : memref<900x4xf32, #tpu.memory_space<vmem>>[vector<16xi32>, vector<16xi32>], vector<16xf32>,
      %gather3A_1226 = tpu.vector_load_idx %arg24[%add3A_1216, %broadcast_in_dim3A_287] : memref<900x4xf32, #tpu.memory_space<vmem>>[vector<16xi32>, vector<16xi32>], vector<16xf32>,
      %mul3A_1227 = arith.constant 5.000000e-01 : f32
      %mul3A_1228 = vector.broadcast %mul3A_1227 : f32 to vector<16xf32>
      %mul3A_1229 = arith.mulf %mul3A_1228, %gather3A_1225 : vector<16xf32>
      %sub3A_1230 = arith.subf %gather3A_1223, %mul3A_1229 : vector<16xf32>
      %mul3A_1231 = arith.mulf %sub3A_1230, %broadcast_in_dim3A_282 : vector<16xf32>
      %mul3A_1232 = arith.constant 5.000000e-01 : f32
      %mul3A_1233 = vector.broadcast %mul3A_1232 : f32 to vector<16xf32>
      %mul3A_1234 = arith.mulf %mul3A_1233, %gather3A_1226 : vector<16xf32>
      %sub3A_1235 = arith.subf %gather3A_1224, %mul3A_1234 : vector<16xf32>
      %mul3A_1236 = arith.mulf %sub3A_1235, %broadcast_in_dim3A_283 : vector<16xf32>
      %mul3A_1237 = arith.constant 5.000000e-01 : f32
      %mul3A_1238 = vector.broadcast %mul3A_1237 : f32 to vector<16xf32>
      %mul3A_1239 = arith.mulf %mul3A_1238, %gather3A_1225 : vector<16xf32>
      %add3A_1240 = arith.addf %gather3A_1223, %mul3A_1239 : vector<16xf32>
      %mul3A_1241 = arith.mulf %add3A_1240, %broadcast_in_dim3A_282 : vector<16xf32>
      %mul3A_1242 = arith.constant 5.000000e-01 : f32
      %mul3A_1243 = vector.broadcast %mul3A_1242 : f32 to vector<16xf32>
      %mul3A_1244 = arith.mulf %mul3A_1243, %gather3A_1226 : vector<16xf32>
      %add3A_1245 = arith.addf %gather3A_1224, %mul3A_1244 : vector<16xf32>
      %mul3A_1246 = arith.mulf %add3A_1245, %broadcast_in_dim3A_283 : vector<16xf32>
      %mul3A_1247 = arith.constant 4 : i32
      %mul3A_1248 = vector.broadcast %mul3A_1247 : i32 to vector<16xi32>
      %mul3A_1249 = arith.muli %iota3A, %mul3A_1248 : vector<16xi32>
      %add3A_1250 = arith.constant 960 : i32
      %add3A_1251 = vector.broadcast %add3A_1250 : i32 to vector<16xi32>
      %add3A_1252 = arith.addi %add3A_1251, %mul3A_1249 : vector<16xi32>
      tpu.vector_store_idx %arg23[%add3A_1252], %mul3A_1231 : memref<1216xf32, #tpu.memory_space<vmem>>[vector<16xi32>], vector<16xf32>,
      %add3A_1253 = arith.constant 1 : i32
      %add3A_1254 = vector.broadcast %add3A_1253 : i32 to vector<16xi32>
      %add3A_1255 = arith.addi %add3A_1252, %add3A_1254 : vector<16xi32>
      tpu.vector_store_idx %arg23[%add3A_1255], %mul3A_1236 : memref<1216xf32, #tpu.memory_space<vmem>>[vector<16xi32>], vector<16xf32>,
      %add3A_1256 = arith.constant 2 : i32
      %add3A_1257 = vector.broadcast %add3A_1256 : i32 to vector<16xi32>
      %add3A_1258 = arith.addi %add3A_1252, %add3A_1257 : vector<16xi32>
      tpu.vector_store_idx %arg23[%add3A_1258], %mul3A_1241 : memref<1216xf32, #tpu.memory_space<vmem>>[vector<16xi32>], vector<16xf32>,
      %add3A_1259 = arith.constant 3 : i32
      %add3A_1260 = vector.broadcast %add3A_1259 : i32 to vector<16xi32>
      %add3A_1261 = arith.addi %add3A_1252, %add3A_1260 : vector<16xi32>
      tpu.vector_store_idx %arg23[%add3A_1261], %mul3A_1246 : memref<1216xf32, #tpu.memory_space<vmem>>[vector<16xi32>], vector<16xf32>,
      %get3A_1262 = arith.constant 256 : index
      %get3A_1263 = tpu.vector_load %arg21[%get3A_1262] {strides = array<i32>} : memref<304xi32, #tpu.memory_space<vmem>>, vector<16xi32>,
      %mul3A_1264 = arith.constant 5762 : i32
      %mul3A_1265 = vector.broadcast %mul3A_1264 : i32 to vector<16xi32>
      %mul3A_1266 = arith.muli %get3A_1263, %mul3A_1265 : vector<16xi32>
      %shift_right_arithmetic3A_1267 = arith.constant 19 : i32
      %shift_right_arithmetic3A_1268 = vector.broadcast %shift_right_arithmetic3A_1267 : i32 to vector<16xi32>
      %shift_right_arithmetic3A_1269 = arith.shrsi %mul3A_1266, %shift_right_arithmetic3A_1268 : vector<16xi32>
      %mul3A_1270 = arith.constant 91 : i32
      %mul3A_1271 = vector.broadcast %mul3A_1270 : i32 to vector<16xi32>
      %mul3A_1272 = arith.muli %shift_right_arithmetic3A_1269, %mul3A_1271 : vector<16xi32>
      %sub3A_1273 = arith.subi %get3A_1263, %mul3A_1272 : vector<16xi32>
      %shift_right_arithmetic3A_1274 = arith.constant 31 : i32
      %shift_right_arithmetic3A_1275 = vector.broadcast %shift_right_arithmetic3A_1274 : i32 to vector<16xi32>
      %shift_right_arithmetic3A_1276 = arith.shrsi %sub3A_1273, %shift_right_arithmetic3A_1275 : vector<16xi32>
      %add3A_1277 = arith.addi %shift_right_arithmetic3A_1269, %shift_right_arithmetic3A_1276 : vector<16xi32>
      %mul3A_1278 = arith.constant 91 : i32
      %mul3A_1279 = vector.broadcast %mul3A_1278 : i32 to vector<16xi32>
      %mul3A_1280 = arith.muli %add3A_1277, %mul3A_1279 : vector<16xi32>
      %sub3A_1281 = arith.subi %get3A_1263, %mul3A_1280 : vector<16xi32>
      %swap3A_1282 = arith.constant 256 : index
      %swap3A_1283 = tpu.vector_load %arg22[%swap3A_1282] {strides = array<i32>} : memref<304xi32, #tpu.memory_space<vmem>>, vector<16xi32>,
      tpu.vector_store %arg22[%swap3A_1282], %sub3A_1281 {strides = array<i32>} : memref<304xi32, #tpu.memory_space<vmem>>, vector<16xi32>,
      %gather3A_1284 = tpu.vector_load_idx %arg24[%add3A_1277, %broadcast_in_dim3A_3] : memref<900x4xf32, #tpu.memory_space<vmem>>[vector<16xi32>, vector<16xi32>], vector<16xf32>,
      %gather3A_1285 = tpu.vector_load_idx %arg24[%add3A_1277, %broadcast_in_dim3A_1] : memref<900x4xf32, #tpu.memory_space<vmem>>[vector<16xi32>, vector<16xi32>], vector<16xf32>,
      %gather3A_1286 = tpu.vector_load_idx %arg24[%add3A_1277, %broadcast_in_dim3A_285] : memref<900x4xf32, #tpu.memory_space<vmem>>[vector<16xi32>, vector<16xi32>], vector<16xf32>,
      %gather3A_1287 = tpu.vector_load_idx %arg24[%add3A_1277, %broadcast_in_dim3A_287] : memref<900x4xf32, #tpu.memory_space<vmem>>[vector<16xi32>, vector<16xi32>], vector<16xf32>,
      %mul3A_1288 = arith.constant 5.000000e-01 : f32
      %mul3A_1289 = vector.broadcast %mul3A_1288 : f32 to vector<16xf32>
      %mul3A_1290 = arith.mulf %mul3A_1289, %gather3A_1286 : vector<16xf32>
      %sub3A_1291 = arith.subf %gather3A_1284, %mul3A_1290 : vector<16xf32>
      %mul3A_1292 = arith.mulf %sub3A_1291, %broadcast_in_dim3A_282 : vector<16xf32>
      %mul3A_1293 = arith.constant 5.000000e-01 : f32
      %mul3A_1294 = vector.broadcast %mul3A_1293 : f32 to vector<16xf32>
      %mul3A_1295 = arith.mulf %mul3A_1294, %gather3A_1287 : vector<16xf32>
      %sub3A_1296 = arith.subf %gather3A_1285, %mul3A_1295 : vector<16xf32>
      %mul3A_1297 = arith.mulf %sub3A_1296, %broadcast_in_dim3A_283 : vector<16xf32>
      %mul3A_1298 = arith.constant 5.000000e-01 : f32
      %mul3A_1299 = vector.broadcast %mul3A_1298 : f32 to vector<16xf32>
      %mul3A_1300 = arith.mulf %mul3A_1299, %gather3A_1286 : vector<16xf32>
      %add3A_1301 = arith.addf %gather3A_1284, %mul3A_1300 : vector<16xf32>
      %mul3A_1302 = arith.mulf %add3A_1301, %broadcast_in_dim3A_282 : vector<16xf32>
      %mul3A_1303 = arith.constant 5.000000e-01 : f32
      %mul3A_1304 = vector.broadcast %mul3A_1303 : f32 to vector<16xf32>
      %mul3A_1305 = arith.mulf %mul3A_1304, %gather3A_1287 : vector<16xf32>
      %add3A_1306 = arith.addf %gather3A_1285, %mul3A_1305 : vector<16xf32>
      %mul3A_1307 = arith.mulf %add3A_1306, %broadcast_in_dim3A_283 : vector<16xf32>
      %mul3A_1308 = arith.constant 4 : i32
      %mul3A_1309 = vector.broadcast %mul3A_1308 : i32 to vector<16xi32>
      %mul3A_1310 = arith.muli %iota3A, %mul3A_1309 : vector<16xi32>
      %add3A_1311 = arith.constant 1024 : i32
      %add3A_1312 = vector.broadcast %add3A_1311 : i32 to vector<16xi32>
      %add3A_1313 = arith.addi %add3A_1312, %mul3A_1310 : vector<16xi32>
      tpu.vector_store_idx %arg23[%add3A_1313], %mul3A_1292 : memref<1216xf32, #tpu.memory_space<vmem>>[vector<16xi32>], vector<16xf32>,
      %add3A_1314 = arith.constant 1 : i32
      %add3A_1315 = vector.broadcast %add3A_1314 : i32 to vector<16xi32>
      %add3A_1316 = arith.addi %add3A_1313, %add3A_1315 : vector<16xi32>
      tpu.vector_store_idx %arg23[%add3A_1316], %mul3A_1297 : memref<1216xf32, #tpu.memory_space<vmem>>[vector<16xi32>], vector<16xf32>,
      %add3A_1317 = arith.constant 2 : i32
      %add3A_1318 = vector.broadcast %add3A_1317 : i32 to vector<16xi32>
      %add3A_1319 = arith.addi %add3A_1313, %add3A_1318 : vector<16xi32>
      tpu.vector_store_idx %arg23[%add3A_1319], %mul3A_1302 : memref<1216xf32, #tpu.memory_space<vmem>>[vector<16xi32>], vector<16xf32>,
      %add3A_1320 = arith.constant 3 : i32
      %add3A_1321 = vector.broadcast %add3A_1320 : i32 to vector<16xi32>
      %add3A_1322 = arith.addi %add3A_1313, %add3A_1321 : vector<16xi32>
      tpu.vector_store_idx %arg23[%add3A_1322], %mul3A_1307 : memref<1216xf32, #tpu.memory_space<vmem>>[vector<16xi32>], vector<16xf32>,
      %get3A_1323 = arith.constant 272 : index
      %get3A_1324 = tpu.vector_load %arg21[%get3A_1323] {strides = array<i32>} : memref<304xi32, #tpu.memory_space<vmem>>, vector<16xi32>,
      %mul3A_1325 = arith.constant 5762 : i32
      %mul3A_1326 = vector.broadcast %mul3A_1325 : i32 to vector<16xi32>
      %mul3A_1327 = arith.muli %get3A_1324, %mul3A_1326 : vector<16xi32>
      %shift_right_arithmetic3A_1328 = arith.constant 19 : i32
      %shift_right_arithmetic3A_1329 = vector.broadcast %shift_right_arithmetic3A_1328 : i32 to vector<16xi32>
      %shift_right_arithmetic3A_1330 = arith.shrsi %mul3A_1327, %shift_right_arithmetic3A_1329 : vector<16xi32>
      %mul3A_1331 = arith.constant 91 : i32
      %mul3A_1332 = vector.broadcast %mul3A_1331 : i32 to vector<16xi32>
      %mul3A_1333 = arith.muli %shift_right_arithmetic3A_1330, %mul3A_1332 : vector<16xi32>
      %sub3A_1334 = arith.subi %get3A_1324, %mul3A_1333 : vector<16xi32>
      %shift_right_arithmetic3A_1335 = arith.constant 31 : i32
      %shift_right_arithmetic3A_1336 = vector.broadcast %shift_right_arithmetic3A_1335 : i32 to vector<16xi32>
      %shift_right_arithmetic3A_1337 = arith.shrsi %sub3A_1334, %shift_right_arithmetic3A_1336 : vector<16xi32>
      %add3A_1338 = arith.addi %shift_right_arithmetic3A_1330, %shift_right_arithmetic3A_1337 : vector<16xi32>
      %mul3A_1339 = arith.constant 91 : i32
      %mul3A_1340 = vector.broadcast %mul3A_1339 : i32 to vector<16xi32>
      %mul3A_1341 = arith.muli %add3A_1338, %mul3A_1340 : vector<16xi32>
      %sub3A_1342 = arith.subi %get3A_1324, %mul3A_1341 : vector<16xi32>
      %swap3A_1343 = arith.constant 272 : index
      %swap3A_1344 = tpu.vector_load %arg22[%swap3A_1343] {strides = array<i32>} : memref<304xi32, #tpu.memory_space<vmem>>, vector<16xi32>,
      tpu.vector_store %arg22[%swap3A_1343], %sub3A_1342 {strides = array<i32>} : memref<304xi32, #tpu.memory_space<vmem>>, vector<16xi32>,
      %gather3A_1345 = tpu.vector_load_idx %arg24[%add3A_1338, %broadcast_in_dim3A_3] : memref<900x4xf32, #tpu.memory_space<vmem>>[vector<16xi32>, vector<16xi32>], vector<16xf32>,
      %gather3A_1346 = tpu.vector_load_idx %arg24[%add3A_1338, %broadcast_in_dim3A_1] : memref<900x4xf32, #tpu.memory_space<vmem>>[vector<16xi32>, vector<16xi32>], vector<16xf32>,
      %gather3A_1347 = tpu.vector_load_idx %arg24[%add3A_1338, %broadcast_in_dim3A_285] : memref<900x4xf32, #tpu.memory_space<vmem>>[vector<16xi32>, vector<16xi32>], vector<16xf32>,
      %gather3A_1348 = tpu.vector_load_idx %arg24[%add3A_1338, %broadcast_in_dim3A_287] : memref<900x4xf32, #tpu.memory_space<vmem>>[vector<16xi32>, vector<16xi32>], vector<16xf32>,
      %mul3A_1349 = arith.constant 5.000000e-01 : f32
      %mul3A_1350 = vector.broadcast %mul3A_1349 : f32 to vector<16xf32>
      %mul3A_1351 = arith.mulf %mul3A_1350, %gather3A_1347 : vector<16xf32>
      %sub3A_1352 = arith.subf %gather3A_1345, %mul3A_1351 : vector<16xf32>
      %mul3A_1353 = arith.mulf %sub3A_1352, %broadcast_in_dim3A_282 : vector<16xf32>
      %mul3A_1354 = arith.constant 5.000000e-01 : f32
      %mul3A_1355 = vector.broadcast %mul3A_1354 : f32 to vector<16xf32>
      %mul3A_1356 = arith.mulf %mul3A_1355, %gather3A_1348 : vector<16xf32>
      %sub3A_1357 = arith.subf %gather3A_1346, %mul3A_1356 : vector<16xf32>
      %mul3A_1358 = arith.mulf %sub3A_1357, %broadcast_in_dim3A_283 : vector<16xf32>
      %mul3A_1359 = arith.constant 5.000000e-01 : f32
      %mul3A_1360 = vector.broadcast %mul3A_1359 : f32 to vector<16xf32>
      %mul3A_1361 = arith.mulf %mul3A_1360, %gather3A_1347 : vector<16xf32>
      %add3A_1362 = arith.addf %gather3A_1345, %mul3A_1361 : vector<16xf32>
      %mul3A_1363 = arith.mulf %add3A_1362, %broadcast_in_dim3A_282 : vector<16xf32>
      %mul3A_1364 = arith.constant 5.000000e-01 : f32
      %mul3A_1365 = vector.broadcast %mul3A_1364 : f32 to vector<16xf32>
      %mul3A_1366 = arith.mulf %mul3A_1365, %gather3A_1348 : vector<16xf32>
      %add3A_1367 = arith.addf %gather3A_1346, %mul3A_1366 : vector<16xf32>
      %mul3A_1368 = arith.mulf %add3A_1367, %broadcast_in_dim3A_283 : vector<16xf32>
      %mul3A_1369 = arith.constant 4 : i32
      %mul3A_1370 = vector.broadcast %mul3A_1369 : i32 to vector<16xi32>
      %mul3A_1371 = arith.muli %iota3A, %mul3A_1370 : vector<16xi32>
      %add3A_1372 = arith.constant 1088 : i32
      %add3A_1373 = vector.broadcast %add3A_1372 : i32 to vector<16xi32>
      %add3A_1374 = arith.addi %add3A_1373, %mul3A_1371 : vector<16xi32>
      tpu.vector_store_idx %arg23[%add3A_1374], %mul3A_1353 : memref<1216xf32, #tpu.memory_space<vmem>>[vector<16xi32>], vector<16xf32>,
      %add3A_1375 = arith.constant 1 : i32
      %add3A_1376 = vector.broadcast %add3A_1375 : i32 to vector<16xi32>
      %add3A_1377 = arith.addi %add3A_1374, %add3A_1376 : vector<16xi32>
      tpu.vector_store_idx %arg23[%add3A_1377], %mul3A_1358 : memref<1216xf32, #tpu.memory_space<vmem>>[vector<16xi32>], vector<16xf32>,
      %add3A_1378 = arith.constant 2 : i32
      %add3A_1379 = vector.broadcast %add3A_1378 : i32 to vector<16xi32>
      %add3A_1380 = arith.addi %add3A_1374, %add3A_1379 : vector<16xi32>
      tpu.vector_store_idx %arg23[%add3A_1380], %mul3A_1363 : memref<1216xf32, #tpu.memory_space<vmem>>[vector<16xi32>], vector<16xf32>,
      %add3A_1381 = arith.constant 3 : i32
      %add3A_1382 = vector.broadcast %add3A_1381 : i32 to vector<16xi32>
      %add3A_1383 = arith.addi %add3A_1374, %add3A_1382 : vector<16xi32>
      tpu.vector_store_idx %arg23[%add3A_1383], %mul3A_1368 : memref<1216xf32, #tpu.memory_space<vmem>>[vector<16xi32>], vector<16xf32>,
      %get3A_1384 = arith.constant 288 : index
      %get3A_1385 = tpu.vector_load %arg21[%get3A_1384] {strides = array<i32>} : memref<304xi32, #tpu.memory_space<vmem>>, vector<16xi32>,
      %mul3A_1386 = arith.constant 5762 : i32
      %mul3A_1387 = vector.broadcast %mul3A_1386 : i32 to vector<16xi32>
      %mul3A_1388 = arith.muli %get3A_1385, %mul3A_1387 : vector<16xi32>
      %shift_right_arithmetic3A_1389 = arith.constant 19 : i32
      %shift_right_arithmetic3A_1390 = vector.broadcast %shift_right_arithmetic3A_1389 : i32 to vector<16xi32>
      %shift_right_arithmetic3A_1391 = arith.shrsi %mul3A_1388, %shift_right_arithmetic3A_1390 : vector<16xi32>
      %mul3A_1392 = arith.constant 91 : i32
      %mul3A_1393 = vector.broadcast %mul3A_1392 : i32 to vector<16xi32>
      %mul3A_1394 = arith.muli %shift_right_arithmetic3A_1391, %mul3A_1393 : vector<16xi32>
      %sub3A_1395 = arith.subi %get3A_1385, %mul3A_1394 : vector<16xi32>
      %shift_right_arithmetic3A_1396 = arith.constant 31 : i32
      %shift_right_arithmetic3A_1397 = vector.broadcast %shift_right_arithmetic3A_1396 : i32 to vector<16xi32>
      %shift_right_arithmetic3A_1398 = arith.shrsi %sub3A_1395, %shift_right_arithmetic3A_1397 : vector<16xi32>
      %add3A_1399 = arith.addi %shift_right_arithmetic3A_1391, %shift_right_arithmetic3A_1398 : vector<16xi32>
      %mul3A_1400 = arith.constant 91 : i32
      %mul3A_1401 = vector.broadcast %mul3A_1400 : i32 to vector<16xi32>
      %mul3A_1402 = arith.muli %add3A_1399, %mul3A_1401 : vector<16xi32>
      %sub3A_1403 = arith.subi %get3A_1385, %mul3A_1402 : vector<16xi32>
      %swap3A_1404 = arith.constant 288 : index
      %swap3A_1405 = tpu.vector_load %arg22[%swap3A_1404] {strides = array<i32>} : memref<304xi32, #tpu.memory_space<vmem>>, vector<16xi32>,
      tpu.vector_store %arg22[%swap3A_1404], %sub3A_1403 {strides = array<i32>} : memref<304xi32, #tpu.memory_space<vmem>>, vector<16xi32>,
      %gather3A_1406 = tpu.vector_load_idx %arg24[%add3A_1399, %broadcast_in_dim3A_3] : memref<900x4xf32, #tpu.memory_space<vmem>>[vector<16xi32>, vector<16xi32>], vector<16xf32>,
      %gather3A_1407 = tpu.vector_load_idx %arg24[%add3A_1399, %broadcast_in_dim3A_1] : memref<900x4xf32, #tpu.memory_space<vmem>>[vector<16xi32>, vector<16xi32>], vector<16xf32>,
      %gather3A_1408 = tpu.vector_load_idx %arg24[%add3A_1399, %broadcast_in_dim3A_285] : memref<900x4xf32, #tpu.memory_space<vmem>>[vector<16xi32>, vector<16xi32>], vector<16xf32>,
      %gather3A_1409 = tpu.vector_load_idx %arg24[%add3A_1399, %broadcast_in_dim3A_287] : memref<900x4xf32, #tpu.memory_space<vmem>>[vector<16xi32>, vector<16xi32>], vector<16xf32>,
      %mul3A_1410 = arith.constant 5.000000e-01 : f32
      %mul3A_1411 = vector.broadcast %mul3A_1410 : f32 to vector<16xf32>
      %mul3A_1412 = arith.mulf %mul3A_1411, %gather3A_1408 : vector<16xf32>
      %sub3A_1413 = arith.subf %gather3A_1406, %mul3A_1412 : vector<16xf32>
      %mul3A_1414 = arith.mulf %sub3A_1413, %broadcast_in_dim3A_282 : vector<16xf32>
      %mul3A_1415 = arith.constant 5.000000e-01 : f32
      %mul3A_1416 = vector.broadcast %mul3A_1415 : f32 to vector<16xf32>
      %mul3A_1417 = arith.mulf %mul3A_1416, %gather3A_1409 : vector<16xf32>
      %sub3A_1418 = arith.subf %gather3A_1407, %mul3A_1417 : vector<16xf32>
      %mul3A_1419 = arith.mulf %sub3A_1418, %broadcast_in_dim3A_283 : vector<16xf32>
      %mul3A_1420 = arith.constant 5.000000e-01 : f32
      %mul3A_1421 = vector.broadcast %mul3A_1420 : f32 to vector<16xf32>
      %mul3A_1422 = arith.mulf %mul3A_1421, %gather3A_1408 : vector<16xf32>
      %add3A_1423 = arith.addf %gather3A_1406, %mul3A_1422 : vector<16xf32>
      %mul3A_1424 = arith.mulf %add3A_1423, %broadcast_in_dim3A_282 : vector<16xf32>
      %mul3A_1425 = arith.constant 5.000000e-01 : f32
      %mul3A_1426 = vector.broadcast %mul3A_1425 : f32 to vector<16xf32>
      %mul3A_1427 = arith.mulf %mul3A_1426, %gather3A_1409 : vector<16xf32>
      %add3A_1428 = arith.addf %gather3A_1407, %mul3A_1427 : vector<16xf32>
      %mul3A_1429 = arith.mulf %add3A_1428, %broadcast_in_dim3A_283 : vector<16xf32>
      %mul3A_1430 = arith.constant 4 : i32
      %mul3A_1431 = vector.broadcast %mul3A_1430 : i32 to vector<16xi32>
      %mul3A_1432 = arith.muli %iota3A, %mul3A_1431 : vector<16xi32>
      %add3A_1433 = arith.constant 1152 : i32
      %add3A_1434 = vector.broadcast %add3A_1433 : i32 to vector<16xi32>
      %add3A_1435 = arith.addi %add3A_1434, %mul3A_1432 : vector<16xi32>
      tpu.vector_store_idx %arg23[%add3A_1435], %mul3A_1414 : memref<1216xf32, #tpu.memory_space<vmem>>[vector<16xi32>], vector<16xf32>,
      %add3A_1436 = arith.constant 1 : i32
      %add3A_1437 = vector.broadcast %add3A_1436 : i32 to vector<16xi32>
      %add3A_1438 = arith.addi %add3A_1435, %add3A_1437 : vector<16xi32>
      tpu.vector_store_idx %arg23[%add3A_1438], %mul3A_1419 : memref<1216xf32, #tpu.memory_space<vmem>>[vector<16xi32>], vector<16xf32>,
      %add3A_1439 = arith.constant 2 : i32
      %add3A_1440 = vector.broadcast %add3A_1439 : i32 to vector<16xi32>
      %add3A_1441 = arith.addi %add3A_1435, %add3A_1440 : vector<16xi32>
      tpu.vector_store_idx %arg23[%add3A_1441], %mul3A_1424 : memref<1216xf32, #tpu.memory_space<vmem>>[vector<16xi32>], vector<16xf32>,
      %add3A_1442 = arith.constant 3 : i32
      %add3A_1443 = vector.broadcast %add3A_1442 : i32 to vector<16xi32>
      %add3A_1444 = arith.addi %add3A_1435, %add3A_1443 : vector<16xi32>
      tpu.vector_store_idx %arg23[%add3A_1444], %mul3A_1429 : memref<1216xf32, #tpu.memory_space<vmem>>[vector<16xi32>], vector<16xf32>,
      "tpu.region"() ({
        %run_scoped3A = tpu.sem_alloc : memref<!tpu.dma_semaphore, #tpu.memory_space<semaphore_mem>>
        %dma_start3A = arith.constant 0 : i32
        %dma_start3A_1446 = tpu.memref_slice %arg5[%add3A_20, %dma_start3A] : memref<64x304xi32, #tpu.memory_space<hbm>> -> memref<1x304xi32, #tpu.memory_space<hbm>>
        %dma_start3A_1447 = tpu.memref_squeeze %dma_start3A_1446 : memref<1x304xi32, #tpu.memory_space<hbm>> -> memref<304xi32, #tpu.memory_space<hbm>>
        %dma_start3A_1448 = arith.constant 0 : i32
        %dma_start3A_1449 = tpu.memref_slice %arg5[%add3A_20, %dma_start3A_1448] : memref<64x304xi32, #tpu.memory_space<hbm>> -> memref<1x304xi32, #tpu.memory_space<hbm>>
        %dma_start3A_1450 = tpu.memref_squeeze %dma_start3A_1449 : memref<1x304xi32, #tpu.memory_space<hbm>> -> memref<304xi32, #tpu.memory_space<hbm>>
        tpu.enqueue_dma source(%arg20 : memref<304xi32, #tpu.memory_space<vmem>>) target(%dma_start3A_1450 : memref<304xi32, #tpu.memory_space<hbm>>) target_semaphore(%run_scoped3A : memref<!tpu.dma_semaphore, #tpu.memory_space<semaphore_mem>>)
        %dma_wait3A = arith.constant 0 : i32
        %dma_wait3A_1451 = tpu.memref_slice %arg5[%add3A_20, %dma_wait3A] : memref<64x304xi32, #tpu.memory_space<hbm>> -> memref<1x304xi32, #tpu.memory_space<hbm>>
        %dma_wait3A_1452 = tpu.memref_squeeze %dma_wait3A_1451 : memref<1x304xi32, #tpu.memory_space<hbm>> -> memref<304xi32, #tpu.memory_space<hbm>>
        %dma_wait3A_1453 = arith.constant 0 : i32
        %dma_wait3A_1454 = tpu.memref_slice %arg5[%add3A_20, %dma_wait3A_1453] : memref<64x304xi32, #tpu.memory_space<hbm>> -> memref<1x304xi32, #tpu.memory_space<hbm>>
        %dma_wait3A_1455 = tpu.memref_squeeze %dma_wait3A_1454 : memref<1x304xi32, #tpu.memory_space<hbm>> -> memref<304xi32, #tpu.memory_space<hbm>>
        tpu.wait_dma2 semaphore(%run_scoped3A : memref<!tpu.dma_semaphore, #tpu.memory_space<semaphore_mem>>) src(%arg20 : memref<304xi32, #tpu.memory_space<vmem>>) dst(%dma_wait3A_1455 : memref<304xi32, #tpu.memory_space<hbm>>)
        tpu.yield
      }) : () -> ()
      "tpu.region"() ({
        %run_scoped3A = tpu.sem_alloc : memref<!tpu.dma_semaphore, #tpu.memory_space<semaphore_mem>>
        %dma_start3A = arith.constant 0 : i32
        %dma_start3A_1446 = tpu.memref_slice %arg6[%add3A_20, %dma_start3A] : memref<64x304xi32, #tpu.memory_space<hbm>> -> memref<1x304xi32, #tpu.memory_space<hbm>>
        %dma_start3A_1447 = tpu.memref_squeeze %dma_start3A_1446 : memref<1x304xi32, #tpu.memory_space<hbm>> -> memref<304xi32, #tpu.memory_space<hbm>>
        %dma_start3A_1448 = arith.constant 0 : i32
        %dma_start3A_1449 = tpu.memref_slice %arg6[%add3A_20, %dma_start3A_1448] : memref<64x304xi32, #tpu.memory_space<hbm>> -> memref<1x304xi32, #tpu.memory_space<hbm>>
        %dma_start3A_1450 = tpu.memref_squeeze %dma_start3A_1449 : memref<1x304xi32, #tpu.memory_space<hbm>> -> memref<304xi32, #tpu.memory_space<hbm>>
        tpu.enqueue_dma source(%arg22 : memref<304xi32, #tpu.memory_space<vmem>>) target(%dma_start3A_1450 : memref<304xi32, #tpu.memory_space<hbm>>) target_semaphore(%run_scoped3A : memref<!tpu.dma_semaphore, #tpu.memory_space<semaphore_mem>>)
        %dma_wait3A = arith.constant 0 : i32
        %dma_wait3A_1451 = tpu.memref_slice %arg6[%add3A_20, %dma_wait3A] : memref<64x304xi32, #tpu.memory_space<hbm>> -> memref<1x304xi32, #tpu.memory_space<hbm>>
        %dma_wait3A_1452 = tpu.memref_squeeze %dma_wait3A_1451 : memref<1x304xi32, #tpu.memory_space<hbm>> -> memref<304xi32, #tpu.memory_space<hbm>>
        %dma_wait3A_1453 = arith.constant 0 : i32
        %dma_wait3A_1454 = tpu.memref_slice %arg6[%add3A_20, %dma_wait3A_1453] : memref<64x304xi32, #tpu.memory_space<hbm>> -> memref<1x304xi32, #tpu.memory_space<hbm>>
        %dma_wait3A_1455 = tpu.memref_squeeze %dma_wait3A_1454 : memref<1x304xi32, #tpu.memory_space<hbm>> -> memref<304xi32, #tpu.memory_space<hbm>>
        tpu.wait_dma2 semaphore(%run_scoped3A : memref<!tpu.dma_semaphore, #tpu.memory_space<semaphore_mem>>) src(%arg22 : memref<304xi32, #tpu.memory_space<vmem>>) dst(%dma_wait3A_1455 : memref<304xi32, #tpu.memory_space<hbm>>)
        tpu.yield
      }) : () -> ()
      "tpu.region"() ({
        %run_scoped3A = tpu.sem_alloc : memref<!tpu.dma_semaphore, #tpu.memory_space<semaphore_mem>>
        %dma_start3A = arith.constant 0 : i32
        %dma_start3A_1446 = tpu.memref_slice %arg7[%add3A_20, %dma_start3A] : memref<64x1216xf32, #tpu.memory_space<hbm>> -> memref<1x1216xf32, #tpu.memory_space<hbm>>
        %dma_start3A_1447 = tpu.memref_squeeze %dma_start3A_1446 : memref<1x1216xf32, #tpu.memory_space<hbm>> -> memref<1216xf32, #tpu.memory_space<hbm>>
        %dma_start3A_1448 = arith.constant 0 : i32
        %dma_start3A_1449 = tpu.memref_slice %arg7[%add3A_20, %dma_start3A_1448] : memref<64x1216xf32, #tpu.memory_space<hbm>> -> memref<1x1216xf32, #tpu.memory_space<hbm>>
        %dma_start3A_1450 = tpu.memref_squeeze %dma_start3A_1449 : memref<1x1216xf32, #tpu.memory_space<hbm>> -> memref<1216xf32, #tpu.memory_space<hbm>>
        tpu.enqueue_dma source(%arg23 : memref<1216xf32, #tpu.memory_space<vmem>>) target(%dma_start3A_1450 : memref<1216xf32, #tpu.memory_space<hbm>>) target_semaphore(%run_scoped3A : memref<!tpu.dma_semaphore, #tpu.memory_space<semaphore_mem>>)
        %dma_wait3A = arith.constant 0 : i32
        %dma_wait3A_1451 = tpu.memref_slice %arg7[%add3A_20, %dma_wait3A] : memref<64x1216xf32, #tpu.memory_space<hbm>> -> memref<1x1216xf32, #tpu.memory_space<hbm>>
        %dma_wait3A_1452 = tpu.memref_squeeze %dma_wait3A_1451 : memref<1x1216xf32, #tpu.memory_space<hbm>> -> memref<1216xf32, #tpu.memory_space<hbm>>
        %dma_wait3A_1453 = arith.constant 0 : i32
        %dma_wait3A_1454 = tpu.memref_slice %arg7[%add3A_20, %dma_wait3A_1453] : memref<64x1216xf32, #tpu.memory_space<hbm>> -> memref<1x1216xf32, #tpu.memory_space<hbm>>
        %dma_wait3A_1455 = tpu.memref_squeeze %dma_wait3A_1454 : memref<1x1216xf32, #tpu.memory_space<hbm>> -> memref<1216xf32, #tpu.memory_space<hbm>>
        tpu.wait_dma2 semaphore(%run_scoped3A : memref<!tpu.dma_semaphore, #tpu.memory_space<semaphore_mem>>) src(%arg23 : memref<1216xf32, #tpu.memory_space<vmem>>) dst(%dma_wait3A_1455 : memref<1216xf32, #tpu.memory_space<hbm>>)
        tpu.yield
      }) : () -> ()
      %scan3A_1445 = arith.constant 0 : i32
      scf.yield %scan3A_1445 : i32
    }
    %scan3A_15 = arith.constant 2 : i32
    return
  }
}

</mosaic_0001>

<sc_bundles>
// kernel: kernel.3.cloned.1.call-start
scs
__scs_entry_jumppad:
0x0: {  	(pc) =	sbr.rel $0x88, $3  }
0x1: {  	(tag) =	ssettag $0x0;
	lr =	simm.s32 $0x1  }
0x2: {  	[smem:$0x3F9E] =	sst lr;
	_ =	strace $0xD0000000  }
0x3: {  	_ = 	snop  }
0x4: {  	_ = 	snop  }
0x5: {  	_ = 	snop  }
0x6: {  	_ = 	snop  }
0x7: {  	_ = 	snop  }
__scs_overlays_trampoline_lowered:
0x8: {  	[smem:$0x3FAD] =	sst s0  }
0x9: {  	[smem:$0x3FAE] =	sst s1  }
0xa: {  	[smem:$0x3FAF] =	sst s2  }
0xb: {  	[smem:$0x3FB0] =	sst s3  }
0xc: {  	[smem:$0x3FB1] =	sst s4  }
0xd: {  	[smem:$0x3FB2] =	sst s5  }
0xe: {  	[smem:$0x3FB3] =	sst s6  }
0xf: {  	[smem:$0x3FB4] =	sst s7  }
0x10: {  	[smem:$0x3FB5] =	sst s8  }
0x11: {  	[smem:$0x3FB6] =	sst s9;
	s0 =	simm.s32 @!p0 $0x0  }
0x12: {  	s1 =	sld [smem:$0x3F9C];
	s0 =	simm.s32 @p0 $0x1  }
0x13: {  	[smem:$0x3FB7] =	sst s0;
	s0 =	simm.s32 @!p1 $0x0  }
0x14: {  	s2 =	sld [smem:$0x3F9B];
	s0 =	simm.s32 @p1 $0x1  }
0x15: {  	[smem:$0x3FB8] =	sst s0;
	s0 =	simm.s32 @!p2 $0x0  }
0x16: {  	s3 =	sld [smem:$0x3FDB];
	s0 =	simm.s32 @p2 $0x1  }
0x17: {  	s4 =	simm.s32 $0x1BF5;
	[smem:$0x3FBA] =	sst s0  }
0x18: {  	s0 =	sld [smem:$0x3F9D];
	_ =	swait.ge [sflag:s4], $0x0  }
0x19: {  	s7 =	sld [smem:$0x3F9E]  }
0x1a: {  	s8 =	sadd.s32 $0xFFFFE003, lr  }
0x1b: {  	s9 =	sadd.s32 $0xFFFFFEF7, lr;
	s5 =	simm.s32 $0xFFFFFFFF;
	p2 =	slt.u32 s8, $0xFFFFF086  }
0x1c: {  	p1 =	slt.u32 s9, $0xF7A;
	s5 =	simm.s32 @!p2 $0x0  }
0x1d: {  	s5 =	simm.s32 @p1 $0x1;
	p0 =	seq.s32 s7, s2  }
0x1e: {  	s7 =	smul.u32 @!p0 $0xF7A, s2;
	p2 =	seq.s32 @!p0 s5, $0x0  }
0x1f: {  	s9 =	smul.u32 $0xF7A, s1;
	s8 =	simm.s32 @!p0 $0x1BF5;
	p2 =	por !p2, p0  }
0x20: {  	[sflag:s8] =	ssyncset.s32 @!p0 $0xFFFFF086;
	s6 =	sadd.s32 @!p0 s3, s7;
	s7 =	simm.s32 @!p0 $0x108  }
0x21: {  	s3 =	sadd.s32 s3, s9;
	s6 =	sadd.s32 @!p0 $0x88, s6;
	s7 =	simm.s32 @p2 $0x1082  }
0x22: {  	[simem:s7], [sflag:s8] =	dma.local @!p0 [hbm:s6], $0xF7A  }
0x23: {  	s9 =	sor.u32 $0xD0000000, s2;
	s6 =	simm.s32 $0x108;
	_ =	swait.ge @!p0 [sflag:s8], $0x0  }
0x24: {  	s3 =	sadd.s32 $0x88, s3;
	s6 =	simm.s32 @!p1 $0x1082;
	[sflag:s4] =	ssyncset.s32 $0xFFFFF086  }
0x25: {  	[simem:s6], [sflag:s4] =	dma.local [hbm:s3], $0xF7A  }
0x26: {  	[smem:$0x3F9E] =	sst s1;
	(tag) =	ssettag s2;
	_ =	strace s9  }
0x27: {  	s1 =	sld [smem:$0x3FAE]  }
0x28: {  	s2 =	sld [smem:$0x3FAF]  }
0x29: {  	s4 =	sld [smem:$0x3FB1]  }
0x2a: {  	p0 =	seq.s32 s5, $0x0;
	s5 =	sld [smem:$0x3FB2]  }
0x2b: {  	s6 =	sld [smem:$0x3FB3]  }
0x2c: {  	s7 =	sld [smem:$0x3FB4]  }
0x2d: {  	s3 =	simm.s32 $0x108;
	s8 =	sld [smem:$0x3FB5]  }
0x2e: {  	s3 =	simm.s32 @!p0 $0x1082;
	s9 =	sld [smem:$0x3FB6]  }
0x2f: {  	lr =	sadd.s32 s0, s3;
	s0 =	sld [smem:$0x3FAD]  }
0x30: {  	s3 =	sld [smem:$0x3FB0]  }
0x31: {  	[smem:$0x3FB9] =	sst s10  }
0x32: {  	s10 =	sld [smem:$0x3FB7];
	_ =	sdelay $0x3  }
0x33: {  	p0 =	seq.s32 s10, $0x1;
	s10 =	sld [smem:$0x3FB9];
	_ =	sdelay $0x3  }
0x34: {  	[smem:$0x3FB9] =	sst s10  }
0x35: {  	s10 =	sld [smem:$0x3FB8];
	_ =	sdelay $0x3  }
0x36: {  	p1 =	seq.s32 s10, $0x1;
	s10 =	sld [smem:$0x3FB9];
	_ =	sdelay $0x3  }
0x37: {  	[smem:$0x3FB9] =	sst s10  }
0x38: {  	s10 =	sld [smem:$0x3FBA]  }
0x39: {  	_ = 	snop;
	(pc) =	sbr.ind lr, $3  }
0x3a: {  	_ = 	snop  }
0x3b: {  	_ = 	snop  }
0x3c: {  	p2 =	seq.s32 s10, $0x1;
	s10 =	sld [smem:$0x3FB9]  }
0x3d: {  	_ =	shalt  }
0x3e: {  	_ =	shalt  }
0x3f: {  	_ =	shalt  }
0x40: {  	_ =	shalt  }
0x41: {  	_ =	shalt  }
0x42: {  	_ =	shalt  }
0x43: {  	_ =	shalt  }
0x44: {  	_ =	shalt  }
0x45: {  	_ =	shalt  }
0x46: {  	_ =	shalt  }
0x47: {  	_ =	shalt  }
0x48: {  	_ =	shalt  }
0x49: {  	_ =	shalt  }
0x4a: {  	_ =	shalt  }
0x4b: {  	_ =	shalt  }
0x4c: {  	_ =	shalt  }
0x4d: {  	_ =	shalt  }
0x4e: {  	_ =	shalt  }
0x4f: {  	_ =	shalt  }
0x50: {  	_ =	shalt  }
0x51: {  	_ =	shalt  }
0x52: {  	_ =	shalt  }
0x53: {  	_ =	shalt  }
0x54: {  	_ =	shalt  }
0x55: {  	_ =	shalt  }
0x56: {  	_ =	shalt  }
0x57: {  	_ =	shalt  }
0x58: {  	_ =	shalt  }
0x59: {  	_ =	shalt  }
0x5a: {  	_ =	shalt  }
0x5b: {  	_ =	shalt  }
0x5c: {  	_ =	shalt  }
0x5d: {  	_ =	shalt  }
0x5e: {  	_ =	shalt  }
0x5f: {  	_ =	shalt  }
0x60: {  	_ =	shalt  }
0x61: {  	_ =	shalt  }
0x62: {  	_ =	shalt  }
0x63: {  	_ =	shalt  }
0x64: {  	_ =	shalt  }
0x65: {  	_ =	shalt  }
0x66: {  	_ =	shalt  }
0x67: {  	_ =	shalt  }
0x68: {  	_ =	shalt  }
0x69: {  	_ =	shalt  }
0x6a: {  	_ =	shalt  }
0x6b: {  	_ =	shalt  }
0x6c: {  	_ =	shalt  }
0x6d: {  	_ =	shalt  }
0x6e: {  	_ =	shalt  }
0x6f: {  	_ =	shalt  }
0x70: {  	_ =	shalt  }
0x71: {  	_ =	shalt  }
0x72: {  	_ =	shalt  }
0x73: {  	_ =	shalt  }
0x74: {  	_ =	shalt  }
0x75: {  	_ =	shalt  }
0x76: {  	_ =	shalt  }
0x77: {  	_ =	shalt  }
0x78: {  	_ =	shalt  }
0x79: {  	_ =	shalt  }
0x7a: {  	_ =	shalt  }
0x7b: {  	_ =	shalt  }
0x7c: {  	_ =	shalt  }
0x7d: {  	_ =	shalt  }
0x7e: {  	_ =	shalt  }
0x7f: {  	_ =	shalt  }
0x80: {  	_ =	shalt  }
0x81: {  	_ =	shalt  }
0x82: {  	_ =	shalt  }
0x83: {  	_ =	shalt  }
0x84: {  	_ =	shalt  }
0x85: {  	_ =	shalt  }
0x86: {  	_ =	shalt  }
0x87: {  	_ =	shalt  }
.Lfunc_end0:
.L_simem_size_0:
called_computation_lowered:
.L_overlay_start_0:
0x88: {  	s2 =	sld [smem:$0x3FD9]  }
0x89: {  	s3 =	sld [smem:$0x3FFE];
	_ =	sdelay $0x1  }
0x8a: {  	s1 =	srdreg.scid  }
0x8b: {  	s0 =	sand.u32 $0x1, s1  }
0x8c: {  	s14 =	sshll.u32 s0, $0xA;
	s2 =	sadd.s32 s3, s2  }
0x8d: {  	s2 =	sadd.s32 s2, s14  }
0x8e: {  	[smem:$0x3FC5] =	sst s2  }
0x8f: {  	_ = 	snop  }
0x90: {  	s2 =	sld [smem:$0x3FD0];
	_ =	sdelay $0x2  }
0x91: {  	s15 =	simm.s32 $0xA;
	s4 =	simm.s32 $0x10  }
0x92: {  	[smem:s4], [sflag:s15] =	dma.local [hbm:s2], $0x1  }
0x93: {  	_ =	swait.eq [sflag:s15], $0x1  }
0x94: {  	s16 =	sld [smem:$0x10];
	[sflag:s15] =	ssyncset.done $0x0  }
0x95: {  	s17 =	sld [smem:$0x11];
	[sflag:s15] =	ssyncadd.s32 $0xFFFFFFFF  }
0x96: {  	s18 =	sld [smem:$0x12];
	(tm) =	ssettm $0x1  }
0x97: {  	s5 =	sld [smem:$0x3FFB];
	_ =	sdelay $0x3  }
0x98: {  	_ =	strace s5  }
0x99: {  	s5 =	sld [smem:$0x3FFC];
	_ =	sdelay $0x3  }
0x9a: {  	_ =	strace s5  }
0x9b: {  	s5 =	sld [smem:$0x3FFD];
	_ =	sdelay $0x3  }
0x9c: {  	_ =	strace s5  }
0x9d: {  	_ =	strace $0x8FFFFFFF  }
0x9e: {  	s19 =	sld [smem:$0x3FDB];
	_ =	sdelay $0x1  }
0x9f: {  	s6 =	simm.s32 $_scs_section_size  }
0xa0: {  	s7 =	simm.s32 $_size__tile_overlayer_lowered;
	s8 =	simm.s32 $_tile_overlayer_lowered  }
0xa1: {  	s22 =	simm.s32 $0x1BFF;
	s21 =	sshll.u32 s8, $0x1;
	s5 =	sadd.s32 s6, s19  }
0xa2: {  	s9 =	simm.s32 $0x0;
	s20 =	sshll.u32 s7, $0x1;
	s7 =	sadd.s32 s21, s5  }
0xa3: {  	[timem:s9], [sflag:s22] =	dma.local [hbm:s7], s20  }
0xa4: {  	_ =	swait.ge [sflag:s22], s20  }
0xa5: {  	s6 =	ssub.s32 $0x0, s20;
	[sflag:s22] =	ssyncset.done $0x0  }
0xa6: {  	[sflag:s22] =	ssyncadd.s32 s6;
	_ =	sdelay $0x1  }
0xa7: {  	s23 =	simm.s32 $0x1B8B  }
0xa8: {  	_ =	swait.ge [sflag:s23], $0x1  }
0xa9: {  	[sflag:s23] =	ssyncset.done $0x0  }
0xaa: {  	s25 =	simm.s32 $0x1B8E;
	s24 =	sld [smem:$0x3FFE];
	[sflag:s23] =	ssyncadd.s32 $0xFFFFFFFF  }
0xab: {  	s26 =	simm.s32 $execute0_lowered;
	[smem:$0x3FD2] =	sst s25  }
0xac: {  	s7 =	sshll.u32 s26, $0x1;
	_ =	strace $0x80000046;
	[dreg:$0x1] =	wrdreg $0xFFFFFFFF  }
0xad: {  	s28 =	simm.s32 $_size_execute0_lowered;
	s5 =	sadd.s32 s5, s7;
	[dreg:$0x0] =	wrdreg $0x0  }
0xae: {  	s7 =	sshll.u32 s28, $0x1;
	[dreg:$0x2] =	wrdreg s5  }
0xaf: {  	[dreg:$0x3] =	wrdreg s7  }
0xb0: {  	[dreg:$0x4] =	wrdreg $0xC0  }
0xb1: {  	_ =	task [dreg:s9], $0x5FFFF  }
0xb2: {  	[dreg:$0x1] =	wrdreg $0xFFFFFFFF  }
0xb3: {  	[dreg:$0x0] =	wrdreg $0x60  }
0xb4: {  	[dreg:$0x2] =	wrdreg s24  }
0xb5: {  	[dreg:$0x3] =	wrdreg s16  }
0xb6: {  	[dreg:$0x4] =	wrdreg s17  }
0xb7: {  	[dreg:$0x5] =	wrdreg s18  }
0xb8: {  	[dreg:$0x6] =	wrdreg $0x9  }
0xb9: {  	_ =	task.clear_ibuf [dreg:s9], $0x7FFFF;
	_ =	strace $0x90000046  }
0xba: {  	s29 =	simm.s32 $0x9;
	_ =	strace $0x80000048  }
0xbb: {  	_ =	swait.ge [sflag:s29], $0x1  }
0xbc: {  	[sflag:s29] =	ssyncadd.s32 $0xFFFFFFFF  }
0xbd: {  	_ =	strace $0x90000048  }
0xbe: {  	_ =	sfence  }
0xbf: {  	s30 =	sld [smem:$0x0];
	_ =	sdelay $0x2  }
0xc0: {  	s31 =	sshll.u32 s1, $0xD;
	s1 =	sshrl.u32 s1, $0x2  }
0xc1: {  	s3 =	sand.u32 $0x4000, s31;
	s1 =	sadd.s32 s1, s30  }
0xc2: {  	s0 =	sor.u32 s3, s0;
	s1 =	sshll.u32 s1, $0x11  }
0xc3: {  	s0 =	sor.u32 s1, s0  }
0xc4: {  	s0 =	sadd.s32 $0x8F2B, s0  }
0xc5: {  	[sflag:s0] =	ssyncadd.remote.s32 $0x1  }
0xc6: {  	_ =	sfence.sel $0xFFFF  }
0xc7: {  	[dreg:$0x0] =	wrdreg $0xFFFFFFFF;
	(pc) =	sbr.abs _section_cstart, $3  }
0xc8: {  	[dreg:$0x1] =	wrdreg $0xFFFFFFFF  }
0xc9: {  	_ =	task.clear_ibuf [dreg:s9], $0x2FFFF;
	_ =	strace $0x9FFFFFFF  }
0xca: {  	(tm) =	ssettm $0x7FFFFFFF  }
0xcb: {  	_ =	shalt  }
tec
execute0_lowered:
.L_overlay_start_1:
0x0: {  	(tag) =	ssettag $0x1  }
0x1: {  	s0 =	rddreg [dreg:$0x0]  }
0x2: {  	s1 =	rddreg [dreg:$0x1]  }
0x3: {  	s2 =	rddreg [dreg:$0x2]  }
0x4: {  	s3 =	rddreg [dreg:$0x3]  }
0x5: {  	s4 =	simm.s32 $0x0;
	s5 =	srdreg.scid;
	s29 =	stileid.u32  }
0x6: {  	s11 =	simm.s32 $0x1;
	s12 =	simm.s32 $0x1D320;
	s13 =	simm.s32 $0x1EF40  }
0x7: {  	s14 =	simm.s32 $0x13FF0;
	s15 =	simm.s32 $0x1A650;
	s16 =	simm.s32 $0x1B660  }
0x8: {  	s17 =	simm.s32 $0x15FF0;
	s18 =	simm.s32 $0x1C670;
	s19 =	simm.s32 $0x1C880  }
0x9: {  	s20 =	simm.s32 $0x1CE60;
	s21 =	simm.s32 $0x1CAD0;
	s9 =	sand.u32 $0x1, s5  }
0xa: {  	s22 =	simm.s32 $0x1CD30;
	[smem:$0x7FF] =	sst s4;
	s10 =	ssub.s32 $0x2, s9  }
0xb: {  	v0 =	vlaneseq.u32;
	s6 =	sadd.s32 $0xE00, s0;
	s7 =	sadd.s32 $0xA0E00, s0;
	s30 =	sshrl.u32 s10, $0x1  }
0xc: {  	v1 =	vimm.s32 $0x0;
	s8 =	sadd.s32 $0xAF000, s0;
	s31 =	sshll.u32 s29, $0x2;
	v2 =	vmul.u32 $0xFFFFFFFF, v0;
	s0 =	ssub.s32 s10, s30  }
0xd: {  	v3 =	vimm.s32 $0x80000000;
	v5 =	vimm.s32 $0x1;
	v4 =	vmul.u32 $0x200, v0;
	s5 =	simm.s32 $0x0;
	s9 =	sshll.u32 s9, $0x1;
	s0 =	smax.u32 s0, $0x1  }
0xe: {  	_ =	strace $0x80000047;
	s9 =	sor.u32 s9, s31;
	v6 =	vadd.s32 $0xF, v2;
	v7 =	vadd.s32 $0x8000001F, v2;
	v8 =	vadd.s32 $0x8000000F, v2;
	[dreg:$0x5] =	wrdreg s0  }
.LBB2_1:
0xf: {  	[dreg:$0x6] =	wrdreg s5;
	p1 =	por $0x1, $0x1;
	s0 =	simm.s32 $0x0  }
.LBB2_2:
0x10: {  	s24 =	sor.u32 s9, s0  }
0x11: {  	s0 =	smul.u32 $0x27FE, s24;
	_ =	sdelay $0x1  }
0x12: {  	s0 =	sadd.s32 s6, s0  }
0x13: {  	[tilespmem:s4], [sflag:$0x1] =	stream.linear.gather [hbm4b:s0+s4], $0x13FF0, $0x38;
	[tilespmem:$0x1EF50] =	vst v63  }
0x14: {  	s30 =	smul.u32 $0x384, s24;
	_ =	swait.ge [sflag:s11], $0x13FF0  }
0x15: {  	[sflag:s11] =	ssyncset.done $0x0  }
0x16: {  	s0 =	sadd.s32 s7, s30;
	[sflag:s11] =	ssyncadd.s32 $0xFFFEC010  }
0x17: {  	[tilespmem:s12], [sflag:$0x1] =	stream.linear.gather [hbm4b:s0+s4], $0x1C20, $0x38;
	[tilespmem:$0x1EF50] =	vst v63  }
0x18: {  	_ =	swait.ge [sflag:s11], $0x1C20  }
0x19: {  	s31 =	sshll.u32 s24, $0x1;
	[sflag:s11] =	ssyncset.done $0x0  }
0x1a: {  	s0 =	sadd.s32 s1, s31;
	[sflag:s11] =	ssyncadd.s32 $0xFFFFE3E0  }
0x1b: {  	[tilespmem:s13], [sflag:$0x1] =	stream.linear.gather [hbm4b:s0+s4], $0x10, $0x38;
	[tilespmem:$0x1EF50] =	vst v63  }
0x1c: {  	_ =	swait.ge [sflag:s11], $0x10  }
0x1d: {  	[sflag:s11] =	ssyncset.done $0x0  }
0x1e: {  	s25 =	simm.s32 $0x14030;
	[sflag:s11] =	ssyncadd.s32 $0xFFFFFFF0  }
0x1f: {  	[tilespmem:s25+$0xFFFFFFC0] =	vst v1  }
0x20: {  	[tilespmem:s25+$0x30] =	vst v1  }
0x21: {  	[tilespmem:s25+$0x20] =	vst v1  }
0x22: {  	[tilespmem:s25+$0x10] =	vst v1  }
0x23: {  	[tilespmem:s25+$0x0] =	vst v1  }
0x24: {  	[tilespmem:s25+$0xFFFFFFF0] =	vst v1  }
0x25: {  	p0 =	por p1, p1;
	s26 =	simm.s32 $0x0;
	[tilespmem:s25+$0xFFFFFFE0] =	vst v1  }
.LBB2_3:
0x26: {  	s26 =	sadd.s32 $0x8, s26;
	[tilespmem:s25+$0xFFFFFFD0] =	vst v1;
	s25 =	sadd.s32 $0x80, s25;
	s0 =	simm.s32 $0x16030  }
0x27: {  	[tilespmem:s25+$0xFFFFFFC0] =	vst v1;
	p1 =	slt.u32 s26, $0x1F8  }
0x28: {  	[tilespmem:s25+$0x30] =	vst v1  }
.Ltmp0:
0x29: {  	[tilespmem:s25+$0x20] =	vst v1;
	(pc) =	sbr.rel @p1 .LBB2_3-.Ltmp0, $4  }
0x2a: {  	[tilespmem:s25+$0x10] =	vst v1  }
0x2b: {  	[tilespmem:s25+$0x0] =	vst v1  }
0x2c: {  	[tilespmem:s25+$0xFFFFFFF0] =	vst v1  }
0x2d: {  	[tilespmem:s25+$0xFFFFFFE0] =	vst v1  }
0x2e: {  	[tilespmem:s25+$0xFFFFFFD0] =	vst v1  }
0x2f: {  	[tilespmem:s0+$0xFFFFFFC0] =	vst v1  }
0x30: {  	[tilespmem:s0+$0x30] =	vst v1  }
0x31: {  	[tilespmem:s0+$0x20] =	vst v1  }
0x32: {  	[tilespmem:s0+$0x10] =	vst v1  }
0x33: {  	[tilespmem:s0+$0x0] =	vst v1  }
0x34: {  	[tilespmem:s0+$0xFFFFFFF0] =	vst v1  }
0x35: {  	s28 =	simm.s32 $0x0;
	s26 =	simm.s32 $0x1A690;
	s25 =	simm.s32 $0x1B6A0;
	[tilespmem:s0+$0xFFFFFFE0] =	vst v1  }
.LBB2_5:
0x36: {  	s28 =	sadd.s32 $0x8, s28;
	[tilespmem:s0+$0xFFFFFFD0] =	vst v1;
	s0 =	sadd.s32 $0x80, s0  }
0x37: {  	[tilespmem:s0+$0xFFFFFFC0] =	vst v1;
	p1 =	slt.u32 s28, $0x3F8  }
0x38: {  	[tilespmem:s0+$0x30] =	vst v1  }
.Ltmp1:
0x39: {  	[tilespmem:s0+$0x20] =	vst v1;
	(pc) =	sbr.rel @p1 .LBB2_5-.Ltmp1, $4  }
0x3a: {  	[tilespmem:s0+$0x10] =	vst v1  }
0x3b: {  	[tilespmem:s0+$0x0] =	vst v1  }
0x3c: {  	[tilespmem:s0+$0xFFFFFFF0] =	vst v1  }
0x3d: {  	[tilespmem:s0+$0xFFFFFFE0] =	vst v1  }
0x3e: {  	[tilespmem:s0+$0xFFFFFFD0] =	vst v1  }
0x3f: {  	[tilespmem:s26+$0x30] =	vst v3  }
0x40: {  	[tilespmem:s26+$0xFFFFFFF0] =	vst v3  }
0x41: {  	[tilespmem:s26+$0xFFFFFFC0] =	vst v3  }
0x42: {  	[tilespmem:s26+$0xFFFFFFE0] =	vst v3  }
0x43: {  	[tilespmem:s26+$0x10] =	vst v3  }
0x44: {  	[tilespmem:s26+$0x20] =	vst v3  }
0x45: {  	[tilespmem:s26+$0x0] =	vst v3  }
0x46: {  	[tilespmem:s26+$0xFFFFFFD0] =	vst v3  }
0x47: {  	[tilespmem:s25+$0xFFFFFFC0] =	vst v1  }
0x48: {  	[tilespmem:s25+$0x30] =	vst v1  }
0x49: {  	[tilespmem:s25+$0x20] =	vst v1  }
0x4a: {  	[tilespmem:s25+$0x10] =	vst v1  }
0x4b: {  	[tilespmem:s25+$0xFFFFFFE0] =	vst v1  }
0x4c: {  	[tilespmem:s25+$0x0] =	vst v1  }
0x4d: {  	s0 =	simm.s32 $0x0;
	[tilespmem:s25+$0xFFFFFFF0] =	vst v1  }
.LBB2_7:
0x4e: {  	s0 =	sadd.s32 $0x8, s0;
	[tilespmem:s25+$0xFFFFFFD0] =	vst v1;
	s26 =	sadd.s32 $0x80, s26;
	s25 =	sadd.s32 $0x80, s25  }
0x4f: {  	[tilespmem:s26+$0x30] =	vst v3;
	p1 =	slt.u32 s0, $0xF8  }
0x50: {  	[tilespmem:s26+$0xFFFFFFF0] =	vst v3  }
0x51: {  	[tilespmem:s26+$0xFFFFFFC0] =	vst v3  }
0x52: {  	[tilespmem:s25+$0xFFFFFFC0] =	vst v1  }
0x53: {  	[tilespmem:s25+$0x30] =	vst v1  }
0x54: {  	[tilespmem:s26+$0xFFFFFFE0] =	vst v3  }
0x55: {  	[tilespmem:s26+$0x10] =	vst v3  }
0x56: {  	[tilespmem:s26+$0x20] =	vst v3  }
0x57: {  	[tilespmem:s25+$0x20] =	vst v1  }
0x58: {  	[tilespmem:s25+$0x10] =	vst v1  }
.Ltmp2:
0x59: {  	[tilespmem:s25+$0xFFFFFFE0] =	vst v1;
	(pc) =	sbr.rel @p1 .LBB2_7-.Ltmp2, $4  }
0x5a: {  	[tilespmem:s26+$0x0] =	vst v3  }
0x5b: {  	[tilespmem:s25+$0x0] =	vst v1  }
0x5c: {  	[tilespmem:s25+$0xFFFFFFF0] =	vst v1  }
0x5d: {  	[tilespmem:s26+$0xFFFFFFD0] =	vst v3  }
0x5e: {  	[tilespmem:s25+$0xFFFFFFD0] =	vst v1  }
0x5f: {  	[tilespmem:$0x1B650] =	vst v3  }
0x60: {  	s0 =	simm.s32 $0x1C6B0;
	[tilespmem:$0x1C660] =	vst v1  }
0x61: {  	[tilespmem:s0+$0x30] =	vst v3  }
0x62: {  	[tilespmem:s0+$0xFFFFFFF0] =	vst v3  }
0x63: {  	[tilespmem:s0+$0xFFFFFFC0] =	vst v3  }
0x64: {  	[tilespmem:s0+$0xFFFFFFE0] =	vst v3  }
0x65: {  	[tilespmem:s0+$0x10] =	vst v3  }
0x66: {  	[tilespmem:s0+$0x20] =	vst v3  }
0x67: {  	[tilespmem:s0+$0x0] =	vst v3  }
0x68: {  	s25 =	simm.s32 $0x1C8C0;
	[tilespmem:s0+$0xFFFFFFD0] =	vst v3  }
0x69: {  	[tilespmem:s25+$0xFFFFFFC0] =	vst v1  }
0x6a: {  	[tilespmem:s25+$0x30] =	vst v1  }
0x6b: {  	[tilespmem:s25+$0x20] =	vst v1  }
0x6c: {  	[tilespmem:s25+$0x10] =	vst v1  }
0x6d: {  	[tilespmem:s25+$0xFFFFFFE0] =	vst v1  }
0x6e: {  	[tilespmem:s25+$0x0] =	vst v1  }
0x6f: {  	s26 =	simm.s32 $0x0;
	[tilespmem:s25+$0xFFFFFFF0] =	vst v1  }
.LBB2_9:
0x70: {  	s26 =	sadd.s32 $0x8, s26;
	[tilespmem:s25+$0xFFFFFFD0] =	vst v1;
	s0 =	sadd.s32 $0x80, s0;
	s25 =	sadd.s32 $0x80, s25  }
0x71: {  	[tilespmem:s0+$0x30] =	vst v3;
	p1 =	slt.u32 s26, $0x18  }
0x72: {  	[tilespmem:s0+$0xFFFFFFF0] =	vst v3  }
0x73: {  	[tilespmem:s0+$0xFFFFFFC0] =	vst v3  }
0x74: {  	[tilespmem:s25+$0xFFFFFFC0] =	vst v1  }
0x75: {  	[tilespmem:s25+$0x30] =	vst v1  }
0x76: {  	[tilespmem:s0+$0xFFFFFFE0] =	vst v3  }
0x77: {  	[tilespmem:s0+$0x10] =	vst v3  }
0x78: {  	[tilespmem:s0+$0x20] =	vst v3  }
0x79: {  	[tilespmem:s25+$0x20] =	vst v1  }
0x7a: {  	[tilespmem:s25+$0x10] =	vst v1  }
.Ltmp3:
0x7b: {  	[tilespmem:s25+$0xFFFFFFE0] =	vst v1;
	(pc) =	sbr.rel @p1 .LBB2_9-.Ltmp3, $4  }
0x7c: {  	[tilespmem:s0+$0x0] =	vst v3  }
0x7d: {  	[tilespmem:s25+$0x0] =	vst v1  }
0x7e: {  	[tilespmem:s25+$0xFFFFFFF0] =	vst v1  }
0x7f: {  	[tilespmem:s0+$0xFFFFFFD0] =	vst v3  }
0x80: {  	[tilespmem:s25+$0xFFFFFFD0] =	vst v1  }
0x81: {  	[tilespmem:$0x1C870] =	vst v3  }
0x82: {  	[tilespmem:$0x1CA80] =	vst v1  }
0x83: {  	[tilespmem:$0x1CAD0] =	vst v1  }
0x84: {  	[tilespmem:$0x1CC00] =	vst v1  }
0x85: {  	[tilespmem:$0x1CAE0] =	vst v1  }
0x86: {  	[tilespmem:$0x1CC10] =	vst v1  }
0x87: {  	[tilespmem:$0x1CAF0] =	vst v1  }
0x88: {  	[tilespmem:$0x1CC20] =	vst v1  }
0x89: {  	[tilespmem:$0x1CB00] =	vst v1  }
0x8a: {  	[tilespmem:$0x1CC30] =	vst v1  }
0x8b: {  	[tilespmem:$0x1CB10] =	vst v1  }
0x8c: {  	[tilespmem:$0x1CC40] =	vst v1  }
0x8d: {  	[tilespmem:$0x1CB20] =	vst v1  }
0x8e: {  	[tilespmem:$0x1CC50] =	vst v1  }
0x8f: {  	[tilespmem:$0x1CB30] =	vst v1  }
0x90: {  	[tilespmem:$0x1CC60] =	vst v1  }
0x91: {  	[tilespmem:$0x1CB40] =	vst v1  }
0x92: {  	[tilespmem:$0x1CC70] =	vst v1  }
0x93: {  	[tilespmem:$0x1CB50] =	vst v1  }
0x94: {  	[tilespmem:$0x1CC80] =	vst v1  }
0x95: {  	[tilespmem:$0x1CB60] =	vst v1  }
0x96: {  	[tilespmem:$0x1CC90] =	vst v1  }
0x97: {  	[tilespmem:$0x1CB70] =	vst v1  }
0x98: {  	[tilespmem:$0x1CCA0] =	vst v1  }
0x99: {  	[tilespmem:$0x1CB80] =	vst v1  }
0x9a: {  	[tilespmem:$0x1CCB0] =	vst v1  }
0x9b: {  	[tilespmem:$0x1CB90] =	vst v1  }
0x9c: {  	[tilespmem:$0x1CCC0] =	vst v1  }
0x9d: {  	[tilespmem:$0x1CBA0] =	vst v1  }
0x9e: {  	[tilespmem:$0x1CCD0] =	vst v1  }
0x9f: {  	[tilespmem:$0x1CBB0] =	vst v1  }
0xa0: {  	[tilespmem:$0x1CCE0] =	vst v1  }
0xa1: {  	[tilespmem:$0x1CBC0] =	vst v1  }
0xa2: {  	[tilespmem:$0x1CCF0] =	vst v1  }
0xa3: {  	[tilespmem:$0x1CBD0] =	vst v1  }
0xa4: {  	[tilespmem:$0x1CD00] =	vst v1  }
0xa5: {  	[tilespmem:$0x1CBE0] =	vst v1  }
0xa6: {  	[tilespmem:$0x1CD10] =	vst v1  }
0xa7: {  	[tilespmem:$0x1CBF0] =	vst v1  }
0xa8: {  	s0 =	simm.s32 $0x40;
	[tilespmem:$0x1CD20] =	vst v1  }
0xa9: {  	v9 =	vld [tilespmem:s0+$0xFFFFFFD0]  }
0xaa: {  	v10 =	vld [tilespmem:s0+$0x10]  }
0xab: {  	v11 =	vld [tilespmem:s0+$0xFFFFFFC0]  }
0xac: {  	v12 =	vld [tilespmem:s0+$0x20]  }
0xad: {  	v16 =	vld [tilespmem:s0+$0x30];
	_ =	sdelay $0x1  }
0xae: {  	v10 =	vshra.s32 v10, $0x15  }
0xaf: {  	vm1 =	vgt.s32 v10, $0x0  }
0xb0: {  	v14 =	vld [tilespmem:s0+$0xFFFFFFF0];
	v9 =	vshra.s32 v9, $0x15;
	v11 =	vshra.s32 v11, $0x15;
	v13 =	vnsel vm1, $0x0, v10  }
0xb1: {  	v12 =	vshra.s32 v12, $0x15;
	v16 =	vshra.s32 v16, $0x15;
	v13 =	vadd.s32 v4, v13  }
0xb2: {  	v15 =	vld [tilespmem:s0+$0x0];
	vm0 =	vgt.s32 v9, $0x0;
	vm14 =	vgt.s32 v11, $0x0;
	vm15 =	vgt.s32 v12, $0x0  }
0xb3: {  	v9 =	vnsel vm0, $0x0, v9;
	v10 =	vld [tilespmem:s0+$0xFFFFFFE0];
	v11 =	vnsel vm14, $0x0, v11;
	v12 =	vnsel vm15, $0x0, v12  }
0xb4: {  	s25 =	simm.s32 $0x0;
	s26 =	simm.s32 $0xC0;
	v9 =	vadd.s32 v4, v9;
	v11 =	vadd.s32 v4, v11;
	v12 =	vadd.s32 v4, v12  }
.LBB2_11:
0xb5: {  	v17 =	vld [tilespmem:s26+$0xFFFFFFD0];
	s25 =	sadd.s32 $0x8, s25;
	v14 =	vshra.s32 v14, $0x15;
	vm0 =	vgt.s32 v16, $0x0  }
0xb6: {  	p1 =	slt.u32 s25, $0x13F0;
	vm1 =	vgt.s32 v14, $0x0;
	[tilespmem:v13+s14+$0x0] =	vst.idx.add.s32.msk $0xffff, v5;
	v13 =	vnsel vm0, $0x0, v16  }
0xb7: {  	v16 =	vld [tilespmem:s26+$0x10];
	v14 =	vnsel vm1, $0x0, v14;
	v13 =	vadd.s32 v4, v13  }
0xb8: {  	v10 =	vshra.s32 v10, $0x15;
	v18 =	vld [tilespmem:s26+$0xFFFFFFC0];
	v19 =	vadd.s32 v4, v14;
	v14 =	vshra.s32 v15, $0x15  }
0xb9: {  	vm0 =	vgt.s32 v10, $0x0;
	vm1 =	vgt.s32 v14, $0x0;
	[tilespmem:v12+s14+$0x0] =	vst.idx.add.s32.msk $0xffff, v5  }
0xba: {  	v10 =	vnsel vm0, $0x0, v10;
	[tilespmem:v11+s14+$0x0] =	vst.idx.add.s32.msk $0xffff, v5;
	v11 =	vnsel vm1, $0x0, v14  }
0xbb: {  	v15 =	vadd.s32 v4, v10;
	v12 =	vld [tilespmem:s26+$0x20]  }
0xbc: {  	v11 =	vadd.s32 v4, v11;
	v20 =	vld [tilespmem:s26+$0x30]  }
0xbd: {  	v14 =	vshra.s32 v17, $0x15;
	v16 =	vshra.s32 v16, $0x15;
	v10 =	vld [tilespmem:s26+$0xFFFFFFE0]  }
0xbe: {  	vm0 =	vgt.s32 v14, $0x0;
	vm1 =	vgt.s32 v16, $0x0;
	[tilespmem:v13+s14+$0x0] =	vst.idx.add.s32.msk $0xffff, v5  }
0xbf: {  	v13 =	vnsel vm0, $0x0, v14;
	v16 =	vnsel vm1, $0x0, v16;
	[tilespmem:v9+s14+$0x0] =	vst.idx.add.s32.msk $0xffff, v5  }
.Ltmp4:
0xc0: {  	v17 =	vshra.s32 v18, $0x15;
	v9 =	vadd.s32 v4, v13;
	v14 =	vld [tilespmem:s26+$0xFFFFFFF0];
	v12 =	vshra.s32 v12, $0x15;
	(pc) =	sbr.rel @p1 .LBB2_11-.Ltmp4, $4  }
0xc1: {  	vm0 =	vgt.s32 v17, $0x0;
	v13 =	vadd.s32 v4, v16;
	vm1 =	vgt.s32 v12, $0x0;
	[tilespmem:v11+s14+$0x0] =	vst.idx.add.s32.msk $0xffff, v5  }
0xc2: {  	v11 =	vnsel vm0, $0x0, v17;
	v12 =	vnsel vm1, $0x0, v12;
	[tilespmem:v15+s14+$0x0] =	vst.idx.add.s32.msk $0xffff, v5  }
0xc3: {  	v11 =	vadd.s32 v4, v11;
	v15 =	vld [tilespmem:s26+$0x0]  }
0xc4: {  	v16 =	vshra.s32 v20, $0x15;
	v12 =	vadd.s32 v4, v12;
	s26 =	sadd.s32 $0x80, s26;
	[tilespmem:v19+s14+$0x0] =	vst.idx.add.s32.msk $0xffff, v5  }
0xc5: {  	_ = 	snop  }
0xc6: {  	vm0 =	vgt.s32 v16, $0x0;
	v10 =	vshra.s32 v10, $0x15;
	v14 =	vshra.s32 v14, $0x15  }
0xc7: {  	v16 =	vnsel vm0, $0x0, v16;
	vm1 =	vgt.s32 v10, $0x0;
	vm15 =	vgt.s32 v14, $0x0  }
0xc8: {  	v16 =	vadd.s32 v4, v16;
	v10 =	vnsel vm1, $0x0, v10;
	v15 =	vshra.s32 v15, $0x15  }
0xc9: {  	[tilespmem:v13+s14+$0x0] =	vst.idx.add.s32.msk $0xffff, v5;
	v14 =	vnsel vm15, $0x0, v14;
	v10 =	vadd.s32 v4, v10;
	vm14 =	vgt.s32 v15, $0x0  }
0xca: {  	[tilespmem:v12+s14+$0x0] =	vst.idx.add.s32.msk $0xffff, v5;
	v63 =	vadd.s32 v4, v14;
	v15 =	vnsel vm14, $0x0, v15  }
0xcb: {  	[tilespmem:v11+s14+$0x0] =	vst.idx.add.s32.msk $0xffff, v5;
	v62 =	vadd.s32 v4, v15  }
0xcc: {  	[tilespmem:v9+s14+$0x0] =	vst.idx.add.s32.msk $0xffff, v5  }
0xcd: {  	[tilespmem:v16+s14+$0x0] =	vst.idx.add.s32.msk $0xffff, v5  }
0xce: {  	[tilespmem:v10+s14+$0x0] =	vst.idx.add.s32.msk $0xffff, v5  }
0xcf: {  	[tilespmem:v63+s14+$0x0] =	vst.idx.add.s32.msk $0xffff, v5  }
0xd0: {  	s0 =	simm.s32 $0x0;
	s25 =	simm.s32 $0x0;
	[tilespmem:v62+s14+$0x0] =	vst.idx.add.s32.msk $0xffff, v5  }
.LBB2_13:
0xd1: {  	s26 =	sshra.s32 s25, $0x2  }
0xd2: {  	v9 =	vld [tilespmem:s26+$0x13F80];
	_ =	sdelay $0x4  }
0xd3: {  	v9 =	vshra.s32 v9, $0x15  }
0xd4: {  	vm0 =	vgt.s32 v9, $0x0  }
0xd5: {  	v9 =	vnsel vm0, $0x0, v9  }
0xd6: {  	p1 =	sne.s32 s25, $0x180;
	v9 =	vadd.s32 v4, v9  }
.Ltmp5:
0xd7: {  	_ = 	snop;
	(pc) =	sbr.rel @p1 .LBB2_13-.Ltmp5, $2  }
0xd8: {  	_ =	sdelay $0x2  }
0xd9: {  	s25 =	sadd.s32 $0x40, s25;
	[tilespmem:v9+s14+$0x0] =	vst.idx.add.s32.msk $0xffff, v5  }
0xda: {  	s25 =	simm.s32 $0x14FF0  }
0xdb: {  	v9 =	vld [tilespmem:s25+$0xFFFFF200]  }
0xdc: {  	v10 =	vld [tilespmem:s25+$0xFFFFF000]  }
0xdd: {  	v11 =	vld [tilespmem:s25+$0xFFFFF400]  }
0xde: {  	v12 =	vld [tilespmem:s25+$0xFFFFF600]  }
0xdf: {  	v13 =	vld [tilespmem:s25+$0xFFFFF800]  }
0xe0: {  	v14 =	vld [tilespmem:s25+$0xFFFFFA00]  }
0xe1: {  	v9 =	vadd.s32 v10, v9;
	v10 =	vld [tilespmem:s25+$0xFFFFFC00]  }
0xe2: {  	v9 =	vadd.s32 v11, v9;
	v11 =	vld [tilespmem:s25+$0xFFFFFE00]  }
0xe3: {  	v58 =	vld [tilespmem:s25+$0x0];
	v9 =	vadd.s32 v12, v9  }
0xe4: {  	v59 =	vld [tilespmem:s25+$0x200];
	v9 =	vadd.s32 v13, v9  }
0xe5: {  	v60 =	vld [tilespmem:s25+$0x400];
	v9 =	vadd.s32 v14, v9  }
0xe6: {  	v9 =	vadd.s32 v10, v9;
	v10 =	vld [tilespmem:s25+$0x600]  }
0xe7: {  	v9 =	vadd.s32 v11, v9;
	v11 =	vld [tilespmem:s25+$0x800]  }
0xe8: {  	v61 =	vld [tilespmem:s25+$0xA00];
	v9 =	vadd.s32 v58, v9  }
0xe9: {  	v62 =	vld [tilespmem:s25+$0xC00];
	v9 =	vadd.s32 v59, v9  }
0xea: {  	v63 =	vld [tilespmem:s25+$0xE00];
	v9 =	vadd.s32 v60, v9  }
0xeb: {  	v9 =	vadd.s32 v10, v9  }
0xec: {  	v9 =	vadd.s32 v11, v9  }
0xed: {  	v9 =	vadd.s32 v61, v9  }
0xee: {  	v9 =	vadd.s32 v62, v9  }
0xef: {  	v9 =	vadd.s32 v63, v9  }
0xf0: {  	(xrf0) =	vadd.scan.msk.s32 $0xffff, v9;
	_ =	sdelay $0x1  }
0xf1: {  	s25 =	simm.s32 $0x19FF0  }
0xf2: {  	s26 =	sand.u32 $0x10, s0;
	[tilespmem:s25+$0x0] =	vst v9  }
0xf3: {  	v9 =	vld [tilespmem:s26+$0x1A1F0];
	_ =	sdelay $0x1  }
0xf4: {  	s31 =	sand.u32 $0xF, s0;
	v10, _, _ =	vpop (xrf0)  }
0xf5: {  	v11 =	vmov s31;
	v10 =	vbroadcast v10, $0xF  }
0xf6: {  	vm0 =	veq.s32 v11, v0  }
0xf7: {  	v9 =	vsel vm0, v10, v9  }
0xf8: {  	s28 =	simm.s32 $0x15000;
	[tilespmem:s26+$0x1A1F0] =	vst v9  }
0xf9: {  	v9 =	vld [tilespmem:s28+$0xFFFFF200]  }
0xfa: {  	s29 =	simm.s32 $0x2;
	s26 =	simm.s32 $0x1;
	v10 =	vld [tilespmem:s28+$0xFFFFF000]  }
.LBB2_15:
0xfb: {  	p1 =	sne.s32 s29, $0x1F;
	v11 =	vld [tilespmem:s28+$0xFFFFF400]  }
0xfc: {  	v12 =	vld [tilespmem:s28+$0xFFFFF600]  }
0xfd: {  	v13 =	vld [tilespmem:s28+$0xFFFFF800]  }
0xfe: {  	v14 =	vld [tilespmem:s28+$0xFFFFFA00]  }
0xff: {  	v9 =	vadd.s32 v10, v9;
	v10 =	vld [tilespmem:s28+$0xFFFFFC00]  }
0x100: {  	v9 =	vadd.s32 v11, v9;
	v11 =	vld [tilespmem:s28+$0xFFFFFE00]  }
0x101: {  	v9 =	vadd.s32 v12, v9;
	v12 =	vld [tilespmem:s28+$0x0]  }
0x102: {  	v9 =	vadd.s32 v13, v9;
	v13 =	vld [tilespmem:s28+$0x200]  }
0x103: {  	v9 =	vadd.s32 v14, v9;
	v14 =	vld [tilespmem:s28+$0x400]  }
0x104: {  	v9 =	vadd.s32 v10, v9;
	v10 =	vld [tilespmem:s28+$0x600]  }
0x105: {  	v9 =	vadd.s32 v11, v9;
	v11 =	vld [tilespmem:s28+$0x800]  }
0x106: {  	v9 =	vadd.s32 v12, v9;
	v12 =	vld [tilespmem:s28+$0xA00]  }
0x107: {  	v9 =	vadd.s32 v13, v9;
	v13 =	vld [tilespmem:s28+$0xC00]  }
0x108: {  	v9 =	vadd.s32 v14, v9;
	v14 =	vld [tilespmem:s28+$0xE00]  }
0x109: {  	v9 =	vadd.s32 v10, v9  }
0x10a: {  	v9 =	vadd.s32 v11, v9  }
0x10b: {  	v9 =	vadd.s32 v12, v9  }
0x10c: {  	v9 =	vadd.s32 v13, v9  }
0x10d: {  	s25 =	sadd.s32 $0x10, s25;
	v9 =	vadd.s32 v14, v9  }
0x10e: {  	[tilespmem:s25+$0x0] =	vst v9;
	(xrf0) =	vadd.scan.msk.s32 $0xffff, v9;
	_ =	sdelay $0x2  }
0x10f: {  	s0 =	sand.u32 $0x10, s26  }
0x110: {  	v9 =	vld [tilespmem:s0+$0x1A1F0];
	_ =	sdelay $0x1  }
0x111: {  	s30 =	sand.u32 $0xF, s26;
	s26 =	smov.u32 s29;
	v10, _, _ =	vpop (xrf0)  }
0x112: {  	v11 =	vmov s30;
	v10 =	vbroadcast v10, $0xF  }
.Ltmp6:
0x113: {  	vm0 =	veq.s32 v11, v0;
	(pc) =	sbr.rel @p1 .LBB2_15-.Ltmp6, $4  }
0x114: {  	v9 =	vsel vm0, v10, v9  }
0x115: {  	s28 =	sadd.s32 $0x10, s28;
	[tilespmem:s0+$0x1A1F0] =	vst v9  }
0x116: {  	v9 =	vld [tilespmem:s28+$0xFFFFF200]  }
0x117: {  	s29 =	sadd.s32 $0x1, s29;
	v10 =	vld [tilespmem:s28+$0xFFFFF000]  }
0x118: {  	v11 =	vld [tilespmem:s28+$0xFFFFF400]  }
0x119: {  	v12 =	vld [tilespmem:s28+$0xFFFFF600]  }
0x11a: {  	v13 =	vld [tilespmem:s28+$0xFFFFF800]  }
0x11b: {  	v14 =	vld [tilespmem:s28+$0xFFFFFA00]  }
0x11c: {  	v9 =	vadd.s32 v10, v9;
	v10 =	vld [tilespmem:s28+$0xFFFFFC00]  }
0x11d: {  	v9 =	vadd.s32 v11, v9;
	v11 =	vld [tilespmem:s28+$0xFFFFFE00]  }
0x11e: {  	v9 =	vadd.s32 v12, v9;
	v12 =	vld [tilespmem:s28+$0x0]  }
0x11f: {  	v9 =	vadd.s32 v13, v9;
	v13 =	vld [tilespmem:s28+$0x200]  }
0x120: {  	v9 =	vadd.s32 v14, v9;
	v14 =	vld [tilespmem:s28+$0x400]  }
0x121: {  	v9 =	vadd.s32 v10, v9;
	v10 =	vld [tilespmem:s28+$0x600]  }
0x122: {  	v9 =	vadd.s32 v11, v9;
	v11 =	vld [tilespmem:s28+$0x800]  }
0x123: {  	v9 =	vadd.s32 v12, v9;
	v12 =	vld [tilespmem:s28+$0xA00]  }
0x124: {  	v9 =	vadd.s32 v13, v9;
	v13 =	vld [tilespmem:s28+$0xC00]  }
0x125: {  	v9 =	vadd.s32 v14, v9;
	v14 =	vld [tilespmem:s28+$0xE00]  }
0x126: {  	v9 =	vadd.s32 v10, v9  }
0x127: {  	v9 =	vadd.s32 v11, v9  }
0x128: {  	v9 =	vadd.s32 v12, v9  }
0x129: {  	v9 =	vadd.s32 v13, v9  }
0x12a: {  	v9 =	vadd.s32 v14, v9  }
0x12b: {  	(xrf0) =	vadd.scan.msk.s32 $0xffff, v9;
	_ =	sdelay $0x1  }
0x12c: {  	s0 =	sadd.s32 $0x10, s25  }
0x12d: {  	s23 =	sand.u32 $0x10, s26;
	[tilespmem:s0+$0x0] =	vst v9  }
0x12e: {  	v9 =	vld [tilespmem:s23+$0x1A1F0];
	_ =	sdelay $0x1  }
0x12f: {  	s29 =	sand.u32 $0xF, s26;
	v10, _, _ =	vpop (xrf0)  }
0x130: {  	v11 =	vmov s29;
	v10 =	vbroadcast v10, $0xF  }
0x131: {  	vm0 =	veq.s32 v11, v0  }
0x132: {  	v9 =	vsel vm0, v10, v9  }
0x133: {  	[tilespmem:s23+$0x1A1F0] =	vst v9  }
0x134: {  	v9 =	vld [tilespmem:$0x1A200];
	_ =	sdelay $0x4  }
0x135: {  	v10 =	vperm.xlane v9, v6;
	_ =	sdelay $0x1  }
0x136: {  	(xrf0) =	vadd.scan.msk.s32 $0xffff, v10;
	_ =	sdelay $0x5  }
0x137: {  	v11, _, _ =	vpop (xrf0)  }
0x138: {  	v12 =	vld [tilespmem:$0x1A1F0];
	v10 =	vsub.s32 v11, v10  }
0x139: {  	vm1 =	vgt.s32 v11, $0x12B;
	vm0 =	vlt.s32 v10, $0x12C  }
0x13a: {  	vm0 =	vmand vm1, vm0  }
0x13b: {  	v10 =	vxor.u32 $0x80000000, v10;
	v11 =	vnsel vm0, $0x7FFFFFFF, v7  }
0x13c: {  	v10 =	vnsel vm0, $0x7FFFFFFF, v10;
	(xrf0) =	vmax.scan.msk.u32 $0xffff, v11  }
0x13d: {  	(xrf0) =	vmax.scan.msk.u32 $0xffff, v10;
	v10 =	vperm.xlane v12, v6  }
0x13e: {  	(xrf0) =	vadd.scan.msk.s32 $0xffff, v9  }
0x13f: {  	(xrf0) =	vadd.scan.msk.s32 $0xffff, v10;
	_ =	sdelay $0x2  }
0x140: {  	v9, _, _ =	vpop (xrf0)  }
0x141: {  	v11, _, _ =	vpop (xrf0)  }
0x142: {  	v12, _, _ =	vpop (xrf0)  }
0x143: {  	v13, _, _ =	vpop (xrf0);
	v12 =	vbroadcast v12, $0xF  }
0x144: {  	v10 =	vsub.s32 v13, v10  }
0x145: {  	v10 =	vadd.s32 v12, v10;
	v12 =	vadd.s32 v12, v13  }
0x146: {  	vm0 =	vlt.s32 v10, $0x12C;
	vm1 =	vgt.s32 v12, $0x12B  }
0x147: {  	vm0 =	vmand vm1, vm0  }
0x148: {  	v12 =	vnsel vm0, $0x7FFFFFFF, v8  }
0x149: {  	(xrf0) =	vmax.scan.msk.u32 $0xffff, v12;
	_ =	sdelay $0x4  }
0x14a: {  	(v2sf) =	vpush v9, $0xF  }
0x14b: {  	(v2sf) =	vpush v11, $0xF;
	v9, _, _ =	vpop (xrf0)  }
0x14c: {  	(v2sf) =	vpush v9, $0xF;
	_ =	sdelay $0x6  }
0x14d: {  	v9 =	vxor.u32 $0x80000000, v10  }
0x14e: {  	v9 =	vnsel vm0, $0x7FFFFFFF, v9  }
0x14f: {  	(xrf0) =	vmax.scan.msk.u32 $0xffff, v9;
	_ =	sdelay $0x3  }
0x150: {  	s31 =	spop (v2sf)  }
0x151: {  	s5 =	spop (v2sf)  }
0x152: {  	v9, _, _ =	vpop (xrf0);
	s10 =	spop (v2sf)  }
0x153: {  	s0 =	sxor.u32 $0x80000000, s31;
	(v2sf) =	vpush v9, $0xF;
	s26 =	sxor.u32 $0x80000000, s10  }
0x154: {  	p1 =	sgt.s32 s0, s26  }
0x155: {  	s26 =	smov.u32 @p1 s0  }
0x156: {  	s0 =	sshra.s32 s26, $0x1F  }
0x157: {  	s0 =	sor.u32 s0, s26  }
0x158: {  	s26 =	sshll.u32 s0, $0x4  }
0x159: {  	v9 =	vld [tilespmem:s26+$0x19FF0];
	_ =	sdelay $0x4  }
0x15a: {  	v9 =	vperm.xlane v9, v6;
	_ =	sdelay $0x1  }
0x15b: {  	(xrf0) =	vadd.scan.msk.s32 $0xffff, v9;
	_ =	sdelay $0x1  }
0x15c: {  	s23 =	spop (v2sf)  }
0x15d: {  	s25 =	sxor.u32 $0x80000000, s5;
	s26 =	sxor.u32 $0x80000000, s23  }
0x15e: {  	p1 =	sgt.s32 s25, s26  }
0x15f: {  	s26 =	smov.u32 @p1 s25  }
0x160: {  	s25 =	sshra.s32 s26, $0x1F;
	v10, _, _ =	vpop (xrf0)  }
0x161: {  	s25 =	sor.u32 s25, s26;
	v9 =	vsub.s32 v10, v9  }
0x162: {  	s0 =	sshllo.u32 s0, $0x4;
	v10 =	vadd.s32 s25, v10;
	v9 =	vadd.s32 s25, v9  }
0x163: {  	vm1 =	vgt.s32 v10, $0x12B;
	v10 =	vadd.s32 s0, v2;
	vm0 =	vlt.s32 v9, $0x12C  }
0x164: {  	v10 =	vxor.u32 $0x80000000, v10;
	vm0 =	vmand vm1, vm0  }
0x165: {  	v10 =	vnsel vm0, $0x7FFFFFFF, v10  }
0x166: {  	(xrf0) =	vmax.scan.msk.u32 $0xffff, v10;
	_ =	sdelay $0x5  }
0x167: {  	v10, _, _ =	vpop (xrf0)  }
0x168: {  	(v2sf) =	vpush v10, $0xF;
	_ =	sdelay $0xa  }
0x169: {  	s28 =	simm.s32 $0x40  }
0x16a: {  	v14 =	vld [tilespmem:s28+$0xFFFFFFC0];
	_ =	sdelay $0x2  }
0x16b: {  	s25 =	spop (v2sf)  }
0x16c: {  	s29 =	sxor.u32 $0x80000000, s25  }
0x16d: {  	v11 =	vshra.s32 v14, $0x15;
	v13 =	vimm.s32 $0x0;
	v10 =	vmov s29  }
0x16e: {  	vm2 =	vlt.s32 v13, $0x1000;
	vm1 =	vge.s32 v11, v10  }
0x16f: {  	v16 =	vld [tilespmem:s28+$0xFFFFFFD0];
	vm3 =	vmand vm2, vm1  }
0x170: {  	v11 =	vmpcnt.ones.xlane vm3;
	_ =	sdelay $0x1  }
0x171: {  	v15 =	vadd.s32 v13, v11;
	v11 =	vld [tilespmem:s28+$0xFFFFFFE0];
	_ =	sdelay $0x1  }
0x172: {  	v12 =	vshra.s32 v16, $0x15;
	v17 =	vsel vm3, $0x1, v1  }
0x173: {  	vm1 =	vge.s32 v12, v10;
	(xrf0) =	vadd.scan.msk.s32 $0xffff, v17;
	vm2 =	vlt.s32 v15, $0x1000  }
0x174: {  	vm4 =	vmand vm2, vm1  }
0x175: {  	v12 =	vmpcnt.ones.xlane vm4;
	v18 =	vshra.s32 v11, $0x15  }
0x176: {  	v17 =	vsel vm4, $0x1, v1;
	vm1 =	vge.s32 v18, v10;
	v18 =	vsel vm3, $0xFFFFFFFF, v1  }
0x177: {  	(xrf0) =	vadd.scan.msk.s32 $0xffff, v17;
	v17 =	vadd.s32 v15, v12;
	v12 =	vld [tilespmem:s28+$0xFFFFFFF0]  }
0x178: {  	vm2 =	vlt.s32 v17, $0x1000  }
0x179: {  	vm1 =	vmand vm2, vm1;
	v13 =	vadd.s32 v18, v13;
	v18, _, _ =	vpop (xrf0)  }
0x17a: {  	v20 =	vsel vm4, $0xFFFFFFFF, v1;
	v19 =	vmpcnt.ones.xlane vm1;
	v18 =	vadd.s32 v18, v13  }
0x17b: {  	v13 =	vsel vm1, $0x1, v1  }
0x17c: {  	v19 =	vadd.s32 v17, v19;
	v21 =	vshra.s32 v12, $0x15;
	(xrf0) =	vadd.scan.msk.s32 $0xffff, v13  }
0x17d: {  	v15 =	vadd.s32 v20, v15;
	v20, _, _ =	vpop (xrf0);
	vm2 =	vge.s32 v21, v10;
	vm5 =	vlt.s32 v19, $0x1000  }
0x17e: {  	v13 =	vld [tilespmem:s28+$0x0];
	v20 =	vadd.s32 v20, v15;
	vm2 =	vmand vm5, vm2  }
0x17f: {  	s26 =	simm.s32 $0x0;
	v15 =	vsel vm1, $0xFFFFFFFF, v1;
	[tilespmem:v18+s15+$0x0] =	vst.idx.msk vm3, v14;
	v14 =	vsel vm2, $0xFFFFFFFF, v1  }
0x180: {  	v22 =	vadd.s32 v15, v17;
	v15 =	vor.u32 s26, v0  }
0x181: {  	v21 =	vmpcnt.ones.xlane vm2;
	[tilespmem:v18+s16+$0x0] =	vst.idx.msk vm3, v15;
	v18 =	vsel vm2, $0x1, v1  }
0x182: {  	v15 =	vadd.s32 v14, v19;
	(xrf0) =	vadd.scan.msk.s32 $0xffff, v18;
	v14, _, _ =	vpop (xrf0)  }
0x183: {  	v17 =	vadd.s32 v19, v21;
	v21 =	vshra.s32 v13, $0x15;
	[tilespmem:v20+s15+$0x0] =	vst.idx.msk vm4, v16;
	v16 =	vadd.s32 v14, v22;
	v14 =	vld [tilespmem:s28+$0x10]  }
0x184: {  	s31 =	simm.s32 $0x10;
	vm5 =	vlt.s32 v17, $0x1000;
	vm3 =	vge.s32 v21, v10  }
0x185: {  	v18 =	vor.u32 s31, v0;
	vm3 =	vmand vm5, vm3  }
0x186: {  	s30 =	simm.s32 $0x0;
	[tilespmem:v20+s16+$0x0] =	vst.idx.msk vm4, v18;
	v18 =	vsel vm3, $0xFFFFFFFF, v1;
	v19 =	vsel vm3, $0x1, v1;
	v20 =	vmpcnt.ones.xlane vm3  }
.LBB2_17:
0x187: {  	s30 =	sadd.s32 $0x8, s30;
	s0 =	sadd.s32 $0x20, s26;
	v18 =	vadd.s32 v18, v17;
	(xrf0) =	vadd.scan.msk.s32 $0xffff, v19  }
0x188: {  	p1 =	slt.u32 s30, $0x13F0;
	v19 =	vor.u32 s0, v0;
	v17 =	vadd.s32 v17, v20;
	v20 =	vshra.s32 v14, $0x15;
	v21 =	vld [tilespmem:s28+$0x20];
	v22, _, _ =	vpop (xrf0)  }
0x189: {  	[tilespmem:v16+s15+$0x0] =	vst.idx.msk vm1, v11;
	v11 =	vadd.s32 v22, v15;
	vm4 =	vge.s32 v20, v10;
	vm5 =	vlt.s32 v17, $0x1000  }
0x18a: {  	[tilespmem:v16+s16+$0x0] =	vst.idx.msk vm1, v19;
	vm1 =	vmand vm5, vm4  }
0x18b: {  	v15 =	vsel vm1, $0xFFFFFFFF, v1;
	v16 =	vsel vm1, $0x1, v1;
	v19 =	vmpcnt.ones.xlane vm1  }
0x18c: {  	s0 =	sadd.s32 $0x30, s26;
	v15 =	vadd.s32 v15, v17;
	(xrf0) =	vadd.scan.msk.s32 $0xffff, v16  }
0x18d: {  	v16 =	vor.u32 s0, v0;
	v17 =	vadd.s32 v17, v19;
	v19 =	vshra.s32 v21, $0x15;
	v20 =	vld [tilespmem:s28+$0x30];
	v22, _, _ =	vpop (xrf0)  }
0x18e: {  	[tilespmem:v11+s15+$0x0] =	vst.idx.msk vm2, v12;
	v12 =	vadd.s32 v22, v18;
	vm4 =	vge.s32 v19, v10;
	vm5 =	vlt.s32 v17, $0x1000  }
0x18f: {  	[tilespmem:v11+s16+$0x0] =	vst.idx.msk vm2, v16;
	vm2 =	vmand vm5, vm4  }
0x190: {  	v11 =	vsel vm2, $0xFFFFFFFF, v1;
	v16 =	vsel vm2, $0x1, v1;
	v18 =	vmpcnt.ones.xlane vm2  }
0x191: {  	s0 =	sadd.s32 $0x40, s26;
	s28 =	sadd.s32 $0x80, s28;
	v11 =	vadd.s32 v11, v17;
	(xrf0) =	vadd.scan.msk.s32 $0xffff, v16  }
0x192: {  	v19 =	vor.u32 s0, v0;
	v16 =	vld [tilespmem:s28+$0xFFFFFFC0];
	v17 =	vadd.s32 v17, v18;
	v18 =	vshra.s32 v20, $0x15;
	v22, _, _ =	vpop (xrf0)  }
0x193: {  	[tilespmem:v12+s15+$0x0] =	vst.idx.msk vm3, v13;
	v13 =	vadd.s32 v22, v15;
	vm4 =	vge.s32 v18, v10;
	vm5 =	vlt.s32 v17, $0x1000  }
0x194: {  	[tilespmem:v12+s16+$0x0] =	vst.idx.msk vm3, v19;
	vm3 =	vmand vm5, vm4  }
0x195: {  	v12 =	vsel vm3, $0xFFFFFFFF, v1;
	v15 =	vsel vm3, $0x1, v1;
	v23 =	vmpcnt.ones.xlane vm3  }
0x196: {  	s0 =	sadd.s32 $0x50, s26;
	v12 =	vadd.s32 v12, v17;
	(xrf0) =	vadd.scan.msk.s32 $0xffff, v15  }
0x197: {  	s29 =	simm.s32 $0x13F80;
	v22 =	vor.u32 s0, v0;
	v15 =	vshra.s32 v16, $0x15;
	v19 =	vld [tilespmem:s28+$0xFFFFFFD0];
	v17 =	vadd.s32 v17, v23;
	v18, _, _ =	vpop (xrf0)  }
0x198: {  	vm4 =	vge.s32 v15, v10;
	vm5 =	vlt.s32 v17, $0x1000;
	[tilespmem:v13+s15+$0x0] =	vst.idx.msk vm1, v14;
	v14 =	vadd.s32 v18, v11  }
0x199: {  	vm4 =	vmand vm5, vm4;
	[tilespmem:v13+s16+$0x0] =	vst.idx.msk vm1, v22  }
0x19a: {  	v11 =	vsel vm4, $0xFFFFFFFF, v1;
	v13 =	vsel vm4, $0x1, v1;
	v15 =	vmpcnt.ones.xlane vm4  }
0x19b: {  	s0 =	sadd.s32 $0x60, s26;
	v18 =	vadd.s32 v11, v17;
	(xrf0) =	vadd.scan.msk.s32 $0xffff, v13  }
0x19c: {  	v13 =	vadd.s32 v17, v15;
	v15 =	vshra.s32 v19, $0x15;
	v11 =	vld [tilespmem:s28+$0xFFFFFFE0];
	v17 =	vor.u32 s0, v0;
	v22, _, _ =	vpop (xrf0)  }
0x19d: {  	vm1 =	vge.s32 v15, v10;
	vm5 =	vlt.s32 v13, $0x1000;
	[tilespmem:v14+s15+$0x0] =	vst.idx.msk vm2, v21;
	v15 =	vadd.s32 v22, v12  }
0x19e: {  	vm5 =	vmand vm5, vm1;
	[tilespmem:v14+s16+$0x0] =	vst.idx.msk vm2, v17  }
0x19f: {  	v12 =	vsel vm5, $0xFFFFFFFF, v1;
	v14 =	vsel vm5, $0x1, v1;
	v22 =	vmpcnt.ones.xlane vm5  }
0x1a0: {  	s0 =	sadd.s32 $0x70, s26;
	v21 =	vadd.s32 v12, v13;
	(xrf0) =	vadd.scan.msk.s32 $0xffff, v14  }
0x1a1: {  	v13 =	vadd.s32 v13, v22;
	v14 =	vshra.s32 v11, $0x15;
	v12 =	vld [tilespmem:s28+$0xFFFFFFF0];
	v17, _, _ =	vpop (xrf0);
	v22 =	vor.u32 s0, v0  }
0x1a2: {  	v17 =	vadd.s32 v17, v18;
	vm1 =	vge.s32 v14, v10;
	vm2 =	vlt.s32 v13, $0x1000;
	[tilespmem:v15+s15+$0x0] =	vst.idx.msk vm3, v20  }
0x1a3: {  	vm1 =	vmand vm2, vm1;
	[tilespmem:v15+s16+$0x0] =	vst.idx.msk vm3, v22  }
0x1a4: {  	v14 =	vsel vm1, $0xFFFFFFFF, v1;
	v15 =	vsel vm1, $0x1, v1;
	v18 =	vmpcnt.ones.xlane vm1  }
0x1a5: {  	s26 =	sadd.s32 $0x80, s26;
	v20 =	vadd.s32 v14, v13;
	(xrf0) =	vadd.scan.msk.s32 $0xffff, v15  }
0x1a6: {  	v14 =	vor.u32 s26, v0;
	v18 =	vadd.s32 v13, v18;
	v15 =	vshra.s32 v12, $0x15;
	v13 =	vld [tilespmem:s28+$0x0];
	v22, _, _ =	vpop (xrf0)  }
0x1a7: {  	[tilespmem:v17+s15+$0x0] =	vst.idx.msk vm4, v16;
	v21 =	vadd.s32 v22, v21;
	vm2 =	vge.s32 v15, v10;
	vm3 =	vlt.s32 v18, $0x1000  }
0x1a8: {  	[tilespmem:v17+s16+$0x0] =	vst.idx.msk vm4, v14;
	vm2 =	vmand vm3, vm2  }
0x1a9: {  	v14 =	vsel vm2, $0xFFFFFFFF, v1;
	v23 =	vsel vm2, $0x1, v1;
	v17 =	vmpcnt.ones.xlane vm2  }
.Ltmp7:
0x1aa: {  	s0 =	sadd.s32 $0x10, s26;
	v15 =	vadd.s32 v14, v18;
	(xrf0) =	vadd.scan.msk.s32 $0xffff, v23;
	(pc) =	sbr.rel @p1 .LBB2_17-.Ltmp7, $4  }
0x1ab: {  	v22 =	vor.u32 s0, v0;
	v17 =	vadd.s32 v18, v17;
	v18 =	vshra.s32 v13, $0x15;
	v14 =	vld [tilespmem:s28+$0x10];
	v16, _, _ =	vpop (xrf0)  }
0x1ac: {  	[tilespmem:v21+s15+$0x0] =	vst.idx.msk vm5, v19;
	v16 =	vadd.s32 v16, v20;
	vm3 =	vge.s32 v18, v10;
	vm4 =	vlt.s32 v17, $0x1000  }
0x1ad: {  	[tilespmem:v21+s16+$0x0] =	vst.idx.msk vm5, v22;
	vm3 =	vmand vm4, vm3  }
0x1ae: {  	v18 =	vsel vm3, $0xFFFFFFFF, v1;
	v19 =	vsel vm3, $0x1, v1;
	v20 =	vmpcnt.ones.xlane vm3  }
0x1af: {  	_ = 	snop  }
0x1b0: {  	v22 =	vld [tilespmem:s28+$0x20];
	v20 =	vadd.s32 v17, v20;
	v21 =	vshra.s32 v14, $0x15  }
0x1b1: {  	vm4 =	vge.s32 v21, v10;
	vm5 =	vlt.s32 v20, $0x1000  }
0x1b2: {  	vm4 =	vmand vm5, vm4  }
0x1b3: {  	v43 =	vmpcnt.ones.xlane vm4;
	_ =	sdelay $0x1  }
0x1b4: {  	v24 =	vld [tilespmem:s28+$0x30];
	v23 =	vshra.s32 v22, $0x15;
	v21 =	vadd.s32 v20, v43  }
0x1b5: {  	vm14 =	vge.s32 v23, v10;
	vm6 =	vlt.s32 v21, $0x1000  }
0x1b6: {  	vm5 =	vmand vm6, vm14  }
0x1b7: {  	(xrf0) =	vadd.scan.msk.s32 $0xffff, v19;
	v44 =	vmpcnt.ones.xlane vm5  }
0x1b8: {  	v45 =	vsel vm4, $0x1, v1  }
0x1b9: {  	(xrf0) =	vadd.scan.msk.s32 $0xffff, v45;
	v46 =	vshra.s32 v24, $0x15;
	v19 =	vadd.s32 v21, v44  }
0x1ba: {  	vm15 =	vge.s32 v46, v10;
	v25 =	vsel vm5, $0x1, v1;
	vm7 =	vlt.s32 v19, $0x1000  }
0x1bb: {  	v47, _, _ =	vpop (xrf0);
	(xrf0) =	vadd.scan.msk.s32 $0xffff, v25;
	vm6 =	vmand vm7, vm15  }
0x1bc: {  	v15 =	vadd.s32 v47, v15;
	v48 =	vsel vm6, $0x1, v1  }
0x1bd: {  	v49 =	vadd.s32 v18, v17;
	v50, _, _ =	vpop (xrf0);
	(xrf0) =	vadd.scan.msk.s32 $0xffff, v48  }
0x1be: {  	s0 =	sadd.s32 $0x20, s26;
	v51 =	vsel vm4, $0xFFFFFFFF, v1;
	v17 =	vadd.s32 v50, v49  }
0x1bf: {  	[tilespmem:v16+s15+$0x0] =	vst.idx.msk vm1, v11;
	v53 =	vor.u32 s0, v0;
	v11 =	vadd.s32 v51, v20;
	v52, _, _ =	vpop (xrf0)  }
0x1c0: {  	s10 =	sadd.s32 $0x30, s26;
	[tilespmem:v16+s16+$0x0] =	vst.idx.msk vm1, v53;
	v54 =	vsel vm5, $0xFFFFFFFF, v1;
	v11 =	vadd.s32 v52, v11  }
0x1c1: {  	v55 =	vor.u32 s10, v0;
	[tilespmem:v15+s15+$0x0] =	vst.idx.msk vm2, v12;
	v16 =	vadd.s32 v54, v21;
	v56, _, _ =	vpop (xrf0)  }
0x1c2: {  	s23 =	sadd.s32 $0x40, s26;
	[tilespmem:v15+s16+$0x0] =	vst.idx.msk vm2, v55;
	v57 =	vsel vm6, $0xFFFFFFFF, v1;
	v58 =	vadd.s32 v56, v16  }
0x1c3: {  	v59 =	vor.u32 s23, v0;
	[tilespmem:v17+s15+$0x0] =	vst.idx.msk vm3, v13;
	v12 =	vadd.s32 v57, v19;
	v60, _, _ =	vpop (xrf0)  }
0x1c4: {  	s28 =	sadd.s32 $0x50, s26;
	[tilespmem:v17+s16+$0x0] =	vst.idx.msk vm3, v59;
	v12 =	vadd.s32 v60, v12  }
0x1c5: {  	v61 =	vor.u32 s28, v0;
	[tilespmem:v11+s15+$0x0] =	vst.idx.msk vm4, v14  }
0x1c6: {  	s30 =	sadd.s32 $0x60, s26;
	[tilespmem:v11+s16+$0x0] =	vst.idx.msk vm4, v61  }
0x1c7: {  	v11 =	vor.u32 s30, v0;
	[tilespmem:v58+s15+$0x0] =	vst.idx.msk vm5, v22  }
0x1c8: {  	s31 =	sadd.s32 $0x70, s26;
	v62 =	vmpcnt.ones.xlane vm6;
	[tilespmem:v58+s16+$0x0] =	vst.idx.msk vm5, v11  }
0x1c9: {  	v63 =	vor.u32 s31, v0;
	[tilespmem:v12+s15+$0x0] =	vst.idx.msk vm6, v24  }
0x1ca: {  	s0 =	simm.s32 $0x13F80;
	v11 =	vadd.s32 v19, v62;
	[tilespmem:v12+s16+$0x0] =	vst.idx.msk vm6, v63  }
.LBB2_19:
0x1cb: {  	v12 =	vld [tilespmem:s29+$0x0];
	_ =	sdelay $0x4  }
0x1cc: {  	v13 =	vshra.s32 v12, $0x15  }
0x1cd: {  	vm2 =	vlt.s32 v11, $0x1000;
	vm1 =	vge.s32 v13, v10  }
0x1ce: {  	vm1 =	vmand vm2, vm1  }
0x1cf: {  	v60 =	vsel vm1, $0x1, v1  }
0x1d0: {  	(xrf0) =	vadd.scan.msk.s32 $0xffff, v60;
	_ =	sdelay $0x4  }
0x1d1: {  	v61 =	vsel vm1, $0xFFFFFFFF, v1  }
0x1d2: {  	v13 =	vadd.s32 v61, v11;
	v14, _, _ =	vpop (xrf0)  }
0x1d3: {  	v13 =	vadd.s32 v14, v13  }
0x1d4: {  	p1 =	sne.s32 s0, $0x13FE0  }
.Ltmp8:
0x1d5: {  	_ = 	snop;
	(pc) =	sbr.rel @p1 .LBB2_19-.Ltmp8, $4  }
0x1d6: {  	_ = 	snop  }
0x1d7: {  	v62 =	vmpcnt.ones.xlane vm1  }
0x1d8: {  	v63 =	vor.u32 s0, v0;
	[tilespmem:v13+s15+$0x0] =	vst.idx.msk vm1, v12  }
0x1d9: {  	s29 =	sadd.s32 $0x10, s29;
	s0 =	sadd.s32 $0x10, s0;
	v11 =	vadd.s32 v11, v62;
	[tilespmem:v13+s16+$0x0] =	vst.idx.msk vm1, v63  }
0x1da: {  	s26 =	simm.s32 $0x1A670  }
0x1db: {  	v13 =	vld [tilespmem:s26+$0xFFFFFFF0]  }
0x1dc: {  	v12 =	vld [tilespmem:s26+$0x10];
	_ =	sdelay $0x1  }
0x1dd: {  	v14 =	vld [tilespmem:s26+$0x0];
	_ =	sdelay $0x1  }
0x1de: {  	v17 =	vshrl.u32 v13, $0xB;
	v16 =	vshra.s32 v13, $0x15;
	v13 =	vld [tilespmem:s26+$0xFFFFFFE0]  }
0x1df: {  	v11 =	vmul.u32 $0x400, v0;
	v15 =	vshra.s32 v12, $0x15;
	v12 =	vshrl.u32 v12, $0xB  }
0x1e0: {  	vm1 =	veq.s32 v15, v10;
	v12 =	vand.u32 $0x3FF, v12  }
0x1e1: {  	v15 =	vshrl.u32 v14, $0xB;
	v12 =	vor.u32 v11, v12  }
0x1e2: {  	s0 =	simm.s32 $0x0;
	s29 =	simm.s32 $0x1A6B0;
	v17 =	vand.u32 $0x3FF, v17;
	v14 =	vshra.s32 v14, $0x15;
	v15 =	vand.u32 $0x3FF, v15  }
.LBB2_21:
0x1e3: {  	v18 =	vld [tilespmem:s29+$0x10];
	s0 =	sadd.s32 $0x4, s0;
	v19 =	vshra.s32 v13, $0x15;
	v13 =	vshrl.u32 v13, $0xB;
	vm2 =	veq.s32 v16, v10  }
0x1e4: {  	v17 =	vor.u32 v11, v17;
	v16 =	vld [tilespmem:s29+$0xFFFFFFF0];
	p1 =	slt.u32 s0, $0xFC;
	vm3 =	veq.s32 v19, v10;
	v13 =	vand.u32 $0x3FF, v13  }
0x1e5: {  	vm4 =	veq.s32 v14, v10;
	v21 =	vor.u32 v11, v15;
	v19 =	vld [tilespmem:s29+$0x0];
	v20 =	vor.u32 v11, v13  }
0x1e6: {  	s26 =	simm.s32 $0x1A210;
	s28 =	simm.s32 $0x17FF0;
	[tilespmem:v12+s17+$0x0] =	vst.idx.add.s32.msk vm1, v5  }
.Ltmp9:
0x1e7: {  	v13 =	vld [tilespmem:s29+$0xFFFFFFE0];
	(pc) =	sbr.rel @p1 .LBB2_21-.Ltmp9, $4  }
0x1e8: {  	v12 =	vshra.s32 v18, $0x15;
	v14 =	vshrl.u32 v18, $0xB  }
0x1e9: {  	v15 =	vshrl.u32 v16, $0xB;
	vm1 =	veq.s32 v12, v10;
	v12 =	vand.u32 $0x3FF, v14;
	[tilespmem:v17+s17+$0x0] =	vst.idx.add.s32.msk vm2, v5  }
0x1ea: {  	v16 =	vshra.s32 v16, $0x15;
	v18 =	vshrl.u32 v19, $0xB;
	v12 =	vor.u32 v11, v12;
	[tilespmem:v20+s17+$0x0] =	vst.idx.add.s32.msk vm3, v5  }
0x1eb: {  	s29 =	sadd.s32 $0x40, s29;
	v17 =	vand.u32 $0x3FF, v15;
	v14 =	vshra.s32 v19, $0x15;
	v15 =	vand.u32 $0x3FF, v18;
	[tilespmem:v21+s17+$0x0] =	vst.idx.add.s32.msk vm4, v5  }
0x1ec: {  	v18 =	vshra.s32 v13, $0x15;
	vm2 =	veq.s32 v16, v10  }
0x1ed: {  	v51 =	vshrl.u32 v13, $0xB;
	v52 =	vor.u32 v11, v17;
	vm4 =	veq.s32 v14, v10  }
0x1ee: {  	vm3 =	veq.s32 v18, v10;
	v13 =	vand.u32 $0x3FF, v51;
	v10 =	vor.u32 v11, v15  }
0x1ef: {  	v13 =	vor.u32 v11, v13;
	_ =	sdelay $0x1  }
0x1f0: {  	[tilespmem:v12+s17+$0x0] =	vst.idx.add.s32.msk vm1, v5  }
0x1f1: {  	[tilespmem:v52+s17+$0x0] =	vst.idx.add.s32.msk vm2, v5  }
0x1f2: {  	[tilespmem:v10+s17+$0x0] =	vst.idx.add.s32.msk vm4, v5  }
0x1f3: {  	[tilespmem:v13+s17+$0x0] =	vst.idx.add.s32.msk vm3, v5  }
0x1f4: {  	v10 =	vld [tilespmem:s28+$0xFFFFE400]  }
0x1f5: {  	v11 =	vld [tilespmem:s28+$0xFFFFE000]  }
0x1f6: {  	v12 =	vld [tilespmem:s28+$0xFFFFE800]  }
0x1f7: {  	v13 =	vld [tilespmem:s28+$0xFFFFEC00]  }
0x1f8: {  	v53 =	vld [tilespmem:s28+$0xFFFFF000]  }
0x1f9: {  	v54 =	vld [tilespmem:s28+$0xFFFFF400]  }
0x1fa: {  	v10 =	vadd.s32 v11, v10;
	v11 =	vld [tilespmem:s28+$0xFFFFF800]  }
0x1fb: {  	v55 =	vld [tilespmem:s28+$0xFFFFFC00];
	v10 =	vadd.s32 v12, v10  }
0x1fc: {  	v56 =	vld [tilespmem:s28+$0x0];
	v10 =	vadd.s32 v13, v10  }
0x1fd: {  	v57 =	vld [tilespmem:s28+$0x400];
	v10 =	vadd.s32 v53, v10  }
0x1fe: {  	v58 =	vld [tilespmem:s28+$0x800];
	v10 =	vadd.s32 v54, v10  }
0x1ff: {  	v10 =	vadd.s32 v11, v10;
	v11 =	vld [tilespmem:s28+$0xC00]  }
0x200: {  	v59 =	vld [tilespmem:s28+$0x1000];
	v10 =	vadd.s32 v55, v10  }
0x201: {  	v60 =	vld [tilespmem:s28+$0x1400];
	v10 =	vadd.s32 v56, v10  }
0x202: {  	v61 =	vld [tilespmem:s28+$0x1800];
	v10 =	vadd.s32 v57, v10  }
0x203: {  	v62 =	vld [tilespmem:s28+$0x1C00];
	v10 =	vadd.s32 v58, v10  }
0x204: {  	v10 =	vadd.s32 v11, v10  }
0x205: {  	v10 =	vadd.s32 v59, v10  }
0x206: {  	v10 =	vadd.s32 v60, v10  }
0x207: {  	v10 =	vadd.s32 v61, v10  }
0x208: {  	v10 =	vadd.s32 v62, v10  }
0x209: {  	(xrf0) =	vadd.scan.msk.s32 $0xffff, v10;
	_ =	sdelay $0x1  }
0x20a: {  	s0 =	simm.s32 $0x0  }
0x20b: {  	s28 =	sand.u32 $0x30, s0;
	[tilespmem:s26+$0x0] =	vst v10  }
0x20c: {  	v10 =	vld [tilespmem:s28+$0x1A610];
	_ =	sdelay $0x1  }
0x20d: {  	s0 =	sand.u32 $0xF, s0;
	v11, _, _ =	vpop (xrf0)  }
0x20e: {  	v63 =	vmov s0;
	v11 =	vbroadcast v11, $0xF  }
0x20f: {  	vm1 =	veq.s32 v63, v0  }
0x210: {  	v10 =	vsel vm1, v11, v10  }
0x211: {  	s29 =	simm.s32 $0x18000;
	[tilespmem:s28+$0x1A610] =	vst v10  }
0x212: {  	v10 =	vld [tilespmem:s29+$0xFFFFE400]  }
0x213: {  	s30 =	simm.s32 $0x2;
	s28 =	simm.s32 $0x1;
	v11 =	vld [tilespmem:s29+$0xFFFFE000]  }
.LBB2_23:
0x214: {  	p1 =	sne.s32 s30, $0x3F;
	v12 =	vld [tilespmem:s29+$0xFFFFE800]  }
0x215: {  	v13 =	vld [tilespmem:s29+$0xFFFFEC00]  }
0x216: {  	v14 =	vld [tilespmem:s29+$0xFFFFF000]  }
0x217: {  	v15 =	vld [tilespmem:s29+$0xFFFFF400]  }
0x218: {  	v10 =	vadd.s32 v11, v10;
	v11 =	vld [tilespmem:s29+$0xFFFFF800]  }
0x219: {  	v10 =	vadd.s32 v12, v10;
	v12 =	vld [tilespmem:s29+$0xFFFFFC00]  }
0x21a: {  	v10 =	vadd.s32 v13, v10;
	v13 =	vld [tilespmem:s29+$0x0]  }
0x21b: {  	v10 =	vadd.s32 v14, v10;
	v14 =	vld [tilespmem:s29+$0x400]  }
0x21c: {  	v10 =	vadd.s32 v15, v10;
	v15 =	vld [tilespmem:s29+$0x800]  }
0x21d: {  	v10 =	vadd.s32 v11, v10;
	v11 =	vld [tilespmem:s29+$0xC00]  }
0x21e: {  	v10 =	vadd.s32 v12, v10;
	v12 =	vld [tilespmem:s29+$0x1000]  }
0x21f: {  	v10 =	vadd.s32 v13, v10;
	v13 =	vld [tilespmem:s29+$0x1400]  }
0x220: {  	v10 =	vadd.s32 v14, v10;
	v14 =	vld [tilespmem:s29+$0x1800]  }
0x221: {  	v10 =	vadd.s32 v15, v10;
	v15 =	vld [tilespmem:s29+$0x1C00]  }
0x222: {  	v10 =	vadd.s32 v11, v10  }
0x223: {  	v10 =	vadd.s32 v12, v10  }
0x224: {  	v10 =	vadd.s32 v13, v10  }
0x225: {  	v10 =	vadd.s32 v14, v10  }
0x226: {  	s26 =	sadd.s32 $0x10, s26;
	v10 =	vadd.s32 v15, v10  }
0x227: {  	[tilespmem:s26+$0x0] =	vst v10;
	(xrf0) =	vadd.scan.msk.s32 $0xffff, v10;
	_ =	sdelay $0x2  }
0x228: {  	s0 =	sand.u32 $0x30, s28  }
0x229: {  	v10 =	vld [tilespmem:s0+$0x1A610];
	_ =	sdelay $0x1  }
0x22a: {  	s31 =	sand.u32 $0xF, s28;
	s28 =	smov.u32 s30;
	v11, _, _ =	vpop (xrf0)  }
0x22b: {  	v12 =	vmov s31;
	v11 =	vbroadcast v11, $0xF  }
.Ltmp10:
0x22c: {  	vm1 =	veq.s32 v12, v0;
	(pc) =	sbr.rel @p1 .LBB2_23-.Ltmp10, $4  }
0x22d: {  	v10 =	vsel vm1, v11, v10  }
0x22e: {  	s29 =	sadd.s32 $0x10, s29;
	[tilespmem:s0+$0x1A610] =	vst v10  }
0x22f: {  	v10 =	vld [tilespmem:s29+$0xFFFFE400]  }
0x230: {  	s30 =	sadd.s32 $0x1, s30;
	v11 =	vld [tilespmem:s29+$0xFFFFE000]  }
0x231: {  	v12 =	vld [tilespmem:s29+$0xFFFFE800]  }
0x232: {  	v13 =	vld [tilespmem:s29+$0xFFFFEC00]  }
0x233: {  	v14 =	vld [tilespmem:s29+$0xFFFFF000]  }
0x234: {  	v15 =	vld [tilespmem:s29+$0xFFFFF400]  }
0x235: {  	v10 =	vadd.s32 v11, v10;
	v11 =	vld [tilespmem:s29+$0xFFFFF800]  }
0x236: {  	v55 =	vld [tilespmem:s29+$0xFFFFFC00];
	v10 =	vadd.s32 v12, v10  }
0x237: {  	v56 =	vld [tilespmem:s29+$0x0];
	v10 =	vadd.s32 v13, v10  }
0x238: {  	v57 =	vld [tilespmem:s29+$0x400];
	v10 =	vadd.s32 v14, v10  }
0x239: {  	v58 =	vld [tilespmem:s29+$0x800];
	v10 =	vadd.s32 v15, v10  }
0x23a: {  	v10 =	vadd.s32 v11, v10;
	v11 =	vld [tilespmem:s29+$0xC00]  }
0x23b: {  	v59 =	vld [tilespmem:s29+$0x1000];
	v10 =	vadd.s32 v55, v10  }
0x23c: {  	v60 =	vld [tilespmem:s29+$0x1400];
	v10 =	vadd.s32 v56, v10  }
0x23d: {  	v61 =	vld [tilespmem:s29+$0x1800];
	v10 =	vadd.s32 v57, v10  }
0x23e: {  	v62 =	vld [tilespmem:s29+$0x1C00];
	v10 =	vadd.s32 v58, v10  }
0x23f: {  	v10 =	vadd.s32 v11, v10  }
0x240: {  	v10 =	vadd.s32 v59, v10  }
0x241: {  	v10 =	vadd.s32 v60, v10  }
0x242: {  	v10 =	vadd.s32 v61, v10  }
0x243: {  	v9 =	vxor.u32 $0x80000000, v9;
	v10 =	vadd.s32 v62, v10  }
0x244: {  	v9 =	vnsel vm0, $0x7FFFFFFF, v9;
	(xrf0) =	vadd.scan.msk.s32 $0xffff, v10  }
0x245: {  	(xrf0) =	vmax.scan.msk.u32 $0xffff, v9  }
0x246: {  	s0 =	sadd.s32 $0x10, s26  }
0x247: {  	s10 =	sand.u32 $0x30, s28;
	[tilespmem:s0+$0x0] =	vst v10  }
0x248: {  	v9 =	vld [tilespmem:s10+$0x1A610];
	_ =	sdelay $0x1  }
0x249: {  	s23 =	sand.u32 $0xF, s28;
	v10, _, _ =	vpop (xrf0)  }
0x24a: {  	v11 =	vmov s23;
	v10 =	vbroadcast v10, $0xF;
	v63, _, _ =	vpop (xrf0)  }
0x24b: {  	vm14 =	veq.s32 v11, v0;
	(v2sf) =	vpush v63, $0xF  }
0x24c: {  	v9 =	vsel vm14, v10, v9  }
0x24d: {  	s5 =	simm.s32 $0x1A640;
	[tilespmem:s10+$0x1A610] =	vst v9  }
0x24e: {  	v9 =	vld [tilespmem:s5+$0x0];
	_ =	sdelay $0x4  }
0x24f: {  	v10 =	vperm.xlane v9, v6;
	_ =	sdelay $0x1  }
0x250: {  	(xrf0) =	vadd.scan.msk.s32 $0xffff, v10;
	_ =	sdelay $0x4  }
0x251: {  	s10 =	spop (v2sf)  }
0x252: {  	s0 =	sxor.u32 $0x80000000, s10;
	v11, _, _ =	vpop (xrf0)  }
0x253: {  	s26 =	simm.s32 $0x0;
	s0 =	ssub.s32 $0x12C, s0;
	v10 =	vsub.s32 v11, v10  }
0x254: {  	s23 =	simm.s32 $0x3F;
	(xrf0) =	vadd.scan.msk.s32 $0xffff, v9;
	v11 =	vadd.s32 s26, v11;
	v9 =	vmov s0;
	v10 =	vadd.s32 s26, v10  }
0x255: {  	vm15 =	vlt.s32 v10, v9;
	vm1 =	vge.s32 v11, v9;
	v11 =	vadd.s32 s23, v2  }
0x256: {  	vm0 =	vmand vm1, vm15;
	v11 =	vxor.u32 $0x80000000, v11  }
0x257: {  	v11 =	vnsel vm0, $0x7FFFFFFF, v11;
	_ =	sdelay $0x1  }
0x258: {  	v10 =	vxor.u32 $0x80000000, v10  }
0x259: {  	v10 =	vnsel vm0, $0x7FFFFFFF, v10;
	(xrf0) =	vmax.scan.msk.u32 $0xffff, v11;
	v11, _, _ =	vpop (xrf0)  }
0x25a: {  	(xrf0) =	vmax.scan.msk.u32 $0xffff, v10;
	(v2sf) =	vpush v11, $0xF  }
0x25b: {  	s31 =	simm.s32 $0xFFFFFFFF;
	s29 =	simm.s32 $0x1A630  }
0x25c: {  	s28 =	simm.s32 $0x2F;
	s30 =	simm.s32 $0x1F;
	s0 =	simm.s32 $0xFFFFFFFF;
	v10 =	vld [tilespmem:s29+$0x0]  }
.LBB2_25:
0x25d: {  	s5 =	smov.u32 s0;
	s10 =	smov.u32 s31  }
0x25e: {  	p1 =	sne.s32 s30, $0xF  }
0x25f: {  	v11, _, _ =	vpop (xrf0)  }
0x260: {  	(v2sf) =	vpush v11, $0xF;
	v11, _, _ =	vpop (xrf0)  }
0x261: {  	v12 =	vperm.xlane v10, v6;
	(v2sf) =	vpush v11, $0xF;
	_ =	sdelay $0x1  }
0x262: {  	(xrf0) =	vadd.scan.msk.s32 $0xffff, v12;
	_ =	sdelay $0x5  }
0x263: {  	v11, _, _ =	vpop (xrf0);
	(xrf0) =	vadd.scan.msk.s32 $0xffff, v10;
	s0 =	spop (v2sf)  }
0x264: {  	v10 =	vsub.s32 v11, v12;
	s26 =	sadd.s32 s26, s0  }
0x265: {  	v10 =	vadd.s32 s26, v10;
	v11 =	vadd.s32 s26, v11  }
0x266: {  	vm0 =	vlt.s32 v10, v9;
	vm1 =	vge.s32 v11, v9;
	v11 =	vadd.s32 s28, v2;
	s28 =	smov.u32 s30  }
0x267: {  	vm0 =	vmand vm1, vm0;
	v13 =	vxor.u32 $0x80000000, v11  }
0x268: {  	v10 =	vxor.u32 $0x80000000, v10;
	v12 =	vnsel vm0, $0x7FFFFFFF, v13  }
.Ltmp11:
0x269: {  	v10 =	vnsel vm0, $0x7FFFFFFF, v10;
	(xrf0) =	vmax.scan.msk.u32 $0xffff, v12;
	v11, _, _ =	vpop (xrf0);
	s0 =	spop (v2sf);
	(pc) =	sbr.rel @p1 .LBB2_25-.Ltmp11, $4  }
0x26a: {  	(xrf0) =	vmax.scan.msk.u32 $0xffff, v10;
	(v2sf) =	vpush v11, $0xF;
	s23 =	spop (v2sf)  }
0x26b: {  	s29 =	sadd.s32 $0xFFFFFFF0, s29;
	s31 =	sxor.u32 $0x80000000, s0;
	s0 =	sxor.u32 $0x80000000, s23  }
0x26c: {  	p2 =	sgt.s32 s10, s31;
	v10 =	vld [tilespmem:s29+$0x0];
	p3 =	sgt.s32 s5, s0  }
0x26d: {  	s30 =	sadd.s32 $0xFFFFFFF0, s30;
	s31 =	smov.u32 @p2 s10;
	s0 =	smov.u32 @p3 s5  }
0x26e: {  	_ =	sdelay $0x2  }
0x26f: {  	v11 =	vperm.xlane v10, v6;
	_ =	sdelay $0x1  }
0x270: {  	(xrf0) =	vadd.scan.msk.s32 $0xffff, v11;
	_ =	sdelay $0x3  }
0x271: {  	v12, _, _ =	vpop (xrf0)  }
0x272: {  	v13, _, _ =	vpop (xrf0)  }
0x273: {  	v14, _, _ =	vpop (xrf0);
	s5 =	spop (v2sf)  }
0x274: {  	v11 =	vsub.s32 v14, v11;
	s5 =	sadd.s32 s26, s5  }
0x275: {  	v11 =	vadd.s32 s5, v11;
	v14 =	vadd.s32 s5, v14  }
0x276: {  	vm0 =	vlt.s32 v11, v9;
	vm1 =	vge.s32 v14, v9;
	v14 =	vadd.s32 s28, v2  }
0x277: {  	vm0 =	vmand vm1, vm0;
	v14 =	vxor.u32 $0x80000000, v14  }
0x278: {  	(xrf0) =	vadd.scan.msk.s32 $0xffff, v10;
	v10 =	vnsel vm0, $0x7FFFFFFF, v14  }
0x279: {  	(xrf0) =	vmax.scan.msk.u32 $0xffff, v10;
	_ =	sdelay $0x3  }
0x27a: {  	(v2sf) =	vpush v12, $0xF  }
0x27b: {  	(v2sf) =	vpush v13, $0xF;
	v10, _, _ =	vpop (xrf0)  }
0x27c: {  	(v2sf) =	vpush v10, $0xF;
	v10, _, _ =	vpop (xrf0)  }
0x27d: {  	(v2sf) =	vpush v10, $0xF;
	_ =	sdelay $0x4  }
0x27e: {  	v10 =	vxor.u32 $0x80000000, v11  }
0x27f: {  	v10 =	vnsel vm0, $0x7FFFFFFF, v10  }
0x280: {  	(xrf0) =	vmax.scan.msk.u32 $0xffff, v10;
	_ =	sdelay $0x4  }
0x281: {  	s30 =	spop (v2sf)  }
0x282: {  	s10 =	spop (v2sf);
	v10, _, _ =	vpop (xrf0)  }
0x283: {  	s5 =	sxor.u32 $0x80000000, s30;
	(v2sf) =	vpush v10, $0xF;
	s23 =	spop (v2sf)  }
0x284: {  	p1 =	sgt.s32 s31, s5;
	s23 =	spop (v2sf)  }
0x285: {  	s5 =	smov.u32 @p1 s31;
	s23 =	sxor.u32 $0x80000000, s23  }
0x286: {  	p1 =	sgt.s32 s5, s23  }
0x287: {  	s23 =	smov.u32 @p1 s5  }
0x288: {  	s5 =	sshll.u32 s23, $0x4  }
0x289: {  	v10 =	vld [tilespmem:s5+$0x1A210];
	_ =	sdelay $0x4  }
0x28a: {  	v10 =	vperm.xlane v10, v6;
	_ =	sdelay $0x1  }
0x28b: {  	(xrf0) =	vadd.scan.msk.s32 $0xffff, v10  }
0x28c: {  	s5 =	sxor.u32 $0x80000000, s10  }
0x28d: {  	p1 =	sgt.s32 s0, s5;
	s31 =	spop (v2sf)  }
0x28e: {  	s5 =	smov.u32 @p1 s0;
	s0 =	sxor.u32 $0x80000000, s31  }
0x28f: {  	p1 =	sgt.s32 s5, s0  }
0x290: {  	s0 =	smov.u32 @p1 s5  }
0x291: {  	v10 =	vsub.s32 s0, v10;
	v11, _, _ =	vpop (xrf0)  }
0x292: {  	s26 =	sshllo.u32 s23, $0x4;
	v10 =	vadd.s32 v11, v10;
	v11 =	vadd.s32 s0, v11  }
0x293: {  	vm0 =	vlt.s32 v10, v9;
	vm1 =	vge.s32 v11, v9;
	v9 =	vadd.s32 s26, v2  }
0x294: {  	vm0 =	vmand vm1, vm0;
	v9 =	vxor.u32 $0x80000000, v9  }
0x295: {  	v9 =	vnsel vm0, $0x7FFFFFFF, v9  }
0x296: {  	(xrf0) =	vmax.scan.msk.u32 $0xffff, v9;
	_ =	sdelay $0x5  }
0x297: {  	v9, _, _ =	vpop (xrf0)  }
0x298: {  	(v2sf) =	vpush v9, $0xF;
	_ =	sdelay $0xb  }
0x299: {  	s29 =	simm.s32 $0x1A670  }
0x29a: {  	v14 =	vld [tilespmem:s29+$0xFFFFFFE0];
	_ =	sdelay $0x1  }
0x29b: {  	s31 =	sshll.u32 s25, $0xA;
	s30 =	spop (v2sf)  }
0x29c: {  	s5 =	sadd.s32 s30, s31  }
0x29d: {  	s5 =	sadd.s32 $0x80000000, s5  }
0x29e: {  	v12 =	vld [tilespmem:s29+$0xFFFFFFF0];
	v11 =	vimm.s32 $0x0;
	v9 =	vshra.s32 v14, $0xB;
	v10 =	vmov s5  }
0x29f: {  	vm1 =	vlt.s32 v11, $0x200;
	vm0 =	vge.s32 v9, v10  }
0x2a0: {  	vm0 =	vmand vm1, vm0  }
0x2a1: {  	v13 =	vmpcnt.ones.xlane vm0;
	_ =	sdelay $0x1  }
0x2a2: {  	v9 =	vsel vm0, $0x1, v1;
	v15 =	vadd.s32 v11, v13;
	v13 =	vshra.s32 v12, $0xB  }
0x2a3: {  	(xrf0) =	vadd.scan.msk.s32 $0xffff, v9;
	vm1 =	vge.s32 v13, v10;
	vm2 =	vlt.s32 v15, $0x200  }
0x2a4: {  	vm2 =	vmand vm2, vm1  }
0x2a5: {  	v9 =	vld [tilespmem:s29+$0x0];
	v13 =	vmpcnt.ones.xlane vm2;
	_ =	sdelay $0x1  }
0x2a6: {  	v16 =	vsel vm0, $0xFFFFFFFF, v1  }
0x2a7: {  	v16 =	vadd.s32 v16, v11;
	v11 =	vld [tilespmem:s29+$0x10];
	v17 =	vsel vm2, $0x1, v1  }
0x2a8: {  	(xrf0) =	vadd.scan.msk.s32 $0xffff, v17;
	v18 =	vadd.s32 v15, v13;
	v13, _, _ =	vpop (xrf0)  }
0x2a9: {  	v17 =	vshra.s32 v9, $0xB;
	v13 =	vadd.s32 v13, v16  }
0x2aa: {  	vm1 =	vge.s32 v17, v10;
	vm3 =	vlt.s32 v18, $0x200  }
0x2ab: {  	vm1 =	vmand vm3, vm1  }
0x2ac: {  	v20 =	vshra.s32 v11, $0xB;
	v17 =	vmpcnt.ones.xlane vm1;
	v21 =	vsel vm1, $0x1, v1  }
0x2ad: {  	s26 =	simm.s32 $0x1A6B0;
	vm3 =	vge.s32 v20, v10;
	v16 =	vsel vm2, $0xFFFFFFFF, v1;
	(xrf0) =	vadd.scan.msk.s32 $0xffff, v21  }
0x2ae: {  	v19 =	vadd.s32 v16, v15;
	v15 =	vld [tilespmem:s26+$0xFFFFFFE0];
	v17 =	vadd.s32 v18, v17;
	[tilespmem:v13+s18+$0x0] =	vst.idx.msk vm0, v14;
	v14, _, _ =	vpop (xrf0)  }
0x2af: {  	s25 =	simm.s32 $0x1B680;
	v16 =	vsel vm1, $0xFFFFFFFF, v1;
	vm4 =	vlt.s32 v17, $0x200;
	v14 =	vadd.s32 v14, v19  }
0x2b0: {  	s28 =	simm.s32 $0x4;
	v16 =	vadd.s32 v16, v18;
	vm3 =	vmand vm4, vm3;
	v18 =	vld [tilespmem:s25+$0xFFFFFFE0]  }
.LBB2_27:
0x2b1: {  	s28 =	sadd.s32 $0x4, s28;
	v19 =	vsel vm3, $0xFFFFFFFF, v1;
	v20 =	vsel vm3, $0x1, v1;
	v24 =	vmpcnt.ones.xlane vm3  }
0x2b2: {  	p1 =	slt.u32 s28, $0xFC;
	v19 =	vadd.s32 v19, v17;
	(xrf0) =	vadd.scan.msk.s32 $0xffff, v20  }
0x2b3: {  	v20 =	vshra.s32 v15, $0xB;
	v22 =	vld [tilespmem:s26+$0xFFFFFFF0];
	v17 =	vadd.s32 v17, v24;
	v21, _, _ =	vpop (xrf0);
	v23 =	vmov v15  }
0x2b4: {  	vm4 =	vge.s32 v20, v10;
	vm5 =	vlt.s32 v17, $0x200;
	[tilespmem:v14+s18+$0x0] =	vst.idx.msk vm2, v12;
	v15 =	vadd.s32 v21, v16  }
0x2b5: {  	[tilespmem:v13+s19+$0x0] =	vst.idx.msk vm0, v18;
	vm0 =	vmand vm5, vm4;
	v13 =	vld [tilespmem:s25+$0xFFFFFFF0]  }
0x2b6: {  	v24 =	vsel vm0, $0xFFFFFFFF, v1;
	v16 =	vsel vm0, $0x1, v1;
	v18 =	vmpcnt.ones.xlane vm0  }
0x2b7: {  	v20 =	vadd.s32 v24, v17;
	(xrf0) =	vadd.scan.msk.s32 $0xffff, v16  }
0x2b8: {  	v16 =	vadd.s32 v17, v18;
	v17 =	vshra.s32 v22, $0xB;
	v18 =	vld [tilespmem:s26+$0x0];
	v21, _, _ =	vpop (xrf0);
	v12 =	vmov v22  }
0x2b9: {  	vm4 =	vge.s32 v17, v10;
	vm5 =	vlt.s32 v16, $0x200;
	[tilespmem:v15+s18+$0x0] =	vst.idx.msk vm1, v9;
	v19 =	vadd.s32 v21, v19  }
0x2ba: {  	[tilespmem:v14+s19+$0x0] =	vst.idx.msk vm2, v13;
	vm2 =	vmand vm5, vm4;
	v14 =	vld [tilespmem:s25+$0x0]  }
0x2bb: {  	v25 =	vsel vm2, $0xFFFFFFFF, v1;
	v24 =	vsel vm2, $0x1, v1;
	v17 =	vmpcnt.ones.xlane vm2  }
0x2bc: {  	v21 =	vadd.s32 v25, v16;
	(xrf0) =	vadd.scan.msk.s32 $0xffff, v24  }
0x2bd: {  	v17 =	vadd.s32 v16, v17;
	v16 =	vshra.s32 v18, $0xB;
	v22 =	vld [tilespmem:s26+$0x10];
	v13, _, _ =	vpop (xrf0);
	v9 =	vmov v18  }
0x2be: {  	v13 =	vadd.s32 v13, v20;
	vm4 =	vge.s32 v16, v10;
	vm5 =	vlt.s32 v17, $0x200;
	[tilespmem:v19+s18+$0x0] =	vst.idx.msk vm3, v11  }
0x2bf: {  	[tilespmem:v15+s19+$0x0] =	vst.idx.msk vm1, v14;
	vm1 =	vmand vm5, vm4;
	v20 =	vld [tilespmem:s25+$0x10]  }
.Ltmp12:
0x2c0: {  	v25 =	vsel vm1, $0xFFFFFFFF, v1;
	v24 =	vsel vm1, $0x1, v1;
	v18 =	vmpcnt.ones.xlane vm1;
	(pc) =	sbr.rel @p1 .LBB2_27-.Ltmp12, $4  }
0x2c1: {  	s26 =	sadd.s32 $0x40, s26;
	v16 =	vadd.s32 v25, v17;
	(xrf0) =	vadd.scan.msk.s32 $0xffff, v24  }
0x2c2: {  	v15 =	vld [tilespmem:s26+$0xFFFFFFE0];
	v17 =	vadd.s32 v17, v18;
	v18 =	vshra.s32 v22, $0xB;
	v14, _, _ =	vpop (xrf0);
	v11 =	vmov v22  }
0x2c3: {  	s25 =	sadd.s32 $0x40, s25;
	[tilespmem:v13+s18+$0x0] =	vst.idx.msk vm0, v23;
	v14 =	vadd.s32 v14, v21;
	vm4 =	vge.s32 v18, v10;
	vm5 =	vlt.s32 v17, $0x200  }
0x2c4: {  	v18 =	vld [tilespmem:s25+$0xFFFFFFE0];
	[tilespmem:v19+s19+$0x0] =	vst.idx.msk vm3, v20;
	vm3 =	vmand vm5, vm4  }
0x2c5: {  	v19 =	vmpcnt.ones.xlane vm3;
	_ =	sdelay $0x1  }
0x2c6: {  	v21 =	vld [tilespmem:s26+$0xFFFFFFF0];
	v20 =	vshra.s32 v15, $0xB;
	v19 =	vadd.s32 v17, v19  }
0x2c7: {  	vm4 =	vge.s32 v20, v10;
	vm5 =	vlt.s32 v19, $0x200  }
0x2c8: {  	vm4 =	vmand vm5, vm4  }
0x2c9: {  	v42 =	vmpcnt.ones.xlane vm4;
	_ =	sdelay $0x1  }
0x2ca: {  	v23 =	vld [tilespmem:s26+$0x0];
	v22 =	vshra.s32 v21, $0xB;
	v20 =	vadd.s32 v19, v42  }
0x2cb: {  	vm13 =	vge.s32 v22, v10;
	vm6 =	vlt.s32 v20, $0x200  }
0x2cc: {  	vm5 =	vmand vm6, vm13  }
0x2cd: {  	v43 =	vmpcnt.ones.xlane vm5;
	_ =	sdelay $0x1  }
0x2ce: {  	v25 =	vld [tilespmem:s26+$0x10];
	v24 =	vshra.s32 v23, $0xB;
	v22 =	vadd.s32 v20, v43  }
0x2cf: {  	vm14 =	vge.s32 v24, v10;
	vm7 =	vlt.s32 v22, $0x200  }
0x2d0: {  	vm6 =	vmand vm7, vm14  }
0x2d1: {  	v44 =	vmpcnt.ones.xlane vm6  }
0x2d2: {  	v26 =	vsel vm3, $0x1, v1  }
0x2d3: {  	(xrf0) =	vadd.scan.msk.s32 $0xffff, v26;
	v45 =	vsel vm4, $0x1, v1;
	v27 =	vshra.s32 v25, $0xB;
	v24 =	vadd.s32 v22, v44  }
0x2d4: {  	(xrf0) =	vadd.scan.msk.s32 $0xffff, v45;
	vm15 =	vge.s32 v27, v10;
	v46 =	vsel vm5, $0x1, v1;
	vm8 =	vlt.s32 v24, $0x200  }
0x2d5: {  	(xrf0) =	vadd.scan.msk.s32 $0xffff, v46;
	v10 =	vsel vm6, $0x1, v1;
	vm7 =	vmand vm8, vm15  }
0x2d6: {  	(xrf0) =	vadd.scan.msk.s32 $0xffff, v10;
	v10 =	vsel vm7, $0x1, v1;
	_ =	sdelay $0x1  }
0x2d7: {  	[tilespmem:v14+s18+$0x0] =	vst.idx.msk vm2, v12;
	(xrf0) =	vadd.scan.msk.s32 $0xffff, v10  }
0x2d8: {  	v47 =	vsel vm3, $0xFFFFFFFF, v1;
	v48 =	vld [tilespmem:s25+$0xFFFFFFF0];
	v10, _, _ =	vpop (xrf0)  }
0x2d9: {  	v12 =	vadd.s32 v47, v17;
	v50 =	vsel vm4, $0xFFFFFFFF, v1;
	v49, _, _ =	vpop (xrf0);
	v10 =	vadd.s32 v10, v16  }
0x2da: {  	v52 =	vsel vm5, $0xFFFFFFFF, v1;
	v16 =	vadd.s32 v50, v19;
	v51, _, _ =	vpop (xrf0);
	v12 =	vadd.s32 v49, v12  }
0x2db: {  	v54 =	vsel vm6, $0xFFFFFFFF, v1;
	v19 =	vadd.s32 v52, v20;
	v53, _, _ =	vpop (xrf0);
	v16 =	vadd.s32 v51, v16  }
0x2dc: {  	[tilespmem:v13+s19+$0x0] =	vst.idx.msk vm0, v18;
	v55 =	vadd.s32 v54, v22;
	v57 =	vsel vm7, $0xFFFFFFFF, v1;
	v56 =	vadd.s32 v53, v19;
	v58, _, _ =	vpop (xrf0)  }
0x2dd: {  	[tilespmem:v14+s19+$0x0] =	vst.idx.msk vm2, v48;
	v59 =	vadd.s32 v57, v24;
	v13 =	vadd.s32 v58, v55;
	v60, _, _ =	vpop (xrf0)  }
0x2de: {  	[tilespmem:v10+s18+$0x0] =	vst.idx.msk vm1, v9;
	v9 =	vadd.s32 v60, v59  }
0x2df: {  	v61 =	vld [tilespmem:s25+$0x0];
	[tilespmem:v12+s18+$0x0] =	vst.idx.msk vm3, v11  }
0x2e0: {  	s0 =	sadd.s32 $0x40, s25;
	v11 =	vld [tilespmem:s25+$0x10];
	[tilespmem:v16+s18+$0x0] =	vst.idx.msk vm4, v15  }
0x2e1: {  	v15 =	vld [tilespmem:s0+$0xFFFFFFE0];
	[tilespmem:v56+s18+$0x0] =	vst.idx.msk vm5, v21  }
0x2e2: {  	v62 =	vld [tilespmem:s0+$0xFFFFFFF0];
	[tilespmem:v13+s18+$0x0] =	vst.idx.msk vm6, v23  }
0x2e3: {  	v63 =	vld [tilespmem:s0+$0x0];
	[tilespmem:v9+s18+$0x0] =	vst.idx.msk vm7, v25  }
0x2e4: {  	[tilespmem:v10+s19+$0x0] =	vst.idx.msk vm1, v61;
	v10 =	vld [tilespmem:s0+$0x10]  }
0x2e5: {  	[tilespmem:v12+s19+$0x0] =	vst.idx.msk vm3, v11  }
0x2e6: {  	[tilespmem:v16+s19+$0x0] =	vst.idx.msk vm4, v15  }
0x2e7: {  	[tilespmem:v56+s19+$0x0] =	vst.idx.msk vm5, v62  }
0x2e8: {  	[tilespmem:v13+s19+$0x0] =	vst.idx.msk vm6, v63  }
0x2e9: {  	[tilespmem:v9+s19+$0x0] =	vst.idx.msk vm7, v10  }
0x2ea: {  	[tilespmem:$0x1CAA0] =	vst v3  }
0x2eb: {  	[tilespmem:$0x1CAB0] =	vst v3  }
0x2ec: {  	s0 =	simm.s32 $0x1C670;
	[tilespmem:$0x1CAC0] =	vst v3  }
0x2ed: {  	s28 =	simm.s32 $0x1;
	s26 =	simm.s32 $0x0;
	s25 =	simm.s32 $0x0;
	v9 =	vld [tilespmem:s0+$0x0]  }
.LBB2_29:
0x2ee: {  	p1 =	sne.s32 s28, $0x20;
	_ =	sdelay $0x3  }
0x2ef: {  	v9 =	vxor.u32 $0x80000000, v9  }
0x2f0: {  	(xrf0) =	vmax.scan.msk.u32 $0xffff, v9;
	_ =	sdelay $0x5  }
0x2f1: {  	v9, _, _ =	vpop (xrf0)  }
0x2f2: {  	(v2sf) =	vpush v9, $0xF;
	_ =	sdelay $0xa  }
0x2f3: {  	s5 =	sand.u32 $0x30, s26  }
0x2f4: {  	v9 =	vld [tilespmem:s5+$0x1CAA0];
	_ =	sdelay $0x1  }
0x2f5: {  	s10 =	sand.u32 $0xF, s26;
	s26 =	smov.u32 s28  }
.Ltmp13:
0x2f6: {  	v10 =	vmov s10;
	s10 =	spop (v2sf);
	(pc) =	sbr.rel @p1 .LBB2_29-.Ltmp13, $4  }
0x2f7: {  	vm0 =	veq.s32 v10, v0;
	s10 =	sxor.u32 $0x80000000, s10  }
0x2f8: {  	v9 =	vsel vm0, s10, v9  }
0x2f9: {  	s0 =	sadd.s32 $0x10, s0;
	[tilespmem:s5+$0x1CAA0] =	vst v9  }
0x2fa: {  	s28 =	sadd.s32 $0x1, s28;
	v9 =	vld [tilespmem:s0+$0x0]  }
0x2fb: {  	_ =	sdelay $0x3  }
0x2fc: {  	v9 =	vxor.u32 $0x80000000, v9  }
0x2fd: {  	(xrf0) =	vmax.scan.msk.u32 $0xffff, v9;
	_ =	sdelay $0x5  }
0x2fe: {  	v9, _, _ =	vpop (xrf0)  }
0x2ff: {  	(v2sf) =	vpush v9, $0xF;
	_ =	sdelay $0xa  }
0x300: {  	s0 =	sand.u32 $0x30, s26  }
0x301: {  	v9 =	vld [tilespmem:s0+$0x1CAA0];
	_ =	sdelay $0x1  }
0x302: {  	s5 =	sand.u32 $0xF, s26  }
0x303: {  	v10 =	vmov s5;
	s23 =	spop (v2sf)  }
0x304: {  	vm0 =	veq.s32 v10, v0;
	s5 =	sxor.u32 $0x80000000, s23  }
0x305: {  	v9 =	vsel vm0, s5, v9  }
0x306: {  	[tilespmem:s0+$0x1CAA0] =	vst v9  }
0x307: {  	v11 =	vld [tilespmem:$0x1CAA0]  }
0x308: {  	v10 =	vld [tilespmem:$0x1CAB0];
	_ =	sdelay $0x1  }
0x309: {  	v12 =	vld [tilespmem:$0x1CAC0];
	_ =	sdelay $0x2  }
0x30a: {  	vm0 =	vgt.s32 v11, v10  }
0x30b: {  	v9 =	vsel vm0, v11, v10  }
0x30c: {  	vm0 =	vgt.s32 v9, v12  }
0x30d: {  	v9 =	vsel vm0, v9, v12  }
0x30e: {  	v9 =	vxor.u32 $0x80000000, v9  }
0x30f: {  	(xrf0) =	vmax.scan.msk.u32 $0xffff, v9;
	_ =	sdelay $0x5  }
0x310: {  	v9, _, _ =	vpop (xrf0)  }
0x311: {  	(v2sf) =	vpush v9, $0xF;
	_ =	sdelay $0xe  }
0x312: {  	s26 =	spop (v2sf)  }
0x313: {  	s28 =	sxor.u32 $0x80000000, s26  }
0x314: {  	v9 =	vor.u32 $0x80000020, v0;
	vm0 =	veq.s32 v12, s28  }
0x315: {  	vm1 =	veq.s32 v10, s28;
	v10 =	vor.u32 $0x80000010, v0;
	v12 =	vnsel vm0, $0x800003E7, v9  }
0x316: {  	vm0 =	veq.s32 v11, s28;
	v11 =	vor.u32 $0x80000000, v0;
	v12 =	vsel vm1, v10, v12  }
0x317: {  	v12 =	vsel vm0, v11, v12  }
0x318: {  	(xrf0) =	vmin.scan.msk.u32 $0xffff, v12;
	_ =	sdelay $0x5  }
0x319: {  	v12, _, _ =	vpop (xrf0)  }
0x31a: {  	(v2sf) =	vpush v12, $0xF;
	_ =	sdelay $0xe  }
0x31b: {  	s29 =	spop (v2sf)  }
0x31c: {  	s10 =	sshll.u32 s29, $0x4  }
0x31d: {  	v12 =	vld [tilespmem:s10+$0x1C670];
	_ =	sdelay $0x4  }
0x31e: {  	vm0 =	veq.s32 v12, s28  }
0x31f: {  	v13 =	vnsel vm0, $0x800003E7, v11  }
0x320: {  	(xrf0) =	vmin.scan.msk.u32 $0xffff, v13;
	_ =	sdelay $0x5  }
0x321: {  	v13, _, _ =	vpop (xrf0)  }
0x322: {  	(v2sf) =	vpush v13, $0xF;
	_ =	sdelay $0xe  }
0x323: {  	s23 =	spop (v2sf)  }
0x324: {  	s23 =	sxor.u32 $0x80000000, s23  }
0x325: {  	v13 =	vmov s23  }
0x326: {  	vm0 =	veq.s32 v13, v0  }
0x327: {  	v12 =	vsel vm0, $0x80000000, v12  }
0x328: {  	v13 =	vxor.u32 $0x80000000, v12  }
0x329: {  	(xrf0) =	vmax.scan.msk.u32 $0xffff, v13;
	_ =	sdelay $0x5  }
0x32a: {  	v13, _, _ =	vpop (xrf0)  }
0x32b: {  	(v2sf) =	vpush v13, $0xF;
	_ =	sdelay $0xa  }
0x32c: {  	[tilespmem:s10+$0x1C670] =	vst v12  }
0x32d: {  	v14 =	vld [tilespmem:$0x1CAA0]  }
0x32e: {  	v15 =	vld [tilespmem:$0x1CAB0]  }
0x32f: {  	s0 =	sxor.u32 $0x80000000, s29;
	v16 =	vld [tilespmem:$0x1CAC0]  }
0x330: {  	v17 =	vmov s0;
	s30 =	spop (v2sf)  }
0x331: {  	vm0 =	veq.s32 v17, v0;
	v12 =	vor.u32 $0x10, v0;
	s0 =	sxor.u32 $0x80000000, s30  }
0x332: {  	v13 =	vor.u32 $0x20, v0;
	v14 =	vsel vm0, s0, v14;
	vm0 =	veq.s32 v17, v12  }
0x333: {  	vm1 =	veq.s32 v17, v13;
	[tilespmem:$0x1CAA0] =	vst v14;
	v14 =	vsel vm0, s0, v15  }
0x334: {  	v15 =	vsel vm1, s0, v16;
	[tilespmem:$0x1CAB0] =	vst v14  }
0x335: {  	s0 =	sand.u32 $0x1F0, s25;
	[tilespmem:$0x1CAC0] =	vst v15  }
0x336: {  	v15 =	vld [tilespmem:s0+$0x1CAD0]  }
0x337: {  	s10 =	sadd.s32 s23, s10  }
0x338: {  	s31 =	sand.u32 $0xF, s25;
	v16 =	vmov s10  }
0x339: {  	v14 =	vmov s31  }
0x33a: {  	vm0 =	veq.s32 v14, v0  }
0x33b: {  	v15 =	vsel vm0, s28, v15  }
0x33c: {  	v14 =	vld [tilespmem:s0+$0x1CC00];
	[tilespmem:s0+$0x1CAD0] =	vst v15  }
0x33d: {  	s25 =	simm.s32 $0x1;
	v15 =	vld.idx.msk [tilespmem:v16+s19+$0x0], $0xffff  }
.LBB2_31:
0x33e: {  	_ =	sdelay $0x1  }
0x33f: {  	p1 =	sne.s32 s25, $0x12B;
	s26 =	smov.u32 s25;
	s25 =	sadd.s32 $0x1, s25  }
0x340: {  	_ = 	snop  }
0x341: {  	v14 =	vsel vm0, v15, v14  }
0x342: {  	[tilespmem:s0+$0x1CC00] =	vst v14  }
0x343: {  	v14 =	vld [tilespmem:$0x1CAA0]  }
0x344: {  	v15 =	vld [tilespmem:$0x1CAB0];
	_ =	sdelay $0x1  }
0x345: {  	v16 =	vld [tilespmem:$0x1CAC0];
	_ =	sdelay $0x2  }
0x346: {  	vm0 =	vgt.s32 v14, v15  }
0x347: {  	v17 =	vsel vm0, v14, v15  }
0x348: {  	vm0 =	vgt.s32 v17, v16  }
0x349: {  	v17 =	vsel vm0, v17, v16  }
0x34a: {  	v17 =	vxor.u32 $0x80000000, v17  }
0x34b: {  	(xrf0) =	vmax.scan.msk.u32 $0xffff, v17;
	_ =	sdelay $0x5  }
0x34c: {  	v17, _, _ =	vpop (xrf0)  }
0x34d: {  	(v2sf) =	vpush v17, $0xF;
	_ =	sdelay $0xe  }
0x34e: {  	s0 =	spop (v2sf)  }
0x34f: {  	s28 =	sxor.u32 $0x80000000, s0  }
0x350: {  	vm0 =	veq.s32 v14, s28;
	vm1 =	veq.s32 v15, s28;
	vm2 =	veq.s32 v16, s28  }
0x351: {  	v14 =	vnsel vm2, $0x800003E7, v9  }
0x352: {  	v14 =	vsel vm1, v10, v14  }
0x353: {  	v14 =	vsel vm0, v11, v14  }
0x354: {  	(xrf0) =	vmin.scan.msk.u32 $0xffff, v14;
	_ =	sdelay $0x5  }
0x355: {  	v14, _, _ =	vpop (xrf0)  }
0x356: {  	(v2sf) =	vpush v14, $0xF;
	_ =	sdelay $0xe  }
0x357: {  	s0 =	spop (v2sf)  }
0x358: {  	s5 =	sxor.u32 $0x80000000, s0;
	s29 =	sshll.u32 s0, $0x4  }
0x359: {  	v14 =	vld [tilespmem:s29+$0x1C670];
	v15 =	vmov s5;
	_ =	sdelay $0x4  }
0x35a: {  	vm0 =	veq.s32 v14, s28  }
0x35b: {  	v16 =	vnsel vm0, $0x800003E7, v11  }
0x35c: {  	(xrf0) =	vmin.scan.msk.u32 $0xffff, v16;
	_ =	sdelay $0x5  }
0x35d: {  	v16, _, _ =	vpop (xrf0)  }
0x35e: {  	(v2sf) =	vpush v16, $0xF;
	_ =	sdelay $0xe  }
0x35f: {  	s0 =	spop (v2sf)  }
0x360: {  	s0 =	sxor.u32 $0x80000000, s0  }
0x361: {  	s5 =	sadd.s32 s0, s29;
	v16 =	vmov s0  }
0x362: {  	vm0 =	veq.s32 v16, v0  }
0x363: {  	v14 =	vsel vm0, $0x80000000, v14  }
0x364: {  	v16 =	vxor.u32 $0x80000000, v14  }
0x365: {  	(xrf0) =	vmax.scan.msk.u32 $0xffff, v16;
	_ =	sdelay $0x5  }
0x366: {  	v16, _, _ =	vpop (xrf0)  }
0x367: {  	(v2sf) =	vpush v16, $0xF;
	_ =	sdelay $0xa  }
0x368: {  	[tilespmem:s29+$0x1C670] =	vst v14  }
0x369: {  	v14 =	vld [tilespmem:$0x1CAC0]  }
0x36a: {  	v16 =	vld [tilespmem:$0x1CAA0]  }
0x36b: {  	v17 =	vld [tilespmem:$0x1CAB0]  }
0x36c: {  	s0 =	spop (v2sf);
	_ =	sdelay $0x1  }
0x36d: {  	vm1 =	veq.s32 v15, v13;
	vm0 =	veq.s32 v15, v0;
	s0 =	sxor.u32 $0x80000000, s0  }
0x36e: {  	v14 =	vsel vm1, s0, v14;
	v16 =	vsel vm0, s0, v16;
	vm0 =	veq.s32 v15, v12  }
0x36f: {  	[tilespmem:$0x1CAA0] =	vst v16;
	v15 =	vsel vm0, s0, v17  }
0x370: {  	s0 =	sand.u32 $0x1F0, s26;
	[tilespmem:$0x1CAB0] =	vst v15  }
0x371: {  	[tilespmem:$0x1CAC0] =	vst v14  }
0x372: {  	v15 =	vld [tilespmem:s0+$0x1CAD0]  }
0x373: {  	s10 =	sand.u32 $0xF, s26;
	v16 =	vmov s5;
	v14 =	vld [tilespmem:s0+$0x1CC00]  }
0x374: {  	v17 =	vmov s10  }
.Ltmp14:
0x375: {  	vm0 =	veq.s32 v17, v0;
	(pc) =	sbr.rel @p1 .LBB2_31-.Ltmp14, $4  }
0x376: {  	_ = 	snop  }
0x377: {  	v15 =	vsel vm0, s28, v15  }
0x378: {  	[tilespmem:s0+$0x1CAD0] =	vst v15  }
0x379: {  	v15 =	vld.idx.msk [tilespmem:v16+s19+$0x0], $0xffff  }
0x37a: {  	_ =	sdelay $0x3  }
0x37b: {  	v9 =	vsel vm0, v15, v14  }
0x37c: {  	[tilespmem:s0+$0x1CC00] =	vst v9  }
0x37d: {  	v9 =	vld [tilespmem:$0x1CC00];
	_ =	sdelay $0x3  }
0x37e: {  	v10 =	vld [tilespmem:$0x1EF40]  }
0x37f: {  	v11 =	vmul.u32 $0x1682, v9;
	_ =	sdelay $0x1  }
0x380: {  	v11 =	vshra.s32 v11, $0x13  }
0x381: {  	v12 =	vmul.u32 $0xFFFFFFA5, v11  }
0x382: {  	(v2sf) =	vpush v10, $0x0  }
0x383: {  	(v2sf) =	vpush v10, $0x1;
	v10 =	vadd.s32 v9, v12  }
0x384: {  	v10 =	vshra.s32 v10, $0x1F  }
0x385: {  	v10 =	vadd.s32 v11, v10  }
0x386: {  	v11 =	vshll.u32 v10, $0x3  }
0x387: {  	v52 =	vor.u32 $0x2, v11  }
0x388: {  	v10 =	vmul.u32 $0xFFFFFFA5, v10;
	v13 =	vor.u32 $0x3, v11;
	_ =	sdelay $0x1  }
0x389: {  	v9 =	vadd.s32 v9, v10;
	v10 =	vor.u32 $0x1, v11  }
0x38a: {  	[tilespmem:$0x1CD30] =	vst v9  }
0x38b: {  	v9 =	vld.idx.msk [tilespmem:v52+s12+$0x0], $0xffff  }
0x38c: {  	v53 =	vld.idx.msk [tilespmem:v13+s12+$0x0], $0xffff  }
0x38d: {  	v11 =	vld.idx.msk [tilespmem:v11+s12+$0x0], $0xffff  }
0x38e: {  	v10 =	vld.idx.msk [tilespmem:v10+s12+$0x0], $0xffff;
	_ =	sdelay $0x1  }
0x38f: {  	s28 =	spop (v2sf);
	v54 =	vmul.f32 $5.000000000e-01, v9;
	v9 =	vmul.u32 $0x4, v0  }
0x390: {  	s5 =	spop (v2sf);
	v12 =	vmul.f32 $5.000000000e-01, v53  }
0x391: {  	s25 =	scvt.s32.f32 s5;
	v55 =	vsub.f32 v11, v54;
	v56 =	vor.u32 $0x1, v9  }
0x392: {  	s26 =	scvt.s32.f32 s28;
	v16 =	vsub.f32 v10, v12;
	v17 =	vor.u32 $0x2, v9  }
0x393: {  	v11 =	vadd.f32 v54, v11;
	v57 =	vor.u32 $0x3, v9;
	v14 =	vmul.f32 s25, v55  }
0x394: {  	v10 =	vadd.f32 v12, v10;
	v16 =	vmul.f32 s26, v16  }
0x395: {  	v11 =	vmul.f32 s25, v11;
	[tilespmem:v9+s20+$0x0] =	vst.idx.msk $0xffff, v14  }
0x396: {  	v10 =	vmul.f32 s26, v10;
	[tilespmem:v56+s20+$0x0] =	vst.idx.msk $0xffff, v16  }
0x397: {  	[tilespmem:v17+s20+$0x0] =	vst.idx.msk $0xffff, v11  }
0x398: {  	[tilespmem:v57+s20+$0x0] =	vst.idx.msk $0xffff, v10  }
0x399: {  	v10 =	vld [tilespmem:$0x1CC10];
	_ =	sdelay $0x4  }
0x39a: {  	v11 =	vmul.u32 $0x1682, v10;
	_ =	sdelay $0x1  }
0x39b: {  	v11 =	vshra.s32 v11, $0x13  }
0x39c: {  	v58 =	vmul.u32 $0xFFFFFFA5, v11;
	_ =	sdelay $0x1  }
0x39d: {  	v12 =	vadd.s32 v10, v58  }
0x39e: {  	v12 =	vshra.s32 v12, $0x1F  }
0x39f: {  	v11 =	vadd.s32 v11, v12  }
0x3a0: {  	v12 =	vshll.u32 v11, $0x3  }
0x3a1: {  	v59 =	vor.u32 $0x2, v12  }
0x3a2: {  	v11 =	vmul.u32 $0xFFFFFFA5, v11;
	v60 =	vor.u32 $0x3, v12;
	_ =	sdelay $0x1  }
0x3a3: {  	v10 =	vadd.s32 v10, v11;
	v11 =	vor.u32 $0x1, v12  }
0x3a4: {  	[tilespmem:$0x1CD40] =	vst v10  }
0x3a5: {  	v10 =	vld.idx.msk [tilespmem:v59+s12+$0x0], $0xffff  }
0x3a6: {  	v61 =	vld.idx.msk [tilespmem:v60+s12+$0x0], $0xffff  }
0x3a7: {  	v12 =	vld.idx.msk [tilespmem:v12+s12+$0x0], $0xffff  }
0x3a8: {  	v11 =	vld.idx.msk [tilespmem:v11+s12+$0x0], $0xffff;
	_ =	sdelay $0x1  }
0x3a9: {  	v10 =	vmul.f32 $5.000000000e-01, v10  }
0x3aa: {  	v62 =	vor.u32 $0x40, v9;
	v13 =	vmul.f32 $5.000000000e-01, v61  }
0x3ab: {  	v21 =	vor.u32 $0x41, v9;
	v63 =	vsub.f32 v12, v10  }
0x3ac: {  	v18 =	vor.u32 $0x42, v9;
	v22 =	vsub.f32 v11, v13  }
0x3ad: {  	v23 =	vor.u32 $0x43, v9;
	v10 =	vadd.f32 v10, v12;
	v15 =	vmul.f32 s25, v63  }
0x3ae: {  	v11 =	vadd.f32 v13, v11;
	v17 =	vmul.f32 s26, v22  }
0x3af: {  	v10 =	vmul.f32 s25, v10;
	[tilespmem:v62+s20+$0x0] =	vst.idx.msk $0xffff, v15  }
0x3b0: {  	v11 =	vmul.f32 s26, v11;
	[tilespmem:v21+s20+$0x0] =	vst.idx.msk $0xffff, v17  }
0x3b1: {  	[tilespmem:v18+s20+$0x0] =	vst.idx.msk $0xffff, v10  }
0x3b2: {  	[tilespmem:v23+s20+$0x0] =	vst.idx.msk $0xffff, v11  }
0x3b3: {  	v10 =	vld [tilespmem:$0x1CC20];
	_ =	sdelay $0x4  }
0x3b4: {  	v11 =	vmul.u32 $0x1682, v10;
	_ =	sdelay $0x1  }
0x3b5: {  	v11 =	vshra.s32 v11, $0x13  }
0x3b6: {  	v24 =	vmul.u32 $0xFFFFFFA5, v11;
	_ =	sdelay $0x1  }
0x3b7: {  	v12 =	vadd.s32 v10, v24  }
0x3b8: {  	v12 =	vshra.s32 v12, $0x1F  }
0x3b9: {  	v11 =	vadd.s32 v11, v12  }
0x3ba: {  	v12 =	vshll.u32 v11, $0x3  }
0x3bb: {  	v25 =	vor.u32 $0x2, v12  }
0x3bc: {  	v11 =	vmul.u32 $0xFFFFFFA5, v11;
	v26 =	vor.u32 $0x3, v12;
	_ =	sdelay $0x1  }
0x3bd: {  	v10 =	vadd.s32 v10, v11;
	v11 =	vor.u32 $0x1, v12  }
0x3be: {  	[tilespmem:$0x1CD50] =	vst v10  }
0x3bf: {  	v10 =	vld.idx.msk [tilespmem:v25+s12+$0x0], $0xffff  }
0x3c0: {  	v27 =	vld.idx.msk [tilespmem:v26+s12+$0x0], $0xffff  }
0x3c1: {  	v12 =	vld.idx.msk [tilespmem:v12+s12+$0x0], $0xffff  }
0x3c2: {  	v11 =	vld.idx.msk [tilespmem:v11+s12+$0x0], $0xffff;
	_ =	sdelay $0x1  }
0x3c3: {  	v10 =	vmul.f32 $5.000000000e-01, v10  }
0x3c4: {  	v28 =	vor.u32 $0x80, v9;
	v13 =	vmul.f32 $5.000000000e-01, v27  }
0x3c5: {  	v30 =	vor.u32 $0x81, v9;
	v29 =	vsub.f32 v12, v10  }
0x3c6: {  	v32 =	vor.u32 $0x82, v9;
	v31 =	vsub.f32 v11, v13  }
0x3c7: {  	v33 =	vor.u32 $0x83, v9;
	v10 =	vadd.f32 v10, v12;
	v15 =	vmul.f32 s25, v29  }
0x3c8: {  	v11 =	vadd.f32 v13, v11;
	v17 =	vmul.f32 s26, v31  }
0x3c9: {  	v10 =	vmul.f32 s25, v10;
	[tilespmem:v28+s20+$0x0] =	vst.idx.msk $0xffff, v15  }
0x3ca: {  	v11 =	vmul.f32 s26, v11;
	[tilespmem:v30+s20+$0x0] =	vst.idx.msk $0xffff, v17  }
0x3cb: {  	[tilespmem:v32+s20+$0x0] =	vst.idx.msk $0xffff, v10  }
0x3cc: {  	[tilespmem:v33+s20+$0x0] =	vst.idx.msk $0xffff, v11  }
0x3cd: {  	v10 =	vld [tilespmem:$0x1CC30];
	_ =	sdelay $0x4  }
0x3ce: {  	v11 =	vmul.u32 $0x1682, v10;
	_ =	sdelay $0x1  }
0x3cf: {  	v11 =	vshra.s32 v11, $0x13  }
0x3d0: {  	v34 =	vmul.u32 $0xFFFFFFA5, v11;
	_ =	sdelay $0x1  }
0x3d1: {  	v12 =	vadd.s32 v10, v34  }
0x3d2: {  	v12 =	vshra.s32 v12, $0x1F  }
0x3d3: {  	v11 =	vadd.s32 v11, v12  }
0x3d4: {  	v12 =	vshll.u32 v11, $0x3  }
0x3d5: {  	v35 =	vor.u32 $0x2, v12  }
0x3d6: {  	v11 =	vmul.u32 $0xFFFFFFA5, v11;
	v36 =	vor.u32 $0x3, v12;
	_ =	sdelay $0x1  }
0x3d7: {  	v10 =	vadd.s32 v10, v11;
	v11 =	vor.u32 $0x1, v12  }
0x3d8: {  	[tilespmem:$0x1CD60] =	vst v10  }
0x3d9: {  	v10 =	vld.idx.msk [tilespmem:v35+s12+$0x0], $0xffff  }
0x3da: {  	v37 =	vld.idx.msk [tilespmem:v36+s12+$0x0], $0xffff  }
0x3db: {  	v12 =	vld.idx.msk [tilespmem:v12+s12+$0x0], $0xffff  }
0x3dc: {  	v11 =	vld.idx.msk [tilespmem:v11+s12+$0x0], $0xffff;
	_ =	sdelay $0x1  }
0x3dd: {  	v10 =	vmul.f32 $5.000000000e-01, v10  }
0x3de: {  	v38 =	vor.u32 $0xC0, v9;
	v13 =	vmul.f32 $5.000000000e-01, v37  }
0x3df: {  	v40 =	vor.u32 $0xC1, v9;
	v39 =	vsub.f32 v12, v10  }
0x3e0: {  	v42 =	vor.u32 $0xC2, v9;
	v41 =	vsub.f32 v11, v13  }
0x3e1: {  	v43 =	vor.u32 $0xC3, v9;
	v10 =	vadd.f32 v10, v12;
	v15 =	vmul.f32 s25, v39  }
0x3e2: {  	v11 =	vadd.f32 v13, v11;
	v17 =	vmul.f32 s26, v41  }
0x3e3: {  	v10 =	vmul.f32 s25, v10;
	[tilespmem:v38+s20+$0x0] =	vst.idx.msk $0xffff, v15  }
0x3e4: {  	v11 =	vmul.f32 s26, v11;
	[tilespmem:v40+s20+$0x0] =	vst.idx.msk $0xffff, v17  }
0x3e5: {  	[tilespmem:v42+s20+$0x0] =	vst.idx.msk $0xffff, v10  }
0x3e6: {  	[tilespmem:v43+s20+$0x0] =	vst.idx.msk $0xffff, v11  }
0x3e7: {  	v10 =	vld [tilespmem:$0x1CC40];
	_ =	sdelay $0x4  }
0x3e8: {  	v11 =	vmul.u32 $0x1682, v10;
	_ =	sdelay $0x1  }
0x3e9: {  	v11 =	vshra.s32 v11, $0x13  }
0x3ea: {  	v44 =	vmul.u32 $0xFFFFFFA5, v11;
	_ =	sdelay $0x1  }
0x3eb: {  	v12 =	vadd.s32 v10, v44  }
0x3ec: {  	v12 =	vshra.s32 v12, $0x1F  }
0x3ed: {  	v11 =	vadd.s32 v11, v12  }
0x3ee: {  	v12 =	vshll.u32 v11, $0x3  }
0x3ef: {  	v45 =	vor.u32 $0x2, v12  }
0x3f0: {  	v11 =	vmul.u32 $0xFFFFFFA5, v11;
	v46 =	vor.u32 $0x3, v12;
	_ =	sdelay $0x1  }
0x3f1: {  	v10 =	vadd.s32 v10, v11;
	v11 =	vor.u32 $0x1, v12  }
0x3f2: {  	[tilespmem:$0x1CD70] =	vst v10  }
0x3f3: {  	v10 =	vld.idx.msk [tilespmem:v45+s12+$0x0], $0xffff  }
0x3f4: {  	v47 =	vld.idx.msk [tilespmem:v46+s12+$0x0], $0xffff  }
0x3f5: {  	v12 =	vld.idx.msk [tilespmem:v12+s12+$0x0], $0xffff  }
0x3f6: {  	v11 =	vld.idx.msk [tilespmem:v11+s12+$0x0], $0xffff;
	_ =	sdelay $0x1  }
0x3f7: {  	v10 =	vmul.f32 $5.000000000e-01, v10  }
0x3f8: {  	v48 =	vor.u32 $0x100, v9;
	v13 =	vmul.f32 $5.000000000e-01, v47  }
0x3f9: {  	v50 =	vor.u32 $0x101, v9;
	v49 =	vsub.f32 v12, v10  }
0x3fa: {  	v52 =	vor.u32 $0x102, v9;
	v51 =	vsub.f32 v11, v13  }
0x3fb: {  	v53 =	vor.u32 $0x103, v9;
	v10 =	vadd.f32 v10, v12;
	v15 =	vmul.f32 s25, v49  }
0x3fc: {  	v11 =	vadd.f32 v13, v11;
	v17 =	vmul.f32 s26, v51  }
0x3fd: {  	v10 =	vmul.f32 s25, v10;
	[tilespmem:v48+s20+$0x0] =	vst.idx.msk $0xffff, v15  }
0x3fe: {  	v11 =	vmul.f32 s26, v11;
	[tilespmem:v50+s20+$0x0] =	vst.idx.msk $0xffff, v17  }
0x3ff: {  	[tilespmem:v52+s20+$0x0] =	vst.idx.msk $0xffff, v10  }
0x400: {  	[tilespmem:v53+s20+$0x0] =	vst.idx.msk $0xffff, v11  }
0x401: {  	v10 =	vld [tilespmem:$0x1CC50];
	_ =	sdelay $0x4  }
0x402: {  	v11 =	vmul.u32 $0x1682, v10;
	_ =	sdelay $0x1  }
0x403: {  	v11 =	vshra.s32 v11, $0x13  }
0x404: {  	v54 =	vmul.u32 $0xFFFFFFA5, v11;
	_ =	sdelay $0x1  }
0x405: {  	v12 =	vadd.s32 v10, v54  }
0x406: {  	v12 =	vshra.s32 v12, $0x1F  }
0x407: {  	v11 =	vadd.s32 v11, v12  }
0x408: {  	v12 =	vshll.u32 v11, $0x3  }
0x409: {  	v55 =	vor.u32 $0x2, v12  }
0x40a: {  	v11 =	vmul.u32 $0xFFFFFFA5, v11;
	v56 =	vor.u32 $0x3, v12;
	_ =	sdelay $0x1  }
0x40b: {  	v10 =	vadd.s32 v10, v11;
	v11 =	vor.u32 $0x1, v12  }
0x40c: {  	[tilespmem:$0x1CD80] =	vst v10  }
0x40d: {  	v10 =	vld.idx.msk [tilespmem:v55+s12+$0x0], $0xffff  }
0x40e: {  	v57 =	vld.idx.msk [tilespmem:v56+s12+$0x0], $0xffff  }
0x40f: {  	v12 =	vld.idx.msk [tilespmem:v12+s12+$0x0], $0xffff  }
0x410: {  	v11 =	vld.idx.msk [tilespmem:v11+s12+$0x0], $0xffff;
	_ =	sdelay $0x1  }
0x411: {  	v10 =	vmul.f32 $5.000000000e-01, v10  }
0x412: {  	v58 =	vor.u32 $0x140, v9;
	v13 =	vmul.f32 $5.000000000e-01, v57  }
0x413: {  	v60 =	vor.u32 $0x141, v9;
	v59 =	vsub.f32 v12, v10  }
0x414: {  	v62 =	vor.u32 $0x142, v9;
	v61 =	vsub.f32 v11, v13  }
0x415: {  	v63 =	vor.u32 $0x143, v9;
	v10 =	vadd.f32 v10, v12;
	v15 =	vmul.f32 s25, v59  }
0x416: {  	v11 =	vadd.f32 v13, v11;
	v17 =	vmul.f32 s26, v61  }
0x417: {  	v10 =	vmul.f32 s25, v10;
	[tilespmem:v58+s20+$0x0] =	vst.idx.msk $0xffff, v15  }
0x418: {  	v11 =	vmul.f32 s26, v11;
	[tilespmem:v60+s20+$0x0] =	vst.idx.msk $0xffff, v17  }
0x419: {  	[tilespmem:v62+s20+$0x0] =	vst.idx.msk $0xffff, v10  }
0x41a: {  	[tilespmem:v63+s20+$0x0] =	vst.idx.msk $0xffff, v11  }
0x41b: {  	v10 =	vld [tilespmem:$0x1CC60];
	_ =	sdelay $0x4  }
0x41c: {  	v11 =	vmul.u32 $0x1682, v10;
	_ =	sdelay $0x1  }
0x41d: {  	v11 =	vshra.s32 v11, $0x13  }
0x41e: {  	v19 =	vmul.u32 $0xFFFFFFA5, v11;
	_ =	sdelay $0x1  }
0x41f: {  	v12 =	vadd.s32 v10, v19  }
0x420: {  	v12 =	vshra.s32 v12, $0x1F  }
0x421: {  	v11 =	vadd.s32 v11, v12  }
0x422: {  	v12 =	vshll.u32 v11, $0x3  }
0x423: {  	v20 =	vor.u32 $0x2, v12  }
0x424: {  	v11 =	vmul.u32 $0xFFFFFFA5, v11;
	v21 =	vor.u32 $0x3, v12;
	_ =	sdelay $0x1  }
0x425: {  	v10 =	vadd.s32 v10, v11;
	v11 =	vor.u32 $0x1, v12  }
0x426: {  	[tilespmem:$0x1CD90] =	vst v10  }
0x427: {  	v10 =	vld.idx.msk [tilespmem:v20+s12+$0x0], $0xffff  }
0x428: {  	v22 =	vld.idx.msk [tilespmem:v21+s12+$0x0], $0xffff  }
0x429: {  	v12 =	vld.idx.msk [tilespmem:v12+s12+$0x0], $0xffff  }
0x42a: {  	v11 =	vld.idx.msk [tilespmem:v11+s12+$0x0], $0xffff;
	_ =	sdelay $0x1  }
0x42b: {  	v10 =	vmul.f32 $5.000000000e-01, v10  }
0x42c: {  	v23 =	vor.u32 $0x180, v9;
	v13 =	vmul.f32 $5.000000000e-01, v22  }
0x42d: {  	v25 =	vor.u32 $0x181, v9;
	v24 =	vsub.f32 v12, v10  }
0x42e: {  	v27 =	vor.u32 $0x182, v9;
	v26 =	vsub.f32 v11, v13  }
0x42f: {  	v28 =	vor.u32 $0x183, v9;
	v10 =	vadd.f32 v10, v12;
	v15 =	vmul.f32 s25, v24  }
0x430: {  	v11 =	vadd.f32 v13, v11;
	v17 =	vmul.f32 s26, v26  }
0x431: {  	v10 =	vmul.f32 s25, v10;
	[tilespmem:v23+s20+$0x0] =	vst.idx.msk $0xffff, v15  }
0x432: {  	v11 =	vmul.f32 s26, v11;
	[tilespmem:v25+s20+$0x0] =	vst.idx.msk $0xffff, v17  }
0x433: {  	[tilespmem:v27+s20+$0x0] =	vst.idx.msk $0xffff, v10  }
0x434: {  	[tilespmem:v28+s20+$0x0] =	vst.idx.msk $0xffff, v11  }
0x435: {  	v10 =	vld [tilespmem:$0x1CC70];
	_ =	sdelay $0x4  }
0x436: {  	v11 =	vmul.u32 $0x1682, v10;
	_ =	sdelay $0x1  }
0x437: {  	v11 =	vshra.s32 v11, $0x13  }
0x438: {  	v29 =	vmul.u32 $0xFFFFFFA5, v11;
	_ =	sdelay $0x1  }
0x439: {  	v12 =	vadd.s32 v10, v29  }
0x43a: {  	v12 =	vshra.s32 v12, $0x1F  }
0x43b: {  	v11 =	vadd.s32 v11, v12  }
0x43c: {  	v12 =	vshll.u32 v11, $0x3  }
0x43d: {  	v30 =	vor.u32 $0x2, v12  }
0x43e: {  	v11 =	vmul.u32 $0xFFFFFFA5, v11;
	v31 =	vor.u32 $0x3, v12;
	_ =	sdelay $0x1  }
0x43f: {  	v10 =	vadd.s32 v10, v11;
	v11 =	vor.u32 $0x1, v12  }
0x440: {  	[tilespmem:$0x1CDA0] =	vst v10  }
0x441: {  	v10 =	vld.idx.msk [tilespmem:v30+s12+$0x0], $0xffff  }
0x442: {  	v32 =	vld.idx.msk [tilespmem:v31+s12+$0x0], $0xffff  }
0x443: {  	v12 =	vld.idx.msk [tilespmem:v12+s12+$0x0], $0xffff  }
0x444: {  	v11 =	vld.idx.msk [tilespmem:v11+s12+$0x0], $0xffff;
	_ =	sdelay $0x1  }
0x445: {  	v10 =	vmul.f32 $5.000000000e-01, v10  }
0x446: {  	v33 =	vor.u32 $0x1C0, v9;
	v13 =	vmul.f32 $5.000000000e-01, v32  }
0x447: {  	v35 =	vor.u32 $0x1C1, v9;
	v34 =	vsub.f32 v12, v10  }
0x448: {  	v37 =	vor.u32 $0x1C2, v9;
	v36 =	vsub.f32 v11, v13  }
0x449: {  	v38 =	vor.u32 $0x1C3, v9;
	v10 =	vadd.f32 v10, v12;
	v15 =	vmul.f32 s25, v34  }
0x44a: {  	v11 =	vadd.f32 v13, v11;
	v17 =	vmul.f32 s26, v36  }
0x44b: {  	v10 =	vmul.f32 s25, v10;
	[tilespmem:v33+s20+$0x0] =	vst.idx.msk $0xffff, v15  }
0x44c: {  	v11 =	vmul.f32 s26, v11;
	[tilespmem:v35+s20+$0x0] =	vst.idx.msk $0xffff, v17  }
0x44d: {  	[tilespmem:v37+s20+$0x0] =	vst.idx.msk $0xffff, v10  }
0x44e: {  	[tilespmem:v38+s20+$0x0] =	vst.idx.msk $0xffff, v11  }
0x44f: {  	v10 =	vld [tilespmem:$0x1CC80];
	_ =	sdelay $0x4  }
0x450: {  	v11 =	vmul.u32 $0x1682, v10;
	_ =	sdelay $0x1  }
0x451: {  	v11 =	vshra.s32 v11, $0x13  }
0x452: {  	v39 =	vmul.u32 $0xFFFFFFA5, v11;
	_ =	sdelay $0x1  }
0x453: {  	v12 =	vadd.s32 v10, v39  }
0x454: {  	v12 =	vshra.s32 v12, $0x1F  }
0x455: {  	v11 =	vadd.s32 v11, v12  }
0x456: {  	v12 =	vshll.u32 v11, $0x3  }
0x457: {  	v40 =	vor.u32 $0x2, v12  }
0x458: {  	v11 =	vmul.u32 $0xFFFFFFA5, v11;
	v41 =	vor.u32 $0x3, v12;
	_ =	sdelay $0x1  }
0x459: {  	v10 =	vadd.s32 v10, v11;
	v11 =	vor.u32 $0x1, v12  }
0x45a: {  	[tilespmem:$0x1CDB0] =	vst v10  }
0x45b: {  	v10 =	vld.idx.msk [tilespmem:v40+s12+$0x0], $0xffff  }
0x45c: {  	v42 =	vld.idx.msk [tilespmem:v41+s12+$0x0], $0xffff  }
0x45d: {  	v12 =	vld.idx.msk [tilespmem:v12+s12+$0x0], $0xffff  }
0x45e: {  	v11 =	vld.idx.msk [tilespmem:v11+s12+$0x0], $0xffff;
	_ =	sdelay $0x1  }
0x45f: {  	v10 =	vmul.f32 $5.000000000e-01, v10  }
0x460: {  	v43 =	vor.u32 $0x200, v9;
	v13 =	vmul.f32 $5.000000000e-01, v42  }
0x461: {  	v45 =	vor.u32 $0x201, v9;
	v44 =	vsub.f32 v12, v10  }
0x462: {  	v47 =	vor.u32 $0x202, v9;
	v46 =	vsub.f32 v11, v13  }
0x463: {  	v48 =	vor.u32 $0x203, v9;
	v10 =	vadd.f32 v10, v12;
	v15 =	vmul.f32 s25, v44  }
0x464: {  	v11 =	vadd.f32 v13, v11;
	v17 =	vmul.f32 s26, v46  }
0x465: {  	v10 =	vmul.f32 s25, v10;
	[tilespmem:v43+s20+$0x0] =	vst.idx.msk $0xffff, v15  }
0x466: {  	v11 =	vmul.f32 s26, v11;
	[tilespmem:v45+s20+$0x0] =	vst.idx.msk $0xffff, v17  }
0x467: {  	[tilespmem:v47+s20+$0x0] =	vst.idx.msk $0xffff, v10  }
0x468: {  	[tilespmem:v48+s20+$0x0] =	vst.idx.msk $0xffff, v11  }
0x469: {  	v10 =	vld [tilespmem:$0x1CC90];
	_ =	sdelay $0x4  }
0x46a: {  	v11 =	vmul.u32 $0x1682, v10;
	_ =	sdelay $0x1  }
0x46b: {  	v11 =	vshra.s32 v11, $0x13  }
0x46c: {  	v49 =	vmul.u32 $0xFFFFFFA5, v11;
	_ =	sdelay $0x1  }
0x46d: {  	v12 =	vadd.s32 v10, v49  }
0x46e: {  	v12 =	vshra.s32 v12, $0x1F  }
0x46f: {  	v11 =	vadd.s32 v11, v12  }
0x470: {  	v12 =	vshll.u32 v11, $0x3  }
0x471: {  	v50 =	vor.u32 $0x2, v12  }
0x472: {  	v11 =	vmul.u32 $0xFFFFFFA5, v11;
	v51 =	vor.u32 $0x3, v12;
	_ =	sdelay $0x1  }
0x473: {  	v10 =	vadd.s32 v10, v11;
	v11 =	vor.u32 $0x1, v12  }
0x474: {  	[tilespmem:$0x1CDC0] =	vst v10  }
0x475: {  	v10 =	vld.idx.msk [tilespmem:v50+s12+$0x0], $0xffff  }
0x476: {  	v52 =	vld.idx.msk [tilespmem:v51+s12+$0x0], $0xffff  }
0x477: {  	v12 =	vld.idx.msk [tilespmem:v12+s12+$0x0], $0xffff  }
0x478: {  	v11 =	vld.idx.msk [tilespmem:v11+s12+$0x0], $0xffff;
	_ =	sdelay $0x1  }
0x479: {  	v10 =	vmul.f32 $5.000000000e-01, v10  }
0x47a: {  	v53 =	vor.u32 $0x240, v9;
	v13 =	vmul.f32 $5.000000000e-01, v52  }
0x47b: {  	v55 =	vor.u32 $0x241, v9;
	v54 =	vsub.f32 v12, v10  }
0x47c: {  	v57 =	vor.u32 $0x242, v9;
	v56 =	vsub.f32 v11, v13  }
0x47d: {  	v58 =	vor.u32 $0x243, v9;
	v10 =	vadd.f32 v10, v12;
	v15 =	vmul.f32 s25, v54  }
0x47e: {  	v11 =	vadd.f32 v13, v11;
	v17 =	vmul.f32 s26, v56  }
0x47f: {  	v10 =	vmul.f32 s25, v10;
	[tilespmem:v53+s20+$0x0] =	vst.idx.msk $0xffff, v15  }
0x480: {  	v11 =	vmul.f32 s26, v11;
	[tilespmem:v55+s20+$0x0] =	vst.idx.msk $0xffff, v17  }
0x481: {  	[tilespmem:v57+s20+$0x0] =	vst.idx.msk $0xffff, v10  }
0x482: {  	[tilespmem:v58+s20+$0x0] =	vst.idx.msk $0xffff, v11  }
0x483: {  	v10 =	vld [tilespmem:$0x1CCA0];
	_ =	sdelay $0x4  }
0x484: {  	v11 =	vmul.u32 $0x1682, v10;
	_ =	sdelay $0x1  }
0x485: {  	v11 =	vshra.s32 v11, $0x13  }
0x486: {  	v59 =	vmul.u32 $0xFFFFFFA5, v11;
	_ =	sdelay $0x1  }
0x487: {  	v12 =	vadd.s32 v10, v59  }
0x488: {  	v12 =	vshra.s32 v12, $0x1F  }
0x489: {  	v11 =	vadd.s32 v11, v12  }
0x48a: {  	v12 =	vshll.u32 v11, $0x3  }
0x48b: {  	v60 =	vor.u32 $0x2, v12  }
0x48c: {  	v11 =	vmul.u32 $0xFFFFFFA5, v11;
	v61 =	vor.u32 $0x3, v12;
	_ =	sdelay $0x1  }
0x48d: {  	v10 =	vadd.s32 v10, v11;
	v11 =	vor.u32 $0x1, v12  }
0x48e: {  	[tilespmem:$0x1CDD0] =	vst v10  }
0x48f: {  	v10 =	vld.idx.msk [tilespmem:v60+s12+$0x0], $0xffff  }
0x490: {  	v62 =	vld.idx.msk [tilespmem:v61+s12+$0x0], $0xffff  }
0x491: {  	v12 =	vld.idx.msk [tilespmem:v12+s12+$0x0], $0xffff  }
0x492: {  	v11 =	vld.idx.msk [tilespmem:v11+s12+$0x0], $0xffff;
	_ =	sdelay $0x1  }
0x493: {  	v10 =	vmul.f32 $5.000000000e-01, v10  }
0x494: {  	v63 =	vor.u32 $0x280, v9;
	v13 =	vmul.f32 $5.000000000e-01, v62  }
0x495: {  	v22 =	vor.u32 $0x281, v9;
	v21 =	vsub.f32 v12, v10  }
0x496: {  	v24 =	vor.u32 $0x282, v9;
	v23 =	vsub.f32 v11, v13  }
0x497: {  	v25 =	vor.u32 $0x283, v9;
	v10 =	vadd.f32 v10, v12;
	v15 =	vmul.f32 s25, v21  }
0x498: {  	v11 =	vadd.f32 v13, v11;
	v17 =	vmul.f32 s26, v23  }
0x499: {  	v10 =	vmul.f32 s25, v10;
	[tilespmem:v63+s20+$0x0] =	vst.idx.msk $0xffff, v15  }
0x49a: {  	v11 =	vmul.f32 s26, v11;
	[tilespmem:v22+s20+$0x0] =	vst.idx.msk $0xffff, v17  }
0x49b: {  	[tilespmem:v24+s20+$0x0] =	vst.idx.msk $0xffff, v10  }
0x49c: {  	[tilespmem:v25+s20+$0x0] =	vst.idx.msk $0xffff, v11  }
0x49d: {  	v10 =	vld [tilespmem:$0x1CCB0];
	_ =	sdelay $0x4  }
0x49e: {  	v11 =	vmul.u32 $0x1682, v10;
	_ =	sdelay $0x1  }
0x49f: {  	v11 =	vshra.s32 v11, $0x13  }
0x4a0: {  	v26 =	vmul.u32 $0xFFFFFFA5, v11;
	_ =	sdelay $0x1  }
0x4a1: {  	v12 =	vadd.s32 v10, v26  }
0x4a2: {  	v12 =	vshra.s32 v12, $0x1F  }
0x4a3: {  	v11 =	vadd.s32 v11, v12  }
0x4a4: {  	v12 =	vshll.u32 v11, $0x3  }
0x4a5: {  	v27 =	vor.u32 $0x2, v12  }
0x4a6: {  	v11 =	vmul.u32 $0xFFFFFFA5, v11;
	v28 =	vor.u32 $0x3, v12;
	_ =	sdelay $0x1  }
0x4a7: {  	v10 =	vadd.s32 v10, v11;
	v11 =	vor.u32 $0x1, v12  }
0x4a8: {  	[tilespmem:$0x1CDE0] =	vst v10  }
0x4a9: {  	v10 =	vld.idx.msk [tilespmem:v27+s12+$0x0], $0xffff  }
0x4aa: {  	v29 =	vld.idx.msk [tilespmem:v28+s12+$0x0], $0xffff  }
0x4ab: {  	v12 =	vld.idx.msk [tilespmem:v12+s12+$0x0], $0xffff  }
0x4ac: {  	v11 =	vld.idx.msk [tilespmem:v11+s12+$0x0], $0xffff;
	_ =	sdelay $0x1  }
0x4ad: {  	v10 =	vmul.f32 $5.000000000e-01, v10  }
0x4ae: {  	v30 =	vor.u32 $0x2C0, v9;
	v13 =	vmul.f32 $5.000000000e-01, v29  }
0x4af: {  	v32 =	vor.u32 $0x2C1, v9;
	v31 =	vsub.f32 v12, v10  }
0x4b0: {  	v34 =	vor.u32 $0x2C2, v9;
	v33 =	vsub.f32 v11, v13  }
0x4b1: {  	v35 =	vor.u32 $0x2C3, v9;
	v10 =	vadd.f32 v10, v12;
	v15 =	vmul.f32 s25, v31  }
0x4b2: {  	v11 =	vadd.f32 v13, v11;
	v17 =	vmul.f32 s26, v33  }
0x4b3: {  	v10 =	vmul.f32 s25, v10;
	[tilespmem:v30+s20+$0x0] =	vst.idx.msk $0xffff, v15  }
0x4b4: {  	v11 =	vmul.f32 s26, v11;
	[tilespmem:v32+s20+$0x0] =	vst.idx.msk $0xffff, v17  }
0x4b5: {  	[tilespmem:v34+s20+$0x0] =	vst.idx.msk $0xffff, v10  }
0x4b6: {  	[tilespmem:v35+s20+$0x0] =	vst.idx.msk $0xffff, v11  }
0x4b7: {  	v10 =	vld [tilespmem:$0x1CCC0];
	_ =	sdelay $0x4  }
0x4b8: {  	v11 =	vmul.u32 $0x1682, v10;
	_ =	sdelay $0x1  }
0x4b9: {  	v11 =	vshra.s32 v11, $0x13  }
0x4ba: {  	v36 =	vmul.u32 $0xFFFFFFA5, v11;
	_ =	sdelay $0x1  }
0x4bb: {  	v12 =	vadd.s32 v10, v36  }
0x4bc: {  	v12 =	vshra.s32 v12, $0x1F  }
0x4bd: {  	v11 =	vadd.s32 v11, v12  }
0x4be: {  	v12 =	vshll.u32 v11, $0x3  }
0x4bf: {  	v37 =	vor.u32 $0x2, v12  }
0x4c0: {  	v11 =	vmul.u32 $0xFFFFFFA5, v11;
	v38 =	vor.u32 $0x3, v12;
	_ =	sdelay $0x1  }
0x4c1: {  	v10 =	vadd.s32 v10, v11;
	v11 =	vor.u32 $0x1, v12  }
0x4c2: {  	[tilespmem:$0x1CDF0] =	vst v10  }
0x4c3: {  	v10 =	vld.idx.msk [tilespmem:v37+s12+$0x0], $0xffff  }
0x4c4: {  	v39 =	vld.idx.msk [tilespmem:v38+s12+$0x0], $0xffff  }
0x4c5: {  	v12 =	vld.idx.msk [tilespmem:v12+s12+$0x0], $0xffff  }
0x4c6: {  	v11 =	vld.idx.msk [tilespmem:v11+s12+$0x0], $0xffff;
	_ =	sdelay $0x1  }
0x4c7: {  	v10 =	vmul.f32 $5.000000000e-01, v10  }
0x4c8: {  	v40 =	vor.u32 $0x300, v9;
	v13 =	vmul.f32 $5.000000000e-01, v39  }
0x4c9: {  	v42 =	vor.u32 $0x301, v9;
	v41 =	vsub.f32 v12, v10  }
0x4ca: {  	v44 =	vor.u32 $0x302, v9;
	v43 =	vsub.f32 v11, v13  }
0x4cb: {  	v45 =	vor.u32 $0x303, v9;
	v10 =	vadd.f32 v10, v12;
	v15 =	vmul.f32 s25, v41  }
0x4cc: {  	v11 =	vadd.f32 v13, v11;
	v17 =	vmul.f32 s26, v43  }
0x4cd: {  	v10 =	vmul.f32 s25, v10;
	[tilespmem:v40+s20+$0x0] =	vst.idx.msk $0xffff, v15  }
0x4ce: {  	v11 =	vmul.f32 s26, v11;
	[tilespmem:v42+s20+$0x0] =	vst.idx.msk $0xffff, v17  }
0x4cf: {  	[tilespmem:v44+s20+$0x0] =	vst.idx.msk $0xffff, v10  }
0x4d0: {  	[tilespmem:v45+s20+$0x0] =	vst.idx.msk $0xffff, v11  }
0x4d1: {  	v10 =	vld [tilespmem:$0x1CCD0];
	_ =	sdelay $0x4  }
0x4d2: {  	v11 =	vmul.u32 $0x1682, v10;
	_ =	sdelay $0x1  }
0x4d3: {  	v11 =	vshra.s32 v11, $0x13  }
0x4d4: {  	v46 =	vmul.u32 $0xFFFFFFA5, v11;
	_ =	sdelay $0x1  }
0x4d5: {  	v12 =	vadd.s32 v10, v46  }
0x4d6: {  	v12 =	vshra.s32 v12, $0x1F  }
0x4d7: {  	v11 =	vadd.s32 v11, v12  }
0x4d8: {  	v12 =	vshll.u32 v11, $0x3  }
0x4d9: {  	v47 =	vor.u32 $0x2, v12  }
0x4da: {  	v11 =	vmul.u32 $0xFFFFFFA5, v11;
	v48 =	vor.u32 $0x3, v12;
	_ =	sdelay $0x1  }
0x4db: {  	v10 =	vadd.s32 v10, v11;
	v11 =	vor.u32 $0x1, v12  }
0x4dc: {  	[tilespmem:$0x1CE00] =	vst v10  }
0x4dd: {  	v10 =	vld.idx.msk [tilespmem:v47+s12+$0x0], $0xffff  }
0x4de: {  	v49 =	vld.idx.msk [tilespmem:v48+s12+$0x0], $0xffff  }
0x4df: {  	v12 =	vld.idx.msk [tilespmem:v12+s12+$0x0], $0xffff  }
0x4e0: {  	v11 =	vld.idx.msk [tilespmem:v11+s12+$0x0], $0xffff;
	_ =	sdelay $0x1  }
0x4e1: {  	v10 =	vmul.f32 $5.000000000e-01, v10  }
0x4e2: {  	v50 =	vor.u32 $0x340, v9;
	v13 =	vmul.f32 $5.000000000e-01, v49  }
0x4e3: {  	v52 =	vor.u32 $0x341, v9;
	v51 =	vsub.f32 v12, v10  }
0x4e4: {  	v54 =	vor.u32 $0x342, v9;
	v53 =	vsub.f32 v11, v13  }
0x4e5: {  	v55 =	vor.u32 $0x343, v9;
	v10 =	vadd.f32 v10, v12;
	v15 =	vmul.f32 s25, v51  }
0x4e6: {  	v11 =	vadd.f32 v13, v11;
	v17 =	vmul.f32 s26, v53  }
0x4e7: {  	v10 =	vmul.f32 s25, v10;
	[tilespmem:v50+s20+$0x0] =	vst.idx.msk $0xffff, v15  }
0x4e8: {  	v11 =	vmul.f32 s26, v11;
	[tilespmem:v52+s20+$0x0] =	vst.idx.msk $0xffff, v17  }
0x4e9: {  	[tilespmem:v54+s20+$0x0] =	vst.idx.msk $0xffff, v10  }
0x4ea: {  	[tilespmem:v55+s20+$0x0] =	vst.idx.msk $0xffff, v11  }
0x4eb: {  	v10 =	vld [tilespmem:$0x1CCE0];
	_ =	sdelay $0x4  }
0x4ec: {  	v11 =	vmul.u32 $0x1682, v10;
	_ =	sdelay $0x1  }
0x4ed: {  	v11 =	vshra.s32 v11, $0x13  }
0x4ee: {  	v56 =	vmul.u32 $0xFFFFFFA5, v11;
	_ =	sdelay $0x1  }
0x4ef: {  	v12 =	vadd.s32 v10, v56  }
0x4f0: {  	v12 =	vshra.s32 v12, $0x1F  }
0x4f1: {  	v11 =	vadd.s32 v11, v12  }
0x4f2: {  	v12 =	vshll.u32 v11, $0x3  }
0x4f3: {  	v57 =	vor.u32 $0x2, v12  }
0x4f4: {  	v11 =	vmul.u32 $0xFFFFFFA5, v11;
	v58 =	vor.u32 $0x3, v12;
	_ =	sdelay $0x1  }
0x4f5: {  	v10 =	vadd.s32 v10, v11;
	v11 =	vor.u32 $0x1, v12  }
0x4f6: {  	[tilespmem:$0x1CE10] =	vst v10  }
0x4f7: {  	v10 =	vld.idx.msk [tilespmem:v57+s12+$0x0], $0xffff  }
0x4f8: {  	v59 =	vld.idx.msk [tilespmem:v58+s12+$0x0], $0xffff  }
0x4f9: {  	v12 =	vld.idx.msk [tilespmem:v12+s12+$0x0], $0xffff  }
0x4fa: {  	v11 =	vld.idx.msk [tilespmem:v11+s12+$0x0], $0xffff;
	_ =	sdelay $0x1  }
0x4fb: {  	v10 =	vmul.f32 $5.000000000e-01, v10  }
0x4fc: {  	v60 =	vor.u32 $0x380, v9;
	v13 =	vmul.f32 $5.000000000e-01, v59  }
0x4fd: {  	v62 =	vor.u32 $0x381, v9;
	v61 =	vsub.f32 v12, v10  }
0x4fe: {  	v21 =	vor.u32 $0x382, v9;
	v63 =	vsub.f32 v11, v13  }
0x4ff: {  	v22 =	vor.u32 $0x383, v9;
	v10 =	vadd.f32 v10, v12;
	v15 =	vmul.f32 s25, v61  }
0x500: {  	v11 =	vadd.f32 v13, v11;
	v17 =	vmul.f32 s26, v63  }
0x501: {  	v10 =	vmul.f32 s25, v10;
	[tilespmem:v60+s20+$0x0] =	vst.idx.msk $0xffff, v15  }
0x502: {  	v11 =	vmul.f32 s26, v11;
	[tilespmem:v62+s20+$0x0] =	vst.idx.msk $0xffff, v17  }
0x503: {  	[tilespmem:v21+s20+$0x0] =	vst.idx.msk $0xffff, v10  }
0x504: {  	[tilespmem:v22+s20+$0x0] =	vst.idx.msk $0xffff, v11  }
0x505: {  	v10 =	vld [tilespmem:$0x1CCF0];
	_ =	sdelay $0x4  }
0x506: {  	v11 =	vmul.u32 $0x1682, v10;
	_ =	sdelay $0x1  }
0x507: {  	v11 =	vshra.s32 v11, $0x13  }
0x508: {  	v23 =	vmul.u32 $0xFFFFFFA5, v11;
	_ =	sdelay $0x1  }
0x509: {  	v12 =	vadd.s32 v10, v23  }
0x50a: {  	v12 =	vshra.s32 v12, $0x1F  }
0x50b: {  	v11 =	vadd.s32 v11, v12  }
0x50c: {  	v12 =	vshll.u32 v11, $0x3  }
0x50d: {  	v24 =	vor.u32 $0x2, v12  }
0x50e: {  	v11 =	vmul.u32 $0xFFFFFFA5, v11;
	v25 =	vor.u32 $0x3, v12;
	_ =	sdelay $0x1  }
0x50f: {  	v10 =	vadd.s32 v10, v11;
	v11 =	vor.u32 $0x1, v12  }
0x510: {  	[tilespmem:$0x1CE20] =	vst v10  }
0x511: {  	v10 =	vld.idx.msk [tilespmem:v24+s12+$0x0], $0xffff  }
0x512: {  	v26 =	vld.idx.msk [tilespmem:v25+s12+$0x0], $0xffff  }
0x513: {  	v12 =	vld.idx.msk [tilespmem:v12+s12+$0x0], $0xffff  }
0x514: {  	v11 =	vld.idx.msk [tilespmem:v11+s12+$0x0], $0xffff;
	_ =	sdelay $0x1  }
0x515: {  	v10 =	vmul.f32 $5.000000000e-01, v10  }
0x516: {  	v27 =	vor.u32 $0x3C0, v9;
	v13 =	vmul.f32 $5.000000000e-01, v26  }
0x517: {  	v29 =	vor.u32 $0x3C1, v9;
	v28 =	vsub.f32 v12, v10  }
0x518: {  	v31 =	vor.u32 $0x3C2, v9;
	v30 =	vsub.f32 v11, v13  }
0x519: {  	v32 =	vor.u32 $0x3C3, v9;
	v10 =	vadd.f32 v10, v12;
	v15 =	vmul.f32 s25, v28  }
0x51a: {  	v11 =	vadd.f32 v13, v11;
	v17 =	vmul.f32 s26, v30  }
0x51b: {  	v10 =	vmul.f32 s25, v10;
	[tilespmem:v27+s20+$0x0] =	vst.idx.msk $0xffff, v15  }
0x51c: {  	v11 =	vmul.f32 s26, v11;
	[tilespmem:v29+s20+$0x0] =	vst.idx.msk $0xffff, v17  }
0x51d: {  	[tilespmem:v31+s20+$0x0] =	vst.idx.msk $0xffff, v10  }
0x51e: {  	[tilespmem:v32+s20+$0x0] =	vst.idx.msk $0xffff, v11  }
0x51f: {  	v10 =	vld [tilespmem:$0x1CD00];
	_ =	sdelay $0x4  }
0x520: {  	v11 =	vmul.u32 $0x1682, v10;
	_ =	sdelay $0x1  }
0x521: {  	v11 =	vshra.s32 v11, $0x13  }
0x522: {  	v33 =	vmul.u32 $0xFFFFFFA5, v11;
	_ =	sdelay $0x1  }
0x523: {  	v12 =	vadd.s32 v10, v33  }
0x524: {  	v12 =	vshra.s32 v12, $0x1F  }
0x525: {  	v11 =	vadd.s32 v11, v12  }
0x526: {  	v12 =	vshll.u32 v11, $0x3  }
0x527: {  	v34 =	vor.u32 $0x2, v12  }
0x528: {  	v11 =	vmul.u32 $0xFFFFFFA5, v11;
	v35 =	vor.u32 $0x3, v12;
	_ =	sdelay $0x1  }
0x529: {  	v10 =	vadd.s32 v10, v11;
	v11 =	vor.u32 $0x1, v12  }
0x52a: {  	[tilespmem:$0x1CE30] =	vst v10  }
0x52b: {  	v10 =	vld.idx.msk [tilespmem:v34+s12+$0x0], $0xffff  }
0x52c: {  	v36 =	vld.idx.msk [tilespmem:v35+s12+$0x0], $0xffff  }
0x52d: {  	v12 =	vld.idx.msk [tilespmem:v12+s12+$0x0], $0xffff  }
0x52e: {  	v11 =	vld.idx.msk [tilespmem:v11+s12+$0x0], $0xffff;
	_ =	sdelay $0x1  }
0x52f: {  	v10 =	vmul.f32 $5.000000000e-01, v10  }
0x530: {  	v37 =	vor.u32 $0x400, v9;
	v13 =	vmul.f32 $5.000000000e-01, v36  }
0x531: {  	v39 =	vor.u32 $0x401, v9;
	v38 =	vsub.f32 v12, v10  }
0x532: {  	v41 =	vor.u32 $0x402, v9;
	v40 =	vsub.f32 v11, v13  }
0x533: {  	v42 =	vor.u32 $0x403, v9;
	v10 =	vadd.f32 v10, v12;
	v15 =	vmul.f32 s25, v38  }
0x534: {  	v11 =	vadd.f32 v13, v11;
	v17 =	vmul.f32 s26, v40  }
0x535: {  	v10 =	vmul.f32 s25, v10;
	[tilespmem:v37+s20+$0x0] =	vst.idx.msk $0xffff, v15  }
0x536: {  	v11 =	vmul.f32 s26, v11;
	[tilespmem:v39+s20+$0x0] =	vst.idx.msk $0xffff, v17  }
0x537: {  	[tilespmem:v41+s20+$0x0] =	vst.idx.msk $0xffff, v10  }
0x538: {  	[tilespmem:v42+s20+$0x0] =	vst.idx.msk $0xffff, v11  }
0x539: {  	v10 =	vld [tilespmem:$0x1CD10];
	_ =	sdelay $0x4  }
0x53a: {  	v11 =	vmul.u32 $0x1682, v10;
	_ =	sdelay $0x1  }
0x53b: {  	v11 =	vshra.s32 v11, $0x13  }
0x53c: {  	v43 =	vmul.u32 $0xFFFFFFA5, v11;
	_ =	sdelay $0x1  }
0x53d: {  	v12 =	vadd.s32 v10, v43  }
0x53e: {  	v12 =	vshra.s32 v12, $0x1F  }
0x53f: {  	v11 =	vadd.s32 v11, v12  }
0x540: {  	v12 =	vshll.u32 v11, $0x3  }
0x541: {  	v44 =	vor.u32 $0x2, v12  }
0x542: {  	v11 =	vmul.u32 $0xFFFFFFA5, v11;
	v45 =	vor.u32 $0x3, v12;
	_ =	sdelay $0x1  }
0x543: {  	v10 =	vadd.s32 v10, v11;
	v11 =	vor.u32 $0x1, v12  }
0x544: {  	[tilespmem:$0x1CE40] =	vst v10  }
0x545: {  	v10 =	vld.idx.msk [tilespmem:v44+s12+$0x0], $0xffff  }
0x546: {  	v46 =	vld.idx.msk [tilespmem:v45+s12+$0x0], $0xffff  }
0x547: {  	v12 =	vld.idx.msk [tilespmem:v12+s12+$0x0], $0xffff  }
0x548: {  	v11 =	vld.idx.msk [tilespmem:v11+s12+$0x0], $0xffff;
	_ =	sdelay $0x1  }
0x549: {  	v10 =	vmul.f32 $5.000000000e-01, v10  }
0x54a: {  	v47 =	vor.u32 $0x440, v9;
	v13 =	vmul.f32 $5.000000000e-01, v46  }
0x54b: {  	v49 =	vor.u32 $0x441, v9;
	v48 =	vsub.f32 v12, v10  }
0x54c: {  	v51 =	vor.u32 $0x442, v9;
	v50 =	vsub.f32 v11, v13  }
0x54d: {  	v52 =	vor.u32 $0x443, v9;
	v10 =	vadd.f32 v10, v12;
	v15 =	vmul.f32 s25, v48  }
0x54e: {  	v11 =	vadd.f32 v13, v11;
	v17 =	vmul.f32 s26, v50  }
0x54f: {  	v10 =	vmul.f32 s25, v10;
	[tilespmem:v47+s20+$0x0] =	vst.idx.msk $0xffff, v15  }
0x550: {  	v11 =	vmul.f32 s26, v11;
	[tilespmem:v49+s20+$0x0] =	vst.idx.msk $0xffff, v17  }
0x551: {  	[tilespmem:v51+s20+$0x0] =	vst.idx.msk $0xffff, v10  }
0x552: {  	[tilespmem:v52+s20+$0x0] =	vst.idx.msk $0xffff, v11  }
0x553: {  	v10 =	vld [tilespmem:$0x1CD20];
	_ =	sdelay $0x4  }
0x554: {  	v11 =	vmul.u32 $0x1682, v10;
	_ =	sdelay $0x1  }
0x555: {  	v11 =	vshra.s32 v11, $0x13  }
0x556: {  	v53 =	vmul.u32 $0xFFFFFFA5, v11;
	_ =	sdelay $0x1  }
0x557: {  	v12 =	vadd.s32 v10, v53  }
0x558: {  	v12 =	vshra.s32 v12, $0x1F  }
0x559: {  	v11 =	vadd.s32 v11, v12  }
0x55a: {  	v12 =	vshll.u32 v11, $0x3  }
0x55b: {  	v54 =	vor.u32 $0x2, v12  }
0x55c: {  	v11 =	vmul.u32 $0xFFFFFFA5, v11;
	v55 =	vor.u32 $0x3, v12;
	_ =	sdelay $0x1  }
0x55d: {  	v10 =	vadd.s32 v10, v11;
	v11 =	vor.u32 $0x1, v12  }
0x55e: {  	[tilespmem:$0x1CE50] =	vst v10  }
0x55f: {  	v10 =	vld.idx.msk [tilespmem:v54+s12+$0x0], $0xffff  }
0x560: {  	v56 =	vld.idx.msk [tilespmem:v55+s12+$0x0], $0xffff  }
0x561: {  	v12 =	vld.idx.msk [tilespmem:v12+s12+$0x0], $0xffff  }
0x562: {  	v11 =	vld.idx.msk [tilespmem:v11+s12+$0x0], $0xffff;
	_ =	sdelay $0x1  }
0x563: {  	v10 =	vmul.f32 $5.000000000e-01, v10  }
0x564: {  	v57 =	vor.u32 $0x480, v9;
	v13 =	vmul.f32 $5.000000000e-01, v56  }
0x565: {  	v59 =	vor.u32 $0x481, v9;
	v58 =	vsub.f32 v12, v10  }
0x566: {  	v61 =	vor.u32 $0x482, v9;
	v60 =	vsub.f32 v11, v13  }
0x567: {  	v9 =	vor.u32 $0x483, v9;
	v10 =	vadd.f32 v10, v12;
	v62 =	vmul.f32 s25, v58  }
0x568: {  	v11 =	vadd.f32 v13, v11;
	v63 =	vmul.f32 s26, v60  }
0x569: {  	v10 =	vmul.f32 s25, v10;
	[tilespmem:v57+s20+$0x0] =	vst.idx.msk $0xffff, v62  }
0x56a: {  	s29 =	smul.u32 $0x26, s24;
	v11 =	vmul.f32 s26, v11;
	[tilespmem:v59+s20+$0x0] =	vst.idx.msk $0xffff, v63  }
0x56b: {  	[tilespmem:v61+s20+$0x0] =	vst.idx.msk $0xffff, v10  }
0x56c: {  	s30 =	sadd.s32 s2, s29;
	s0 =	simm.s32 $0x1;
	[tilespmem:v9+s20+$0x0] =	vst.idx.msk $0xffff, v11  }
0x56d: {  	[hbm4b:s30+s4] =	stream.linear.scatter [tilespmem:s21], [sflag:$0x1], $0x130, $0x38;
	[tilespmem:$0x1EF50] =	vst v63  }
0x56e: {  	_ =	swait.ge [sflag:s0], $0x130  }
0x56f: {  	[sflag:s0] =	ssyncset.done $0x0  }
0x570: {  	s5 =	sadd.s32 s8, s29;
	[sflag:s0] =	ssyncadd.s32 $0xFFFFFED0  }
0x571: {  	[hbm4b:s5+s4] =	stream.linear.scatter [tilespmem:s22], [sflag:$0x1], $0x130, $0x38;
	[tilespmem:$0x1EF50] =	vst v63  }
0x572: {  	s31 =	smul.u32 $0x98, s24;
	_ =	swait.ge [sflag:s0], $0x130  }
0x573: {  	[sflag:s0] =	ssyncset.done $0x0  }
.Ltmp15:
0x574: {  	s5 =	sadd.s32 s3, s31;
	[sflag:s0] =	ssyncadd.s32 $0xFFFFFED0;
	(pc) =	sbr.rel @p0 .LBB2_2-.Ltmp15, $4  }
0x575: {  	[hbm4b:s5+s4] =	stream.linear.scatter [tilespmem:s20], [sflag:$0x1], $0x4C0, $0x38;
	[tilespmem:$0x1EF50] =	vst v63  }
0x576: {  	_ =	swait.ge [sflag:s0], $0x4C0  }
0x577: {  	[sflag:s0] =	ssyncset.done $0x0  }
0x578: {  	p1 =	por $0x0, $0x0;
	[sflag:s0] =	ssyncadd.s32 $0xFFFFFB40  }
0x579: {  	s5 =	rddreg [dreg:$0x6]  }
0x57a: {  	s0 =	rddreg [dreg:$0x5];
	s5 =	sadd.s32 $0x1, s5  }
0x57b: {  	p0 =	sne.s32 s5, s0  }
.Ltmp16:
0x57c: {  	_ = 	snop;
	(pc) =	sbr.rel @p0 .LBB2_1-.Ltmp16, $1  }
0x57d: {  	_ =	sdelay $0x3  }
0x57e: {  	_ =	sfence.sel $0x180000  }
0x57f: {  	[bflag:$0x0] =	sbarrier.arrive $0xFFFF  }
0x580: {  	_ =	strace $0x90000047  }
0x581: {  	s0 =	stileid.u32;
	[bflag:$0x2] =	sbarrier.arrive $0xFFFF  }
0x582: {  	p0 =	sne.s32 s0, $0x0;
	s0 =	rddreg [dreg:$0x4]  }
0x583: {  	s0 =	sadd.s32 @!p0 $0x100000, s0  }
0x584: {  	[sflag:s0] =	ssyncadd.tile.s32 @!p0 $0x1;
	_ =	shalt  }
.Lfunc_end2:
_tile_overlayer_lowered:
.L_overlay_start_2:
0x585: {  	(tag) =	ssettag $0x2  }
0x586: {  	s0 =	rddreg [dreg:$0x0];
	s2 =	stileid.u32  }
0x587: {  	s1 =	rddreg [dreg:$0x1];
	p0 =	sne.s32 s2, $0x0  }
0x588: {  	s3 =	rddreg [dreg:$0x2];
	[bflag:$0x3] =	sbarrier.arrive $0xFFFF;
	s2 =	simm.s32 @!p0 $0x1C01  }
0x589: {  	[timem:s3], [sflag:s2] =	dma.local @!p0 [hbm:s0], s1  }
0x58a: {  	s0 =	simm.s32 @!p0 $0x1  }
0x58b: {  	_ =	swait.ge @!p0 [sflag:s0], s1  }
0x58c: {  	s1 =	ssub.s32 @!p0 $0x0, s1;
	[sflag:s0] =	ssyncset.done @!p0 $0x0  }
0x58d: {  	[sflag:s0] =	ssyncadd.s32 @!p0 s1  }
0x58e: {  	[bflag:$0x3] =	sbarrier.arrive $0xFFFF  }
0x58f: {  	_ =	shalt  }

</sc_bundles>
